<compile_context>
chip_gen: v7x
topology: tpu7x:2x2x1
jax: 0.10.2.dev20260603
libtpu: 0.0.44.dev20260713+nightly
codegen_flags: <defaults>
</compile_context>

<pallas_src>
import dataclasses
import functools

import jax
import jax.numpy as jnp
from jax import lax
from jax.experimental import pallas as pl
from jax.experimental.pallas import tpu as pltpu
from jax.experimental.pallas import tpu_sc as plsc

N = 10000
E = 160000
HID = 256
H = 8
D = 64
HD = H * D

NB = 256
NP = 10240
GRID = NP // NB

EP = 163840
C1 = 64
C2 = 64
W1E = EP // 32
W2E = EP // 16
AGW = 80

_mesh = plsc.VectorSubcoreMesh(core_axis_name="c", subcore_axis_name="s")

_sc_params = pltpu.CompilerParams()
if "needs_layout_passes" in pltpu.CompilerParams.__dataclass_fields__:
    _sc_params = dataclasses.replace(_sc_params, needs_layout_passes=False)
if "use_tc_tiling_on_sc" in pltpu.CompilerParams.__dataclass_fields__:
    _sc_params = dataclasses.replace(_sc_params, use_tc_tiling_on_sc=False)


def _ln(x, g, b):
    m = jnp.mean(x, axis=-1, keepdims=True)
    v = jnp.mean((x - m) ** 2, axis=-1, keepdims=True)
    return (x - m) * jax.lax.rsqrt(v + 1e-5) * g + b



def _pre_body(x_ref, lsg, lsb, wq, bq, wk, wv, bv, ws, bs,
              lfg, lfb, w1, b1, w2, b2, lpg, lpb,
              q_ref, k_ref, vt_ref, s_ref, xs_ref, ffp_ref):
    xb = x_ref[...]
    xs = _ln(xb, lsg[...], lsb[...])
    xs_ref[...] = xs
    q_ref[...] = jnp.dot(xs, wq[...], preferred_element_type=jnp.float32) + bq[...]
    k_ref[...] = jnp.dot(xs, wk[...], preferred_element_type=jnp.float32)
    v = jnp.dot(xs, wv[...], preferred_element_type=jnp.float32) + bv[...]
    for p in range(H // 2):
        vt_ref[p, :, :] = v[:, p * 2 * D:(p + 1) * 2 * D]
    s_ref[...] = jnp.dot(xs, ws[...], preferred_element_type=jnp.float32) + bs[...]
    ffin = _ln(xb, lfg[...], lfb[...])
    ff1 = jnp.maximum(
        jnp.dot(ffin, w1[...], preferred_element_type=jnp.float32) + b1[...], 0.0)
    ff = jnp.dot(ff1, w2[...], preferred_element_type=jnp.float32) + b2[...]
    ffp_ref[...] = _ln(ff, lpg[...], lpb[...])


def _row_spec():
    return pl.BlockSpec((NB, HID), lambda i: (i, 0))


def _full(shape):
    return pl.BlockSpec(shape, lambda i: tuple(0 for _ in shape))


def _pre(x, ln_src_g, ln_src_b, Wq, bq, Wk, Wv, bv, Ws, bs,
         ln_ffpre_g, ln_ffpre_b, W1, b1, W2, b2, ln_ffpost_g, ln_ffpost_b):
    out_shapes = (
        jax.ShapeDtypeStruct((NP, HD), jnp.float32),
        jax.ShapeDtypeStruct((NP, HD), jnp.float32),
        jax.ShapeDtypeStruct((H * NP, D), jnp.float32),
        jax.ShapeDtypeStruct((NP, HD), jnp.float32),
        jax.ShapeDtypeStruct((NP, HID), jnp.float32),
        jax.ShapeDtypeStruct((NP, HID), jnp.float32),
    )
    in_specs = [
        _row_spec(),
        _full((HID,)), _full((HID,)),
        _full((HID, HD)), _full((HD,)),
        _full((HID, HD)),
        _full((HID, HD)), _full((HD,)),
        _full((HID, HD)), _full((HD,)),
        _full((HID,)), _full((HID,)),
        _full((HID, 4 * HID)), _full((4 * HID,)),
        _full((4 * HID, HID)), _full((HID,)),
        _full((HID,)), _full((HID,)),
    ]

    def _vt_spec():
        return pl.BlockSpec((H, NB, D), lambda i: (0, i, 0))

    out_specs = (
        pl.BlockSpec((NB, HD), lambda i: (i, 0)),
        pl.BlockSpec((NB, HD), lambda i: (i, 0)),
        _vt_spec(),
        pl.BlockSpec((NB, HD), lambda i: (i, 0)),
        _row_spec(),
        _row_spec(),
    )

    def body(*refs):
        (x_ref, lsg, lsb, wq, bq, wk, wv, bv, ws, bs, lfg, lfb,
         w1, b1, w2, b2, lpg, lpb,
         q_ref, k_ref, vt_ref, s_ref, xs_ref, ffp_ref) = refs
        _pre_body(x_ref, lsg, lsb, wq, bq, wk, wv, bv, ws, bs,
                  lfg, lfb, w1, b1, w2, b2, lpg, lpb,
                  q_ref, k_ref, vt_ref, s_ref, xs_ref, ffp_ref)

    q, k, vt, s, xs, ffp = pl.pallas_call(
        body, grid=(GRID,), in_specs=in_specs,
        out_specs=(
            out_specs[0], out_specs[1],
            pl.BlockSpec((H // 2, NB, 2 * D), lambda i: (0, i, 0)),
            out_specs[3], out_specs[4], out_specs[5]),
        out_shape=(
            out_shapes[0], out_shapes[1],
            jax.ShapeDtypeStruct((H // 2, NP, 2 * D), jnp.float32),
            out_shapes[3], out_shapes[4], out_shapes[5]),
    )(x, ln_src_g, ln_src_b, Wq, bq, Wk, Wv, bv, Ws, bs,
      ln_ffpre_g, ln_ffpre_b, W1, b1, W2, b2, ln_ffpost_g, ln_ffpost_b)
    return q, k, vt, s, xs, ffp



@functools.partial(
    pl.kernel, mesh=_mesh, compiler_params=_sc_params,
    out_type=(jax.ShapeDtypeStruct((H * EP,), jnp.float32),
              jax.ShapeDtypeStruct((32, H, 16), jnp.float32)),
    scratch_types=[
        pltpu.VMEM((C1,), jnp.int32),
        pltpu.VMEM((C1,), jnp.int32),
        pltpu.VMEM((C1, HD), jnp.float32),
        pltpu.VMEM((C1, HD), jnp.float32),
        pltpu.VMEM((H, C1), jnp.float32),
        pltpu.VMEM((H, 16), jnp.float32),
        pltpu.SemaphoreType.DMA,
        pltpu.SemaphoreType.DMA,
        pltpu.SemaphoreType.DMA,
    ])
def _sim_kernel(q_hbm, k_hbm, src_hbm, dst_hbm, sim_hbm, maxp_hbm,
                src_v, dst_v, qd_v, ks_v, sim_v, max_v, sem1, sem2, sem3):
    cid = lax.axis_index("c")
    sid = lax.axis_index("s")
    w = sid * 2 + cid
    scale = D ** -0.5
    for h in range(H):
        max_v[h, :] = jnp.full((16,), -3e38, jnp.float32)

    @pl.loop(0, W1E // C1)
    def _chunk(j):
        base = w * W1E + j * C1
        pltpu.sync_copy(src_hbm.at[pl.ds(base, C1)], src_v)
        pltpu.sync_copy(dst_hbm.at[pl.ds(base, C1)], dst_v)
        cp1 = pltpu.async_copy(q_hbm.at[dst_v], qd_v, sem1)
        cp2 = pltpu.async_copy(k_hbm.at[src_v], ks_v, sem2)
        cp1.wait()
        cp2.wait()
        for g in range(C1 // 16):
            eidx = lax.iota(jnp.int32, 16) + g * 16

            def dbody(dd, accs):
                out = []
                for h in range(H):
                    col = jnp.full((16,), h * D, jnp.int32) + dd
                    qg = plsc.load_gather(qd_v, [eidx, col])
                    kg = plsc.load_gather(ks_v, [eidx, col])
                    out.append(accs[h] + qg * kg)
                return tuple(out)

            accs = lax.fori_loop(
                0, D, dbody,
                tuple(jnp.zeros((16,), jnp.float32) for _ in range(H)))
            for h in range(H):
                simh = accs[h] * scale
                sim_v[h, pl.ds(g * 16, 16)] = simh
                max_v[h, :] = jnp.maximum(max_v[h, :], simh)
        cps = [pltpu.async_copy(sim_v.at[h],
                                sim_hbm.at[pl.ds(h * EP + base, C1)], sem3)
               for h in range(H)]
        for cp in cps:
            cp.wait()

    pltpu.sync_copy(max_v, maxp_hbm.at[w])



PW = 2 * AGW

@functools.partial(
    pl.kernel, mesh=_mesh, compiler_params=_sc_params,
    out_type=jax.ShapeDtypeStruct((H // 2 * NP, PW), jnp.float32),
    scratch_types=[
        pltpu.VMEM_SHARED((NP, PW), jnp.float32),
        pltpu.VMEM((C2,), jnp.int32),
        pltpu.VMEM((C2,), jnp.int32),
        pltpu.VMEM((C2,), jnp.int32),
        pltpu.VMEM((C2, 2 * D), jnp.float32),
        pltpu.VMEM((C2,), jnp.float32),
        pltpu.VMEM((C2,), jnp.float32),
        pltpu.VMEM((C2, PW), jnp.float32),
        pltpu.VMEM((H * 16,), jnp.float32),
        pltpu.SemaphoreType.DMA,
    ])
def _agg_kernel(vt_hbm, sim_hbm, src_hbm, dst_hbm, mrep_hbm, out_hbm,
                agg, src_v, dst_v, sidx_v, vs_v, e0_v, e1_v, msg_v, m_v, sem):
    cid = lax.axis_index("c")
    sid = lax.axis_index("s")
    pltpu.sync_copy(mrep_hbm, m_v)
    zero16 = jnp.zeros((16,), jnp.float32)

    def run_core(pairs):
        for p in pairs:
            h0 = 2 * p
            h1 = 2 * p + 1
            @pl.loop(0, C2)
            def _zrow(i):
                for t in range(PW // 16):
                    msg_v[i, pl.ds(t * 16, 16)] = zero16
            trow = sid * (NP // 16)
            for b in range(NP // 16 // C2):
                pltpu.sync_copy(msg_v, agg.at[pl.ds(trow + b * C2, C2)])
            plsc.subcore_barrier()

            @pl.loop(0, W2E // C2)
            def _chunk(j):
                base = sid * W2E + j * C2
                pltpu.sync_copy(src_hbm.at[pl.ds(base, C2)], src_v)
                pltpu.sync_copy(dst_hbm.at[pl.ds(base, C2)], dst_v)
                pltpu.sync_copy(sim_hbm.at[pl.ds(h0 * EP + base, C2)], e0_v)
                pltpu.sync_copy(sim_hbm.at[pl.ds(h1 * EP + base, C2)], e1_v)
                for g in range(C2 // 16):
                    sidx_v[pl.ds(g * 16, 16)] = (
                        src_v[pl.ds(g * 16, 16)] + p * NP)
                pltpu.async_copy(vt_hbm.at[sidx_v], vs_v, sem).wait()
                m0 = m_v[pl.ds(h0 * 16, 16)]
                m1 = m_v[pl.ds(h1 * 16, 16)]
                for g in range(C2 // 16):
                    eidx = lax.iota(jnp.int32, 16) + g * 16
                    e0 = jnp.exp(e0_v[pl.ds(g * 16, 16)] - m0)
                    e1 = jnp.exp(e1_v[pl.ds(g * 16, 16)] - m1)
                    plsc.store_scatter(
                        msg_v, [eidx, jnp.full((16,), D, jnp.int32)], e0)
                    plsc.store_scatter(
                        msg_v, [eidx, jnp.full((16,), AGW + D, jnp.int32)], e1)

                    def dbody(dd, _):
                        c0 = jnp.full((16,), 0, jnp.int32) + dd
                        c1 = jnp.full((16,), D, jnp.int32) + dd
                        v0 = plsc.load_gather(vs_v, [eidx, c0])
                        v1 = plsc.load_gather(vs_v, [eidx, c1])
                        plsc.store_scatter(msg_v, [eidx, c0], v0 * e0)
                        plsc.store_scatter(
                            msg_v, [eidx, jnp.full((16,), AGW, jnp.int32) + dd],
                            v1 * e1)
                        return 0

                    lax.fori_loop(0, D, dbody, 0)
                pltpu.sync_copy(msg_v, agg.at[dst_v], add=True)
            plsc.subcore_barrier()
            nrow = NP // 16
            pltpu.sync_copy(agg.at[pl.ds(trow, nrow)],
                            out_hbm.at[pl.ds(p * NP + trow, nrow)])
            plsc.subcore_barrier()

    @pl.when(cid == 0)
    def _c0():
        run_core((0, 1))

    @pl.when(cid == 1)
    def _c1():
        run_core((2, 3))



def _post_body(aggu_ref, xs_ref, s_ref, x_ref, ffp_ref,
               wg, bg, wo, bo, lpg, lpb, out_ref):
    cols = []
    for h in range(H):
        p, o = h // 2, (h % 2) * AGW
        den = jnp.maximum(aggu_ref[p, :, o + D], 1e-30)
        cols.append(aggu_ref[p, :, o:o + D] / den[:, None])
    agg = jnp.concatenate(cols, axis=-1)
    xs = xs_ref[...]
    g = jax.nn.sigmoid(
        jnp.dot(agg, wg[:HD, :], preferred_element_type=jnp.float32)
        + jnp.dot(xs, wg[HD:, :], preferred_element_type=jnp.float32) + bg[...])
    upd = agg + g * (s_ref[...] - agg)
    attn_out = jnp.dot(upd, wo[...], preferred_element_type=jnp.float32) + bo[...]
    out_ref[...] = x_ref[...] + _ln(attn_out, lpg[...], lpb[...])


def _post(aggu, xs, s, x, ffp, Wg, bg, Wo, bo, ln_post_g, ln_post_b):
    in_specs = [
        pl.BlockSpec((H // 2, NB, PW), lambda i: (0, i, 0)),
        _row_spec(),
        pl.BlockSpec((NB, HD), lambda i: (i, 0)),
        _row_spec(),
        _row_spec(),
        _full((HD + HID, HD)), _full((HD,)),
        _full((HD, HID)), _full((HID,)),
        _full((HID,)), _full((HID,)),
    ]
    out = pl.pallas_call(
        _post_body, grid=(GRID,), in_specs=in_specs,
        out_specs=_row_spec(),
        out_shape=jax.ShapeDtypeStruct((NP, HID), jnp.float32),
    )(aggu, xs, s, x, ffp, Wg, bg, Wo, bo, ln_post_g, ln_post_b)
    return out + ffp



def kernel(x, ln_src_g, ln_src_b, Wq, bq, Wk, Wv, bv, Ws, bs, Wg, bg, Wo, bo,
           ln_post_g, ln_post_b, ln_ffpre_g, ln_ffpre_b, W1, b1, W2, b2,
           ln_ffpost_g, ln_ffpost_b, edge_index):
    xp = jnp.pad(x, ((0, NP - N), (0, 0)))
    q, k, vt, s, xs, ffp = _pre(
        xp, ln_src_g, ln_src_b, Wq, bq, Wk, Wv, bv, Ws, bs,
        ln_ffpre_g, ln_ffpre_b, W1, b1, W2, b2, ln_ffpost_g, ln_ffpost_b)

    pad_idx = jnp.tile(jnp.arange(16, dtype=jnp.int32) + N, (EP - E) // 16)
    srcp = jnp.concatenate([edge_index[0], pad_idx])
    dstp = jnp.concatenate([edge_index[1], pad_idx])

    simflat, maxp = _sim_kernel(q, k, srcp, dstp)
    m = jnp.max(maxp, axis=(0, 2))
    mrep = jnp.broadcast_to(m[:, None], (H, 16)).reshape(H * 16)

    vt_flat = vt.reshape(H // 2 * NP, 2 * D)
    aggu = _agg_kernel(vt_flat, simflat, srcp, dstp, mrep)
    aggu = aggu.reshape(H // 2, NP, PW)

    out = _post(aggu, xs, s, xp, ffp, Wg, bg, Wo, bo, ln_post_g, ln_post_b)
    return out[:N]

# --- scband reference (transcript-rebuilt; emitter-appended) ---
"""Pipeline reference for scband-self-attention-32890859552900 (READ-ONLY COPY).

The authoritative reference and input builder live on the scoring server;
editing this copy changes nothing except your own understanding.
"""

import jax, jax.numpy as jnp
import numpy as np

N = 10000
E = 160000
HID = 256
H = 8
D = 64
HD = H * D


def _lin(key, fin, fout):
    return jax.random.normal(key, (fin, fout), dtype=jnp.float32) * (fin ** -0.5)


def layer_norm(x, g, b):
    m = x.mean(-1, keepdims=True)
    v = x.var(-1, keepdims=True)
    return (x - m) / jnp.sqrt(v + 1e-5) * g + b


def setup_inputs(seed: int = 0) -> dict:
    key = jax.random.key(seed)
    ks = jax.random.split(key, 20)
    x = jax.random.normal(ks[0], (N, HID), dtype=jnp.float32)
    edge_index = jax.random.randint(ks[1], (2, E), 0, N, dtype=jnp.int32)
    return {
        'x': x,
        'ln_src_g': jnp.ones((HID,), jnp.float32), 'ln_src_b': jnp.zeros((HID,), jnp.float32),
        'Wq': _lin(ks[2], HID, HD), 'bq': jnp.zeros((HD,), jnp.float32),
        'Wk': _lin(ks[3], HID, HD),
        'Wv': _lin(ks[4], HID, HD), 'bv': jnp.zeros((HD,), jnp.float32),
        'Ws': _lin(ks[5], HID, HD), 'bs': jnp.zeros((HD,), jnp.float32),
        'Wg': _lin(ks[6], HD + HID, HD), 'bg': jnp.zeros((HD,), jnp.float32),
        'Wo': _lin(ks[7], HD, HID), 'bo': jnp.zeros((HID,), jnp.float32),
        'ln_post_g': jnp.ones((HID,), jnp.float32), 'ln_post_b': jnp.zeros((HID,), jnp.float32),
        'ln_ffpre_g': jnp.ones((HID,), jnp.float32), 'ln_ffpre_b': jnp.zeros((HID,), jnp.float32),
        'W1': _lin(ks[8], HID, 4 * HID), 'b1': jnp.zeros((4 * HID,), jnp.float32),
        'W2': _lin(ks[9], 4 * HID, HID), 'b2': jnp.zeros((HID,), jnp.float32),
        'ln_ffpost_g': jnp.ones((HID,), jnp.float32), 'ln_ffpost_b': jnp.zeros((HID,), jnp.float32),
        'edge_index': edge_index,
    }


def reference(x, ln_src_g, ln_src_b, Wq, bq, Wk, Wv, bv, Ws, bs, Wg, bg, Wo, bo,
              ln_post_g, ln_post_b, ln_ffpre_g, ln_ffpre_b, W1, b1, W2, b2,
              ln_ffpost_g, ln_ffpost_b, edge_index):
    n = x.shape[0]
    scale = D ** -0.5
    # shared prenorm (bipartite=False)
    xs = layer_norm(x, ln_src_g, ln_src_b)
    xt = xs
    q = (xt @ Wq + bq).reshape(n, H, D)
    k = (xs @ Wk).reshape(n, H, D)
    v = (xs @ Wv + bv).reshape(n, H, D)
    src = edge_index[0]
    dst = edge_index[1]
    # per-edge attention logits [E, H]
    sim = jnp.sum(q[dst] * k[src], axis=-1) * scale
    m = jax.ops.segment_max(sim, dst, num_segments=n)
    m = jnp.where(jnp.isfinite(m), m, 0.0)
    e = jnp.exp(sim - m[dst])
    den = jax.ops.segment_sum(e, dst, num_segments=n)
    attn = e / (den[dst] + 1e-16)
    msg = v[src] * attn[..., None]
    agg = jax.ops.segment_sum(msg, dst, num_segments=n).reshape(n, HD)
    # gated update
    g = jax.nn.sigmoid(jnp.concatenate([agg, xt], axis=-1) @ Wg + bg)
    upd = agg + g * ((xt @ Ws + bs) - agg)
    attn_out = upd @ Wo + bo
    h = x + layer_norm(attn_out, ln_post_g, ln_post_b)
    ffin = layer_norm(x, ln_ffpre_g, ln_ffpre_b)
    ff = jax.nn.relu(ffin @ W1 + b1) @ W2 + b2
    out = h + layer_norm(ff, ln_ffpost_g, ln_ffpost_b)
    return out

if __name__ == "__main__":
    import jax
    _d = setup_inputs()
    print(jax.jit(kernel)(*tuple(_d.values())))

</pallas_src>

<mosaic_0001>
#map = affine_map<(d0, d1) -> (0, 0)>
#map1 = affine_map<(d0, d1) -> (0)>
#map2 = affine_map<(d0, d1) -> (0, 0, 0)>
module attributes {stable_mosaic.version = 14 : i64} {
  func.func @_sim_kernel(%arg0: i32, %arg1: i32, %arg2: memref<10240x512xf32, #tpu.memory_space<hbm>>, %arg3: memref<10240x512xf32, #tpu.memory_space<hbm>>, %arg4: memref<163840xi32, #tpu.memory_space<hbm>>, %arg5: memref<163840xi32, #tpu.memory_space<hbm>>, %arg6: memref<1310720xf32, #tpu.memory_space<hbm>>, %arg7: memref<32x8x16xf32, #tpu.memory_space<hbm>>, %arg8: memref<64xi32, #tpu.memory_space<vmem>>, %arg9: memref<64xi32, #tpu.memory_space<vmem>>, %arg10: memref<64x512xf32, #tpu.memory_space<vmem>>, %arg11: memref<64x512xf32, #tpu.memory_space<vmem>>, %arg12: memref<8x64xf32, #tpu.memory_space<vmem>>, %arg13: memref<8x16xf32, #tpu.memory_space<vmem>>, %arg14: memref<!tpu.dma_semaphore, #tpu.memory_space<semaphore_mem>>, %arg15: memref<!tpu.dma_semaphore, #tpu.memory_space<semaphore_mem>>, %arg16: memref<!tpu.dma_semaphore, #tpu.memory_space<semaphore_mem>>) attributes {dimension_semantics = [#tpu.dimension_semantics<core_parallel>, #tpu.dimension_semantics<subcore_parallel>], iteration_bounds = array<i64: 2, 16>, scalar_prefetch = 0 : i64, scratch_operands = 9 : i64, tpu.core_type = #tpu.core_type<sc_vector_subcore>, window_params = [{transform_indices = #map}, {transform_indices = #map}, {transform_indices = #map1}, {transform_indices = #map1}, {transform_indices = #map1}, {transform_indices = #map2}]} {
    %mul3A = arith.constant 2 : i32
    %mul3A_0 = arith.muli %arg1, %mul3A : i32
    %add3A = arith.addi %mul3A_0, %arg0 : i32
    %broadcast_in_dim3A = arith.constant -3.000000e+38 : f32
    %broadcast_in_dim3A_1 = vector.broadcast %broadcast_in_dim3A : f32 to vector<16xf32>
    %swap3A = arith.constant 0 : i32
    %swap3A_2 = arith.index_cast %swap3A : i32 to index
    %swap3A_3 = arith.constant 0 : index
    %swap3A_4 = tpu.vector_load %arg13[%swap3A_2, %swap3A_3] {strides = array<i32>} : memref<8x16xf32, #tpu.memory_space<vmem>>, vector<16xf32>,
    tpu.vector_store %arg13[%swap3A_2, %swap3A_3], %broadcast_in_dim3A_1 {strides = array<i32>} : memref<8x16xf32, #tpu.memory_space<vmem>>, vector<16xf32>,
    %broadcast_in_dim3A_5 = arith.constant -3.000000e+38 : f32
    %broadcast_in_dim3A_6 = vector.broadcast %broadcast_in_dim3A_5 : f32 to vector<16xf32>
    %swap3A_7 = arith.constant 1 : i32
    %swap3A_8 = arith.index_cast %swap3A_7 : i32 to index
    %swap3A_9 = arith.constant 0 : index
    %swap3A_10 = tpu.vector_load %arg13[%swap3A_8, %swap3A_9] {strides = array<i32>} : memref<8x16xf32, #tpu.memory_space<vmem>>, vector<16xf32>,
    tpu.vector_store %arg13[%swap3A_8, %swap3A_9], %broadcast_in_dim3A_6 {strides = array<i32>} : memref<8x16xf32, #tpu.memory_space<vmem>>, vector<16xf32>,
    %broadcast_in_dim3A_11 = arith.constant -3.000000e+38 : f32
    %broadcast_in_dim3A_12 = vector.broadcast %broadcast_in_dim3A_11 : f32 to vector<16xf32>
    %swap3A_13 = arith.constant 2 : i32
    %swap3A_14 = arith.index_cast %swap3A_13 : i32 to index
    %swap3A_15 = arith.constant 0 : index
    %swap3A_16 = tpu.vector_load %arg13[%swap3A_14, %swap3A_15] {strides = array<i32>} : memref<8x16xf32, #tpu.memory_space<vmem>>, vector<16xf32>,
    tpu.vector_store %arg13[%swap3A_14, %swap3A_15], %broadcast_in_dim3A_12 {strides = array<i32>} : memref<8x16xf32, #tpu.memory_space<vmem>>, vector<16xf32>,
    %broadcast_in_dim3A_17 = arith.constant -3.000000e+38 : f32
    %broadcast_in_dim3A_18 = vector.broadcast %broadcast_in_dim3A_17 : f32 to vector<16xf32>
    %swap3A_19 = arith.constant 3 : i32
    %swap3A_20 = arith.index_cast %swap3A_19 : i32 to index
    %swap3A_21 = arith.constant 0 : index
    %swap3A_22 = tpu.vector_load %arg13[%swap3A_20, %swap3A_21] {strides = array<i32>} : memref<8x16xf32, #tpu.memory_space<vmem>>, vector<16xf32>,
    tpu.vector_store %arg13[%swap3A_20, %swap3A_21], %broadcast_in_dim3A_18 {strides = array<i32>} : memref<8x16xf32, #tpu.memory_space<vmem>>, vector<16xf32>,
    %broadcast_in_dim3A_23 = arith.constant -3.000000e+38 : f32
    %broadcast_in_dim3A_24 = vector.broadcast %broadcast_in_dim3A_23 : f32 to vector<16xf32>
    %swap3A_25 = arith.constant 4 : i32
    %swap3A_26 = arith.index_cast %swap3A_25 : i32 to index
    %swap3A_27 = arith.constant 0 : index
    %swap3A_28 = tpu.vector_load %arg13[%swap3A_26, %swap3A_27] {strides = array<i32>} : memref<8x16xf32, #tpu.memory_space<vmem>>, vector<16xf32>,
    tpu.vector_store %arg13[%swap3A_26, %swap3A_27], %broadcast_in_dim3A_24 {strides = array<i32>} : memref<8x16xf32, #tpu.memory_space<vmem>>, vector<16xf32>,
    %broadcast_in_dim3A_29 = arith.constant -3.000000e+38 : f32
    %broadcast_in_dim3A_30 = vector.broadcast %broadcast_in_dim3A_29 : f32 to vector<16xf32>
    %swap3A_31 = arith.constant 5 : i32
    %swap3A_32 = arith.index_cast %swap3A_31 : i32 to index
    %swap3A_33 = arith.constant 0 : index
    %swap3A_34 = tpu.vector_load %arg13[%swap3A_32, %swap3A_33] {strides = array<i32>} : memref<8x16xf32, #tpu.memory_space<vmem>>, vector<16xf32>,
    tpu.vector_store %arg13[%swap3A_32, %swap3A_33], %broadcast_in_dim3A_30 {strides = array<i32>} : memref<8x16xf32, #tpu.memory_space<vmem>>, vector<16xf32>,
    %broadcast_in_dim3A_35 = arith.constant -3.000000e+38 : f32
    %broadcast_in_dim3A_36 = vector.broadcast %broadcast_in_dim3A_35 : f32 to vector<16xf32>
    %swap3A_37 = arith.constant 6 : i32
    %swap3A_38 = arith.index_cast %swap3A_37 : i32 to index
    %swap3A_39 = arith.constant 0 : index
    %swap3A_40 = tpu.vector_load %arg13[%swap3A_38, %swap3A_39] {strides = array<i32>} : memref<8x16xf32, #tpu.memory_space<vmem>>, vector<16xf32>,
    tpu.vector_store %arg13[%swap3A_38, %swap3A_39], %broadcast_in_dim3A_36 {strides = array<i32>} : memref<8x16xf32, #tpu.memory_space<vmem>>, vector<16xf32>,
    %broadcast_in_dim3A_41 = arith.constant -3.000000e+38 : f32
    %broadcast_in_dim3A_42 = vector.broadcast %broadcast_in_dim3A_41 : f32 to vector<16xf32>
    %swap3A_43 = arith.constant 7 : i32
    %swap3A_44 = arith.index_cast %swap3A_43 : i32 to index
    %swap3A_45 = arith.constant 0 : index
    %swap3A_46 = tpu.vector_load %arg13[%swap3A_44, %swap3A_45] {strides = array<i32>} : memref<8x16xf32, #tpu.memory_space<vmem>>, vector<16xf32>,
    tpu.vector_store %arg13[%swap3A_44, %swap3A_45], %broadcast_in_dim3A_42 {strides = array<i32>} : memref<8x16xf32, #tpu.memory_space<vmem>>, vector<16xf32>,
    %scan3A = arith.constant 0 : i32
    %scan3A_47 = arith.constant 80 : i32
    %scan3A_48 = arith.addi %scan3A, %scan3A_47 : i32
    %scan3A_49 = arith.constant 1 : i32
    scf.for %scan3A_51 = %scan3A to %scan3A_48 step %scan3A_49  : i32 {
      %mul3A_52 = arith.constant 1 : i32
      %mul3A_53 = arith.muli %scan3A_51, %mul3A_52 : i32
      %add3A_54 = arith.constant 0 : i32
      %add3A_55 = arith.addi %add3A_54, %mul3A_53 : i32
      %mul3A_56 = arith.constant 5120 : i32
      %mul3A_57 = arith.muli %add3A, %mul3A_56 : i32
      %mul3A_58 = arith.constant 64 : i32
      %mul3A_59 = arith.muli %add3A_55, %mul3A_58 : i32
      %add3A_60 = arith.addi %mul3A_57, %mul3A_59 : i32
      "tpu.region"() ({
        %run_scoped3A = tpu.sem_alloc : memref<!tpu.dma_semaphore, #tpu.memory_space<semaphore_mem>>
        %dma_start3A_844 = tpu.memref_slice %arg4[%add3A_60] : memref<163840xi32, #tpu.memory_space<hbm>> -> memref<64xi32, #tpu.memory_space<hbm>>
        %dma_start3A_845 = tpu.memref_slice %arg4[%add3A_60] : memref<163840xi32, #tpu.memory_space<hbm>> -> memref<64xi32, #tpu.memory_space<hbm>>
        tpu.enqueue_dma source(%dma_start3A_845 : memref<64xi32, #tpu.memory_space<hbm>>) target(%arg8 : memref<64xi32, #tpu.memory_space<vmem>>) target_semaphore(%run_scoped3A : memref<!tpu.dma_semaphore, #tpu.memory_space<semaphore_mem>>)
        %dma_wait3A_846 = tpu.memref_slice %arg4[%add3A_60] : memref<163840xi32, #tpu.memory_space<hbm>> -> memref<64xi32, #tpu.memory_space<hbm>>
        %dma_wait3A_847 = tpu.memref_slice %arg4[%add3A_60] : memref<163840xi32, #tpu.memory_space<hbm>> -> memref<64xi32, #tpu.memory_space<hbm>>
        tpu.wait_dma2 semaphore(%run_scoped3A : memref<!tpu.dma_semaphore, #tpu.memory_space<semaphore_mem>>) src(%dma_wait3A_847 : memref<64xi32, #tpu.memory_space<hbm>>) dst(%arg8 : memref<64xi32, #tpu.memory_space<vmem>>)
        tpu.yield
      }) : () -> ()
      "tpu.region"() ({
        %run_scoped3A = tpu.sem_alloc : memref<!tpu.dma_semaphore, #tpu.memory_space<semaphore_mem>>
        %dma_start3A_844 = tpu.memref_slice %arg5[%add3A_60] : memref<163840xi32, #tpu.memory_space<hbm>> -> memref<64xi32, #tpu.memory_space<hbm>>
        %dma_start3A_845 = tpu.memref_slice %arg5[%add3A_60] : memref<163840xi32, #tpu.memory_space<hbm>> -> memref<64xi32, #tpu.memory_space<hbm>>
        tpu.enqueue_dma source(%dma_start3A_845 : memref<64xi32, #tpu.memory_space<hbm>>) target(%arg9 : memref<64xi32, #tpu.memory_space<vmem>>) target_semaphore(%run_scoped3A : memref<!tpu.dma_semaphore, #tpu.memory_space<semaphore_mem>>)
        %dma_wait3A_846 = tpu.memref_slice %arg5[%add3A_60] : memref<163840xi32, #tpu.memory_space<hbm>> -> memref<64xi32, #tpu.memory_space<hbm>>
        %dma_wait3A_847 = tpu.memref_slice %arg5[%add3A_60] : memref<163840xi32, #tpu.memory_space<hbm>> -> memref<64xi32, #tpu.memory_space<hbm>>
        tpu.wait_dma2 semaphore(%run_scoped3A : memref<!tpu.dma_semaphore, #tpu.memory_space<semaphore_mem>>) src(%dma_wait3A_847 : memref<64xi32, #tpu.memory_space<hbm>>) dst(%arg9 : memref<64xi32, #tpu.memory_space<vmem>>)
        tpu.yield
      }) : () -> ()
      %dma_start3A = arith.constant 0 : i32
      %dma_start3A_61 = arith.constant 0 : i32
      %dma_start3A_62 = tpu.memref_slice %arg2[%dma_start3A, %dma_start3A_61] : memref<10240x512xf32, #tpu.memory_space<hbm>> -> memref<10240x512xf32, #tpu.memory_space<hbm>>
      tpu.enqueue_indirect_dma source(%dma_start3A_62 : memref<10240x512xf32, #tpu.memory_space<hbm>>) target(%arg10 : memref<64x512xf32, #tpu.memory_space<vmem>>) offsets(%arg9 : memref<64xi32, #tpu.memory_space<vmem>>) semaphore(%arg14 : memref<!tpu.dma_semaphore, #tpu.memory_space<semaphore_mem>>)
      %dma_start3A_63 = arith.constant 0 : i32
      %dma_start3A_64 = arith.constant 0 : i32
      %dma_start3A_65 = tpu.memref_slice %arg3[%dma_start3A_63, %dma_start3A_64] : memref<10240x512xf32, #tpu.memory_space<hbm>> -> memref<10240x512xf32, #tpu.memory_space<hbm>>
      tpu.enqueue_indirect_dma source(%dma_start3A_65 : memref<10240x512xf32, #tpu.memory_space<hbm>>) target(%arg11 : memref<64x512xf32, #tpu.memory_space<vmem>>) offsets(%arg8 : memref<64xi32, #tpu.memory_space<vmem>>) semaphore(%arg15 : memref<!tpu.dma_semaphore, #tpu.memory_space<semaphore_mem>>)
      %dma_wait3A = arith.constant 0 : i32
      %dma_wait3A_66 = arith.constant 0 : i32
      %dma_wait3A_67 = tpu.memref_slice %arg2[%dma_wait3A, %dma_wait3A_66] : memref<10240x512xf32, #tpu.memory_space<hbm>> -> memref<10240x512xf32, #tpu.memory_space<hbm>>
      tpu.wait_indirect_dma semaphore(%arg14 : memref<!tpu.dma_semaphore, #tpu.memory_space<semaphore_mem>>) src(%dma_wait3A_67 : memref<10240x512xf32, #tpu.memory_space<hbm>>) dst(%arg10 : memref<64x512xf32, #tpu.memory_space<vmem>>)
      %dma_wait3A_68 = arith.constant 0 : i32
      %dma_wait3A_69 = arith.constant 0 : i32
      %dma_wait3A_70 = tpu.memref_slice %arg3[%dma_wait3A_68, %dma_wait3A_69] : memref<10240x512xf32, #tpu.memory_space<hbm>> -> memref<10240x512xf32, #tpu.memory_space<hbm>>
      tpu.wait_indirect_dma semaphore(%arg15 : memref<!tpu.dma_semaphore, #tpu.memory_space<semaphore_mem>>) src(%dma_wait3A_70 : memref<10240x512xf32, #tpu.memory_space<hbm>>) dst(%arg11 : memref<64x512xf32, #tpu.memory_space<vmem>>)
      %iota3A = tpu.iota {dimensions = array<i32: 0>} : vector<16xi32>
      %add3A_71 = arith.constant 0 : i32
      %add3A_72 = vector.broadcast %add3A_71 : i32 to vector<16xi32>
      %add3A_73 = arith.addi %iota3A, %add3A_72 : vector<16xi32>
      %broadcast_in_dim3A_74 = arith.constant 0.000000e+00 : f32
      %broadcast_in_dim3A_75 = vector.broadcast %broadcast_in_dim3A_74 : f32 to vector<16xf32>
      %broadcast_in_dim3A_76 = arith.constant 0.000000e+00 : f32
      %broadcast_in_dim3A_77 = vector.broadcast %broadcast_in_dim3A_76 : f32 to vector<16xf32>
      %broadcast_in_dim3A_78 = arith.constant 0.000000e+00 : f32
      %broadcast_in_dim3A_79 = vector.broadcast %broadcast_in_dim3A_78 : f32 to vector<16xf32>
      %broadcast_in_dim3A_80 = arith.constant 0.000000e+00 : f32
      %broadcast_in_dim3A_81 = vector.broadcast %broadcast_in_dim3A_80 : f32 to vector<16xf32>
      %broadcast_in_dim3A_82 = arith.constant 0.000000e+00 : f32
      %broadcast_in_dim3A_83 = vector.broadcast %broadcast_in_dim3A_82 : f32 to vector<16xf32>
      %broadcast_in_dim3A_84 = arith.constant 0.000000e+00 : f32
      %broadcast_in_dim3A_85 = vector.broadcast %broadcast_in_dim3A_84 : f32 to vector<16xf32>
      %broadcast_in_dim3A_86 = arith.constant 0.000000e+00 : f32
      %broadcast_in_dim3A_87 = vector.broadcast %broadcast_in_dim3A_86 : f32 to vector<16xf32>
      %broadcast_in_dim3A_88 = arith.constant 0.000000e+00 : f32
      %broadcast_in_dim3A_89 = vector.broadcast %broadcast_in_dim3A_88 : f32 to vector<16xf32>
      %scan3A_90 = arith.constant 0 : i32
      %scan3A_91 = arith.constant 64 : i32
      %scan3A_92 = arith.addi %scan3A_90, %scan3A_91 : i32
      %scan3A_93 = arith.constant 1 : i32
      %scan3A_94:8 = scf.for %scan3A_844 = %scan3A_90 to %scan3A_92 step %scan3A_93 iter_args(%scan3A_845 = %broadcast_in_dim3A_75, %scan3A_846 = %broadcast_in_dim3A_77, %scan3A_847 = %broadcast_in_dim3A_79, %scan3A_848 = %broadcast_in_dim3A_81, %scan3A_849 = %broadcast_in_dim3A_83, %scan3A_850 = %broadcast_in_dim3A_85, %scan3A_851 = %broadcast_in_dim3A_87, %scan3A_852 = %broadcast_in_dim3A_89) -> (vector<16xf32>, vector<16xf32>, vector<16xf32>, vector<16xf32>, vector<16xf32>, vector<16xf32>, vector<16xf32>, vector<16xf32>)  : i32 {
        %broadcast_in_dim3A_853 = arith.constant 0 : i32
        %broadcast_in_dim3A_854 = vector.broadcast %broadcast_in_dim3A_853 : i32 to vector<16xi32>
        %add3A_855 = vector.broadcast %scan3A_844 : i32 to vector<16xi32>
        %add3A_856 = arith.addi %broadcast_in_dim3A_854, %add3A_855 : vector<16xi32>
        %gather3A = tpu.vector_load_idx %arg10[%add3A_73, %add3A_856] : memref<64x512xf32, #tpu.memory_space<vmem>>[vector<16xi32>, vector<16xi32>], vector<16xf32>,
        %gather3A_857 = tpu.vector_load_idx %arg11[%add3A_73, %add3A_856] : memref<64x512xf32, #tpu.memory_space<vmem>>[vector<16xi32>, vector<16xi32>], vector<16xf32>,
        %mul3A_858 = arith.mulf %gather3A, %gather3A_857 : vector<16xf32>
        %add3A_859 = arith.addf %scan3A_845, %mul3A_858 : vector<16xf32>
        %broadcast_in_dim3A_860 = arith.constant 64 : i32
        %broadcast_in_dim3A_861 = vector.broadcast %broadcast_in_dim3A_860 : i32 to vector<16xi32>
        %add3A_862 = vector.broadcast %scan3A_844 : i32 to vector<16xi32>
        %add3A_863 = arith.addi %broadcast_in_dim3A_861, %add3A_862 : vector<16xi32>
        %gather3A_864 = tpu.vector_load_idx %arg10[%add3A_73, %add3A_863] : memref<64x512xf32, #tpu.memory_space<vmem>>[vector<16xi32>, vector<16xi32>], vector<16xf32>,
        %gather3A_865 = tpu.vector_load_idx %arg11[%add3A_73, %add3A_863] : memref<64x512xf32, #tpu.memory_space<vmem>>[vector<16xi32>, vector<16xi32>], vector<16xf32>,
        %mul3A_866 = arith.mulf %gather3A_864, %gather3A_865 : vector<16xf32>
        %add3A_867 = arith.addf %scan3A_846, %mul3A_866 : vector<16xf32>
        %broadcast_in_dim3A_868 = arith.constant 128 : i32
        %broadcast_in_dim3A_869 = vector.broadcast %broadcast_in_dim3A_868 : i32 to vector<16xi32>
        %add3A_870 = vector.broadcast %scan3A_844 : i32 to vector<16xi32>
        %add3A_871 = arith.addi %broadcast_in_dim3A_869, %add3A_870 : vector<16xi32>
        %gather3A_872 = tpu.vector_load_idx %arg10[%add3A_73, %add3A_871] : memref<64x512xf32, #tpu.memory_space<vmem>>[vector<16xi32>, vector<16xi32>], vector<16xf32>,
        %gather3A_873 = tpu.vector_load_idx %arg11[%add3A_73, %add3A_871] : memref<64x512xf32, #tpu.memory_space<vmem>>[vector<16xi32>, vector<16xi32>], vector<16xf32>,
        %mul3A_874 = arith.mulf %gather3A_872, %gather3A_873 : vector<16xf32>
        %add3A_875 = arith.addf %scan3A_847, %mul3A_874 : vector<16xf32>
        %broadcast_in_dim3A_876 = arith.constant 192 : i32
        %broadcast_in_dim3A_877 = vector.broadcast %broadcast_in_dim3A_876 : i32 to vector<16xi32>
        %add3A_878 = vector.broadcast %scan3A_844 : i32 to vector<16xi32>
        %add3A_879 = arith.addi %broadcast_in_dim3A_877, %add3A_878 : vector<16xi32>
        %gather3A_880 = tpu.vector_load_idx %arg10[%add3A_73, %add3A_879] : memref<64x512xf32, #tpu.memory_space<vmem>>[vector<16xi32>, vector<16xi32>], vector<16xf32>,
        %gather3A_881 = tpu.vector_load_idx %arg11[%add3A_73, %add3A_879] : memref<64x512xf32, #tpu.memory_space<vmem>>[vector<16xi32>, vector<16xi32>], vector<16xf32>,
        %mul3A_882 = arith.mulf %gather3A_880, %gather3A_881 : vector<16xf32>
        %add3A_883 = arith.addf %scan3A_848, %mul3A_882 : vector<16xf32>
        %broadcast_in_dim3A_884 = arith.constant 256 : i32
        %broadcast_in_dim3A_885 = vector.broadcast %broadcast_in_dim3A_884 : i32 to vector<16xi32>
        %add3A_886 = vector.broadcast %scan3A_844 : i32 to vector<16xi32>
        %add3A_887 = arith.addi %broadcast_in_dim3A_885, %add3A_886 : vector<16xi32>
        %gather3A_888 = tpu.vector_load_idx %arg10[%add3A_73, %add3A_887] : memref<64x512xf32, #tpu.memory_space<vmem>>[vector<16xi32>, vector<16xi32>], vector<16xf32>,
        %gather3A_889 = tpu.vector_load_idx %arg11[%add3A_73, %add3A_887] : memref<64x512xf32, #tpu.memory_space<vmem>>[vector<16xi32>, vector<16xi32>], vector<16xf32>,
        %mul3A_890 = arith.mulf %gather3A_888, %gather3A_889 : vector<16xf32>
        %add3A_891 = arith.addf %scan3A_849, %mul3A_890 : vector<16xf32>
        %broadcast_in_dim3A_892 = arith.constant 320 : i32
        %broadcast_in_dim3A_893 = vector.broadcast %broadcast_in_dim3A_892 : i32 to vector<16xi32>
        %add3A_894 = vector.broadcast %scan3A_844 : i32 to vector<16xi32>
        %add3A_895 = arith.addi %broadcast_in_dim3A_893, %add3A_894 : vector<16xi32>
        %gather3A_896 = tpu.vector_load_idx %arg10[%add3A_73, %add3A_895] : memref<64x512xf32, #tpu.memory_space<vmem>>[vector<16xi32>, vector<16xi32>], vector<16xf32>,
        %gather3A_897 = tpu.vector_load_idx %arg11[%add3A_73, %add3A_895] : memref<64x512xf32, #tpu.memory_space<vmem>>[vector<16xi32>, vector<16xi32>], vector<16xf32>,
        %mul3A_898 = arith.mulf %gather3A_896, %gather3A_897 : vector<16xf32>
        %add3A_899 = arith.addf %scan3A_850, %mul3A_898 : vector<16xf32>
        %broadcast_in_dim3A_900 = arith.constant 384 : i32
        %broadcast_in_dim3A_901 = vector.broadcast %broadcast_in_dim3A_900 : i32 to vector<16xi32>
        %add3A_902 = vector.broadcast %scan3A_844 : i32 to vector<16xi32>
        %add3A_903 = arith.addi %broadcast_in_dim3A_901, %add3A_902 : vector<16xi32>
        %gather3A_904 = tpu.vector_load_idx %arg10[%add3A_73, %add3A_903] : memref<64x512xf32, #tpu.memory_space<vmem>>[vector<16xi32>, vector<16xi32>], vector<16xf32>,
        %gather3A_905 = tpu.vector_load_idx %arg11[%add3A_73, %add3A_903] : memref<64x512xf32, #tpu.memory_space<vmem>>[vector<16xi32>, vector<16xi32>], vector<16xf32>,
        %mul3A_906 = arith.mulf %gather3A_904, %gather3A_905 : vector<16xf32>
        %add3A_907 = arith.addf %scan3A_851, %mul3A_906 : vector<16xf32>
        %broadcast_in_dim3A_908 = arith.constant 448 : i32
        %broadcast_in_dim3A_909 = vector.broadcast %broadcast_in_dim3A_908 : i32 to vector<16xi32>
        %add3A_910 = vector.broadcast %scan3A_844 : i32 to vector<16xi32>
        %add3A_911 = arith.addi %broadcast_in_dim3A_909, %add3A_910 : vector<16xi32>
        %gather3A_912 = tpu.vector_load_idx %arg10[%add3A_73, %add3A_911] : memref<64x512xf32, #tpu.memory_space<vmem>>[vector<16xi32>, vector<16xi32>], vector<16xf32>,
        %gather3A_913 = tpu.vector_load_idx %arg11[%add3A_73, %add3A_911] : memref<64x512xf32, #tpu.memory_space<vmem>>[vector<16xi32>, vector<16xi32>], vector<16xf32>,
        %mul3A_914 = arith.mulf %gather3A_912, %gather3A_913 : vector<16xf32>
        %add3A_915 = arith.addf %scan3A_852, %mul3A_914 : vector<16xf32>
        scf.yield %add3A_859, %add3A_867, %add3A_875, %add3A_883, %add3A_891, %add3A_899, %add3A_907, %add3A_915 : vector<16xf32>, vector<16xf32>, vector<16xf32>, vector<16xf32>, vector<16xf32>, vector<16xf32>, vector<16xf32>, vector<16xf32>
      }
      %scan3A_95 = arith.constant 64 : i32
      %mul3A_96 = arith.constant 1.250000e-01 : f32
      %mul3A_97 = vector.broadcast %mul3A_96 : f32 to vector<16xf32>
      %mul3A_98 = arith.mulf %scan3A_94#0, %mul3A_97 : vector<16xf32>
      %swap3A_99 = arith.constant 0 : i32
      %swap3A_100 = arith.index_cast %swap3A_99 : i32 to index
      %swap3A_101 = arith.constant 0 : index
      %swap3A_102 = tpu.vector_load %arg12[%swap3A_100, %swap3A_101] {strides = array<i32>} : memref<8x64xf32, #tpu.memory_space<vmem>>, vector<16xf32>,
      tpu.vector_store %arg12[%swap3A_100, %swap3A_101], %mul3A_98 {strides = array<i32>} : memref<8x64xf32, #tpu.memory_space<vmem>>, vector<16xf32>,
      %get3A = arith.constant 0 : i32
      %get3A_103 = arith.index_cast %get3A : i32 to index
      %get3A_104 = arith.constant 0 : index
      %get3A_105 = tpu.vector_load %arg13[%get3A_103, %get3A_104] {strides = array<i32>} : memref<8x16xf32, #tpu.memory_space<vmem>>, vector<16xf32>,
      %max3A = arith.maximumf %get3A_105, %mul3A_98 : vector<16xf32>
      %swap3A_106 = arith.constant 0 : i32
      %swap3A_107 = arith.index_cast %swap3A_106 : i32 to index
      %swap3A_108 = arith.constant 0 : index
      %swap3A_109 = tpu.vector_load %arg13[%swap3A_107, %swap3A_108] {strides = array<i32>} : memref<8x16xf32, #tpu.memory_space<vmem>>, vector<16xf32>,
      tpu.vector_store %arg13[%swap3A_107, %swap3A_108], %max3A {strides = array<i32>} : memref<8x16xf32, #tpu.memory_space<vmem>>, vector<16xf32>,
      %mul3A_110 = arith.constant 1.250000e-01 : f32
      %mul3A_111 = vector.broadcast %mul3A_110 : f32 to vector<16xf32>
      %mul3A_112 = arith.mulf %scan3A_94#1, %mul3A_111 : vector<16xf32>
      %swap3A_113 = arith.constant 1 : i32
      %swap3A_114 = arith.index_cast %swap3A_113 : i32 to index
      %swap3A_115 = arith.constant 0 : index
      %swap3A_116 = tpu.vector_load %arg12[%swap3A_114, %swap3A_115] {strides = array<i32>} : memref<8x64xf32, #tpu.memory_space<vmem>>, vector<16xf32>,
      tpu.vector_store %arg12[%swap3A_114, %swap3A_115], %mul3A_112 {strides = array<i32>} : memref<8x64xf32, #tpu.memory_space<vmem>>, vector<16xf32>,
      %get3A_117 = arith.constant 1 : i32
      %get3A_118 = arith.index_cast %get3A_117 : i32 to index
      %get3A_119 = arith.constant 0 : index
      %get3A_120 = tpu.vector_load %arg13[%get3A_118, %get3A_119] {strides = array<i32>} : memref<8x16xf32, #tpu.memory_space<vmem>>, vector<16xf32>,
      %max3A_121 = arith.maximumf %get3A_120, %mul3A_112 : vector<16xf32>
      %swap3A_122 = arith.constant 1 : i32
      %swap3A_123 = arith.index_cast %swap3A_122 : i32 to index
      %swap3A_124 = arith.constant 0 : index
      %swap3A_125 = tpu.vector_load %arg13[%swap3A_123, %swap3A_124] {strides = array<i32>} : memref<8x16xf32, #tpu.memory_space<vmem>>, vector<16xf32>,
      tpu.vector_store %arg13[%swap3A_123, %swap3A_124], %max3A_121 {strides = array<i32>} : memref<8x16xf32, #tpu.memory_space<vmem>>, vector<16xf32>,
      %mul3A_126 = arith.constant 1.250000e-01 : f32
      %mul3A_127 = vector.broadcast %mul3A_126 : f32 to vector<16xf32>
      %mul3A_128 = arith.mulf %scan3A_94#2, %mul3A_127 : vector<16xf32>
      %swap3A_129 = arith.constant 2 : i32
      %swap3A_130 = arith.index_cast %swap3A_129 : i32 to index
      %swap3A_131 = arith.constant 0 : index
      %swap3A_132 = tpu.vector_load %arg12[%swap3A_130, %swap3A_131] {strides = array<i32>} : memref<8x64xf32, #tpu.memory_space<vmem>>, vector<16xf32>,
      tpu.vector_store %arg12[%swap3A_130, %swap3A_131], %mul3A_128 {strides = array<i32>} : memref<8x64xf32, #tpu.memory_space<vmem>>, vector<16xf32>,
      %get3A_133 = arith.constant 2 : i32
      %get3A_134 = arith.index_cast %get3A_133 : i32 to index
      %get3A_135 = arith.constant 0 : index
      %get3A_136 = tpu.vector_load %arg13[%get3A_134, %get3A_135] {strides = array<i32>} : memref<8x16xf32, #tpu.memory_space<vmem>>, vector<16xf32>,
      %max3A_137 = arith.maximumf %get3A_136, %mul3A_128 : vector<16xf32>
      %swap3A_138 = arith.constant 2 : i32
      %swap3A_139 = arith.index_cast %swap3A_138 : i32 to index
      %swap3A_140 = arith.constant 0 : index
      %swap3A_141 = tpu.vector_load %arg13[%swap3A_139, %swap3A_140] {strides = array<i32>} : memref<8x16xf32, #tpu.memory_space<vmem>>, vector<16xf32>,
      tpu.vector_store %arg13[%swap3A_139, %swap3A_140], %max3A_137 {strides = array<i32>} : memref<8x16xf32, #tpu.memory_space<vmem>>, vector<16xf32>,
      %mul3A_142 = arith.constant 1.250000e-01 : f32
      %mul3A_143 = vector.broadcast %mul3A_142 : f32 to vector<16xf32>
      %mul3A_144 = arith.mulf %scan3A_94#3, %mul3A_143 : vector<16xf32>
      %swap3A_145 = arith.constant 3 : i32
      %swap3A_146 = arith.index_cast %swap3A_145 : i32 to index
      %swap3A_147 = arith.constant 0 : index
      %swap3A_148 = tpu.vector_load %arg12[%swap3A_146, %swap3A_147] {strides = array<i32>} : memref<8x64xf32, #tpu.memory_space<vmem>>, vector<16xf32>,
      tpu.vector_store %arg12[%swap3A_146, %swap3A_147], %mul3A_144 {strides = array<i32>} : memref<8x64xf32, #tpu.memory_space<vmem>>, vector<16xf32>,
      %get3A_149 = arith.constant 3 : i32
      %get3A_150 = arith.index_cast %get3A_149 : i32 to index
      %get3A_151 = arith.constant 0 : index
      %get3A_152 = tpu.vector_load %arg13[%get3A_150, %get3A_151] {strides = array<i32>} : memref<8x16xf32, #tpu.memory_space<vmem>>, vector<16xf32>,
      %max3A_153 = arith.maximumf %get3A_152, %mul3A_144 : vector<16xf32>
      %swap3A_154 = arith.constant 3 : i32
      %swap3A_155 = arith.index_cast %swap3A_154 : i32 to index
      %swap3A_156 = arith.constant 0 : index
      %swap3A_157 = tpu.vector_load %arg13[%swap3A_155, %swap3A_156] {strides = array<i32>} : memref<8x16xf32, #tpu.memory_space<vmem>>, vector<16xf32>,
      tpu.vector_store %arg13[%swap3A_155, %swap3A_156], %max3A_153 {strides = array<i32>} : memref<8x16xf32, #tpu.memory_space<vmem>>, vector<16xf32>,
      %mul3A_158 = arith.constant 1.250000e-01 : f32
      %mul3A_159 = vector.broadcast %mul3A_158 : f32 to vector<16xf32>
      %mul3A_160 = arith.mulf %scan3A_94#4, %mul3A_159 : vector<16xf32>
      %swap3A_161 = arith.constant 4 : i32
      %swap3A_162 = arith.index_cast %swap3A_161 : i32 to index
      %swap3A_163 = arith.constant 0 : index
      %swap3A_164 = tpu.vector_load %arg12[%swap3A_162, %swap3A_163] {strides = array<i32>} : memref<8x64xf32, #tpu.memory_space<vmem>>, vector<16xf32>,
      tpu.vector_store %arg12[%swap3A_162, %swap3A_163], %mul3A_160 {strides = array<i32>} : memref<8x64xf32, #tpu.memory_space<vmem>>, vector<16xf32>,
      %get3A_165 = arith.constant 4 : i32
      %get3A_166 = arith.index_cast %get3A_165 : i32 to index
      %get3A_167 = arith.constant 0 : index
      %get3A_168 = tpu.vector_load %arg13[%get3A_166, %get3A_167] {strides = array<i32>} : memref<8x16xf32, #tpu.memory_space<vmem>>, vector<16xf32>,
      %max3A_169 = arith.maximumf %get3A_168, %mul3A_160 : vector<16xf32>
      %swap3A_170 = arith.constant 4 : i32
      %swap3A_171 = arith.index_cast %swap3A_170 : i32 to index
      %swap3A_172 = arith.constant 0 : index
      %swap3A_173 = tpu.vector_load %arg13[%swap3A_171, %swap3A_172] {strides = array<i32>} : memref<8x16xf32, #tpu.memory_space<vmem>>, vector<16xf32>,
      tpu.vector_store %arg13[%swap3A_171, %swap3A_172], %max3A_169 {strides = array<i32>} : memref<8x16xf32, #tpu.memory_space<vmem>>, vector<16xf32>,
      %mul3A_174 = arith.constant 1.250000e-01 : f32
      %mul3A_175 = vector.broadcast %mul3A_174 : f32 to vector<16xf32>
      %mul3A_176 = arith.mulf %scan3A_94#5, %mul3A_175 : vector<16xf32>
      %swap3A_177 = arith.constant 5 : i32
      %swap3A_178 = arith.index_cast %swap3A_177 : i32 to index
      %swap3A_179 = arith.constant 0 : index
      %swap3A_180 = tpu.vector_load %arg12[%swap3A_178, %swap3A_179] {strides = array<i32>} : memref<8x64xf32, #tpu.memory_space<vmem>>, vector<16xf32>,
      tpu.vector_store %arg12[%swap3A_178, %swap3A_179], %mul3A_176 {strides = array<i32>} : memref<8x64xf32, #tpu.memory_space<vmem>>, vector<16xf32>,
      %get3A_181 = arith.constant 5 : i32
      %get3A_182 = arith.index_cast %get3A_181 : i32 to index
      %get3A_183 = arith.constant 0 : index
      %get3A_184 = tpu.vector_load %arg13[%get3A_182, %get3A_183] {strides = array<i32>} : memref<8x16xf32, #tpu.memory_space<vmem>>, vector<16xf32>,
      %max3A_185 = arith.maximumf %get3A_184, %mul3A_176 : vector<16xf32>
      %swap3A_186 = arith.constant 5 : i32
      %swap3A_187 = arith.index_cast %swap3A_186 : i32 to index
      %swap3A_188 = arith.constant 0 : index
      %swap3A_189 = tpu.vector_load %arg13[%swap3A_187, %swap3A_188] {strides = array<i32>} : memref<8x16xf32, #tpu.memory_space<vmem>>, vector<16xf32>,
      tpu.vector_store %arg13[%swap3A_187, %swap3A_188], %max3A_185 {strides = array<i32>} : memref<8x16xf32, #tpu.memory_space<vmem>>, vector<16xf32>,
      %mul3A_190 = arith.constant 1.250000e-01 : f32
      %mul3A_191 = vector.broadcast %mul3A_190 : f32 to vector<16xf32>
      %mul3A_192 = arith.mulf %scan3A_94#6, %mul3A_191 : vector<16xf32>
      %swap3A_193 = arith.constant 6 : i32
      %swap3A_194 = arith.index_cast %swap3A_193 : i32 to index
      %swap3A_195 = arith.constant 0 : index
      %swap3A_196 = tpu.vector_load %arg12[%swap3A_194, %swap3A_195] {strides = array<i32>} : memref<8x64xf32, #tpu.memory_space<vmem>>, vector<16xf32>,
      tpu.vector_store %arg12[%swap3A_194, %swap3A_195], %mul3A_192 {strides = array<i32>} : memref<8x64xf32, #tpu.memory_space<vmem>>, vector<16xf32>,
      %get3A_197 = arith.constant 6 : i32
      %get3A_198 = arith.index_cast %get3A_197 : i32 to index
      %get3A_199 = arith.constant 0 : index
      %get3A_200 = tpu.vector_load %arg13[%get3A_198, %get3A_199] {strides = array<i32>} : memref<8x16xf32, #tpu.memory_space<vmem>>, vector<16xf32>,
      %max3A_201 = arith.maximumf %get3A_200, %mul3A_192 : vector<16xf32>
      %swap3A_202 = arith.constant 6 : i32
      %swap3A_203 = arith.index_cast %swap3A_202 : i32 to index
      %swap3A_204 = arith.constant 0 : index
      %swap3A_205 = tpu.vector_load %arg13[%swap3A_203, %swap3A_204] {strides = array<i32>} : memref<8x16xf32, #tpu.memory_space<vmem>>, vector<16xf32>,
      tpu.vector_store %arg13[%swap3A_203, %swap3A_204], %max3A_201 {strides = array<i32>} : memref<8x16xf32, #tpu.memory_space<vmem>>, vector<16xf32>,
      %mul3A_206 = arith.constant 1.250000e-01 : f32
      %mul3A_207 = vector.broadcast %mul3A_206 : f32 to vector<16xf32>
      %mul3A_208 = arith.mulf %scan3A_94#7, %mul3A_207 : vector<16xf32>
      %swap3A_209 = arith.constant 7 : i32
      %swap3A_210 = arith.index_cast %swap3A_209 : i32 to index
      %swap3A_211 = arith.constant 0 : index
      %swap3A_212 = tpu.vector_load %arg12[%swap3A_210, %swap3A_211] {strides = array<i32>} : memref<8x64xf32, #tpu.memory_space<vmem>>, vector<16xf32>,
      tpu.vector_store %arg12[%swap3A_210, %swap3A_211], %mul3A_208 {strides = array<i32>} : memref<8x64xf32, #tpu.memory_space<vmem>>, vector<16xf32>,
      %get3A_213 = arith.constant 7 : i32
      %get3A_214 = arith.index_cast %get3A_213 : i32 to index
      %get3A_215 = arith.constant 0 : index
      %get3A_216 = tpu.vector_load %arg13[%get3A_214, %get3A_215] {strides = array<i32>} : memref<8x16xf32, #tpu.memory_space<vmem>>, vector<16xf32>,
      %max3A_217 = arith.maximumf %get3A_216, %mul3A_208 : vector<16xf32>
      %swap3A_218 = arith.constant 7 : i32
      %swap3A_219 = arith.index_cast %swap3A_218 : i32 to index
      %swap3A_220 = arith.constant 0 : index
      %swap3A_221 = tpu.vector_load %arg13[%swap3A_219, %swap3A_220] {strides = array<i32>} : memref<8x16xf32, #tpu.memory_space<vmem>>, vector<16xf32>,
      tpu.vector_store %arg13[%swap3A_219, %swap3A_220], %max3A_217 {strides = array<i32>} : memref<8x16xf32, #tpu.memory_space<vmem>>, vector<16xf32>,
      %iota3A_222 = tpu.iota {dimensions = array<i32: 0>} : vector<16xi32>
      %add3A_223 = arith.constant 16 : i32
      %add3A_224 = vector.broadcast %add3A_223 : i32 to vector<16xi32>
      %add3A_225 = arith.addi %iota3A_222, %add3A_224 : vector<16xi32>
      %broadcast_in_dim3A_226 = arith.constant 0.000000e+00 : f32
      %broadcast_in_dim3A_227 = vector.broadcast %broadcast_in_dim3A_226 : f32 to vector<16xf32>
      %broadcast_in_dim3A_228 = arith.constant 0.000000e+00 : f32
      %broadcast_in_dim3A_229 = vector.broadcast %broadcast_in_dim3A_228 : f32 to vector<16xf32>
      %broadcast_in_dim3A_230 = arith.constant 0.000000e+00 : f32
      %broadcast_in_dim3A_231 = vector.broadcast %broadcast_in_dim3A_230 : f32 to vector<16xf32>
      %broadcast_in_dim3A_232 = arith.constant 0.000000e+00 : f32
      %broadcast_in_dim3A_233 = vector.broadcast %broadcast_in_dim3A_232 : f32 to vector<16xf32>
      %broadcast_in_dim3A_234 = arith.constant 0.000000e+00 : f32
      %broadcast_in_dim3A_235 = vector.broadcast %broadcast_in_dim3A_234 : f32 to vector<16xf32>
      %broadcast_in_dim3A_236 = arith.constant 0.000000e+00 : f32
      %broadcast_in_dim3A_237 = vector.broadcast %broadcast_in_dim3A_236 : f32 to vector<16xf32>
      %broadcast_in_dim3A_238 = arith.constant 0.000000e+00 : f32
      %broadcast_in_dim3A_239 = vector.broadcast %broadcast_in_dim3A_238 : f32 to vector<16xf32>
      %broadcast_in_dim3A_240 = arith.constant 0.000000e+00 : f32
      %broadcast_in_dim3A_241 = vector.broadcast %broadcast_in_dim3A_240 : f32 to vector<16xf32>
      %scan3A_242 = arith.constant 0 : i32
      %scan3A_243 = arith.constant 64 : i32
      %scan3A_244 = arith.addi %scan3A_242, %scan3A_243 : i32
      %scan3A_245 = arith.constant 1 : i32
      %scan3A_246:8 = scf.for %scan3A_844 = %scan3A_242 to %scan3A_244 step %scan3A_245 iter_args(%scan3A_845 = %broadcast_in_dim3A_227, %scan3A_846 = %broadcast_in_dim3A_229, %scan3A_847 = %broadcast_in_dim3A_231, %scan3A_848 = %broadcast_in_dim3A_233, %scan3A_849 = %broadcast_in_dim3A_235, %scan3A_850 = %broadcast_in_dim3A_237, %scan3A_851 = %broadcast_in_dim3A_239, %scan3A_852 = %broadcast_in_dim3A_241) -> (vector<16xf32>, vector<16xf32>, vector<16xf32>, vector<16xf32>, vector<16xf32>, vector<16xf32>, vector<16xf32>, vector<16xf32>)  : i32 {
        %broadcast_in_dim3A_853 = arith.constant 0 : i32
        %broadcast_in_dim3A_854 = vector.broadcast %broadcast_in_dim3A_853 : i32 to vector<16xi32>
        %add3A_855 = vector.broadcast %scan3A_844 : i32 to vector<16xi32>
        %add3A_856 = arith.addi %broadcast_in_dim3A_854, %add3A_855 : vector<16xi32>
        %gather3A = tpu.vector_load_idx %arg10[%add3A_225, %add3A_856] : memref<64x512xf32, #tpu.memory_space<vmem>>[vector<16xi32>, vector<16xi32>], vector<16xf32>,
        %gather3A_857 = tpu.vector_load_idx %arg11[%add3A_225, %add3A_856] : memref<64x512xf32, #tpu.memory_space<vmem>>[vector<16xi32>, vector<16xi32>], vector<16xf32>,
        %mul3A_858 = arith.mulf %gather3A, %gather3A_857 : vector<16xf32>
        %add3A_859 = arith.addf %scan3A_845, %mul3A_858 : vector<16xf32>
        %broadcast_in_dim3A_860 = arith.constant 64 : i32
        %broadcast_in_dim3A_861 = vector.broadcast %broadcast_in_dim3A_860 : i32 to vector<16xi32>
        %add3A_862 = vector.broadcast %scan3A_844 : i32 to vector<16xi32>
        %add3A_863 = arith.addi %broadcast_in_dim3A_861, %add3A_862 : vector<16xi32>
        %gather3A_864 = tpu.vector_load_idx %arg10[%add3A_225, %add3A_863] : memref<64x512xf32, #tpu.memory_space<vmem>>[vector<16xi32>, vector<16xi32>], vector<16xf32>,
        %gather3A_865 = tpu.vector_load_idx %arg11[%add3A_225, %add3A_863] : memref<64x512xf32, #tpu.memory_space<vmem>>[vector<16xi32>, vector<16xi32>], vector<16xf32>,
        %mul3A_866 = arith.mulf %gather3A_864, %gather3A_865 : vector<16xf32>
        %add3A_867 = arith.addf %scan3A_846, %mul3A_866 : vector<16xf32>
        %broadcast_in_dim3A_868 = arith.constant 128 : i32
        %broadcast_in_dim3A_869 = vector.broadcast %broadcast_in_dim3A_868 : i32 to vector<16xi32>
        %add3A_870 = vector.broadcast %scan3A_844 : i32 to vector<16xi32>
        %add3A_871 = arith.addi %broadcast_in_dim3A_869, %add3A_870 : vector<16xi32>
        %gather3A_872 = tpu.vector_load_idx %arg10[%add3A_225, %add3A_871] : memref<64x512xf32, #tpu.memory_space<vmem>>[vector<16xi32>, vector<16xi32>], vector<16xf32>,
        %gather3A_873 = tpu.vector_load_idx %arg11[%add3A_225, %add3A_871] : memref<64x512xf32, #tpu.memory_space<vmem>>[vector<16xi32>, vector<16xi32>], vector<16xf32>,
        %mul3A_874 = arith.mulf %gather3A_872, %gather3A_873 : vector<16xf32>
        %add3A_875 = arith.addf %scan3A_847, %mul3A_874 : vector<16xf32>
        %broadcast_in_dim3A_876 = arith.constant 192 : i32
        %broadcast_in_dim3A_877 = vector.broadcast %broadcast_in_dim3A_876 : i32 to vector<16xi32>
        %add3A_878 = vector.broadcast %scan3A_844 : i32 to vector<16xi32>
        %add3A_879 = arith.addi %broadcast_in_dim3A_877, %add3A_878 : vector<16xi32>
        %gather3A_880 = tpu.vector_load_idx %arg10[%add3A_225, %add3A_879] : memref<64x512xf32, #tpu.memory_space<vmem>>[vector<16xi32>, vector<16xi32>], vector<16xf32>,
        %gather3A_881 = tpu.vector_load_idx %arg11[%add3A_225, %add3A_879] : memref<64x512xf32, #tpu.memory_space<vmem>>[vector<16xi32>, vector<16xi32>], vector<16xf32>,
        %mul3A_882 = arith.mulf %gather3A_880, %gather3A_881 : vector<16xf32>
        %add3A_883 = arith.addf %scan3A_848, %mul3A_882 : vector<16xf32>
        %broadcast_in_dim3A_884 = arith.constant 256 : i32
        %broadcast_in_dim3A_885 = vector.broadcast %broadcast_in_dim3A_884 : i32 to vector<16xi32>
        %add3A_886 = vector.broadcast %scan3A_844 : i32 to vector<16xi32>
        %add3A_887 = arith.addi %broadcast_in_dim3A_885, %add3A_886 : vector<16xi32>
        %gather3A_888 = tpu.vector_load_idx %arg10[%add3A_225, %add3A_887] : memref<64x512xf32, #tpu.memory_space<vmem>>[vector<16xi32>, vector<16xi32>], vector<16xf32>,
        %gather3A_889 = tpu.vector_load_idx %arg11[%add3A_225, %add3A_887] : memref<64x512xf32, #tpu.memory_space<vmem>>[vector<16xi32>, vector<16xi32>], vector<16xf32>,
        %mul3A_890 = arith.mulf %gather3A_888, %gather3A_889 : vector<16xf32>
        %add3A_891 = arith.addf %scan3A_849, %mul3A_890 : vector<16xf32>
        %broadcast_in_dim3A_892 = arith.constant 320 : i32
        %broadcast_in_dim3A_893 = vector.broadcast %broadcast_in_dim3A_892 : i32 to vector<16xi32>
        %add3A_894 = vector.broadcast %scan3A_844 : i32 to vector<16xi32>
        %add3A_895 = arith.addi %broadcast_in_dim3A_893, %add3A_894 : vector<16xi32>
        %gather3A_896 = tpu.vector_load_idx %arg10[%add3A_225, %add3A_895] : memref<64x512xf32, #tpu.memory_space<vmem>>[vector<16xi32>, vector<16xi32>], vector<16xf32>,
        %gather3A_897 = tpu.vector_load_idx %arg11[%add3A_225, %add3A_895] : memref<64x512xf32, #tpu.memory_space<vmem>>[vector<16xi32>, vector<16xi32>], vector<16xf32>,
        %mul3A_898 = arith.mulf %gather3A_896, %gather3A_897 : vector<16xf32>
        %add3A_899 = arith.addf %scan3A_850, %mul3A_898 : vector<16xf32>
        %broadcast_in_dim3A_900 = arith.constant 384 : i32
        %broadcast_in_dim3A_901 = vector.broadcast %broadcast_in_dim3A_900 : i32 to vector<16xi32>
        %add3A_902 = vector.broadcast %scan3A_844 : i32 to vector<16xi32>
        %add3A_903 = arith.addi %broadcast_in_dim3A_901, %add3A_902 : vector<16xi32>
        %gather3A_904 = tpu.vector_load_idx %arg10[%add3A_225, %add3A_903] : memref<64x512xf32, #tpu.memory_space<vmem>>[vector<16xi32>, vector<16xi32>], vector<16xf32>,
        %gather3A_905 = tpu.vector_load_idx %arg11[%add3A_225, %add3A_903] : memref<64x512xf32, #tpu.memory_space<vmem>>[vector<16xi32>, vector<16xi32>], vector<16xf32>,
        %mul3A_906 = arith.mulf %gather3A_904, %gather3A_905 : vector<16xf32>
        %add3A_907 = arith.addf %scan3A_851, %mul3A_906 : vector<16xf32>
        %broadcast_in_dim3A_908 = arith.constant 448 : i32
        %broadcast_in_dim3A_909 = vector.broadcast %broadcast_in_dim3A_908 : i32 to vector<16xi32>
        %add3A_910 = vector.broadcast %scan3A_844 : i32 to vector<16xi32>
        %add3A_911 = arith.addi %broadcast_in_dim3A_909, %add3A_910 : vector<16xi32>
        %gather3A_912 = tpu.vector_load_idx %arg10[%add3A_225, %add3A_911] : memref<64x512xf32, #tpu.memory_space<vmem>>[vector<16xi32>, vector<16xi32>], vector<16xf32>,
        %gather3A_913 = tpu.vector_load_idx %arg11[%add3A_225, %add3A_911] : memref<64x512xf32, #tpu.memory_space<vmem>>[vector<16xi32>, vector<16xi32>], vector<16xf32>,
        %mul3A_914 = arith.mulf %gather3A_912, %gather3A_913 : vector<16xf32>
        %add3A_915 = arith.addf %scan3A_852, %mul3A_914 : vector<16xf32>
        scf.yield %add3A_859, %add3A_867, %add3A_875, %add3A_883, %add3A_891, %add3A_899, %add3A_907, %add3A_915 : vector<16xf32>, vector<16xf32>, vector<16xf32>, vector<16xf32>, vector<16xf32>, vector<16xf32>, vector<16xf32>, vector<16xf32>
      }
      %scan3A_247 = arith.constant 64 : i32
      %mul3A_248 = arith.constant 1.250000e-01 : f32
      %mul3A_249 = vector.broadcast %mul3A_248 : f32 to vector<16xf32>
      %mul3A_250 = arith.mulf %scan3A_246#0, %mul3A_249 : vector<16xf32>
      %swap3A_251 = arith.constant 0 : i32
      %swap3A_252 = arith.index_cast %swap3A_251 : i32 to index
      %swap3A_253 = arith.constant 16 : index
      %swap3A_254 = tpu.vector_load %arg12[%swap3A_252, %swap3A_253] {strides = array<i32>} : memref<8x64xf32, #tpu.memory_space<vmem>>, vector<16xf32>,
      tpu.vector_store %arg12[%swap3A_252, %swap3A_253], %mul3A_250 {strides = array<i32>} : memref<8x64xf32, #tpu.memory_space<vmem>>, vector<16xf32>,
      %get3A_255 = arith.constant 0 : i32
      %get3A_256 = arith.index_cast %get3A_255 : i32 to index
      %get3A_257 = arith.constant 0 : index
      %get3A_258 = tpu.vector_load %arg13[%get3A_256, %get3A_257] {strides = array<i32>} : memref<8x16xf32, #tpu.memory_space<vmem>>, vector<16xf32>,
      %max3A_259 = arith.maximumf %get3A_258, %mul3A_250 : vector<16xf32>
      %swap3A_260 = arith.constant 0 : i32
      %swap3A_261 = arith.index_cast %swap3A_260 : i32 to index
      %swap3A_262 = arith.constant 0 : index
      %swap3A_263 = tpu.vector_load %arg13[%swap3A_261, %swap3A_262] {strides = array<i32>} : memref<8x16xf32, #tpu.memory_space<vmem>>, vector<16xf32>,
      tpu.vector_store %arg13[%swap3A_261, %swap3A_262], %max3A_259 {strides = array<i32>} : memref<8x16xf32, #tpu.memory_space<vmem>>, vector<16xf32>,
      %mul3A_264 = arith.constant 1.250000e-01 : f32
      %mul3A_265 = vector.broadcast %mul3A_264 : f32 to vector<16xf32>
      %mul3A_266 = arith.mulf %scan3A_246#1, %mul3A_265 : vector<16xf32>
      %swap3A_267 = arith.constant 1 : i32
      %swap3A_268 = arith.index_cast %swap3A_267 : i32 to index
      %swap3A_269 = arith.constant 16 : index
      %swap3A_270 = tpu.vector_load %arg12[%swap3A_268, %swap3A_269] {strides = array<i32>} : memref<8x64xf32, #tpu.memory_space<vmem>>, vector<16xf32>,
      tpu.vector_store %arg12[%swap3A_268, %swap3A_269], %mul3A_266 {strides = array<i32>} : memref<8x64xf32, #tpu.memory_space<vmem>>, vector<16xf32>,
      %get3A_271 = arith.constant 1 : i32
      %get3A_272 = arith.index_cast %get3A_271 : i32 to index
      %get3A_273 = arith.constant 0 : index
      %get3A_274 = tpu.vector_load %arg13[%get3A_272, %get3A_273] {strides = array<i32>} : memref<8x16xf32, #tpu.memory_space<vmem>>, vector<16xf32>,
      %max3A_275 = arith.maximumf %get3A_274, %mul3A_266 : vector<16xf32>
      %swap3A_276 = arith.constant 1 : i32
      %swap3A_277 = arith.index_cast %swap3A_276 : i32 to index
      %swap3A_278 = arith.constant 0 : index
      %swap3A_279 = tpu.vector_load %arg13[%swap3A_277, %swap3A_278] {strides = array<i32>} : memref<8x16xf32, #tpu.memory_space<vmem>>, vector<16xf32>,
      tpu.vector_store %arg13[%swap3A_277, %swap3A_278], %max3A_275 {strides = array<i32>} : memref<8x16xf32, #tpu.memory_space<vmem>>, vector<16xf32>,
      %mul3A_280 = arith.constant 1.250000e-01 : f32
      %mul3A_281 = vector.broadcast %mul3A_280 : f32 to vector<16xf32>
      %mul3A_282 = arith.mulf %scan3A_246#2, %mul3A_281 : vector<16xf32>
      %swap3A_283 = arith.constant 2 : i32
      %swap3A_284 = arith.index_cast %swap3A_283 : i32 to index
      %swap3A_285 = arith.constant 16 : index
      %swap3A_286 = tpu.vector_load %arg12[%swap3A_284, %swap3A_285] {strides = array<i32>} : memref<8x64xf32, #tpu.memory_space<vmem>>, vector<16xf32>,
      tpu.vector_store %arg12[%swap3A_284, %swap3A_285], %mul3A_282 {strides = array<i32>} : memref<8x64xf32, #tpu.memory_space<vmem>>, vector<16xf32>,
      %get3A_287 = arith.constant 2 : i32
      %get3A_288 = arith.index_cast %get3A_287 : i32 to index
      %get3A_289 = arith.constant 0 : index
      %get3A_290 = tpu.vector_load %arg13[%get3A_288, %get3A_289] {strides = array<i32>} : memref<8x16xf32, #tpu.memory_space<vmem>>, vector<16xf32>,
      %max3A_291 = arith.maximumf %get3A_290, %mul3A_282 : vector<16xf32>
      %swap3A_292 = arith.constant 2 : i32
      %swap3A_293 = arith.index_cast %swap3A_292 : i32 to index
      %swap3A_294 = arith.constant 0 : index
      %swap3A_295 = tpu.vector_load %arg13[%swap3A_293, %swap3A_294] {strides = array<i32>} : memref<8x16xf32, #tpu.memory_space<vmem>>, vector<16xf32>,
      tpu.vector_store %arg13[%swap3A_293, %swap3A_294], %max3A_291 {strides = array<i32>} : memref<8x16xf32, #tpu.memory_space<vmem>>, vector<16xf32>,
      %mul3A_296 = arith.constant 1.250000e-01 : f32
      %mul3A_297 = vector.broadcast %mul3A_296 : f32 to vector<16xf32>
      %mul3A_298 = arith.mulf %scan3A_246#3, %mul3A_297 : vector<16xf32>
      %swap3A_299 = arith.constant 3 : i32
      %swap3A_300 = arith.index_cast %swap3A_299 : i32 to index
      %swap3A_301 = arith.constant 16 : index
      %swap3A_302 = tpu.vector_load %arg12[%swap3A_300, %swap3A_301] {strides = array<i32>} : memref<8x64xf32, #tpu.memory_space<vmem>>, vector<16xf32>,
      tpu.vector_store %arg12[%swap3A_300, %swap3A_301], %mul3A_298 {strides = array<i32>} : memref<8x64xf32, #tpu.memory_space<vmem>>, vector<16xf32>,
      %get3A_303 = arith.constant 3 : i32
      %get3A_304 = arith.index_cast %get3A_303 : i32 to index
      %get3A_305 = arith.constant 0 : index
      %get3A_306 = tpu.vector_load %arg13[%get3A_304, %get3A_305] {strides = array<i32>} : memref<8x16xf32, #tpu.memory_space<vmem>>, vector<16xf32>,
      %max3A_307 = arith.maximumf %get3A_306, %mul3A_298 : vector<16xf32>
      %swap3A_308 = arith.constant 3 : i32
      %swap3A_309 = arith.index_cast %swap3A_308 : i32 to index
      %swap3A_310 = arith.constant 0 : index
      %swap3A_311 = tpu.vector_load %arg13[%swap3A_309, %swap3A_310] {strides = array<i32>} : memref<8x16xf32, #tpu.memory_space<vmem>>, vector<16xf32>,
      tpu.vector_store %arg13[%swap3A_309, %swap3A_310], %max3A_307 {strides = array<i32>} : memref<8x16xf32, #tpu.memory_space<vmem>>, vector<16xf32>,
      %mul3A_312 = arith.constant 1.250000e-01 : f32
      %mul3A_313 = vector.broadcast %mul3A_312 : f32 to vector<16xf32>
      %mul3A_314 = arith.mulf %scan3A_246#4, %mul3A_313 : vector<16xf32>
      %swap3A_315 = arith.constant 4 : i32
      %swap3A_316 = arith.index_cast %swap3A_315 : i32 to index
      %swap3A_317 = arith.constant 16 : index
      %swap3A_318 = tpu.vector_load %arg12[%swap3A_316, %swap3A_317] {strides = array<i32>} : memref<8x64xf32, #tpu.memory_space<vmem>>, vector<16xf32>,
      tpu.vector_store %arg12[%swap3A_316, %swap3A_317], %mul3A_314 {strides = array<i32>} : memref<8x64xf32, #tpu.memory_space<vmem>>, vector<16xf32>,
      %get3A_319 = arith.constant 4 : i32
      %get3A_320 = arith.index_cast %get3A_319 : i32 to index
      %get3A_321 = arith.constant 0 : index
      %get3A_322 = tpu.vector_load %arg13[%get3A_320, %get3A_321] {strides = array<i32>} : memref<8x16xf32, #tpu.memory_space<vmem>>, vector<16xf32>,
      %max3A_323 = arith.maximumf %get3A_322, %mul3A_314 : vector<16xf32>
      %swap3A_324 = arith.constant 4 : i32
      %swap3A_325 = arith.index_cast %swap3A_324 : i32 to index
      %swap3A_326 = arith.constant 0 : index
      %swap3A_327 = tpu.vector_load %arg13[%swap3A_325, %swap3A_326] {strides = array<i32>} : memref<8x16xf32, #tpu.memory_space<vmem>>, vector<16xf32>,
      tpu.vector_store %arg13[%swap3A_325, %swap3A_326], %max3A_323 {strides = array<i32>} : memref<8x16xf32, #tpu.memory_space<vmem>>, vector<16xf32>,
      %mul3A_328 = arith.constant 1.250000e-01 : f32
      %mul3A_329 = vector.broadcast %mul3A_328 : f32 to vector<16xf32>
      %mul3A_330 = arith.mulf %scan3A_246#5, %mul3A_329 : vector<16xf32>
      %swap3A_331 = arith.constant 5 : i32
      %swap3A_332 = arith.index_cast %swap3A_331 : i32 to index
      %swap3A_333 = arith.constant 16 : index
      %swap3A_334 = tpu.vector_load %arg12[%swap3A_332, %swap3A_333] {strides = array<i32>} : memref<8x64xf32, #tpu.memory_space<vmem>>, vector<16xf32>,
      tpu.vector_store %arg12[%swap3A_332, %swap3A_333], %mul3A_330 {strides = array<i32>} : memref<8x64xf32, #tpu.memory_space<vmem>>, vector<16xf32>,
      %get3A_335 = arith.constant 5 : i32
      %get3A_336 = arith.index_cast %get3A_335 : i32 to index
      %get3A_337 = arith.constant 0 : index
      %get3A_338 = tpu.vector_load %arg13[%get3A_336, %get3A_337] {strides = array<i32>} : memref<8x16xf32, #tpu.memory_space<vmem>>, vector<16xf32>,
      %max3A_339 = arith.maximumf %get3A_338, %mul3A_330 : vector<16xf32>
      %swap3A_340 = arith.constant 5 : i32
      %swap3A_341 = arith.index_cast %swap3A_340 : i32 to index
      %swap3A_342 = arith.constant 0 : index
      %swap3A_343 = tpu.vector_load %arg13[%swap3A_341, %swap3A_342] {strides = array<i32>} : memref<8x16xf32, #tpu.memory_space<vmem>>, vector<16xf32>,
      tpu.vector_store %arg13[%swap3A_341, %swap3A_342], %max3A_339 {strides = array<i32>} : memref<8x16xf32, #tpu.memory_space<vmem>>, vector<16xf32>,
      %mul3A_344 = arith.constant 1.250000e-01 : f32
      %mul3A_345 = vector.broadcast %mul3A_344 : f32 to vector<16xf32>
      %mul3A_346 = arith.mulf %scan3A_246#6, %mul3A_345 : vector<16xf32>
      %swap3A_347 = arith.constant 6 : i32
      %swap3A_348 = arith.index_cast %swap3A_347 : i32 to index
      %swap3A_349 = arith.constant 16 : index
      %swap3A_350 = tpu.vector_load %arg12[%swap3A_348, %swap3A_349] {strides = array<i32>} : memref<8x64xf32, #tpu.memory_space<vmem>>, vector<16xf32>,
      tpu.vector_store %arg12[%swap3A_348, %swap3A_349], %mul3A_346 {strides = array<i32>} : memref<8x64xf32, #tpu.memory_space<vmem>>, vector<16xf32>,
      %get3A_351 = arith.constant 6 : i32
      %get3A_352 = arith.index_cast %get3A_351 : i32 to index
      %get3A_353 = arith.constant 0 : index
      %get3A_354 = tpu.vector_load %arg13[%get3A_352, %get3A_353] {strides = array<i32>} : memref<8x16xf32, #tpu.memory_space<vmem>>, vector<16xf32>,
      %max3A_355 = arith.maximumf %get3A_354, %mul3A_346 : vector<16xf32>
      %swap3A_356 = arith.constant 6 : i32
      %swap3A_357 = arith.index_cast %swap3A_356 : i32 to index
      %swap3A_358 = arith.constant 0 : index
      %swap3A_359 = tpu.vector_load %arg13[%swap3A_357, %swap3A_358] {strides = array<i32>} : memref<8x16xf32, #tpu.memory_space<vmem>>, vector<16xf32>,
      tpu.vector_store %arg13[%swap3A_357, %swap3A_358], %max3A_355 {strides = array<i32>} : memref<8x16xf32, #tpu.memory_space<vmem>>, vector<16xf32>,
      %mul3A_360 = arith.constant 1.250000e-01 : f32
      %mul3A_361 = vector.broadcast %mul3A_360 : f32 to vector<16xf32>
      %mul3A_362 = arith.mulf %scan3A_246#7, %mul3A_361 : vector<16xf32>
      %swap3A_363 = arith.constant 7 : i32
      %swap3A_364 = arith.index_cast %swap3A_363 : i32 to index
      %swap3A_365 = arith.constant 16 : index
      %swap3A_366 = tpu.vector_load %arg12[%swap3A_364, %swap3A_365] {strides = array<i32>} : memref<8x64xf32, #tpu.memory_space<vmem>>, vector<16xf32>,
      tpu.vector_store %arg12[%swap3A_364, %swap3A_365], %mul3A_362 {strides = array<i32>} : memref<8x64xf32, #tpu.memory_space<vmem>>, vector<16xf32>,
      %get3A_367 = arith.constant 7 : i32
      %get3A_368 = arith.index_cast %get3A_367 : i32 to index
      %get3A_369 = arith.constant 0 : index
      %get3A_370 = tpu.vector_load %arg13[%get3A_368, %get3A_369] {strides = array<i32>} : memref<8x16xf32, #tpu.memory_space<vmem>>, vector<16xf32>,
      %max3A_371 = arith.maximumf %get3A_370, %mul3A_362 : vector<16xf32>
      %swap3A_372 = arith.constant 7 : i32
      %swap3A_373 = arith.index_cast %swap3A_372 : i32 to index
      %swap3A_374 = arith.constant 0 : index
      %swap3A_375 = tpu.vector_load %arg13[%swap3A_373, %swap3A_374] {strides = array<i32>} : memref<8x16xf32, #tpu.memory_space<vmem>>, vector<16xf32>,
      tpu.vector_store %arg13[%swap3A_373, %swap3A_374], %max3A_371 {strides = array<i32>} : memref<8x16xf32, #tpu.memory_space<vmem>>, vector<16xf32>,
      %iota3A_376 = tpu.iota {dimensions = array<i32: 0>} : vector<16xi32>
      %add3A_377 = arith.constant 32 : i32
      %add3A_378 = vector.broadcast %add3A_377 : i32 to vector<16xi32>
      %add3A_379 = arith.addi %iota3A_376, %add3A_378 : vector<16xi32>
      %broadcast_in_dim3A_380 = arith.constant 0.000000e+00 : f32
      %broadcast_in_dim3A_381 = vector.broadcast %broadcast_in_dim3A_380 : f32 to vector<16xf32>
      %broadcast_in_dim3A_382 = arith.constant 0.000000e+00 : f32
      %broadcast_in_dim3A_383 = vector.broadcast %broadcast_in_dim3A_382 : f32 to vector<16xf32>
      %broadcast_in_dim3A_384 = arith.constant 0.000000e+00 : f32
      %broadcast_in_dim3A_385 = vector.broadcast %broadcast_in_dim3A_384 : f32 to vector<16xf32>
      %broadcast_in_dim3A_386 = arith.constant 0.000000e+00 : f32
      %broadcast_in_dim3A_387 = vector.broadcast %broadcast_in_dim3A_386 : f32 to vector<16xf32>
      %broadcast_in_dim3A_388 = arith.constant 0.000000e+00 : f32
      %broadcast_in_dim3A_389 = vector.broadcast %broadcast_in_dim3A_388 : f32 to vector<16xf32>
      %broadcast_in_dim3A_390 = arith.constant 0.000000e+00 : f32
      %broadcast_in_dim3A_391 = vector.broadcast %broadcast_in_dim3A_390 : f32 to vector<16xf32>
      %broadcast_in_dim3A_392 = arith.constant 0.000000e+00 : f32
      %broadcast_in_dim3A_393 = vector.broadcast %broadcast_in_dim3A_392 : f32 to vector<16xf32>
      %broadcast_in_dim3A_394 = arith.constant 0.000000e+00 : f32
      %broadcast_in_dim3A_395 = vector.broadcast %broadcast_in_dim3A_394 : f32 to vector<16xf32>
      %scan3A_396 = arith.constant 0 : i32
      %scan3A_397 = arith.constant 64 : i32
      %scan3A_398 = arith.addi %scan3A_396, %scan3A_397 : i32
      %scan3A_399 = arith.constant 1 : i32
      %scan3A_400:8 = scf.for %scan3A_844 = %scan3A_396 to %scan3A_398 step %scan3A_399 iter_args(%scan3A_845 = %broadcast_in_dim3A_381, %scan3A_846 = %broadcast_in_dim3A_383, %scan3A_847 = %broadcast_in_dim3A_385, %scan3A_848 = %broadcast_in_dim3A_387, %scan3A_849 = %broadcast_in_dim3A_389, %scan3A_850 = %broadcast_in_dim3A_391, %scan3A_851 = %broadcast_in_dim3A_393, %scan3A_852 = %broadcast_in_dim3A_395) -> (vector<16xf32>, vector<16xf32>, vector<16xf32>, vector<16xf32>, vector<16xf32>, vector<16xf32>, vector<16xf32>, vector<16xf32>)  : i32 {
        %broadcast_in_dim3A_853 = arith.constant 0 : i32
        %broadcast_in_dim3A_854 = vector.broadcast %broadcast_in_dim3A_853 : i32 to vector<16xi32>
        %add3A_855 = vector.broadcast %scan3A_844 : i32 to vector<16xi32>
        %add3A_856 = arith.addi %broadcast_in_dim3A_854, %add3A_855 : vector<16xi32>
        %gather3A = tpu.vector_load_idx %arg10[%add3A_379, %add3A_856] : memref<64x512xf32, #tpu.memory_space<vmem>>[vector<16xi32>, vector<16xi32>], vector<16xf32>,
        %gather3A_857 = tpu.vector_load_idx %arg11[%add3A_379, %add3A_856] : memref<64x512xf32, #tpu.memory_space<vmem>>[vector<16xi32>, vector<16xi32>], vector<16xf32>,
        %mul3A_858 = arith.mulf %gather3A, %gather3A_857 : vector<16xf32>
        %add3A_859 = arith.addf %scan3A_845, %mul3A_858 : vector<16xf32>
        %broadcast_in_dim3A_860 = arith.constant 64 : i32
        %broadcast_in_dim3A_861 = vector.broadcast %broadcast_in_dim3A_860 : i32 to vector<16xi32>
        %add3A_862 = vector.broadcast %scan3A_844 : i32 to vector<16xi32>
        %add3A_863 = arith.addi %broadcast_in_dim3A_861, %add3A_862 : vector<16xi32>
        %gather3A_864 = tpu.vector_load_idx %arg10[%add3A_379, %add3A_863] : memref<64x512xf32, #tpu.memory_space<vmem>>[vector<16xi32>, vector<16xi32>], vector<16xf32>,
        %gather3A_865 = tpu.vector_load_idx %arg11[%add3A_379, %add3A_863] : memref<64x512xf32, #tpu.memory_space<vmem>>[vector<16xi32>, vector<16xi32>], vector<16xf32>,
        %mul3A_866 = arith.mulf %gather3A_864, %gather3A_865 : vector<16xf32>
        %add3A_867 = arith.addf %scan3A_846, %mul3A_866 : vector<16xf32>
        %broadcast_in_dim3A_868 = arith.constant 128 : i32
        %broadcast_in_dim3A_869 = vector.broadcast %broadcast_in_dim3A_868 : i32 to vector<16xi32>
        %add3A_870 = vector.broadcast %scan3A_844 : i32 to vector<16xi32>
        %add3A_871 = arith.addi %broadcast_in_dim3A_869, %add3A_870 : vector<16xi32>
        %gather3A_872 = tpu.vector_load_idx %arg10[%add3A_379, %add3A_871] : memref<64x512xf32, #tpu.memory_space<vmem>>[vector<16xi32>, vector<16xi32>], vector<16xf32>,
        %gather3A_873 = tpu.vector_load_idx %arg11[%add3A_379, %add3A_871] : memref<64x512xf32, #tpu.memory_space<vmem>>[vector<16xi32>, vector<16xi32>], vector<16xf32>,
        %mul3A_874 = arith.mulf %gather3A_872, %gather3A_873 : vector<16xf32>
        %add3A_875 = arith.addf %scan3A_847, %mul3A_874 : vector<16xf32>
        %broadcast_in_dim3A_876 = arith.constant 192 : i32
        %broadcast_in_dim3A_877 = vector.broadcast %broadcast_in_dim3A_876 : i32 to vector<16xi32>
        %add3A_878 = vector.broadcast %scan3A_844 : i32 to vector<16xi32>
        %add3A_879 = arith.addi %broadcast_in_dim3A_877, %add3A_878 : vector<16xi32>
        %gather3A_880 = tpu.vector_load_idx %arg10[%add3A_379, %add3A_879] : memref<64x512xf32, #tpu.memory_space<vmem>>[vector<16xi32>, vector<16xi32>], vector<16xf32>,
        %gather3A_881 = tpu.vector_load_idx %arg11[%add3A_379, %add3A_879] : memref<64x512xf32, #tpu.memory_space<vmem>>[vector<16xi32>, vector<16xi32>], vector<16xf32>,
        %mul3A_882 = arith.mulf %gather3A_880, %gather3A_881 : vector<16xf32>
        %add3A_883 = arith.addf %scan3A_848, %mul3A_882 : vector<16xf32>
        %broadcast_in_dim3A_884 = arith.constant 256 : i32
        %broadcast_in_dim3A_885 = vector.broadcast %broadcast_in_dim3A_884 : i32 to vector<16xi32>
        %add3A_886 = vector.broadcast %scan3A_844 : i32 to vector<16xi32>
        %add3A_887 = arith.addi %broadcast_in_dim3A_885, %add3A_886 : vector<16xi32>
        %gather3A_888 = tpu.vector_load_idx %arg10[%add3A_379, %add3A_887] : memref<64x512xf32, #tpu.memory_space<vmem>>[vector<16xi32>, vector<16xi32>], vector<16xf32>,
        %gather3A_889 = tpu.vector_load_idx %arg11[%add3A_379, %add3A_887] : memref<64x512xf32, #tpu.memory_space<vmem>>[vector<16xi32>, vector<16xi32>], vector<16xf32>,
        %mul3A_890 = arith.mulf %gather3A_888, %gather3A_889 : vector<16xf32>
        %add3A_891 = arith.addf %scan3A_849, %mul3A_890 : vector<16xf32>
        %broadcast_in_dim3A_892 = arith.constant 320 : i32
        %broadcast_in_dim3A_893 = vector.broadcast %broadcast_in_dim3A_892 : i32 to vector<16xi32>
        %add3A_894 = vector.broadcast %scan3A_844 : i32 to vector<16xi32>
        %add3A_895 = arith.addi %broadcast_in_dim3A_893, %add3A_894 : vector<16xi32>
        %gather3A_896 = tpu.vector_load_idx %arg10[%add3A_379, %add3A_895] : memref<64x512xf32, #tpu.memory_space<vmem>>[vector<16xi32>, vector<16xi32>], vector<16xf32>,
        %gather3A_897 = tpu.vector_load_idx %arg11[%add3A_379, %add3A_895] : memref<64x512xf32, #tpu.memory_space<vmem>>[vector<16xi32>, vector<16xi32>], vector<16xf32>,
        %mul3A_898 = arith.mulf %gather3A_896, %gather3A_897 : vector<16xf32>
        %add3A_899 = arith.addf %scan3A_850, %mul3A_898 : vector<16xf32>
        %broadcast_in_dim3A_900 = arith.constant 384 : i32
        %broadcast_in_dim3A_901 = vector.broadcast %broadcast_in_dim3A_900 : i32 to vector<16xi32>
        %add3A_902 = vector.broadcast %scan3A_844 : i32 to vector<16xi32>
        %add3A_903 = arith.addi %broadcast_in_dim3A_901, %add3A_902 : vector<16xi32>
        %gather3A_904 = tpu.vector_load_idx %arg10[%add3A_379, %add3A_903] : memref<64x512xf32, #tpu.memory_space<vmem>>[vector<16xi32>, vector<16xi32>], vector<16xf32>,
        %gather3A_905 = tpu.vector_load_idx %arg11[%add3A_379, %add3A_903] : memref<64x512xf32, #tpu.memory_space<vmem>>[vector<16xi32>, vector<16xi32>], vector<16xf32>,
        %mul3A_906 = arith.mulf %gather3A_904, %gather3A_905 : vector<16xf32>
        %add3A_907 = arith.addf %scan3A_851, %mul3A_906 : vector<16xf32>
        %broadcast_in_dim3A_908 = arith.constant 448 : i32
        %broadcast_in_dim3A_909 = vector.broadcast %broadcast_in_dim3A_908 : i32 to vector<16xi32>
        %add3A_910 = vector.broadcast %scan3A_844 : i32 to vector<16xi32>
        %add3A_911 = arith.addi %broadcast_in_dim3A_909, %add3A_910 : vector<16xi32>
        %gather3A_912 = tpu.vector_load_idx %arg10[%add3A_379, %add3A_911] : memref<64x512xf32, #tpu.memory_space<vmem>>[vector<16xi32>, vector<16xi32>], vector<16xf32>,
        %gather3A_913 = tpu.vector_load_idx %arg11[%add3A_379, %add3A_911] : memref<64x512xf32, #tpu.memory_space<vmem>>[vector<16xi32>, vector<16xi32>], vector<16xf32>,
        %mul3A_914 = arith.mulf %gather3A_912, %gather3A_913 : vector<16xf32>
        %add3A_915 = arith.addf %scan3A_852, %mul3A_914 : vector<16xf32>
        scf.yield %add3A_859, %add3A_867, %add3A_875, %add3A_883, %add3A_891, %add3A_899, %add3A_907, %add3A_915 : vector<16xf32>, vector<16xf32>, vector<16xf32>, vector<16xf32>, vector<16xf32>, vector<16xf32>, vector<16xf32>, vector<16xf32>
      }
      %scan3A_401 = arith.constant 64 : i32
      %mul3A_402 = arith.constant 1.250000e-01 : f32
      %mul3A_403 = vector.broadcast %mul3A_402 : f32 to vector<16xf32>
      %mul3A_404 = arith.mulf %scan3A_400#0, %mul3A_403 : vector<16xf32>
      %swap3A_405 = arith.constant 0 : i32
      %swap3A_406 = arith.index_cast %swap3A_405 : i32 to index
      %swap3A_407 = arith.constant 32 : index
      %swap3A_408 = tpu.vector_load %arg12[%swap3A_406, %swap3A_407] {strides = array<i32>} : memref<8x64xf32, #tpu.memory_space<vmem>>, vector<16xf32>,
      tpu.vector_store %arg12[%swap3A_406, %swap3A_407], %mul3A_404 {strides = array<i32>} : memref<8x64xf32, #tpu.memory_space<vmem>>, vector<16xf32>,
      %get3A_409 = arith.constant 0 : i32
      %get3A_410 = arith.index_cast %get3A_409 : i32 to index
      %get3A_411 = arith.constant 0 : index
      %get3A_412 = tpu.vector_load %arg13[%get3A_410, %get3A_411] {strides = array<i32>} : memref<8x16xf32, #tpu.memory_space<vmem>>, vector<16xf32>,
      %max3A_413 = arith.maximumf %get3A_412, %mul3A_404 : vector<16xf32>
      %swap3A_414 = arith.constant 0 : i32
      %swap3A_415 = arith.index_cast %swap3A_414 : i32 to index
      %swap3A_416 = arith.constant 0 : index
      %swap3A_417 = tpu.vector_load %arg13[%swap3A_415, %swap3A_416] {strides = array<i32>} : memref<8x16xf32, #tpu.memory_space<vmem>>, vector<16xf32>,
      tpu.vector_store %arg13[%swap3A_415, %swap3A_416], %max3A_413 {strides = array<i32>} : memref<8x16xf32, #tpu.memory_space<vmem>>, vector<16xf32>,
      %mul3A_418 = arith.constant 1.250000e-01 : f32
      %mul3A_419 = vector.broadcast %mul3A_418 : f32 to vector<16xf32>
      %mul3A_420 = arith.mulf %scan3A_400#1, %mul3A_419 : vector<16xf32>
      %swap3A_421 = arith.constant 1 : i32
      %swap3A_422 = arith.index_cast %swap3A_421 : i32 to index
      %swap3A_423 = arith.constant 32 : index
      %swap3A_424 = tpu.vector_load %arg12[%swap3A_422, %swap3A_423] {strides = array<i32>} : memref<8x64xf32, #tpu.memory_space<vmem>>, vector<16xf32>,
      tpu.vector_store %arg12[%swap3A_422, %swap3A_423], %mul3A_420 {strides = array<i32>} : memref<8x64xf32, #tpu.memory_space<vmem>>, vector<16xf32>,
      %get3A_425 = arith.constant 1 : i32
      %get3A_426 = arith.index_cast %get3A_425 : i32 to index
      %get3A_427 = arith.constant 0 : index
      %get3A_428 = tpu.vector_load %arg13[%get3A_426, %get3A_427] {strides = array<i32>} : memref<8x16xf32, #tpu.memory_space<vmem>>, vector<16xf32>,
      %max3A_429 = arith.maximumf %get3A_428, %mul3A_420 : vector<16xf32>
      %swap3A_430 = arith.constant 1 : i32
      %swap3A_431 = arith.index_cast %swap3A_430 : i32 to index
      %swap3A_432 = arith.constant 0 : index
      %swap3A_433 = tpu.vector_load %arg13[%swap3A_431, %swap3A_432] {strides = array<i32>} : memref<8x16xf32, #tpu.memory_space<vmem>>, vector<16xf32>,
      tpu.vector_store %arg13[%swap3A_431, %swap3A_432], %max3A_429 {strides = array<i32>} : memref<8x16xf32, #tpu.memory_space<vmem>>, vector<16xf32>,
      %mul3A_434 = arith.constant 1.250000e-01 : f32
      %mul3A_435 = vector.broadcast %mul3A_434 : f32 to vector<16xf32>
      %mul3A_436 = arith.mulf %scan3A_400#2, %mul3A_435 : vector<16xf32>
      %swap3A_437 = arith.constant 2 : i32
      %swap3A_438 = arith.index_cast %swap3A_437 : i32 to index
      %swap3A_439 = arith.constant 32 : index
      %swap3A_440 = tpu.vector_load %arg12[%swap3A_438, %swap3A_439] {strides = array<i32>} : memref<8x64xf32, #tpu.memory_space<vmem>>, vector<16xf32>,
      tpu.vector_store %arg12[%swap3A_438, %swap3A_439], %mul3A_436 {strides = array<i32>} : memref<8x64xf32, #tpu.memory_space<vmem>>, vector<16xf32>,
      %get3A_441 = arith.constant 2 : i32
      %get3A_442 = arith.index_cast %get3A_441 : i32 to index
      %get3A_443 = arith.constant 0 : index
      %get3A_444 = tpu.vector_load %arg13[%get3A_442, %get3A_443] {strides = array<i32>} : memref<8x16xf32, #tpu.memory_space<vmem>>, vector<16xf32>,
      %max3A_445 = arith.maximumf %get3A_444, %mul3A_436 : vector<16xf32>
      %swap3A_446 = arith.constant 2 : i32
      %swap3A_447 = arith.index_cast %swap3A_446 : i32 to index
      %swap3A_448 = arith.constant 0 : index
      %swap3A_449 = tpu.vector_load %arg13[%swap3A_447, %swap3A_448] {strides = array<i32>} : memref<8x16xf32, #tpu.memory_space<vmem>>, vector<16xf32>,
      tpu.vector_store %arg13[%swap3A_447, %swap3A_448], %max3A_445 {strides = array<i32>} : memref<8x16xf32, #tpu.memory_space<vmem>>, vector<16xf32>,
      %mul3A_450 = arith.constant 1.250000e-01 : f32
      %mul3A_451 = vector.broadcast %mul3A_450 : f32 to vector<16xf32>
      %mul3A_452 = arith.mulf %scan3A_400#3, %mul3A_451 : vector<16xf32>
      %swap3A_453 = arith.constant 3 : i32
      %swap3A_454 = arith.index_cast %swap3A_453 : i32 to index
      %swap3A_455 = arith.constant 32 : index
      %swap3A_456 = tpu.vector_load %arg12[%swap3A_454, %swap3A_455] {strides = array<i32>} : memref<8x64xf32, #tpu.memory_space<vmem>>, vector<16xf32>,
      tpu.vector_store %arg12[%swap3A_454, %swap3A_455], %mul3A_452 {strides = array<i32>} : memref<8x64xf32, #tpu.memory_space<vmem>>, vector<16xf32>,
      %get3A_457 = arith.constant 3 : i32
      %get3A_458 = arith.index_cast %get3A_457 : i32 to index
      %get3A_459 = arith.constant 0 : index
      %get3A_460 = tpu.vector_load %arg13[%get3A_458, %get3A_459] {strides = array<i32>} : memref<8x16xf32, #tpu.memory_space<vmem>>, vector<16xf32>,
      %max3A_461 = arith.maximumf %get3A_460, %mul3A_452 : vector<16xf32>
      %swap3A_462 = arith.constant 3 : i32
      %swap3A_463 = arith.index_cast %swap3A_462 : i32 to index
      %swap3A_464 = arith.constant 0 : index
      %swap3A_465 = tpu.vector_load %arg13[%swap3A_463, %swap3A_464] {strides = array<i32>} : memref<8x16xf32, #tpu.memory_space<vmem>>, vector<16xf32>,
      tpu.vector_store %arg13[%swap3A_463, %swap3A_464], %max3A_461 {strides = array<i32>} : memref<8x16xf32, #tpu.memory_space<vmem>>, vector<16xf32>,
      %mul3A_466 = arith.constant 1.250000e-01 : f32
      %mul3A_467 = vector.broadcast %mul3A_466 : f32 to vector<16xf32>
      %mul3A_468 = arith.mulf %scan3A_400#4, %mul3A_467 : vector<16xf32>
      %swap3A_469 = arith.constant 4 : i32
      %swap3A_470 = arith.index_cast %swap3A_469 : i32 to index
      %swap3A_471 = arith.constant 32 : index
      %swap3A_472 = tpu.vector_load %arg12[%swap3A_470, %swap3A_471] {strides = array<i32>} : memref<8x64xf32, #tpu.memory_space<vmem>>, vector<16xf32>,
      tpu.vector_store %arg12[%swap3A_470, %swap3A_471], %mul3A_468 {strides = array<i32>} : memref<8x64xf32, #tpu.memory_space<vmem>>, vector<16xf32>,
      %get3A_473 = arith.constant 4 : i32
      %get3A_474 = arith.index_cast %get3A_473 : i32 to index
      %get3A_475 = arith.constant 0 : index
      %get3A_476 = tpu.vector_load %arg13[%get3A_474, %get3A_475] {strides = array<i32>} : memref<8x16xf32, #tpu.memory_space<vmem>>, vector<16xf32>,
      %max3A_477 = arith.maximumf %get3A_476, %mul3A_468 : vector<16xf32>
      %swap3A_478 = arith.constant 4 : i32
      %swap3A_479 = arith.index_cast %swap3A_478 : i32 to index
      %swap3A_480 = arith.constant 0 : index
      %swap3A_481 = tpu.vector_load %arg13[%swap3A_479, %swap3A_480] {strides = array<i32>} : memref<8x16xf32, #tpu.memory_space<vmem>>, vector<16xf32>,
      tpu.vector_store %arg13[%swap3A_479, %swap3A_480], %max3A_477 {strides = array<i32>} : memref<8x16xf32, #tpu.memory_space<vmem>>, vector<16xf32>,
      %mul3A_482 = arith.constant 1.250000e-01 : f32
      %mul3A_483 = vector.broadcast %mul3A_482 : f32 to vector<16xf32>
      %mul3A_484 = arith.mulf %scan3A_400#5, %mul3A_483 : vector<16xf32>
      %swap3A_485 = arith.constant 5 : i32
      %swap3A_486 = arith.index_cast %swap3A_485 : i32 to index
      %swap3A_487 = arith.constant 32 : index
      %swap3A_488 = tpu.vector_load %arg12[%swap3A_486, %swap3A_487] {strides = array<i32>} : memref<8x64xf32, #tpu.memory_space<vmem>>, vector<16xf32>,
      tpu.vector_store %arg12[%swap3A_486, %swap3A_487], %mul3A_484 {strides = array<i32>} : memref<8x64xf32, #tpu.memory_space<vmem>>, vector<16xf32>,
      %get3A_489 = arith.constant 5 : i32
      %get3A_490 = arith.index_cast %get3A_489 : i32 to index
      %get3A_491 = arith.constant 0 : index
      %get3A_492 = tpu.vector_load %arg13[%get3A_490, %get3A_491] {strides = array<i32>} : memref<8x16xf32, #tpu.memory_space<vmem>>, vector<16xf32>,
      %max3A_493 = arith.maximumf %get3A_492, %mul3A_484 : vector<16xf32>
      %swap3A_494 = arith.constant 5 : i32
      %swap3A_495 = arith.index_cast %swap3A_494 : i32 to index
      %swap3A_496 = arith.constant 0 : index
      %swap3A_497 = tpu.vector_load %arg13[%swap3A_495, %swap3A_496] {strides = array<i32>} : memref<8x16xf32, #tpu.memory_space<vmem>>, vector<16xf32>,
      tpu.vector_store %arg13[%swap3A_495, %swap3A_496], %max3A_493 {strides = array<i32>} : memref<8x16xf32, #tpu.memory_space<vmem>>, vector<16xf32>,
      %mul3A_498 = arith.constant 1.250000e-01 : f32
      %mul3A_499 = vector.broadcast %mul3A_498 : f32 to vector<16xf32>
      %mul3A_500 = arith.mulf %scan3A_400#6, %mul3A_499 : vector<16xf32>
      %swap3A_501 = arith.constant 6 : i32
      %swap3A_502 = arith.index_cast %swap3A_501 : i32 to index
      %swap3A_503 = arith.constant 32 : index
      %swap3A_504 = tpu.vector_load %arg12[%swap3A_502, %swap3A_503] {strides = array<i32>} : memref<8x64xf32, #tpu.memory_space<vmem>>, vector<16xf32>,
      tpu.vector_store %arg12[%swap3A_502, %swap3A_503], %mul3A_500 {strides = array<i32>} : memref<8x64xf32, #tpu.memory_space<vmem>>, vector<16xf32>,
      %get3A_505 = arith.constant 6 : i32
      %get3A_506 = arith.index_cast %get3A_505 : i32 to index
      %get3A_507 = arith.constant 0 : index
      %get3A_508 = tpu.vector_load %arg13[%get3A_506, %get3A_507] {strides = array<i32>} : memref<8x16xf32, #tpu.memory_space<vmem>>, vector<16xf32>,
      %max3A_509 = arith.maximumf %get3A_508, %mul3A_500 : vector<16xf32>
      %swap3A_510 = arith.constant 6 : i32
      %swap3A_511 = arith.index_cast %swap3A_510 : i32 to index
      %swap3A_512 = arith.constant 0 : index
      %swap3A_513 = tpu.vector_load %arg13[%swap3A_511, %swap3A_512] {strides = array<i32>} : memref<8x16xf32, #tpu.memory_space<vmem>>, vector<16xf32>,
      tpu.vector_store %arg13[%swap3A_511, %swap3A_512], %max3A_509 {strides = array<i32>} : memref<8x16xf32, #tpu.memory_space<vmem>>, vector<16xf32>,
      %mul3A_514 = arith.constant 1.250000e-01 : f32
      %mul3A_515 = vector.broadcast %mul3A_514 : f32 to vector<16xf32>
      %mul3A_516 = arith.mulf %scan3A_400#7, %mul3A_515 : vector<16xf32>
      %swap3A_517 = arith.constant 7 : i32
      %swap3A_518 = arith.index_cast %swap3A_517 : i32 to index
      %swap3A_519 = arith.constant 32 : index
      %swap3A_520 = tpu.vector_load %arg12[%swap3A_518, %swap3A_519] {strides = array<i32>} : memref<8x64xf32, #tpu.memory_space<vmem>>, vector<16xf32>,
      tpu.vector_store %arg12[%swap3A_518, %swap3A_519], %mul3A_516 {strides = array<i32>} : memref<8x64xf32, #tpu.memory_space<vmem>>, vector<16xf32>,
      %get3A_521 = arith.constant 7 : i32
      %get3A_522 = arith.index_cast %get3A_521 : i32 to index
      %get3A_523 = arith.constant 0 : index
      %get3A_524 = tpu.vector_load %arg13[%get3A_522, %get3A_523] {strides = array<i32>} : memref<8x16xf32, #tpu.memory_space<vmem>>, vector<16xf32>,
      %max3A_525 = arith.maximumf %get3A_524, %mul3A_516 : vector<16xf32>
      %swap3A_526 = arith.constant 7 : i32
      %swap3A_527 = arith.index_cast %swap3A_526 : i32 to index
      %swap3A_528 = arith.constant 0 : index
      %swap3A_529 = tpu.vector_load %arg13[%swap3A_527, %swap3A_528] {strides = array<i32>} : memref<8x16xf32, #tpu.memory_space<vmem>>, vector<16xf32>,
      tpu.vector_store %arg13[%swap3A_527, %swap3A_528], %max3A_525 {strides = array<i32>} : memref<8x16xf32, #tpu.memory_space<vmem>>, vector<16xf32>,
      %iota3A_530 = tpu.iota {dimensions = array<i32: 0>} : vector<16xi32>
      %add3A_531 = arith.constant 48 : i32
      %add3A_532 = vector.broadcast %add3A_531 : i32 to vector<16xi32>
      %add3A_533 = arith.addi %iota3A_530, %add3A_532 : vector<16xi32>
      %broadcast_in_dim3A_534 = arith.constant 0.000000e+00 : f32
      %broadcast_in_dim3A_535 = vector.broadcast %broadcast_in_dim3A_534 : f32 to vector<16xf32>
      %broadcast_in_dim3A_536 = arith.constant 0.000000e+00 : f32
      %broadcast_in_dim3A_537 = vector.broadcast %broadcast_in_dim3A_536 : f32 to vector<16xf32>
      %broadcast_in_dim3A_538 = arith.constant 0.000000e+00 : f32
      %broadcast_in_dim3A_539 = vector.broadcast %broadcast_in_dim3A_538 : f32 to vector<16xf32>
      %broadcast_in_dim3A_540 = arith.constant 0.000000e+00 : f32
      %broadcast_in_dim3A_541 = vector.broadcast %broadcast_in_dim3A_540 : f32 to vector<16xf32>
      %broadcast_in_dim3A_542 = arith.constant 0.000000e+00 : f32
      %broadcast_in_dim3A_543 = vector.broadcast %broadcast_in_dim3A_542 : f32 to vector<16xf32>
      %broadcast_in_dim3A_544 = arith.constant 0.000000e+00 : f32
      %broadcast_in_dim3A_545 = vector.broadcast %broadcast_in_dim3A_544 : f32 to vector<16xf32>
      %broadcast_in_dim3A_546 = arith.constant 0.000000e+00 : f32
      %broadcast_in_dim3A_547 = vector.broadcast %broadcast_in_dim3A_546 : f32 to vector<16xf32>
      %broadcast_in_dim3A_548 = arith.constant 0.000000e+00 : f32
      %broadcast_in_dim3A_549 = vector.broadcast %broadcast_in_dim3A_548 : f32 to vector<16xf32>
      %scan3A_550 = arith.constant 0 : i32
      %scan3A_551 = arith.constant 64 : i32
      %scan3A_552 = arith.addi %scan3A_550, %scan3A_551 : i32
      %scan3A_553 = arith.constant 1 : i32
      %scan3A_554:8 = scf.for %scan3A_844 = %scan3A_550 to %scan3A_552 step %scan3A_553 iter_args(%scan3A_845 = %broadcast_in_dim3A_535, %scan3A_846 = %broadcast_in_dim3A_537, %scan3A_847 = %broadcast_in_dim3A_539, %scan3A_848 = %broadcast_in_dim3A_541, %scan3A_849 = %broadcast_in_dim3A_543, %scan3A_850 = %broadcast_in_dim3A_545, %scan3A_851 = %broadcast_in_dim3A_547, %scan3A_852 = %broadcast_in_dim3A_549) -> (vector<16xf32>, vector<16xf32>, vector<16xf32>, vector<16xf32>, vector<16xf32>, vector<16xf32>, vector<16xf32>, vector<16xf32>)  : i32 {
        %broadcast_in_dim3A_853 = arith.constant 0 : i32
        %broadcast_in_dim3A_854 = vector.broadcast %broadcast_in_dim3A_853 : i32 to vector<16xi32>
        %add3A_855 = vector.broadcast %scan3A_844 : i32 to vector<16xi32>
        %add3A_856 = arith.addi %broadcast_in_dim3A_854, %add3A_855 : vector<16xi32>
        %gather3A = tpu.vector_load_idx %arg10[%add3A_533, %add3A_856] : memref<64x512xf32, #tpu.memory_space<vmem>>[vector<16xi32>, vector<16xi32>], vector<16xf32>,
        %gather3A_857 = tpu.vector_load_idx %arg11[%add3A_533, %add3A_856] : memref<64x512xf32, #tpu.memory_space<vmem>>[vector<16xi32>, vector<16xi32>], vector<16xf32>,
        %mul3A_858 = arith.mulf %gather3A, %gather3A_857 : vector<16xf32>
        %add3A_859 = arith.addf %scan3A_845, %mul3A_858 : vector<16xf32>
        %broadcast_in_dim3A_860 = arith.constant 64 : i32
        %broadcast_in_dim3A_861 = vector.broadcast %broadcast_in_dim3A_860 : i32 to vector<16xi32>
        %add3A_862 = vector.broadcast %scan3A_844 : i32 to vector<16xi32>
        %add3A_863 = arith.addi %broadcast_in_dim3A_861, %add3A_862 : vector<16xi32>
        %gather3A_864 = tpu.vector_load_idx %arg10[%add3A_533, %add3A_863] : memref<64x512xf32, #tpu.memory_space<vmem>>[vector<16xi32>, vector<16xi32>], vector<16xf32>,
        %gather3A_865 = tpu.vector_load_idx %arg11[%add3A_533, %add3A_863] : memref<64x512xf32, #tpu.memory_space<vmem>>[vector<16xi32>, vector<16xi32>], vector<16xf32>,
        %mul3A_866 = arith.mulf %gather3A_864, %gather3A_865 : vector<16xf32>
        %add3A_867 = arith.addf %scan3A_846, %mul3A_866 : vector<16xf32>
        %broadcast_in_dim3A_868 = arith.constant 128 : i32
        %broadcast_in_dim3A_869 = vector.broadcast %broadcast_in_dim3A_868 : i32 to vector<16xi32>
        %add3A_870 = vector.broadcast %scan3A_844 : i32 to vector<16xi32>
        %add3A_871 = arith.addi %broadcast_in_dim3A_869, %add3A_870 : vector<16xi32>
        %gather3A_872 = tpu.vector_load_idx %arg10[%add3A_533, %add3A_871] : memref<64x512xf32, #tpu.memory_space<vmem>>[vector<16xi32>, vector<16xi32>], vector<16xf32>,
        %gather3A_873 = tpu.vector_load_idx %arg11[%add3A_533, %add3A_871] : memref<64x512xf32, #tpu.memory_space<vmem>>[vector<16xi32>, vector<16xi32>], vector<16xf32>,
        %mul3A_874 = arith.mulf %gather3A_872, %gather3A_873 : vector<16xf32>
        %add3A_875 = arith.addf %scan3A_847, %mul3A_874 : vector<16xf32>
        %broadcast_in_dim3A_876 = arith.constant 192 : i32
        %broadcast_in_dim3A_877 = vector.broadcast %broadcast_in_dim3A_876 : i32 to vector<16xi32>
        %add3A_878 = vector.broadcast %scan3A_844 : i32 to vector<16xi32>
        %add3A_879 = arith.addi %broadcast_in_dim3A_877, %add3A_878 : vector<16xi32>
        %gather3A_880 = tpu.vector_load_idx %arg10[%add3A_533, %add3A_879] : memref<64x512xf32, #tpu.memory_space<vmem>>[vector<16xi32>, vector<16xi32>], vector<16xf32>,
        %gather3A_881 = tpu.vector_load_idx %arg11[%add3A_533, %add3A_879] : memref<64x512xf32, #tpu.memory_space<vmem>>[vector<16xi32>, vector<16xi32>], vector<16xf32>,
        %mul3A_882 = arith.mulf %gather3A_880, %gather3A_881 : vector<16xf32>
        %add3A_883 = arith.addf %scan3A_848, %mul3A_882 : vector<16xf32>
        %broadcast_in_dim3A_884 = arith.constant 256 : i32
        %broadcast_in_dim3A_885 = vector.broadcast %broadcast_in_dim3A_884 : i32 to vector<16xi32>
        %add3A_886 = vector.broadcast %scan3A_844 : i32 to vector<16xi32>
        %add3A_887 = arith.addi %broadcast_in_dim3A_885, %add3A_886 : vector<16xi32>
        %gather3A_888 = tpu.vector_load_idx %arg10[%add3A_533, %add3A_887] : memref<64x512xf32, #tpu.memory_space<vmem>>[vector<16xi32>, vector<16xi32>], vector<16xf32>,
        %gather3A_889 = tpu.vector_load_idx %arg11[%add3A_533, %add3A_887] : memref<64x512xf32, #tpu.memory_space<vmem>>[vector<16xi32>, vector<16xi32>], vector<16xf32>,
        %mul3A_890 = arith.mulf %gather3A_888, %gather3A_889 : vector<16xf32>
        %add3A_891 = arith.addf %scan3A_849, %mul3A_890 : vector<16xf32>
        %broadcast_in_dim3A_892 = arith.constant 320 : i32
        %broadcast_in_dim3A_893 = vector.broadcast %broadcast_in_dim3A_892 : i32 to vector<16xi32>
        %add3A_894 = vector.broadcast %scan3A_844 : i32 to vector<16xi32>
        %add3A_895 = arith.addi %broadcast_in_dim3A_893, %add3A_894 : vector<16xi32>
        %gather3A_896 = tpu.vector_load_idx %arg10[%add3A_533, %add3A_895] : memref<64x512xf32, #tpu.memory_space<vmem>>[vector<16xi32>, vector<16xi32>], vector<16xf32>,
        %gather3A_897 = tpu.vector_load_idx %arg11[%add3A_533, %add3A_895] : memref<64x512xf32, #tpu.memory_space<vmem>>[vector<16xi32>, vector<16xi32>], vector<16xf32>,
        %mul3A_898 = arith.mulf %gather3A_896, %gather3A_897 : vector<16xf32>
        %add3A_899 = arith.addf %scan3A_850, %mul3A_898 : vector<16xf32>
        %broadcast_in_dim3A_900 = arith.constant 384 : i32
        %broadcast_in_dim3A_901 = vector.broadcast %broadcast_in_dim3A_900 : i32 to vector<16xi32>
        %add3A_902 = vector.broadcast %scan3A_844 : i32 to vector<16xi32>
        %add3A_903 = arith.addi %broadcast_in_dim3A_901, %add3A_902 : vector<16xi32>
        %gather3A_904 = tpu.vector_load_idx %arg10[%add3A_533, %add3A_903] : memref<64x512xf32, #tpu.memory_space<vmem>>[vector<16xi32>, vector<16xi32>], vector<16xf32>,
        %gather3A_905 = tpu.vector_load_idx %arg11[%add3A_533, %add3A_903] : memref<64x512xf32, #tpu.memory_space<vmem>>[vector<16xi32>, vector<16xi32>], vector<16xf32>,
        %mul3A_906 = arith.mulf %gather3A_904, %gather3A_905 : vector<16xf32>
        %add3A_907 = arith.addf %scan3A_851, %mul3A_906 : vector<16xf32>
        %broadcast_in_dim3A_908 = arith.constant 448 : i32
        %broadcast_in_dim3A_909 = vector.broadcast %broadcast_in_dim3A_908 : i32 to vector<16xi32>
        %add3A_910 = vector.broadcast %scan3A_844 : i32 to vector<16xi32>
        %add3A_911 = arith.addi %broadcast_in_dim3A_909, %add3A_910 : vector<16xi32>
        %gather3A_912 = tpu.vector_load_idx %arg10[%add3A_533, %add3A_911] : memref<64x512xf32, #tpu.memory_space<vmem>>[vector<16xi32>, vector<16xi32>], vector<16xf32>,
        %gather3A_913 = tpu.vector_load_idx %arg11[%add3A_533, %add3A_911] : memref<64x512xf32, #tpu.memory_space<vmem>>[vector<16xi32>, vector<16xi32>], vector<16xf32>,
        %mul3A_914 = arith.mulf %gather3A_912, %gather3A_913 : vector<16xf32>
        %add3A_915 = arith.addf %scan3A_852, %mul3A_914 : vector<16xf32>
        scf.yield %add3A_859, %add3A_867, %add3A_875, %add3A_883, %add3A_891, %add3A_899, %add3A_907, %add3A_915 : vector<16xf32>, vector<16xf32>, vector<16xf32>, vector<16xf32>, vector<16xf32>, vector<16xf32>, vector<16xf32>, vector<16xf32>
      }
      %scan3A_555 = arith.constant 64 : i32
      %mul3A_556 = arith.constant 1.250000e-01 : f32
      %mul3A_557 = vector.broadcast %mul3A_556 : f32 to vector<16xf32>
      %mul3A_558 = arith.mulf %scan3A_554#0, %mul3A_557 : vector<16xf32>
      %swap3A_559 = arith.constant 0 : i32
      %swap3A_560 = arith.index_cast %swap3A_559 : i32 to index
      %swap3A_561 = arith.constant 48 : index
      %swap3A_562 = tpu.vector_load %arg12[%swap3A_560, %swap3A_561] {strides = array<i32>} : memref<8x64xf32, #tpu.memory_space<vmem>>, vector<16xf32>,
      tpu.vector_store %arg12[%swap3A_560, %swap3A_561], %mul3A_558 {strides = array<i32>} : memref<8x64xf32, #tpu.memory_space<vmem>>, vector<16xf32>,
      %get3A_563 = arith.constant 0 : i32
      %get3A_564 = arith.index_cast %get3A_563 : i32 to index
      %get3A_565 = arith.constant 0 : index
      %get3A_566 = tpu.vector_load %arg13[%get3A_564, %get3A_565] {strides = array<i32>} : memref<8x16xf32, #tpu.memory_space<vmem>>, vector<16xf32>,
      %max3A_567 = arith.maximumf %get3A_566, %mul3A_558 : vector<16xf32>
      %swap3A_568 = arith.constant 0 : i32
      %swap3A_569 = arith.index_cast %swap3A_568 : i32 to index
      %swap3A_570 = arith.constant 0 : index
      %swap3A_571 = tpu.vector_load %arg13[%swap3A_569, %swap3A_570] {strides = array<i32>} : memref<8x16xf32, #tpu.memory_space<vmem>>, vector<16xf32>,
      tpu.vector_store %arg13[%swap3A_569, %swap3A_570], %max3A_567 {strides = array<i32>} : memref<8x16xf32, #tpu.memory_space<vmem>>, vector<16xf32>,
      %mul3A_572 = arith.constant 1.250000e-01 : f32
      %mul3A_573 = vector.broadcast %mul3A_572 : f32 to vector<16xf32>
      %mul3A_574 = arith.mulf %scan3A_554#1, %mul3A_573 : vector<16xf32>
      %swap3A_575 = arith.constant 1 : i32
      %swap3A_576 = arith.index_cast %swap3A_575 : i32 to index
      %swap3A_577 = arith.constant 48 : index
      %swap3A_578 = tpu.vector_load %arg12[%swap3A_576, %swap3A_577] {strides = array<i32>} : memref<8x64xf32, #tpu.memory_space<vmem>>, vector<16xf32>,
      tpu.vector_store %arg12[%swap3A_576, %swap3A_577], %mul3A_574 {strides = array<i32>} : memref<8x64xf32, #tpu.memory_space<vmem>>, vector<16xf32>,
      %get3A_579 = arith.constant 1 : i32
      %get3A_580 = arith.index_cast %get3A_579 : i32 to index
      %get3A_581 = arith.constant 0 : index
      %get3A_582 = tpu.vector_load %arg13[%get3A_580, %get3A_581] {strides = array<i32>} : memref<8x16xf32, #tpu.memory_space<vmem>>, vector<16xf32>,
      %max3A_583 = arith.maximumf %get3A_582, %mul3A_574 : vector<16xf32>
      %swap3A_584 = arith.constant 1 : i32
      %swap3A_585 = arith.index_cast %swap3A_584 : i32 to index
      %swap3A_586 = arith.constant 0 : index
      %swap3A_587 = tpu.vector_load %arg13[%swap3A_585, %swap3A_586] {strides = array<i32>} : memref<8x16xf32, #tpu.memory_space<vmem>>, vector<16xf32>,
      tpu.vector_store %arg13[%swap3A_585, %swap3A_586], %max3A_583 {strides = array<i32>} : memref<8x16xf32, #tpu.memory_space<vmem>>, vector<16xf32>,
      %mul3A_588 = arith.constant 1.250000e-01 : f32
      %mul3A_589 = vector.broadcast %mul3A_588 : f32 to vector<16xf32>
      %mul3A_590 = arith.mulf %scan3A_554#2, %mul3A_589 : vector<16xf32>
      %swap3A_591 = arith.constant 2 : i32
      %swap3A_592 = arith.index_cast %swap3A_591 : i32 to index
      %swap3A_593 = arith.constant 48 : index
      %swap3A_594 = tpu.vector_load %arg12[%swap3A_592, %swap3A_593] {strides = array<i32>} : memref<8x64xf32, #tpu.memory_space<vmem>>, vector<16xf32>,
      tpu.vector_store %arg12[%swap3A_592, %swap3A_593], %mul3A_590 {strides = array<i32>} : memref<8x64xf32, #tpu.memory_space<vmem>>, vector<16xf32>,
      %get3A_595 = arith.constant 2 : i32
      %get3A_596 = arith.index_cast %get3A_595 : i32 to index
      %get3A_597 = arith.constant 0 : index
      %get3A_598 = tpu.vector_load %arg13[%get3A_596, %get3A_597] {strides = array<i32>} : memref<8x16xf32, #tpu.memory_space<vmem>>, vector<16xf32>,
      %max3A_599 = arith.maximumf %get3A_598, %mul3A_590 : vector<16xf32>
      %swap3A_600 = arith.constant 2 : i32
      %swap3A_601 = arith.index_cast %swap3A_600 : i32 to index
      %swap3A_602 = arith.constant 0 : index
      %swap3A_603 = tpu.vector_load %arg13[%swap3A_601, %swap3A_602] {strides = array<i32>} : memref<8x16xf32, #tpu.memory_space<vmem>>, vector<16xf32>,
      tpu.vector_store %arg13[%swap3A_601, %swap3A_602], %max3A_599 {strides = array<i32>} : memref<8x16xf32, #tpu.memory_space<vmem>>, vector<16xf32>,
      %mul3A_604 = arith.constant 1.250000e-01 : f32
      %mul3A_605 = vector.broadcast %mul3A_604 : f32 to vector<16xf32>
      %mul3A_606 = arith.mulf %scan3A_554#3, %mul3A_605 : vector<16xf32>
      %swap3A_607 = arith.constant 3 : i32
      %swap3A_608 = arith.index_cast %swap3A_607 : i32 to index
      %swap3A_609 = arith.constant 48 : index
      %swap3A_610 = tpu.vector_load %arg12[%swap3A_608, %swap3A_609] {strides = array<i32>} : memref<8x64xf32, #tpu.memory_space<vmem>>, vector<16xf32>,
      tpu.vector_store %arg12[%swap3A_608, %swap3A_609], %mul3A_606 {strides = array<i32>} : memref<8x64xf32, #tpu.memory_space<vmem>>, vector<16xf32>,
      %get3A_611 = arith.constant 3 : i32
      %get3A_612 = arith.index_cast %get3A_611 : i32 to index
      %get3A_613 = arith.constant 0 : index
      %get3A_614 = tpu.vector_load %arg13[%get3A_612, %get3A_613] {strides = array<i32>} : memref<8x16xf32, #tpu.memory_space<vmem>>, vector<16xf32>,
      %max3A_615 = arith.maximumf %get3A_614, %mul3A_606 : vector<16xf32>
      %swap3A_616 = arith.constant 3 : i32
      %swap3A_617 = arith.index_cast %swap3A_616 : i32 to index
      %swap3A_618 = arith.constant 0 : index
      %swap3A_619 = tpu.vector_load %arg13[%swap3A_617, %swap3A_618] {strides = array<i32>} : memref<8x16xf32, #tpu.memory_space<vmem>>, vector<16xf32>,
      tpu.vector_store %arg13[%swap3A_617, %swap3A_618], %max3A_615 {strides = array<i32>} : memref<8x16xf32, #tpu.memory_space<vmem>>, vector<16xf32>,
      %mul3A_620 = arith.constant 1.250000e-01 : f32
      %mul3A_621 = vector.broadcast %mul3A_620 : f32 to vector<16xf32>
      %mul3A_622 = arith.mulf %scan3A_554#4, %mul3A_621 : vector<16xf32>
      %swap3A_623 = arith.constant 4 : i32
      %swap3A_624 = arith.index_cast %swap3A_623 : i32 to index
      %swap3A_625 = arith.constant 48 : index
      %swap3A_626 = tpu.vector_load %arg12[%swap3A_624, %swap3A_625] {strides = array<i32>} : memref<8x64xf32, #tpu.memory_space<vmem>>, vector<16xf32>,
      tpu.vector_store %arg12[%swap3A_624, %swap3A_625], %mul3A_622 {strides = array<i32>} : memref<8x64xf32, #tpu.memory_space<vmem>>, vector<16xf32>,
      %get3A_627 = arith.constant 4 : i32
      %get3A_628 = arith.index_cast %get3A_627 : i32 to index
      %get3A_629 = arith.constant 0 : index
      %get3A_630 = tpu.vector_load %arg13[%get3A_628, %get3A_629] {strides = array<i32>} : memref<8x16xf32, #tpu.memory_space<vmem>>, vector<16xf32>,
      %max3A_631 = arith.maximumf %get3A_630, %mul3A_622 : vector<16xf32>
      %swap3A_632 = arith.constant 4 : i32
      %swap3A_633 = arith.index_cast %swap3A_632 : i32 to index
      %swap3A_634 = arith.constant 0 : index
      %swap3A_635 = tpu.vector_load %arg13[%swap3A_633, %swap3A_634] {strides = array<i32>} : memref<8x16xf32, #tpu.memory_space<vmem>>, vector<16xf32>,
      tpu.vector_store %arg13[%swap3A_633, %swap3A_634], %max3A_631 {strides = array<i32>} : memref<8x16xf32, #tpu.memory_space<vmem>>, vector<16xf32>,
      %mul3A_636 = arith.constant 1.250000e-01 : f32
      %mul3A_637 = vector.broadcast %mul3A_636 : f32 to vector<16xf32>
      %mul3A_638 = arith.mulf %scan3A_554#5, %mul3A_637 : vector<16xf32>
      %swap3A_639 = arith.constant 5 : i32
      %swap3A_640 = arith.index_cast %swap3A_639 : i32 to index
      %swap3A_641 = arith.constant 48 : index
      %swap3A_642 = tpu.vector_load %arg12[%swap3A_640, %swap3A_641] {strides = array<i32>} : memref<8x64xf32, #tpu.memory_space<vmem>>, vector<16xf32>,
      tpu.vector_store %arg12[%swap3A_640, %swap3A_641], %mul3A_638 {strides = array<i32>} : memref<8x64xf32, #tpu.memory_space<vmem>>, vector<16xf32>,
      %get3A_643 = arith.constant 5 : i32
      %get3A_644 = arith.index_cast %get3A_643 : i32 to index
      %get3A_645 = arith.constant 0 : index
      %get3A_646 = tpu.vector_load %arg13[%get3A_644, %get3A_645] {strides = array<i32>} : memref<8x16xf32, #tpu.memory_space<vmem>>, vector<16xf32>,
      %max3A_647 = arith.maximumf %get3A_646, %mul3A_638 : vector<16xf32>
      %swap3A_648 = arith.constant 5 : i32
      %swap3A_649 = arith.index_cast %swap3A_648 : i32 to index
      %swap3A_650 = arith.constant 0 : index
      %swap3A_651 = tpu.vector_load %arg13[%swap3A_649, %swap3A_650] {strides = array<i32>} : memref<8x16xf32, #tpu.memory_space<vmem>>, vector<16xf32>,
      tpu.vector_store %arg13[%swap3A_649, %swap3A_650], %max3A_647 {strides = array<i32>} : memref<8x16xf32, #tpu.memory_space<vmem>>, vector<16xf32>,
      %mul3A_652 = arith.constant 1.250000e-01 : f32
      %mul3A_653 = vector.broadcast %mul3A_652 : f32 to vector<16xf32>
      %mul3A_654 = arith.mulf %scan3A_554#6, %mul3A_653 : vector<16xf32>
      %swap3A_655 = arith.constant 6 : i32
      %swap3A_656 = arith.index_cast %swap3A_655 : i32 to index
      %swap3A_657 = arith.constant 48 : index
      %swap3A_658 = tpu.vector_load %arg12[%swap3A_656, %swap3A_657] {strides = array<i32>} : memref<8x64xf32, #tpu.memory_space<vmem>>, vector<16xf32>,
      tpu.vector_store %arg12[%swap3A_656, %swap3A_657], %mul3A_654 {strides = array<i32>} : memref<8x64xf32, #tpu.memory_space<vmem>>, vector<16xf32>,
      %get3A_659 = arith.constant 6 : i32
      %get3A_660 = arith.index_cast %get3A_659 : i32 to index
      %get3A_661 = arith.constant 0 : index
      %get3A_662 = tpu.vector_load %arg13[%get3A_660, %get3A_661] {strides = array<i32>} : memref<8x16xf32, #tpu.memory_space<vmem>>, vector<16xf32>,
      %max3A_663 = arith.maximumf %get3A_662, %mul3A_654 : vector<16xf32>
      %swap3A_664 = arith.constant 6 : i32
      %swap3A_665 = arith.index_cast %swap3A_664 : i32 to index
      %swap3A_666 = arith.constant 0 : index
      %swap3A_667 = tpu.vector_load %arg13[%swap3A_665, %swap3A_666] {strides = array<i32>} : memref<8x16xf32, #tpu.memory_space<vmem>>, vector<16xf32>,
      tpu.vector_store %arg13[%swap3A_665, %swap3A_666], %max3A_663 {strides = array<i32>} : memref<8x16xf32, #tpu.memory_space<vmem>>, vector<16xf32>,
      %mul3A_668 = arith.constant 1.250000e-01 : f32
      %mul3A_669 = vector.broadcast %mul3A_668 : f32 to vector<16xf32>
      %mul3A_670 = arith.mulf %scan3A_554#7, %mul3A_669 : vector<16xf32>
      %swap3A_671 = arith.constant 7 : i32
      %swap3A_672 = arith.index_cast %swap3A_671 : i32 to index
      %swap3A_673 = arith.constant 48 : index
      %swap3A_674 = tpu.vector_load %arg12[%swap3A_672, %swap3A_673] {strides = array<i32>} : memref<8x64xf32, #tpu.memory_space<vmem>>, vector<16xf32>,
      tpu.vector_store %arg12[%swap3A_672, %swap3A_673], %mul3A_670 {strides = array<i32>} : memref<8x64xf32, #tpu.memory_space<vmem>>, vector<16xf32>,
      %get3A_675 = arith.constant 7 : i32
      %get3A_676 = arith.index_cast %get3A_675 : i32 to index
      %get3A_677 = arith.constant 0 : index
      %get3A_678 = tpu.vector_load %arg13[%get3A_676, %get3A_677] {strides = array<i32>} : memref<8x16xf32, #tpu.memory_space<vmem>>, vector<16xf32>,
      %max3A_679 = arith.maximumf %get3A_678, %mul3A_670 : vector<16xf32>
      %swap3A_680 = arith.constant 7 : i32
      %swap3A_681 = arith.index_cast %swap3A_680 : i32 to index
      %swap3A_682 = arith.constant 0 : index
      %swap3A_683 = tpu.vector_load %arg13[%swap3A_681, %swap3A_682] {strides = array<i32>} : memref<8x16xf32, #tpu.memory_space<vmem>>, vector<16xf32>,
      tpu.vector_store %arg13[%swap3A_681, %swap3A_682], %max3A_679 {strides = array<i32>} : memref<8x16xf32, #tpu.memory_space<vmem>>, vector<16xf32>,
      %add3A_684 = arith.constant 0 : i32
      %add3A_685 = arith.addi %add3A_684, %add3A_60 : i32
      %dma_start3A_686 = arith.constant 0 : i32
      %dma_start3A_687 = arith.constant 0 : i32
      %dma_start3A_688 = tpu.memref_slice %arg12[%dma_start3A_686, %dma_start3A_687] : memref<8x64xf32, #tpu.memory_space<vmem>> -> memref<1x64xf32, #tpu.memory_space<vmem>>
      %dma_start3A_689 = tpu.memref_squeeze %dma_start3A_688 : memref<1x64xf32, #tpu.memory_space<vmem>> -> memref<64xf32, #tpu.memory_space<vmem>>
      %dma_start3A_690 = tpu.memref_slice %arg6[%add3A_685] : memref<1310720xf32, #tpu.memory_space<hbm>> -> memref<64xf32, #tpu.memory_space<hbm>>
      %dma_start3A_691 = tpu.memref_slice %arg6[%add3A_685] : memref<1310720xf32, #tpu.memory_space<hbm>> -> memref<64xf32, #tpu.memory_space<hbm>>
      %dma_start3A_692 = arith.constant 0 : i32
      %dma_start3A_693 = tpu.memref_slice %arg12[%dma_start3A_686, %dma_start3A_692] : memref<8x64xf32, #tpu.memory_space<vmem>> -> memref<1x64xf32, #tpu.memory_space<vmem>>
      %dma_start3A_694 = tpu.memref_squeeze %dma_start3A_693 : memref<1x64xf32, #tpu.memory_space<vmem>> -> memref<64xf32, #tpu.memory_space<vmem>>
      tpu.enqueue_dma source(%dma_start3A_694 : memref<64xf32, #tpu.memory_space<vmem>>) target(%dma_start3A_691 : memref<64xf32, #tpu.memory_space<hbm>>) target_semaphore(%arg16 : memref<!tpu.dma_semaphore, #tpu.memory_space<semaphore_mem>>)
      %add3A_695 = arith.constant 163840 : i32
      %add3A_696 = arith.addi %add3A_695, %add3A_60 : i32
      %dma_start3A_697 = arith.constant 1 : i32
      %dma_start3A_698 = arith.constant 0 : i32
      %dma_start3A_699 = tpu.memref_slice %arg12[%dma_start3A_697, %dma_start3A_698] : memref<8x64xf32, #tpu.memory_space<vmem>> -> memref<1x64xf32, #tpu.memory_space<vmem>>
      %dma_start3A_700 = tpu.memref_squeeze %dma_start3A_699 : memref<1x64xf32, #tpu.memory_space<vmem>> -> memref<64xf32, #tpu.memory_space<vmem>>
      %dma_start3A_701 = tpu.memref_slice %arg6[%add3A_696] : memref<1310720xf32, #tpu.memory_space<hbm>> -> memref<64xf32, #tpu.memory_space<hbm>>
      %dma_start3A_702 = tpu.memref_slice %arg6[%add3A_696] : memref<1310720xf32, #tpu.memory_space<hbm>> -> memref<64xf32, #tpu.memory_space<hbm>>
      %dma_start3A_703 = arith.constant 0 : i32
      %dma_start3A_704 = tpu.memref_slice %arg12[%dma_start3A_697, %dma_start3A_703] : memref<8x64xf32, #tpu.memory_space<vmem>> -> memref<1x64xf32, #tpu.memory_space<vmem>>
      %dma_start3A_705 = tpu.memref_squeeze %dma_start3A_704 : memref<1x64xf32, #tpu.memory_space<vmem>> -> memref<64xf32, #tpu.memory_space<vmem>>
      tpu.enqueue_dma source(%dma_start3A_705 : memref<64xf32, #tpu.memory_space<vmem>>) target(%dma_start3A_702 : memref<64xf32, #tpu.memory_space<hbm>>) target_semaphore(%arg16 : memref<!tpu.dma_semaphore, #tpu.memory_space<semaphore_mem>>)
      %add3A_706 = arith.constant 327680 : i32
      %add3A_707 = arith.addi %add3A_706, %add3A_60 : i32
      %dma_start3A_708 = arith.constant 2 : i32
      %dma_start3A_709 = arith.constant 0 : i32
      %dma_start3A_710 = tpu.memref_slice %arg12[%dma_start3A_708, %dma_start3A_709] : memref<8x64xf32, #tpu.memory_space<vmem>> -> memref<1x64xf32, #tpu.memory_space<vmem>>
      %dma_start3A_711 = tpu.memref_squeeze %dma_start3A_710 : memref<1x64xf32, #tpu.memory_space<vmem>> -> memref<64xf32, #tpu.memory_space<vmem>>
      %dma_start3A_712 = tpu.memref_slice %arg6[%add3A_707] : memref<1310720xf32, #tpu.memory_space<hbm>> -> memref<64xf32, #tpu.memory_space<hbm>>
      %dma_start3A_713 = tpu.memref_slice %arg6[%add3A_707] : memref<1310720xf32, #tpu.memory_space<hbm>> -> memref<64xf32, #tpu.memory_space<hbm>>
      %dma_start3A_714 = arith.constant 0 : i32
      %dma_start3A_715 = tpu.memref_slice %arg12[%dma_start3A_708, %dma_start3A_714] : memref<8x64xf32, #tpu.memory_space<vmem>> -> memref<1x64xf32, #tpu.memory_space<vmem>>
      %dma_start3A_716 = tpu.memref_squeeze %dma_start3A_715 : memref<1x64xf32, #tpu.memory_space<vmem>> -> memref<64xf32, #tpu.memory_space<vmem>>
      tpu.enqueue_dma source(%dma_start3A_716 : memref<64xf32, #tpu.memory_space<vmem>>) target(%dma_start3A_713 : memref<64xf32, #tpu.memory_space<hbm>>) target_semaphore(%arg16 : memref<!tpu.dma_semaphore, #tpu.memory_space<semaphore_mem>>)
      %add3A_717 = arith.constant 491520 : i32
      %add3A_718 = arith.addi %add3A_717, %add3A_60 : i32
      %dma_start3A_719 = arith.constant 3 : i32
      %dma_start3A_720 = arith.constant 0 : i32
      %dma_start3A_721 = tpu.memref_slice %arg12[%dma_start3A_719, %dma_start3A_720] : memref<8x64xf32, #tpu.memory_space<vmem>> -> memref<1x64xf32, #tpu.memory_space<vmem>>
      %dma_start3A_722 = tpu.memref_squeeze %dma_start3A_721 : memref<1x64xf32, #tpu.memory_space<vmem>> -> memref<64xf32, #tpu.memory_space<vmem>>
      %dma_start3A_723 = tpu.memref_slice %arg6[%add3A_718] : memref<1310720xf32, #tpu.memory_space<hbm>> -> memref<64xf32, #tpu.memory_space<hbm>>
      %dma_start3A_724 = tpu.memref_slice %arg6[%add3A_718] : memref<1310720xf32, #tpu.memory_space<hbm>> -> memref<64xf32, #tpu.memory_space<hbm>>
      %dma_start3A_725 = arith.constant 0 : i32
      %dma_start3A_726 = tpu.memref_slice %arg12[%dma_start3A_719, %dma_start3A_725] : memref<8x64xf32, #tpu.memory_space<vmem>> -> memref<1x64xf32, #tpu.memory_space<vmem>>
      %dma_start3A_727 = tpu.memref_squeeze %dma_start3A_726 : memref<1x64xf32, #tpu.memory_space<vmem>> -> memref<64xf32, #tpu.memory_space<vmem>>
      tpu.enqueue_dma source(%dma_start3A_727 : memref<64xf32, #tpu.memory_space<vmem>>) target(%dma_start3A_724 : memref<64xf32, #tpu.memory_space<hbm>>) target_semaphore(%arg16 : memref<!tpu.dma_semaphore, #tpu.memory_space<semaphore_mem>>)
      %add3A_728 = arith.constant 655360 : i32
      %add3A_729 = arith.addi %add3A_728, %add3A_60 : i32
      %dma_start3A_730 = arith.constant 4 : i32
      %dma_start3A_731 = arith.constant 0 : i32
      %dma_start3A_732 = tpu.memref_slice %arg12[%dma_start3A_730, %dma_start3A_731] : memref<8x64xf32, #tpu.memory_space<vmem>> -> memref<1x64xf32, #tpu.memory_space<vmem>>
      %dma_start3A_733 = tpu.memref_squeeze %dma_start3A_732 : memref<1x64xf32, #tpu.memory_space<vmem>> -> memref<64xf32, #tpu.memory_space<vmem>>
      %dma_start3A_734 = tpu.memref_slice %arg6[%add3A_729] : memref<1310720xf32, #tpu.memory_space<hbm>> -> memref<64xf32, #tpu.memory_space<hbm>>
      %dma_start3A_735 = tpu.memref_slice %arg6[%add3A_729] : memref<1310720xf32, #tpu.memory_space<hbm>> -> memref<64xf32, #tpu.memory_space<hbm>>
      %dma_start3A_736 = arith.constant 0 : i32
      %dma_start3A_737 = tpu.memref_slice %arg12[%dma_start3A_730, %dma_start3A_736] : memref<8x64xf32, #tpu.memory_space<vmem>> -> memref<1x64xf32, #tpu.memory_space<vmem>>
      %dma_start3A_738 = tpu.memref_squeeze %dma_start3A_737 : memref<1x64xf32, #tpu.memory_space<vmem>> -> memref<64xf32, #tpu.memory_space<vmem>>
      tpu.enqueue_dma source(%dma_start3A_738 : memref<64xf32, #tpu.memory_space<vmem>>) target(%dma_start3A_735 : memref<64xf32, #tpu.memory_space<hbm>>) target_semaphore(%arg16 : memref<!tpu.dma_semaphore, #tpu.memory_space<semaphore_mem>>)
      %add3A_739 = arith.constant 819200 : i32
      %add3A_740 = arith.addi %add3A_739, %add3A_60 : i32
      %dma_start3A_741 = arith.constant 5 : i32
      %dma_start3A_742 = arith.constant 0 : i32
      %dma_start3A_743 = tpu.memref_slice %arg12[%dma_start3A_741, %dma_start3A_742] : memref<8x64xf32, #tpu.memory_space<vmem>> -> memref<1x64xf32, #tpu.memory_space<vmem>>
      %dma_start3A_744 = tpu.memref_squeeze %dma_start3A_743 : memref<1x64xf32, #tpu.memory_space<vmem>> -> memref<64xf32, #tpu.memory_space<vmem>>
      %dma_start3A_745 = tpu.memref_slice %arg6[%add3A_740] : memref<1310720xf32, #tpu.memory_space<hbm>> -> memref<64xf32, #tpu.memory_space<hbm>>
      %dma_start3A_746 = tpu.memref_slice %arg6[%add3A_740] : memref<1310720xf32, #tpu.memory_space<hbm>> -> memref<64xf32, #tpu.memory_space<hbm>>
      %dma_start3A_747 = arith.constant 0 : i32
      %dma_start3A_748 = tpu.memref_slice %arg12[%dma_start3A_741, %dma_start3A_747] : memref<8x64xf32, #tpu.memory_space<vmem>> -> memref<1x64xf32, #tpu.memory_space<vmem>>
      %dma_start3A_749 = tpu.memref_squeeze %dma_start3A_748 : memref<1x64xf32, #tpu.memory_space<vmem>> -> memref<64xf32, #tpu.memory_space<vmem>>
      tpu.enqueue_dma source(%dma_start3A_749 : memref<64xf32, #tpu.memory_space<vmem>>) target(%dma_start3A_746 : memref<64xf32, #tpu.memory_space<hbm>>) target_semaphore(%arg16 : memref<!tpu.dma_semaphore, #tpu.memory_space<semaphore_mem>>)
      %add3A_750 = arith.constant 983040 : i32
      %add3A_751 = arith.addi %add3A_750, %add3A_60 : i32
      %dma_start3A_752 = arith.constant 6 : i32
      %dma_start3A_753 = arith.constant 0 : i32
      %dma_start3A_754 = tpu.memref_slice %arg12[%dma_start3A_752, %dma_start3A_753] : memref<8x64xf32, #tpu.memory_space<vmem>> -> memref<1x64xf32, #tpu.memory_space<vmem>>
      %dma_start3A_755 = tpu.memref_squeeze %dma_start3A_754 : memref<1x64xf32, #tpu.memory_space<vmem>> -> memref<64xf32, #tpu.memory_space<vmem>>
      %dma_start3A_756 = tpu.memref_slice %arg6[%add3A_751] : memref<1310720xf32, #tpu.memory_space<hbm>> -> memref<64xf32, #tpu.memory_space<hbm>>
      %dma_start3A_757 = tpu.memref_slice %arg6[%add3A_751] : memref<1310720xf32, #tpu.memory_space<hbm>> -> memref<64xf32, #tpu.memory_space<hbm>>
      %dma_start3A_758 = arith.constant 0 : i32
      %dma_start3A_759 = tpu.memref_slice %arg12[%dma_start3A_752, %dma_start3A_758] : memref<8x64xf32, #tpu.memory_space<vmem>> -> memref<1x64xf32, #tpu.memory_space<vmem>>
      %dma_start3A_760 = tpu.memref_squeeze %dma_start3A_759 : memref<1x64xf32, #tpu.memory_space<vmem>> -> memref<64xf32, #tpu.memory_space<vmem>>
      tpu.enqueue_dma source(%dma_start3A_760 : memref<64xf32, #tpu.memory_space<vmem>>) target(%dma_start3A_757 : memref<64xf32, #tpu.memory_space<hbm>>) target_semaphore(%arg16 : memref<!tpu.dma_semaphore, #tpu.memory_space<semaphore_mem>>)
      %add3A_761 = arith.constant 1146880 : i32
      %add3A_762 = arith.addi %add3A_761, %add3A_60 : i32
      %dma_start3A_763 = arith.constant 7 : i32
      %dma_start3A_764 = arith.constant 0 : i32
      %dma_start3A_765 = tpu.memref_slice %arg12[%dma_start3A_763, %dma_start3A_764] : memref<8x64xf32, #tpu.memory_space<vmem>> -> memref<1x64xf32, #tpu.memory_space<vmem>>
      %dma_start3A_766 = tpu.memref_squeeze %dma_start3A_765 : memref<1x64xf32, #tpu.memory_space<vmem>> -> memref<64xf32, #tpu.memory_space<vmem>>
      %dma_start3A_767 = tpu.memref_slice %arg6[%add3A_762] : memref<1310720xf32, #tpu.memory_space<hbm>> -> memref<64xf32, #tpu.memory_space<hbm>>
      %dma_start3A_768 = tpu.memref_slice %arg6[%add3A_762] : memref<1310720xf32, #tpu.memory_space<hbm>> -> memref<64xf32, #tpu.memory_space<hbm>>
      %dma_start3A_769 = arith.constant 0 : i32
      %dma_start3A_770 = tpu.memref_slice %arg12[%dma_start3A_763, %dma_start3A_769] : memref<8x64xf32, #tpu.memory_space<vmem>> -> memref<1x64xf32, #tpu.memory_space<vmem>>
      %dma_start3A_771 = tpu.memref_squeeze %dma_start3A_770 : memref<1x64xf32, #tpu.memory_space<vmem>> -> memref<64xf32, #tpu.memory_space<vmem>>
      tpu.enqueue_dma source(%dma_start3A_771 : memref<64xf32, #tpu.memory_space<vmem>>) target(%dma_start3A_768 : memref<64xf32, #tpu.memory_space<hbm>>) target_semaphore(%arg16 : memref<!tpu.dma_semaphore, #tpu.memory_space<semaphore_mem>>)
      %dma_wait3A_772 = arith.constant 0 : i32
      %dma_wait3A_773 = arith.constant 0 : i32
      %dma_wait3A_774 = tpu.memref_slice %arg12[%dma_wait3A_772, %dma_wait3A_773] : memref<8x64xf32, #tpu.memory_space<vmem>> -> memref<1x64xf32, #tpu.memory_space<vmem>>
      %dma_wait3A_775 = tpu.memref_squeeze %dma_wait3A_774 : memref<1x64xf32, #tpu.memory_space<vmem>> -> memref<64xf32, #tpu.memory_space<vmem>>
      %dma_wait3A_776 = tpu.memref_slice %arg6[%add3A_685] : memref<1310720xf32, #tpu.memory_space<hbm>> -> memref<64xf32, #tpu.memory_space<hbm>>
      %dma_wait3A_777 = tpu.memref_slice %arg6[%add3A_685] : memref<1310720xf32, #tpu.memory_space<hbm>> -> memref<64xf32, #tpu.memory_space<hbm>>
      %dma_wait3A_778 = arith.constant 0 : i32
      %dma_wait3A_779 = tpu.memref_slice %arg12[%dma_wait3A_772, %dma_wait3A_778] : memref<8x64xf32, #tpu.memory_space<vmem>> -> memref<1x64xf32, #tpu.memory_space<vmem>>
      %dma_wait3A_780 = tpu.memref_squeeze %dma_wait3A_779 : memref<1x64xf32, #tpu.memory_space<vmem>> -> memref<64xf32, #tpu.memory_space<vmem>>
      tpu.wait_dma2 semaphore(%arg16 : memref<!tpu.dma_semaphore, #tpu.memory_space<semaphore_mem>>) src(%dma_wait3A_780 : memref<64xf32, #tpu.memory_space<vmem>>) dst(%dma_wait3A_777 : memref<64xf32, #tpu.memory_space<hbm>>)
      %dma_wait3A_781 = arith.constant 1 : i32
      %dma_wait3A_782 = arith.constant 0 : i32
      %dma_wait3A_783 = tpu.memref_slice %arg12[%dma_wait3A_781, %dma_wait3A_782] : memref<8x64xf32, #tpu.memory_space<vmem>> -> memref<1x64xf32, #tpu.memory_space<vmem>>
      %dma_wait3A_784 = tpu.memref_squeeze %dma_wait3A_783 : memref<1x64xf32, #tpu.memory_space<vmem>> -> memref<64xf32, #tpu.memory_space<vmem>>
      %dma_wait3A_785 = tpu.memref_slice %arg6[%add3A_696] : memref<1310720xf32, #tpu.memory_space<hbm>> -> memref<64xf32, #tpu.memory_space<hbm>>
      %dma_wait3A_786 = tpu.memref_slice %arg6[%add3A_696] : memref<1310720xf32, #tpu.memory_space<hbm>> -> memref<64xf32, #tpu.memory_space<hbm>>
      %dma_wait3A_787 = arith.constant 0 : i32
      %dma_wait3A_788 = tpu.memref_slice %arg12[%dma_wait3A_781, %dma_wait3A_787] : memref<8x64xf32, #tpu.memory_space<vmem>> -> memref<1x64xf32, #tpu.memory_space<vmem>>
      %dma_wait3A_789 = tpu.memref_squeeze %dma_wait3A_788 : memref<1x64xf32, #tpu.memory_space<vmem>> -> memref<64xf32, #tpu.memory_space<vmem>>
      tpu.wait_dma2 semaphore(%arg16 : memref<!tpu.dma_semaphore, #tpu.memory_space<semaphore_mem>>) src(%dma_wait3A_789 : memref<64xf32, #tpu.memory_space<vmem>>) dst(%dma_wait3A_786 : memref<64xf32, #tpu.memory_space<hbm>>)
      %dma_wait3A_790 = arith.constant 2 : i32
      %dma_wait3A_791 = arith.constant 0 : i32
      %dma_wait3A_792 = tpu.memref_slice %arg12[%dma_wait3A_790, %dma_wait3A_791] : memref<8x64xf32, #tpu.memory_space<vmem>> -> memref<1x64xf32, #tpu.memory_space<vmem>>
      %dma_wait3A_793 = tpu.memref_squeeze %dma_wait3A_792 : memref<1x64xf32, #tpu.memory_space<vmem>> -> memref<64xf32, #tpu.memory_space<vmem>>
      %dma_wait3A_794 = tpu.memref_slice %arg6[%add3A_707] : memref<1310720xf32, #tpu.memory_space<hbm>> -> memref<64xf32, #tpu.memory_space<hbm>>
      %dma_wait3A_795 = tpu.memref_slice %arg6[%add3A_707] : memref<1310720xf32, #tpu.memory_space<hbm>> -> memref<64xf32, #tpu.memory_space<hbm>>
      %dma_wait3A_796 = arith.constant 0 : i32
      %dma_wait3A_797 = tpu.memref_slice %arg12[%dma_wait3A_790, %dma_wait3A_796] : memref<8x64xf32, #tpu.memory_space<vmem>> -> memref<1x64xf32, #tpu.memory_space<vmem>>
      %dma_wait3A_798 = tpu.memref_squeeze %dma_wait3A_797 : memref<1x64xf32, #tpu.memory_space<vmem>> -> memref<64xf32, #tpu.memory_space<vmem>>
      tpu.wait_dma2 semaphore(%arg16 : memref<!tpu.dma_semaphore, #tpu.memory_space<semaphore_mem>>) src(%dma_wait3A_798 : memref<64xf32, #tpu.memory_space<vmem>>) dst(%dma_wait3A_795 : memref<64xf32, #tpu.memory_space<hbm>>)
      %dma_wait3A_799 = arith.constant 3 : i32
      %dma_wait3A_800 = arith.constant 0 : i32
      %dma_wait3A_801 = tpu.memref_slice %arg12[%dma_wait3A_799, %dma_wait3A_800] : memref<8x64xf32, #tpu.memory_space<vmem>> -> memref<1x64xf32, #tpu.memory_space<vmem>>
      %dma_wait3A_802 = tpu.memref_squeeze %dma_wait3A_801 : memref<1x64xf32, #tpu.memory_space<vmem>> -> memref<64xf32, #tpu.memory_space<vmem>>
      %dma_wait3A_803 = tpu.memref_slice %arg6[%add3A_718] : memref<1310720xf32, #tpu.memory_space<hbm>> -> memref<64xf32, #tpu.memory_space<hbm>>
      %dma_wait3A_804 = tpu.memref_slice %arg6[%add3A_718] : memref<1310720xf32, #tpu.memory_space<hbm>> -> memref<64xf32, #tpu.memory_space<hbm>>
      %dma_wait3A_805 = arith.constant 0 : i32
      %dma_wait3A_806 = tpu.memref_slice %arg12[%dma_wait3A_799, %dma_wait3A_805] : memref<8x64xf32, #tpu.memory_space<vmem>> -> memref<1x64xf32, #tpu.memory_space<vmem>>
      %dma_wait3A_807 = tpu.memref_squeeze %dma_wait3A_806 : memref<1x64xf32, #tpu.memory_space<vmem>> -> memref<64xf32, #tpu.memory_space<vmem>>
      tpu.wait_dma2 semaphore(%arg16 : memref<!tpu.dma_semaphore, #tpu.memory_space<semaphore_mem>>) src(%dma_wait3A_807 : memref<64xf32, #tpu.memory_space<vmem>>) dst(%dma_wait3A_804 : memref<64xf32, #tpu.memory_space<hbm>>)
      %dma_wait3A_808 = arith.constant 4 : i32
      %dma_wait3A_809 = arith.constant 0 : i32
      %dma_wait3A_810 = tpu.memref_slice %arg12[%dma_wait3A_808, %dma_wait3A_809] : memref<8x64xf32, #tpu.memory_space<vmem>> -> memref<1x64xf32, #tpu.memory_space<vmem>>
      %dma_wait3A_811 = tpu.memref_squeeze %dma_wait3A_810 : memref<1x64xf32, #tpu.memory_space<vmem>> -> memref<64xf32, #tpu.memory_space<vmem>>
      %dma_wait3A_812 = tpu.memref_slice %arg6[%add3A_729] : memref<1310720xf32, #tpu.memory_space<hbm>> -> memref<64xf32, #tpu.memory_space<hbm>>
      %dma_wait3A_813 = tpu.memref_slice %arg6[%add3A_729] : memref<1310720xf32, #tpu.memory_space<hbm>> -> memref<64xf32, #tpu.memory_space<hbm>>
      %dma_wait3A_814 = arith.constant 0 : i32
      %dma_wait3A_815 = tpu.memref_slice %arg12[%dma_wait3A_808, %dma_wait3A_814] : memref<8x64xf32, #tpu.memory_space<vmem>> -> memref<1x64xf32, #tpu.memory_space<vmem>>
      %dma_wait3A_816 = tpu.memref_squeeze %dma_wait3A_815 : memref<1x64xf32, #tpu.memory_space<vmem>> -> memref<64xf32, #tpu.memory_space<vmem>>
      tpu.wait_dma2 semaphore(%arg16 : memref<!tpu.dma_semaphore, #tpu.memory_space<semaphore_mem>>) src(%dma_wait3A_816 : memref<64xf32, #tpu.memory_space<vmem>>) dst(%dma_wait3A_813 : memref<64xf32, #tpu.memory_space<hbm>>)
      %dma_wait3A_817 = arith.constant 5 : i32
      %dma_wait3A_818 = arith.constant 0 : i32
      %dma_wait3A_819 = tpu.memref_slice %arg12[%dma_wait3A_817, %dma_wait3A_818] : memref<8x64xf32, #tpu.memory_space<vmem>> -> memref<1x64xf32, #tpu.memory_space<vmem>>
      %dma_wait3A_820 = tpu.memref_squeeze %dma_wait3A_819 : memref<1x64xf32, #tpu.memory_space<vmem>> -> memref<64xf32, #tpu.memory_space<vmem>>
      %dma_wait3A_821 = tpu.memref_slice %arg6[%add3A_740] : memref<1310720xf32, #tpu.memory_space<hbm>> -> memref<64xf32, #tpu.memory_space<hbm>>
      %dma_wait3A_822 = tpu.memref_slice %arg6[%add3A_740] : memref<1310720xf32, #tpu.memory_space<hbm>> -> memref<64xf32, #tpu.memory_space<hbm>>
      %dma_wait3A_823 = arith.constant 0 : i32
      %dma_wait3A_824 = tpu.memref_slice %arg12[%dma_wait3A_817, %dma_wait3A_823] : memref<8x64xf32, #tpu.memory_space<vmem>> -> memref<1x64xf32, #tpu.memory_space<vmem>>
      %dma_wait3A_825 = tpu.memref_squeeze %dma_wait3A_824 : memref<1x64xf32, #tpu.memory_space<vmem>> -> memref<64xf32, #tpu.memory_space<vmem>>
      tpu.wait_dma2 semaphore(%arg16 : memref<!tpu.dma_semaphore, #tpu.memory_space<semaphore_mem>>) src(%dma_wait3A_825 : memref<64xf32, #tpu.memory_space<vmem>>) dst(%dma_wait3A_822 : memref<64xf32, #tpu.memory_space<hbm>>)
      %dma_wait3A_826 = arith.constant 6 : i32
      %dma_wait3A_827 = arith.constant 0 : i32
      %dma_wait3A_828 = tpu.memref_slice %arg12[%dma_wait3A_826, %dma_wait3A_827] : memref<8x64xf32, #tpu.memory_space<vmem>> -> memref<1x64xf32, #tpu.memory_space<vmem>>
      %dma_wait3A_829 = tpu.memref_squeeze %dma_wait3A_828 : memref<1x64xf32, #tpu.memory_space<vmem>> -> memref<64xf32, #tpu.memory_space<vmem>>
      %dma_wait3A_830 = tpu.memref_slice %arg6[%add3A_751] : memref<1310720xf32, #tpu.memory_space<hbm>> -> memref<64xf32, #tpu.memory_space<hbm>>
      %dma_wait3A_831 = tpu.memref_slice %arg6[%add3A_751] : memref<1310720xf32, #tpu.memory_space<hbm>> -> memref<64xf32, #tpu.memory_space<hbm>>
      %dma_wait3A_832 = arith.constant 0 : i32
      %dma_wait3A_833 = tpu.memref_slice %arg12[%dma_wait3A_826, %dma_wait3A_832] : memref<8x64xf32, #tpu.memory_space<vmem>> -> memref<1x64xf32, #tpu.memory_space<vmem>>
      %dma_wait3A_834 = tpu.memref_squeeze %dma_wait3A_833 : memref<1x64xf32, #tpu.memory_space<vmem>> -> memref<64xf32, #tpu.memory_space<vmem>>
      tpu.wait_dma2 semaphore(%arg16 : memref<!tpu.dma_semaphore, #tpu.memory_space<semaphore_mem>>) src(%dma_wait3A_834 : memref<64xf32, #tpu.memory_space<vmem>>) dst(%dma_wait3A_831 : memref<64xf32, #tpu.memory_space<hbm>>)
      %dma_wait3A_835 = arith.constant 7 : i32
      %dma_wait3A_836 = arith.constant 0 : i32
      %dma_wait3A_837 = tpu.memref_slice %arg12[%dma_wait3A_835, %dma_wait3A_836] : memref<8x64xf32, #tpu.memory_space<vmem>> -> memref<1x64xf32, #tpu.memory_space<vmem>>
      %dma_wait3A_838 = tpu.memref_squeeze %dma_wait3A_837 : memref<1x64xf32, #tpu.memory_space<vmem>> -> memref<64xf32, #tpu.memory_space<vmem>>
      %dma_wait3A_839 = tpu.memref_slice %arg6[%add3A_762] : memref<1310720xf32, #tpu.memory_space<hbm>> -> memref<64xf32, #tpu.memory_space<hbm>>
      %dma_wait3A_840 = tpu.memref_slice %arg6[%add3A_762] : memref<1310720xf32, #tpu.memory_space<hbm>> -> memref<64xf32, #tpu.memory_space<hbm>>
      %dma_wait3A_841 = arith.constant 0 : i32
      %dma_wait3A_842 = tpu.memref_slice %arg12[%dma_wait3A_835, %dma_wait3A_841] : memref<8x64xf32, #tpu.memory_space<vmem>> -> memref<1x64xf32, #tpu.memory_space<vmem>>
      %dma_wait3A_843 = tpu.memref_squeeze %dma_wait3A_842 : memref<1x64xf32, #tpu.memory_space<vmem>> -> memref<64xf32, #tpu.memory_space<vmem>>
      tpu.wait_dma2 semaphore(%arg16 : memref<!tpu.dma_semaphore, #tpu.memory_space<semaphore_mem>>) src(%dma_wait3A_843 : memref<64xf32, #tpu.memory_space<vmem>>) dst(%dma_wait3A_840 : memref<64xf32, #tpu.memory_space<hbm>>)
    }
    %scan3A_50 = arith.constant 80 : i32
    "tpu.region"() ({
      %run_scoped3A = tpu.sem_alloc : memref<!tpu.dma_semaphore, #tpu.memory_space<semaphore_mem>>
      %dma_start3A = arith.constant 0 : i32
      %dma_start3A_51 = arith.constant 0 : i32
      %dma_start3A_52 = tpu.memref_slice %arg7[%add3A, %dma_start3A, %dma_start3A_51] : memref<32x8x16xf32, #tpu.memory_space<hbm>> -> memref<1x8x16xf32, #tpu.memory_space<hbm>>
      %dma_start3A_53 = tpu.memref_squeeze %dma_start3A_52 : memref<1x8x16xf32, #tpu.memory_space<hbm>> -> memref<8x16xf32, #tpu.memory_space<hbm>>
      %dma_start3A_54 = arith.constant 0 : i32
      %dma_start3A_55 = arith.constant 0 : i32
      %dma_start3A_56 = tpu.memref_slice %arg7[%add3A, %dma_start3A_54, %dma_start3A_55] : memref<32x8x16xf32, #tpu.memory_space<hbm>> -> memref<1x8x16xf32, #tpu.memory_space<hbm>>
      %dma_start3A_57 = tpu.memref_squeeze %dma_start3A_56 : memref<1x8x16xf32, #tpu.memory_space<hbm>> -> memref<8x16xf32, #tpu.memory_space<hbm>>
      tpu.enqueue_dma source(%arg13 : memref<8x16xf32, #tpu.memory_space<vmem>>) target(%dma_start3A_57 : memref<8x16xf32, #tpu.memory_space<hbm>>) target_semaphore(%run_scoped3A : memref<!tpu.dma_semaphore, #tpu.memory_space<semaphore_mem>>)
      %dma_wait3A = arith.constant 0 : i32
      %dma_wait3A_58 = arith.constant 0 : i32
      %dma_wait3A_59 = tpu.memref_slice %arg7[%add3A, %dma_wait3A, %dma_wait3A_58] : memref<32x8x16xf32, #tpu.memory_space<hbm>> -> memref<1x8x16xf32, #tpu.memory_space<hbm>>
      %dma_wait3A_60 = tpu.memref_squeeze %dma_wait3A_59 : memref<1x8x16xf32, #tpu.memory_space<hbm>> -> memref<8x16xf32, #tpu.memory_space<hbm>>
      %dma_wait3A_61 = arith.constant 0 : i32
      %dma_wait3A_62 = arith.constant 0 : i32
      %dma_wait3A_63 = tpu.memref_slice %arg7[%add3A, %dma_wait3A_61, %dma_wait3A_62] : memref<32x8x16xf32, #tpu.memory_space<hbm>> -> memref<1x8x16xf32, #tpu.memory_space<hbm>>
      %dma_wait3A_64 = tpu.memref_squeeze %dma_wait3A_63 : memref<1x8x16xf32, #tpu.memory_space<hbm>> -> memref<8x16xf32, #tpu.memory_space<hbm>>
      tpu.wait_dma2 semaphore(%run_scoped3A : memref<!tpu.dma_semaphore, #tpu.memory_space<semaphore_mem>>) src(%arg13 : memref<8x16xf32, #tpu.memory_space<vmem>>) dst(%dma_wait3A_64 : memref<8x16xf32, #tpu.memory_space<hbm>>)
      tpu.yield
    }) : () -> ()
    return
  }
}

#map = affine_map<(d0, d1) -> (0, 0)>
#map1 = affine_map<(d0, d1) -> (0)>
module attributes {stable_mosaic.version = 14 : i64} {
  func.func @_agg_kernel(%arg0: i32, %arg1: i32, %arg2: memref<40960x128xf32, #tpu.memory_space<hbm>>, %arg3: memref<1310720xf32, #tpu.memory_space<hbm>>, %arg4: memref<163840xi32, #tpu.memory_space<hbm>>, %arg5: memref<163840xi32, #tpu.memory_space<hbm>>, %arg6: memref<128xf32, #tpu.memory_space<hbm>>, %arg7: memref<40960x160xf32, #tpu.memory_space<hbm>>, %arg8: memref<10240x160xf32, #tpu.memory_space<vmem_shared>>, %arg9: memref<64xi32, #tpu.memory_space<vmem>>, %arg10: memref<64xi32, #tpu.memory_space<vmem>>, %arg11: memref<64xi32, #tpu.memory_space<vmem>>, %arg12: memref<64x128xf32, #tpu.memory_space<vmem>>, %arg13: memref<64xf32, #tpu.memory_space<vmem>>, %arg14: memref<64xf32, #tpu.memory_space<vmem>>, %arg15: memref<64x160xf32, #tpu.memory_space<vmem>>, %arg16: memref<128xf32, #tpu.memory_space<vmem>>, %arg17: memref<!tpu.dma_semaphore, #tpu.memory_space<semaphore_mem>>) attributes {dimension_semantics = [#tpu.dimension_semantics<core_parallel>, #tpu.dimension_semantics<subcore_parallel>], iteration_bounds = array<i64: 2, 16>, scalar_prefetch = 0 : i64, scratch_operands = 10 : i64, tpu.core_type = #tpu.core_type<sc_vector_subcore>, window_params = [{transform_indices = #map}, {transform_indices = #map1}, {transform_indices = #map1}, {transform_indices = #map1}, {transform_indices = #map1}, {transform_indices = #map}]} {
    "tpu.region"() ({
      %run_scoped3A = tpu.sem_alloc : memref<!tpu.dma_semaphore, #tpu.memory_space<semaphore_mem>>
      tpu.enqueue_dma source(%arg6 : memref<128xf32, #tpu.memory_space<hbm>>) target(%arg16 : memref<128xf32, #tpu.memory_space<vmem>>) target_semaphore(%run_scoped3A : memref<!tpu.dma_semaphore, #tpu.memory_space<semaphore_mem>>)
      tpu.wait_dma2 semaphore(%run_scoped3A : memref<!tpu.dma_semaphore, #tpu.memory_space<semaphore_mem>>) src(%arg6 : memref<128xf32, #tpu.memory_space<hbm>>) dst(%arg16 : memref<128xf32, #tpu.memory_space<vmem>>)
      tpu.yield
    }) : () -> ()
    %broadcast_in_dim3A = arith.constant 0.000000e+00 : f32
    %broadcast_in_dim3A_0 = vector.broadcast %broadcast_in_dim3A : f32 to vector<16xf32>
    %eq3A = arith.constant 0 : i32
    %eq3A_1 = arith.cmpi eq, %arg0, %eq3A : i32
    %convert_element_type3A = arith.extui %eq3A_1 : i1 to i32
    %cond3A = arith.constant 0 : i32
    %cond3A_2 = arith.cmpi ne, %convert_element_type3A, %cond3A : i32
    scf.if %cond3A_2 {
      %scan3A = arith.constant 0 : i32
      %scan3A_8 = arith.constant 64 : i32
      %scan3A_9 = arith.addi %scan3A, %scan3A_8 : i32
      %scan3A_10 = arith.constant 1 : i32
      scf.for %scan3A_78 = %scan3A to %scan3A_9 step %scan3A_10  : i32 {
        %mul3A_79 = arith.constant 1 : i32
        %mul3A_80 = arith.muli %scan3A_78, %mul3A_79 : i32
        %add3A_81 = arith.constant 0 : i32
        %add3A_82 = arith.addi %add3A_81, %mul3A_80 : i32
        %swap3A = arith.index_cast %add3A_82 : i32 to index
        %swap3A_83 = arith.constant 0 : index
        %swap3A_84 = tpu.vector_load %arg15[%swap3A, %swap3A_83] {strides = array<i32>} : memref<64x160xf32, #tpu.memory_space<vmem>>, vector<16xf32>,
        tpu.vector_store %arg15[%swap3A, %swap3A_83], %broadcast_in_dim3A_0 {strides = array<i32>} : memref<64x160xf32, #tpu.memory_space<vmem>>, vector<16xf32>,
        %swap3A_85 = arith.index_cast %add3A_82 : i32 to index
        %swap3A_86 = arith.constant 16 : index
        %swap3A_87 = tpu.vector_load %arg15[%swap3A_85, %swap3A_86] {strides = array<i32>} : memref<64x160xf32, #tpu.memory_space<vmem>>, vector<16xf32>,
        tpu.vector_store %arg15[%swap3A_85, %swap3A_86], %broadcast_in_dim3A_0 {strides = array<i32>} : memref<64x160xf32, #tpu.memory_space<vmem>>, vector<16xf32>,
        %swap3A_88 = arith.index_cast %add3A_82 : i32 to index
        %swap3A_89 = arith.constant 32 : index
        %swap3A_90 = tpu.vector_load %arg15[%swap3A_88, %swap3A_89] {strides = array<i32>} : memref<64x160xf32, #tpu.memory_space<vmem>>, vector<16xf32>,
        tpu.vector_store %arg15[%swap3A_88, %swap3A_89], %broadcast_in_dim3A_0 {strides = array<i32>} : memref<64x160xf32, #tpu.memory_space<vmem>>, vector<16xf32>,
        %swap3A_91 = arith.index_cast %add3A_82 : i32 to index
        %swap3A_92 = arith.constant 48 : index
        %swap3A_93 = tpu.vector_load %arg15[%swap3A_91, %swap3A_92] {strides = array<i32>} : memref<64x160xf32, #tpu.memory_space<vmem>>, vector<16xf32>,
        tpu.vector_store %arg15[%swap3A_91, %swap3A_92], %broadcast_in_dim3A_0 {strides = array<i32>} : memref<64x160xf32, #tpu.memory_space<vmem>>, vector<16xf32>,
        %swap3A_94 = arith.index_cast %add3A_82 : i32 to index
        %swap3A_95 = arith.constant 64 : index
        %swap3A_96 = tpu.vector_load %arg15[%swap3A_94, %swap3A_95] {strides = array<i32>} : memref<64x160xf32, #tpu.memory_space<vmem>>, vector<16xf32>,
        tpu.vector_store %arg15[%swap3A_94, %swap3A_95], %broadcast_in_dim3A_0 {strides = array<i32>} : memref<64x160xf32, #tpu.memory_space<vmem>>, vector<16xf32>,
        %swap3A_97 = arith.index_cast %add3A_82 : i32 to index
        %swap3A_98 = arith.constant 80 : index
        %swap3A_99 = tpu.vector_load %arg15[%swap3A_97, %swap3A_98] {strides = array<i32>} : memref<64x160xf32, #tpu.memory_space<vmem>>, vector<16xf32>,
        tpu.vector_store %arg15[%swap3A_97, %swap3A_98], %broadcast_in_dim3A_0 {strides = array<i32>} : memref<64x160xf32, #tpu.memory_space<vmem>>, vector<16xf32>,
        %swap3A_100 = arith.index_cast %add3A_82 : i32 to index
        %swap3A_101 = arith.constant 96 : index
        %swap3A_102 = tpu.vector_load %arg15[%swap3A_100, %swap3A_101] {strides = array<i32>} : memref<64x160xf32, #tpu.memory_space<vmem>>, vector<16xf32>,
        tpu.vector_store %arg15[%swap3A_100, %swap3A_101], %broadcast_in_dim3A_0 {strides = array<i32>} : memref<64x160xf32, #tpu.memory_space<vmem>>, vector<16xf32>,
        %swap3A_103 = arith.index_cast %add3A_82 : i32 to index
        %swap3A_104 = arith.constant 112 : index
        %swap3A_105 = tpu.vector_load %arg15[%swap3A_103, %swap3A_104] {strides = array<i32>} : memref<64x160xf32, #tpu.memory_space<vmem>>, vector<16xf32>,
        tpu.vector_store %arg15[%swap3A_103, %swap3A_104], %broadcast_in_dim3A_0 {strides = array<i32>} : memref<64x160xf32, #tpu.memory_space<vmem>>, vector<16xf32>,
        %swap3A_106 = arith.index_cast %add3A_82 : i32 to index
        %swap3A_107 = arith.constant 128 : index
        %swap3A_108 = tpu.vector_load %arg15[%swap3A_106, %swap3A_107] {strides = array<i32>} : memref<64x160xf32, #tpu.memory_space<vmem>>, vector<16xf32>,
        tpu.vector_store %arg15[%swap3A_106, %swap3A_107], %broadcast_in_dim3A_0 {strides = array<i32>} : memref<64x160xf32, #tpu.memory_space<vmem>>, vector<16xf32>,
        %swap3A_109 = arith.index_cast %add3A_82 : i32 to index
        %swap3A_110 = arith.constant 144 : index
        %swap3A_111 = tpu.vector_load %arg15[%swap3A_109, %swap3A_110] {strides = array<i32>} : memref<64x160xf32, #tpu.memory_space<vmem>>, vector<16xf32>,
        tpu.vector_store %arg15[%swap3A_109, %swap3A_110], %broadcast_in_dim3A_0 {strides = array<i32>} : memref<64x160xf32, #tpu.memory_space<vmem>>, vector<16xf32>,
      }
      %scan3A_11 = arith.constant 64 : i32
      %mul3A = arith.constant 640 : i32
      %mul3A_12 = arith.muli %arg1, %mul3A : i32
      %add3A = arith.constant 0 : i32
      %add3A_13 = arith.addi %mul3A_12, %add3A : i32
      "tpu.region"() ({
        %run_scoped3A = tpu.sem_alloc : memref<!tpu.dma_semaphore, #tpu.memory_space<semaphore_mem>>
        %dma_start3A = arith.constant 0 : i32
        %dma_start3A_78 = tpu.memref_slice %arg8[%add3A_13, %dma_start3A] : memref<10240x160xf32, #tpu.memory_space<vmem_shared>> -> memref<64x160xf32, #tpu.memory_space<vmem_shared>>
        %dma_start3A_79 = arith.constant 0 : i32
        %dma_start3A_80 = tpu.memref_slice %arg8[%add3A_13, %dma_start3A_79] : memref<10240x160xf32, #tpu.memory_space<vmem_shared>> -> memref<64x160xf32, #tpu.memory_space<vmem_shared>>
        tpu.enqueue_dma source(%arg15 : memref<64x160xf32, #tpu.memory_space<vmem>>) target(%dma_start3A_80 : memref<64x160xf32, #tpu.memory_space<vmem_shared>>) target_semaphore(%run_scoped3A : memref<!tpu.dma_semaphore, #tpu.memory_space<semaphore_mem>>)
        %dma_wait3A = arith.constant 0 : i32
        %dma_wait3A_81 = tpu.memref_slice %arg8[%add3A_13, %dma_wait3A] : memref<10240x160xf32, #tpu.memory_space<vmem_shared>> -> memref<64x160xf32, #tpu.memory_space<vmem_shared>>
        %dma_wait3A_82 = arith.constant 0 : i32
        %dma_wait3A_83 = tpu.memref_slice %arg8[%add3A_13, %dma_wait3A_82] : memref<10240x160xf32, #tpu.memory_space<vmem_shared>> -> memref<64x160xf32, #tpu.memory_space<vmem_shared>>
        tpu.wait_dma2 semaphore(%run_scoped3A : memref<!tpu.dma_semaphore, #tpu.memory_space<semaphore_mem>>) src(%arg15 : memref<64x160xf32, #tpu.memory_space<vmem>>) dst(%dma_wait3A_83 : memref<64x160xf32, #tpu.memory_space<vmem_shared>>)
        tpu.yield
      }) : () -> ()
      %add3A_14 = arith.constant 64 : i32
      %add3A_15 = arith.addi %mul3A_12, %add3A_14 : i32
      "tpu.region"() ({
        %run_scoped3A = tpu.sem_alloc : memref<!tpu.dma_semaphore, #tpu.memory_space<semaphore_mem>>
        %dma_start3A = arith.constant 0 : i32
        %dma_start3A_78 = tpu.memref_slice %arg8[%add3A_15, %dma_start3A] : memref<10240x160xf32, #tpu.memory_space<vmem_shared>> -> memref<64x160xf32, #tpu.memory_space<vmem_shared>>
        %dma_start3A_79 = arith.constant 0 : i32
        %dma_start3A_80 = tpu.memref_slice %arg8[%add3A_15, %dma_start3A_79] : memref<10240x160xf32, #tpu.memory_space<vmem_shared>> -> memref<64x160xf32, #tpu.memory_space<vmem_shared>>
        tpu.enqueue_dma source(%arg15 : memref<64x160xf32, #tpu.memory_space<vmem>>) target(%dma_start3A_80 : memref<64x160xf32, #tpu.memory_space<vmem_shared>>) target_semaphore(%run_scoped3A : memref<!tpu.dma_semaphore, #tpu.memory_space<semaphore_mem>>)
        %dma_wait3A = arith.constant 0 : i32
        %dma_wait3A_81 = tpu.memref_slice %arg8[%add3A_15, %dma_wait3A] : memref<10240x160xf32, #tpu.memory_space<vmem_shared>> -> memref<64x160xf32, #tpu.memory_space<vmem_shared>>
        %dma_wait3A_82 = arith.constant 0 : i32
        %dma_wait3A_83 = tpu.memref_slice %arg8[%add3A_15, %dma_wait3A_82] : memref<10240x160xf32, #tpu.memory_space<vmem_shared>> -> memref<64x160xf32, #tpu.memory_space<vmem_shared>>
        tpu.wait_dma2 semaphore(%run_scoped3A : memref<!tpu.dma_semaphore, #tpu.memory_space<semaphore_mem>>) src(%arg15 : memref<64x160xf32, #tpu.memory_space<vmem>>) dst(%dma_wait3A_83 : memref<64x160xf32, #tpu.memory_space<vmem_shared>>)
        tpu.yield
      }) : () -> ()
      %add3A_16 = arith.constant 128 : i32
      %add3A_17 = arith.addi %mul3A_12, %add3A_16 : i32
      "tpu.region"() ({
        %run_scoped3A = tpu.sem_alloc : memref<!tpu.dma_semaphore, #tpu.memory_space<semaphore_mem>>
        %dma_start3A = arith.constant 0 : i32
        %dma_start3A_78 = tpu.memref_slice %arg8[%add3A_17, %dma_start3A] : memref<10240x160xf32, #tpu.memory_space<vmem_shared>> -> memref<64x160xf32, #tpu.memory_space<vmem_shared>>
        %dma_start3A_79 = arith.constant 0 : i32
        %dma_start3A_80 = tpu.memref_slice %arg8[%add3A_17, %dma_start3A_79] : memref<10240x160xf32, #tpu.memory_space<vmem_shared>> -> memref<64x160xf32, #tpu.memory_space<vmem_shared>>
        tpu.enqueue_dma source(%arg15 : memref<64x160xf32, #tpu.memory_space<vmem>>) target(%dma_start3A_80 : memref<64x160xf32, #tpu.memory_space<vmem_shared>>) target_semaphore(%run_scoped3A : memref<!tpu.dma_semaphore, #tpu.memory_space<semaphore_mem>>)
        %dma_wait3A = arith.constant 0 : i32
        %dma_wait3A_81 = tpu.memref_slice %arg8[%add3A_17, %dma_wait3A] : memref<10240x160xf32, #tpu.memory_space<vmem_shared>> -> memref<64x160xf32, #tpu.memory_space<vmem_shared>>
        %dma_wait3A_82 = arith.constant 0 : i32
        %dma_wait3A_83 = tpu.memref_slice %arg8[%add3A_17, %dma_wait3A_82] : memref<10240x160xf32, #tpu.memory_space<vmem_shared>> -> memref<64x160xf32, #tpu.memory_space<vmem_shared>>
        tpu.wait_dma2 semaphore(%run_scoped3A : memref<!tpu.dma_semaphore, #tpu.memory_space<semaphore_mem>>) src(%arg15 : memref<64x160xf32, #tpu.memory_space<vmem>>) dst(%dma_wait3A_83 : memref<64x160xf32, #tpu.memory_space<vmem_shared>>)
        tpu.yield
      }) : () -> ()
      %add3A_18 = arith.constant 192 : i32
      %add3A_19 = arith.addi %mul3A_12, %add3A_18 : i32
      "tpu.region"() ({
        %run_scoped3A = tpu.sem_alloc : memref<!tpu.dma_semaphore, #tpu.memory_space<semaphore_mem>>
        %dma_start3A = arith.constant 0 : i32
        %dma_start3A_78 = tpu.memref_slice %arg8[%add3A_19, %dma_start3A] : memref<10240x160xf32, #tpu.memory_space<vmem_shared>> -> memref<64x160xf32, #tpu.memory_space<vmem_shared>>
        %dma_start3A_79 = arith.constant 0 : i32
        %dma_start3A_80 = tpu.memref_slice %arg8[%add3A_19, %dma_start3A_79] : memref<10240x160xf32, #tpu.memory_space<vmem_shared>> -> memref<64x160xf32, #tpu.memory_space<vmem_shared>>
        tpu.enqueue_dma source(%arg15 : memref<64x160xf32, #tpu.memory_space<vmem>>) target(%dma_start3A_80 : memref<64x160xf32, #tpu.memory_space<vmem_shared>>) target_semaphore(%run_scoped3A : memref<!tpu.dma_semaphore, #tpu.memory_space<semaphore_mem>>)
        %dma_wait3A = arith.constant 0 : i32
        %dma_wait3A_81 = tpu.memref_slice %arg8[%add3A_19, %dma_wait3A] : memref<10240x160xf32, #tpu.memory_space<vmem_shared>> -> memref<64x160xf32, #tpu.memory_space<vmem_shared>>
        %dma_wait3A_82 = arith.constant 0 : i32
        %dma_wait3A_83 = tpu.memref_slice %arg8[%add3A_19, %dma_wait3A_82] : memref<10240x160xf32, #tpu.memory_space<vmem_shared>> -> memref<64x160xf32, #tpu.memory_space<vmem_shared>>
        tpu.wait_dma2 semaphore(%run_scoped3A : memref<!tpu.dma_semaphore, #tpu.memory_space<semaphore_mem>>) src(%arg15 : memref<64x160xf32, #tpu.memory_space<vmem>>) dst(%dma_wait3A_83 : memref<64x160xf32, #tpu.memory_space<vmem_shared>>)
        tpu.yield
      }) : () -> ()
      %add3A_20 = arith.constant 256 : i32
      %add3A_21 = arith.addi %mul3A_12, %add3A_20 : i32
      "tpu.region"() ({
        %run_scoped3A = tpu.sem_alloc : memref<!tpu.dma_semaphore, #tpu.memory_space<semaphore_mem>>
        %dma_start3A = arith.constant 0 : i32
        %dma_start3A_78 = tpu.memref_slice %arg8[%add3A_21, %dma_start3A] : memref<10240x160xf32, #tpu.memory_space<vmem_shared>> -> memref<64x160xf32, #tpu.memory_space<vmem_shared>>
        %dma_start3A_79 = arith.constant 0 : i32
        %dma_start3A_80 = tpu.memref_slice %arg8[%add3A_21, %dma_start3A_79] : memref<10240x160xf32, #tpu.memory_space<vmem_shared>> -> memref<64x160xf32, #tpu.memory_space<vmem_shared>>
        tpu.enqueue_dma source(%arg15 : memref<64x160xf32, #tpu.memory_space<vmem>>) target(%dma_start3A_80 : memref<64x160xf32, #tpu.memory_space<vmem_shared>>) target_semaphore(%run_scoped3A : memref<!tpu.dma_semaphore, #tpu.memory_space<semaphore_mem>>)
        %dma_wait3A = arith.constant 0 : i32
        %dma_wait3A_81 = tpu.memref_slice %arg8[%add3A_21, %dma_wait3A] : memref<10240x160xf32, #tpu.memory_space<vmem_shared>> -> memref<64x160xf32, #tpu.memory_space<vmem_shared>>
        %dma_wait3A_82 = arith.constant 0 : i32
        %dma_wait3A_83 = tpu.memref_slice %arg8[%add3A_21, %dma_wait3A_82] : memref<10240x160xf32, #tpu.memory_space<vmem_shared>> -> memref<64x160xf32, #tpu.memory_space<vmem_shared>>
        tpu.wait_dma2 semaphore(%run_scoped3A : memref<!tpu.dma_semaphore, #tpu.memory_space<semaphore_mem>>) src(%arg15 : memref<64x160xf32, #tpu.memory_space<vmem>>) dst(%dma_wait3A_83 : memref<64x160xf32, #tpu.memory_space<vmem_shared>>)
        tpu.yield
      }) : () -> ()
      %add3A_22 = arith.constant 320 : i32
      %add3A_23 = arith.addi %mul3A_12, %add3A_22 : i32
      "tpu.region"() ({
        %run_scoped3A = tpu.sem_alloc : memref<!tpu.dma_semaphore, #tpu.memory_space<semaphore_mem>>
        %dma_start3A = arith.constant 0 : i32
        %dma_start3A_78 = tpu.memref_slice %arg8[%add3A_23, %dma_start3A] : memref<10240x160xf32, #tpu.memory_space<vmem_shared>> -> memref<64x160xf32, #tpu.memory_space<vmem_shared>>
        %dma_start3A_79 = arith.constant 0 : i32
        %dma_start3A_80 = tpu.memref_slice %arg8[%add3A_23, %dma_start3A_79] : memref<10240x160xf32, #tpu.memory_space<vmem_shared>> -> memref<64x160xf32, #tpu.memory_space<vmem_shared>>
        tpu.enqueue_dma source(%arg15 : memref<64x160xf32, #tpu.memory_space<vmem>>) target(%dma_start3A_80 : memref<64x160xf32, #tpu.memory_space<vmem_shared>>) target_semaphore(%run_scoped3A : memref<!tpu.dma_semaphore, #tpu.memory_space<semaphore_mem>>)
        %dma_wait3A = arith.constant 0 : i32
        %dma_wait3A_81 = tpu.memref_slice %arg8[%add3A_23, %dma_wait3A] : memref<10240x160xf32, #tpu.memory_space<vmem_shared>> -> memref<64x160xf32, #tpu.memory_space<vmem_shared>>
        %dma_wait3A_82 = arith.constant 0 : i32
        %dma_wait3A_83 = tpu.memref_slice %arg8[%add3A_23, %dma_wait3A_82] : memref<10240x160xf32, #tpu.memory_space<vmem_shared>> -> memref<64x160xf32, #tpu.memory_space<vmem_shared>>
        tpu.wait_dma2 semaphore(%run_scoped3A : memref<!tpu.dma_semaphore, #tpu.memory_space<semaphore_mem>>) src(%arg15 : memref<64x160xf32, #tpu.memory_space<vmem>>) dst(%dma_wait3A_83 : memref<64x160xf32, #tpu.memory_space<vmem_shared>>)
        tpu.yield
      }) : () -> ()
      %add3A_24 = arith.constant 384 : i32
      %add3A_25 = arith.addi %mul3A_12, %add3A_24 : i32
      "tpu.region"() ({
        %run_scoped3A = tpu.sem_alloc : memref<!tpu.dma_semaphore, #tpu.memory_space<semaphore_mem>>
        %dma_start3A = arith.constant 0 : i32
        %dma_start3A_78 = tpu.memref_slice %arg8[%add3A_25, %dma_start3A] : memref<10240x160xf32, #tpu.memory_space<vmem_shared>> -> memref<64x160xf32, #tpu.memory_space<vmem_shared>>
        %dma_start3A_79 = arith.constant 0 : i32
        %dma_start3A_80 = tpu.memref_slice %arg8[%add3A_25, %dma_start3A_79] : memref<10240x160xf32, #tpu.memory_space<vmem_shared>> -> memref<64x160xf32, #tpu.memory_space<vmem_shared>>
        tpu.enqueue_dma source(%arg15 : memref<64x160xf32, #tpu.memory_space<vmem>>) target(%dma_start3A_80 : memref<64x160xf32, #tpu.memory_space<vmem_shared>>) target_semaphore(%run_scoped3A : memref<!tpu.dma_semaphore, #tpu.memory_space<semaphore_mem>>)
        %dma_wait3A = arith.constant 0 : i32
        %dma_wait3A_81 = tpu.memref_slice %arg8[%add3A_25, %dma_wait3A] : memref<10240x160xf32, #tpu.memory_space<vmem_shared>> -> memref<64x160xf32, #tpu.memory_space<vmem_shared>>
        %dma_wait3A_82 = arith.constant 0 : i32
        %dma_wait3A_83 = tpu.memref_slice %arg8[%add3A_25, %dma_wait3A_82] : memref<10240x160xf32, #tpu.memory_space<vmem_shared>> -> memref<64x160xf32, #tpu.memory_space<vmem_shared>>
        tpu.wait_dma2 semaphore(%run_scoped3A : memref<!tpu.dma_semaphore, #tpu.memory_space<semaphore_mem>>) src(%arg15 : memref<64x160xf32, #tpu.memory_space<vmem>>) dst(%dma_wait3A_83 : memref<64x160xf32, #tpu.memory_space<vmem_shared>>)
        tpu.yield
      }) : () -> ()
      %add3A_26 = arith.constant 448 : i32
      %add3A_27 = arith.addi %mul3A_12, %add3A_26 : i32
      "tpu.region"() ({
        %run_scoped3A = tpu.sem_alloc : memref<!tpu.dma_semaphore, #tpu.memory_space<semaphore_mem>>
        %dma_start3A = arith.constant 0 : i32
        %dma_start3A_78 = tpu.memref_slice %arg8[%add3A_27, %dma_start3A] : memref<10240x160xf32, #tpu.memory_space<vmem_shared>> -> memref<64x160xf32, #tpu.memory_space<vmem_shared>>
        %dma_start3A_79 = arith.constant 0 : i32
        %dma_start3A_80 = tpu.memref_slice %arg8[%add3A_27, %dma_start3A_79] : memref<10240x160xf32, #tpu.memory_space<vmem_shared>> -> memref<64x160xf32, #tpu.memory_space<vmem_shared>>
        tpu.enqueue_dma source(%arg15 : memref<64x160xf32, #tpu.memory_space<vmem>>) target(%dma_start3A_80 : memref<64x160xf32, #tpu.memory_space<vmem_shared>>) target_semaphore(%run_scoped3A : memref<!tpu.dma_semaphore, #tpu.memory_space<semaphore_mem>>)
        %dma_wait3A = arith.constant 0 : i32
        %dma_wait3A_81 = tpu.memref_slice %arg8[%add3A_27, %dma_wait3A] : memref<10240x160xf32, #tpu.memory_space<vmem_shared>> -> memref<64x160xf32, #tpu.memory_space<vmem_shared>>
        %dma_wait3A_82 = arith.constant 0 : i32
        %dma_wait3A_83 = tpu.memref_slice %arg8[%add3A_27, %dma_wait3A_82] : memref<10240x160xf32, #tpu.memory_space<vmem_shared>> -> memref<64x160xf32, #tpu.memory_space<vmem_shared>>
        tpu.wait_dma2 semaphore(%run_scoped3A : memref<!tpu.dma_semaphore, #tpu.memory_space<semaphore_mem>>) src(%arg15 : memref<64x160xf32, #tpu.memory_space<vmem>>) dst(%dma_wait3A_83 : memref<64x160xf32, #tpu.memory_space<vmem_shared>>)
        tpu.yield
      }) : () -> ()
      %add3A_28 = arith.constant 512 : i32
      %add3A_29 = arith.addi %mul3A_12, %add3A_28 : i32
      "tpu.region"() ({
        %run_scoped3A = tpu.sem_alloc : memref<!tpu.dma_semaphore, #tpu.memory_space<semaphore_mem>>
        %dma_start3A = arith.constant 0 : i32
        %dma_start3A_78 = tpu.memref_slice %arg8[%add3A_29, %dma_start3A] : memref<10240x160xf32, #tpu.memory_space<vmem_shared>> -> memref<64x160xf32, #tpu.memory_space<vmem_shared>>
        %dma_start3A_79 = arith.constant 0 : i32
        %dma_start3A_80 = tpu.memref_slice %arg8[%add3A_29, %dma_start3A_79] : memref<10240x160xf32, #tpu.memory_space<vmem_shared>> -> memref<64x160xf32, #tpu.memory_space<vmem_shared>>
        tpu.enqueue_dma source(%arg15 : memref<64x160xf32, #tpu.memory_space<vmem>>) target(%dma_start3A_80 : memref<64x160xf32, #tpu.memory_space<vmem_shared>>) target_semaphore(%run_scoped3A : memref<!tpu.dma_semaphore, #tpu.memory_space<semaphore_mem>>)
        %dma_wait3A = arith.constant 0 : i32
        %dma_wait3A_81 = tpu.memref_slice %arg8[%add3A_29, %dma_wait3A] : memref<10240x160xf32, #tpu.memory_space<vmem_shared>> -> memref<64x160xf32, #tpu.memory_space<vmem_shared>>
        %dma_wait3A_82 = arith.constant 0 : i32
        %dma_wait3A_83 = tpu.memref_slice %arg8[%add3A_29, %dma_wait3A_82] : memref<10240x160xf32, #tpu.memory_space<vmem_shared>> -> memref<64x160xf32, #tpu.memory_space<vmem_shared>>
        tpu.wait_dma2 semaphore(%run_scoped3A : memref<!tpu.dma_semaphore, #tpu.memory_space<semaphore_mem>>) src(%arg15 : memref<64x160xf32, #tpu.memory_space<vmem>>) dst(%dma_wait3A_83 : memref<64x160xf32, #tpu.memory_space<vmem_shared>>)
        tpu.yield
      }) : () -> ()
      %add3A_30 = arith.constant 576 : i32
      %add3A_31 = arith.addi %mul3A_12, %add3A_30 : i32
      "tpu.region"() ({
        %run_scoped3A = tpu.sem_alloc : memref<!tpu.dma_semaphore, #tpu.memory_space<semaphore_mem>>
        %dma_start3A = arith.constant 0 : i32
        %dma_start3A_78 = tpu.memref_slice %arg8[%add3A_31, %dma_start3A] : memref<10240x160xf32, #tpu.memory_space<vmem_shared>> -> memref<64x160xf32, #tpu.memory_space<vmem_shared>>
        %dma_start3A_79 = arith.constant 0 : i32
        %dma_start3A_80 = tpu.memref_slice %arg8[%add3A_31, %dma_start3A_79] : memref<10240x160xf32, #tpu.memory_space<vmem_shared>> -> memref<64x160xf32, #tpu.memory_space<vmem_shared>>
        tpu.enqueue_dma source(%arg15 : memref<64x160xf32, #tpu.memory_space<vmem>>) target(%dma_start3A_80 : memref<64x160xf32, #tpu.memory_space<vmem_shared>>) target_semaphore(%run_scoped3A : memref<!tpu.dma_semaphore, #tpu.memory_space<semaphore_mem>>)
        %dma_wait3A = arith.constant 0 : i32
        %dma_wait3A_81 = tpu.memref_slice %arg8[%add3A_31, %dma_wait3A] : memref<10240x160xf32, #tpu.memory_space<vmem_shared>> -> memref<64x160xf32, #tpu.memory_space<vmem_shared>>
        %dma_wait3A_82 = arith.constant 0 : i32
        %dma_wait3A_83 = tpu.memref_slice %arg8[%add3A_31, %dma_wait3A_82] : memref<10240x160xf32, #tpu.memory_space<vmem_shared>> -> memref<64x160xf32, #tpu.memory_space<vmem_shared>>
        tpu.wait_dma2 semaphore(%run_scoped3A : memref<!tpu.dma_semaphore, #tpu.memory_space<semaphore_mem>>) src(%arg15 : memref<64x160xf32, #tpu.memory_space<vmem>>) dst(%dma_wait3A_83 : memref<64x160xf32, #tpu.memory_space<vmem_shared>>)
        tpu.yield
      }) : () -> ()
      %barrier3A = arith.constant 0 : index
      tpu.barrier barrier_id(%barrier3A)
      %scan3A_32 = arith.constant 0 : i32
      %scan3A_33 = arith.constant 160 : i32
      %scan3A_34 = arith.addi %scan3A_32, %scan3A_33 : i32
      %scan3A_35 = arith.constant 1 : i32
      scf.for %scan3A_78 = %scan3A_32 to %scan3A_34 step %scan3A_35  : i32 {
        %mul3A_79 = arith.constant 1 : i32
        %mul3A_80 = arith.muli %scan3A_78, %mul3A_79 : i32
        %add3A_81 = arith.constant 0 : i32
        %add3A_82 = arith.addi %add3A_81, %mul3A_80 : i32
        %mul3A_83 = arith.constant 10240 : i32
        %mul3A_84 = arith.muli %arg1, %mul3A_83 : i32
        %mul3A_85 = arith.constant 64 : i32
        %mul3A_86 = arith.muli %add3A_82, %mul3A_85 : i32
        %add3A_87 = arith.addi %mul3A_84, %mul3A_86 : i32
        "tpu.region"() ({
          %run_scoped3A = tpu.sem_alloc : memref<!tpu.dma_semaphore, #tpu.memory_space<semaphore_mem>>
          %dma_start3A_215 = tpu.memref_slice %arg4[%add3A_87] : memref<163840xi32, #tpu.memory_space<hbm>> -> memref<64xi32, #tpu.memory_space<hbm>>
          %dma_start3A_216 = tpu.memref_slice %arg4[%add3A_87] : memref<163840xi32, #tpu.memory_space<hbm>> -> memref<64xi32, #tpu.memory_space<hbm>>
          tpu.enqueue_dma source(%dma_start3A_216 : memref<64xi32, #tpu.memory_space<hbm>>) target(%arg9 : memref<64xi32, #tpu.memory_space<vmem>>) target_semaphore(%run_scoped3A : memref<!tpu.dma_semaphore, #tpu.memory_space<semaphore_mem>>)
          %dma_wait3A_217 = tpu.memref_slice %arg4[%add3A_87] : memref<163840xi32, #tpu.memory_space<hbm>> -> memref<64xi32, #tpu.memory_space<hbm>>
          %dma_wait3A_218 = tpu.memref_slice %arg4[%add3A_87] : memref<163840xi32, #tpu.memory_space<hbm>> -> memref<64xi32, #tpu.memory_space<hbm>>
          tpu.wait_dma2 semaphore(%run_scoped3A : memref<!tpu.dma_semaphore, #tpu.memory_space<semaphore_mem>>) src(%dma_wait3A_218 : memref<64xi32, #tpu.memory_space<hbm>>) dst(%arg9 : memref<64xi32, #tpu.memory_space<vmem>>)
          tpu.yield
        }) : () -> ()
        "tpu.region"() ({
          %run_scoped3A = tpu.sem_alloc : memref<!tpu.dma_semaphore, #tpu.memory_space<semaphore_mem>>
          %dma_start3A_215 = tpu.memref_slice %arg5[%add3A_87] : memref<163840xi32, #tpu.memory_space<hbm>> -> memref<64xi32, #tpu.memory_space<hbm>>
          %dma_start3A_216 = tpu.memref_slice %arg5[%add3A_87] : memref<163840xi32, #tpu.memory_space<hbm>> -> memref<64xi32, #tpu.memory_space<hbm>>
          tpu.enqueue_dma source(%dma_start3A_216 : memref<64xi32, #tpu.memory_space<hbm>>) target(%arg10 : memref<64xi32, #tpu.memory_space<vmem>>) target_semaphore(%run_scoped3A : memref<!tpu.dma_semaphore, #tpu.memory_space<semaphore_mem>>)
          %dma_wait3A_217 = tpu.memref_slice %arg5[%add3A_87] : memref<163840xi32, #tpu.memory_space<hbm>> -> memref<64xi32, #tpu.memory_space<hbm>>
          %dma_wait3A_218 = tpu.memref_slice %arg5[%add3A_87] : memref<163840xi32, #tpu.memory_space<hbm>> -> memref<64xi32, #tpu.memory_space<hbm>>
          tpu.wait_dma2 semaphore(%run_scoped3A : memref<!tpu.dma_semaphore, #tpu.memory_space<semaphore_mem>>) src(%dma_wait3A_218 : memref<64xi32, #tpu.memory_space<hbm>>) dst(%arg10 : memref<64xi32, #tpu.memory_space<vmem>>)
          tpu.yield
        }) : () -> ()
        %add3A_88 = arith.constant 0 : i32
        %add3A_89 = arith.addi %add3A_88, %add3A_87 : i32
        "tpu.region"() ({
          %run_scoped3A = tpu.sem_alloc : memref<!tpu.dma_semaphore, #tpu.memory_space<semaphore_mem>>
          %dma_start3A_215 = tpu.memref_slice %arg3[%add3A_89] : memref<1310720xf32, #tpu.memory_space<hbm>> -> memref<64xf32, #tpu.memory_space<hbm>>
          %dma_start3A_216 = tpu.memref_slice %arg3[%add3A_89] : memref<1310720xf32, #tpu.memory_space<hbm>> -> memref<64xf32, #tpu.memory_space<hbm>>
          tpu.enqueue_dma source(%dma_start3A_216 : memref<64xf32, #tpu.memory_space<hbm>>) target(%arg13 : memref<64xf32, #tpu.memory_space<vmem>>) target_semaphore(%run_scoped3A : memref<!tpu.dma_semaphore, #tpu.memory_space<semaphore_mem>>)
          %dma_wait3A_217 = tpu.memref_slice %arg3[%add3A_89] : memref<1310720xf32, #tpu.memory_space<hbm>> -> memref<64xf32, #tpu.memory_space<hbm>>
          %dma_wait3A_218 = tpu.memref_slice %arg3[%add3A_89] : memref<1310720xf32, #tpu.memory_space<hbm>> -> memref<64xf32, #tpu.memory_space<hbm>>
          tpu.wait_dma2 semaphore(%run_scoped3A : memref<!tpu.dma_semaphore, #tpu.memory_space<semaphore_mem>>) src(%dma_wait3A_218 : memref<64xf32, #tpu.memory_space<hbm>>) dst(%arg13 : memref<64xf32, #tpu.memory_space<vmem>>)
          tpu.yield
        }) : () -> ()
        %add3A_90 = arith.constant 163840 : i32
        %add3A_91 = arith.addi %add3A_90, %add3A_87 : i32
        "tpu.region"() ({
          %run_scoped3A = tpu.sem_alloc : memref<!tpu.dma_semaphore, #tpu.memory_space<semaphore_mem>>
          %dma_start3A_215 = tpu.memref_slice %arg3[%add3A_91] : memref<1310720xf32, #tpu.memory_space<hbm>> -> memref<64xf32, #tpu.memory_space<hbm>>
          %dma_start3A_216 = tpu.memref_slice %arg3[%add3A_91] : memref<1310720xf32, #tpu.memory_space<hbm>> -> memref<64xf32, #tpu.memory_space<hbm>>
          tpu.enqueue_dma source(%dma_start3A_216 : memref<64xf32, #tpu.memory_space<hbm>>) target(%arg14 : memref<64xf32, #tpu.memory_space<vmem>>) target_semaphore(%run_scoped3A : memref<!tpu.dma_semaphore, #tpu.memory_space<semaphore_mem>>)
          %dma_wait3A_217 = tpu.memref_slice %arg3[%add3A_91] : memref<1310720xf32, #tpu.memory_space<hbm>> -> memref<64xf32, #tpu.memory_space<hbm>>
          %dma_wait3A_218 = tpu.memref_slice %arg3[%add3A_91] : memref<1310720xf32, #tpu.memory_space<hbm>> -> memref<64xf32, #tpu.memory_space<hbm>>
          tpu.wait_dma2 semaphore(%run_scoped3A : memref<!tpu.dma_semaphore, #tpu.memory_space<semaphore_mem>>) src(%dma_wait3A_218 : memref<64xf32, #tpu.memory_space<hbm>>) dst(%arg14 : memref<64xf32, #tpu.memory_space<vmem>>)
          tpu.yield
        }) : () -> ()
        %get3A = arith.constant 0 : index
        %get3A_92 = tpu.vector_load %arg9[%get3A] {strides = array<i32>} : memref<64xi32, #tpu.memory_space<vmem>>, vector<16xi32>,
        %add3A_93 = arith.constant 0 : i32
        %add3A_94 = vector.broadcast %add3A_93 : i32 to vector<16xi32>
        %add3A_95 = arith.addi %get3A_92, %add3A_94 : vector<16xi32>
        %swap3A = arith.constant 0 : index
        %swap3A_96 = tpu.vector_load %arg11[%swap3A] {strides = array<i32>} : memref<64xi32, #tpu.memory_space<vmem>>, vector<16xi32>,
        tpu.vector_store %arg11[%swap3A], %add3A_95 {strides = array<i32>} : memref<64xi32, #tpu.memory_space<vmem>>, vector<16xi32>,
        %get3A_97 = arith.constant 16 : index
        %get3A_98 = tpu.vector_load %arg9[%get3A_97] {strides = array<i32>} : memref<64xi32, #tpu.memory_space<vmem>>, vector<16xi32>,
        %add3A_99 = arith.constant 0 : i32
        %add3A_100 = vector.broadcast %add3A_99 : i32 to vector<16xi32>
        %add3A_101 = arith.addi %get3A_98, %add3A_100 : vector<16xi32>
        %swap3A_102 = arith.constant 16 : index
        %swap3A_103 = tpu.vector_load %arg11[%swap3A_102] {strides = array<i32>} : memref<64xi32, #tpu.memory_space<vmem>>, vector<16xi32>,
        tpu.vector_store %arg11[%swap3A_102], %add3A_101 {strides = array<i32>} : memref<64xi32, #tpu.memory_space<vmem>>, vector<16xi32>,
        %get3A_104 = arith.constant 32 : index
        %get3A_105 = tpu.vector_load %arg9[%get3A_104] {strides = array<i32>} : memref<64xi32, #tpu.memory_space<vmem>>, vector<16xi32>,
        %add3A_106 = arith.constant 0 : i32
        %add3A_107 = vector.broadcast %add3A_106 : i32 to vector<16xi32>
        %add3A_108 = arith.addi %get3A_105, %add3A_107 : vector<16xi32>
        %swap3A_109 = arith.constant 32 : index
        %swap3A_110 = tpu.vector_load %arg11[%swap3A_109] {strides = array<i32>} : memref<64xi32, #tpu.memory_space<vmem>>, vector<16xi32>,
        tpu.vector_store %arg11[%swap3A_109], %add3A_108 {strides = array<i32>} : memref<64xi32, #tpu.memory_space<vmem>>, vector<16xi32>,
        %get3A_111 = arith.constant 48 : index
        %get3A_112 = tpu.vector_load %arg9[%get3A_111] {strides = array<i32>} : memref<64xi32, #tpu.memory_space<vmem>>, vector<16xi32>,
        %add3A_113 = arith.constant 0 : i32
        %add3A_114 = vector.broadcast %add3A_113 : i32 to vector<16xi32>
        %add3A_115 = arith.addi %get3A_112, %add3A_114 : vector<16xi32>
        %swap3A_116 = arith.constant 48 : index
        %swap3A_117 = tpu.vector_load %arg11[%swap3A_116] {strides = array<i32>} : memref<64xi32, #tpu.memory_space<vmem>>, vector<16xi32>,
        tpu.vector_store %arg11[%swap3A_116], %add3A_115 {strides = array<i32>} : memref<64xi32, #tpu.memory_space<vmem>>, vector<16xi32>,
        %dma_start3A = arith.constant 0 : i32
        %dma_start3A_118 = arith.constant 0 : i32
        %dma_start3A_119 = tpu.memref_slice %arg2[%dma_start3A, %dma_start3A_118] : memref<40960x128xf32, #tpu.memory_space<hbm>> -> memref<40960x128xf32, #tpu.memory_space<hbm>>
        tpu.enqueue_indirect_dma source(%dma_start3A_119 : memref<40960x128xf32, #tpu.memory_space<hbm>>) target(%arg12 : memref<64x128xf32, #tpu.memory_space<vmem>>) offsets(%arg11 : memref<64xi32, #tpu.memory_space<vmem>>) semaphore(%arg17 : memref<!tpu.dma_semaphore, #tpu.memory_space<semaphore_mem>>)
        %dma_wait3A = arith.constant 0 : i32
        %dma_wait3A_120 = arith.constant 0 : i32
        %dma_wait3A_121 = tpu.memref_slice %arg2[%dma_wait3A, %dma_wait3A_120] : memref<40960x128xf32, #tpu.memory_space<hbm>> -> memref<40960x128xf32, #tpu.memory_space<hbm>>
        tpu.wait_indirect_dma semaphore(%arg17 : memref<!tpu.dma_semaphore, #tpu.memory_space<semaphore_mem>>) src(%dma_wait3A_121 : memref<40960x128xf32, #tpu.memory_space<hbm>>) dst(%arg12 : memref<64x128xf32, #tpu.memory_space<vmem>>)
        %get3A_122 = arith.constant 0 : index
        %get3A_123 = tpu.vector_load %arg16[%get3A_122] {strides = array<i32>} : memref<128xf32, #tpu.memory_space<vmem>>, vector<16xf32>,
        %get3A_124 = arith.constant 16 : index
        %get3A_125 = tpu.vector_load %arg16[%get3A_124] {strides = array<i32>} : memref<128xf32, #tpu.memory_space<vmem>>, vector<16xf32>,
        %iota3A = tpu.iota {dimensions = array<i32: 0>} : vector<16xi32>
        %add3A_126 = arith.constant 0 : i32
        %add3A_127 = vector.broadcast %add3A_126 : i32 to vector<16xi32>
        %add3A_128 = arith.addi %iota3A, %add3A_127 : vector<16xi32>
        %get3A_129 = arith.constant 0 : index
        %get3A_130 = tpu.vector_load %arg13[%get3A_129] {strides = array<i32>} : memref<64xf32, #tpu.memory_space<vmem>>, vector<16xf32>,
        %sub3A = arith.subf %get3A_130, %get3A_123 : vector<16xf32>
        %exp3A = math.exp %sub3A : vector<16xf32>
        %get3A_131 = arith.constant 0 : index
        %get3A_132 = tpu.vector_load %arg14[%get3A_131] {strides = array<i32>} : memref<64xf32, #tpu.memory_space<vmem>>, vector<16xf32>,
        %sub3A_133 = arith.subf %get3A_132, %get3A_125 : vector<16xf32>
        %exp3A_134 = math.exp %sub3A_133 : vector<16xf32>
        %broadcast_in_dim3A_135 = arith.constant 64 : i32
        %broadcast_in_dim3A_136 = vector.broadcast %broadcast_in_dim3A_135 : i32 to vector<16xi32>
        tpu.vector_store_idx %arg15[%add3A_128, %broadcast_in_dim3A_136], %exp3A : memref<64x160xf32, #tpu.memory_space<vmem>>[vector<16xi32>, vector<16xi32>], vector<16xf32>,
        %broadcast_in_dim3A_137 = arith.constant 144 : i32
        %broadcast_in_dim3A_138 = vector.broadcast %broadcast_in_dim3A_137 : i32 to vector<16xi32>
        tpu.vector_store_idx %arg15[%add3A_128, %broadcast_in_dim3A_138], %exp3A_134 : memref<64x160xf32, #tpu.memory_space<vmem>>[vector<16xi32>, vector<16xi32>], vector<16xf32>,
        %scan3A_139 = arith.constant 0 : i32
        %scan3A_140 = arith.constant 0 : i32
        %scan3A_141 = arith.constant 64 : i32
        %scan3A_142 = arith.addi %scan3A_140, %scan3A_141 : i32
        %scan3A_143 = arith.constant 1 : i32
        %scan3A_144 = scf.for %scan3A_215 = %scan3A_140 to %scan3A_142 step %scan3A_143 iter_args(%scan3A_216 = %scan3A_139) -> (i32)  : i32 {
          %broadcast_in_dim3A_217 = arith.constant 0 : i32
          %broadcast_in_dim3A_218 = vector.broadcast %broadcast_in_dim3A_217 : i32 to vector<16xi32>
          %add3A_219 = vector.broadcast %scan3A_215 : i32 to vector<16xi32>
          %add3A_220 = arith.addi %broadcast_in_dim3A_218, %add3A_219 : vector<16xi32>
          %broadcast_in_dim3A_221 = arith.constant 64 : i32
          %broadcast_in_dim3A_222 = vector.broadcast %broadcast_in_dim3A_221 : i32 to vector<16xi32>
          %add3A_223 = vector.broadcast %scan3A_215 : i32 to vector<16xi32>
          %add3A_224 = arith.addi %broadcast_in_dim3A_222, %add3A_223 : vector<16xi32>
          %gather3A = tpu.vector_load_idx %arg12[%add3A_128, %add3A_220] : memref<64x128xf32, #tpu.memory_space<vmem>>[vector<16xi32>, vector<16xi32>], vector<16xf32>,
          %gather3A_225 = tpu.vector_load_idx %arg12[%add3A_128, %add3A_224] : memref<64x128xf32, #tpu.memory_space<vmem>>[vector<16xi32>, vector<16xi32>], vector<16xf32>,
          %mul3A_226 = arith.mulf %gather3A, %exp3A : vector<16xf32>
          tpu.vector_store_idx %arg15[%add3A_128, %add3A_220], %mul3A_226 : memref<64x160xf32, #tpu.memory_space<vmem>>[vector<16xi32>, vector<16xi32>], vector<16xf32>,
          %broadcast_in_dim3A_227 = arith.constant 80 : i32
          %broadcast_in_dim3A_228 = vector.broadcast %broadcast_in_dim3A_227 : i32 to vector<16xi32>
          %add3A_229 = vector.broadcast %scan3A_215 : i32 to vector<16xi32>
          %add3A_230 = arith.addi %broadcast_in_dim3A_228, %add3A_229 : vector<16xi32>
          %mul3A_231 = arith.mulf %gather3A_225, %exp3A_134 : vector<16xf32>
          tpu.vector_store_idx %arg15[%add3A_128, %add3A_230], %mul3A_231 : memref<64x160xf32, #tpu.memory_space<vmem>>[vector<16xi32>, vector<16xi32>], vector<16xf32>,
          %scan3A_232 = arith.constant 0 : i32
          scf.yield %scan3A_232 : i32
        }
        %scan3A_145 = arith.constant 64 : i32
        %iota3A_146 = tpu.iota {dimensions = array<i32: 0>} : vector<16xi32>
        %add3A_147 = arith.constant 16 : i32
        %add3A_148 = vector.broadcast %add3A_147 : i32 to vector<16xi32>
        %add3A_149 = arith.addi %iota3A_146, %add3A_148 : vector<16xi32>
        %get3A_150 = arith.constant 16 : index
        %get3A_151 = tpu.vector_load %arg13[%get3A_150] {strides = array<i32>} : memref<64xf32, #tpu.memory_space<vmem>>, vector<16xf32>,
        %sub3A_152 = arith.subf %get3A_151, %get3A_123 : vector<16xf32>
        %exp3A_153 = math.exp %sub3A_152 : vector<16xf32>
        %get3A_154 = arith.constant 16 : index
        %get3A_155 = tpu.vector_load %arg14[%get3A_154] {strides = array<i32>} : memref<64xf32, #tpu.memory_space<vmem>>, vector<16xf32>,
        %sub3A_156 = arith.subf %get3A_155, %get3A_125 : vector<16xf32>
        %exp3A_157 = math.exp %sub3A_156 : vector<16xf32>
        %broadcast_in_dim3A_158 = arith.constant 64 : i32
        %broadcast_in_dim3A_159 = vector.broadcast %broadcast_in_dim3A_158 : i32 to vector<16xi32>
        tpu.vector_store_idx %arg15[%add3A_149, %broadcast_in_dim3A_159], %exp3A_153 : memref<64x160xf32, #tpu.memory_space<vmem>>[vector<16xi32>, vector<16xi32>], vector<16xf32>,
        %broadcast_in_dim3A_160 = arith.constant 144 : i32
        %broadcast_in_dim3A_161 = vector.broadcast %broadcast_in_dim3A_160 : i32 to vector<16xi32>
        tpu.vector_store_idx %arg15[%add3A_149, %broadcast_in_dim3A_161], %exp3A_157 : memref<64x160xf32, #tpu.memory_space<vmem>>[vector<16xi32>, vector<16xi32>], vector<16xf32>,
        %scan3A_162 = arith.constant 0 : i32
        %scan3A_163 = arith.constant 0 : i32
        %scan3A_164 = arith.constant 64 : i32
        %scan3A_165 = arith.addi %scan3A_163, %scan3A_164 : i32
        %scan3A_166 = arith.constant 1 : i32
        %scan3A_167 = scf.for %scan3A_215 = %scan3A_163 to %scan3A_165 step %scan3A_166 iter_args(%scan3A_216 = %scan3A_162) -> (i32)  : i32 {
          %broadcast_in_dim3A_217 = arith.constant 0 : i32
          %broadcast_in_dim3A_218 = vector.broadcast %broadcast_in_dim3A_217 : i32 to vector<16xi32>
          %add3A_219 = vector.broadcast %scan3A_215 : i32 to vector<16xi32>
          %add3A_220 = arith.addi %broadcast_in_dim3A_218, %add3A_219 : vector<16xi32>
          %broadcast_in_dim3A_221 = arith.constant 64 : i32
          %broadcast_in_dim3A_222 = vector.broadcast %broadcast_in_dim3A_221 : i32 to vector<16xi32>
          %add3A_223 = vector.broadcast %scan3A_215 : i32 to vector<16xi32>
          %add3A_224 = arith.addi %broadcast_in_dim3A_222, %add3A_223 : vector<16xi32>
          %gather3A = tpu.vector_load_idx %arg12[%add3A_149, %add3A_220] : memref<64x128xf32, #tpu.memory_space<vmem>>[vector<16xi32>, vector<16xi32>], vector<16xf32>,
          %gather3A_225 = tpu.vector_load_idx %arg12[%add3A_149, %add3A_224] : memref<64x128xf32, #tpu.memory_space<vmem>>[vector<16xi32>, vector<16xi32>], vector<16xf32>,
          %mul3A_226 = arith.mulf %gather3A, %exp3A_153 : vector<16xf32>
          tpu.vector_store_idx %arg15[%add3A_149, %add3A_220], %mul3A_226 : memref<64x160xf32, #tpu.memory_space<vmem>>[vector<16xi32>, vector<16xi32>], vector<16xf32>,
          %broadcast_in_dim3A_227 = arith.constant 80 : i32
          %broadcast_in_dim3A_228 = vector.broadcast %broadcast_in_dim3A_227 : i32 to vector<16xi32>
          %add3A_229 = vector.broadcast %scan3A_215 : i32 to vector<16xi32>
          %add3A_230 = arith.addi %broadcast_in_dim3A_228, %add3A_229 : vector<16xi32>
          %mul3A_231 = arith.mulf %gather3A_225, %exp3A_157 : vector<16xf32>
          tpu.vector_store_idx %arg15[%add3A_149, %add3A_230], %mul3A_231 : memref<64x160xf32, #tpu.memory_space<vmem>>[vector<16xi32>, vector<16xi32>], vector<16xf32>,
          %scan3A_232 = arith.constant 0 : i32
          scf.yield %scan3A_232 : i32
        }
        %scan3A_168 = arith.constant 64 : i32
        %iota3A_169 = tpu.iota {dimensions = array<i32: 0>} : vector<16xi32>
        %add3A_170 = arith.constant 32 : i32
        %add3A_171 = vector.broadcast %add3A_170 : i32 to vector<16xi32>
        %add3A_172 = arith.addi %iota3A_169, %add3A_171 : vector<16xi32>
        %get3A_173 = arith.constant 32 : index
        %get3A_174 = tpu.vector_load %arg13[%get3A_173] {strides = array<i32>} : memref<64xf32, #tpu.memory_space<vmem>>, vector<16xf32>,
        %sub3A_175 = arith.subf %get3A_174, %get3A_123 : vector<16xf32>
        %exp3A_176 = math.exp %sub3A_175 : vector<16xf32>
        %get3A_177 = arith.constant 32 : index
        %get3A_178 = tpu.vector_load %arg14[%get3A_177] {strides = array<i32>} : memref<64xf32, #tpu.memory_space<vmem>>, vector<16xf32>,
        %sub3A_179 = arith.subf %get3A_178, %get3A_125 : vector<16xf32>
        %exp3A_180 = math.exp %sub3A_179 : vector<16xf32>
        %broadcast_in_dim3A_181 = arith.constant 64 : i32
        %broadcast_in_dim3A_182 = vector.broadcast %broadcast_in_dim3A_181 : i32 to vector<16xi32>
        tpu.vector_store_idx %arg15[%add3A_172, %broadcast_in_dim3A_182], %exp3A_176 : memref<64x160xf32, #tpu.memory_space<vmem>>[vector<16xi32>, vector<16xi32>], vector<16xf32>,
        %broadcast_in_dim3A_183 = arith.constant 144 : i32
        %broadcast_in_dim3A_184 = vector.broadcast %broadcast_in_dim3A_183 : i32 to vector<16xi32>
        tpu.vector_store_idx %arg15[%add3A_172, %broadcast_in_dim3A_184], %exp3A_180 : memref<64x160xf32, #tpu.memory_space<vmem>>[vector<16xi32>, vector<16xi32>], vector<16xf32>,
        %scan3A_185 = arith.constant 0 : i32
        %scan3A_186 = arith.constant 0 : i32
        %scan3A_187 = arith.constant 64 : i32
        %scan3A_188 = arith.addi %scan3A_186, %scan3A_187 : i32
        %scan3A_189 = arith.constant 1 : i32
        %scan3A_190 = scf.for %scan3A_215 = %scan3A_186 to %scan3A_188 step %scan3A_189 iter_args(%scan3A_216 = %scan3A_185) -> (i32)  : i32 {
          %broadcast_in_dim3A_217 = arith.constant 0 : i32
          %broadcast_in_dim3A_218 = vector.broadcast %broadcast_in_dim3A_217 : i32 to vector<16xi32>
          %add3A_219 = vector.broadcast %scan3A_215 : i32 to vector<16xi32>
          %add3A_220 = arith.addi %broadcast_in_dim3A_218, %add3A_219 : vector<16xi32>
          %broadcast_in_dim3A_221 = arith.constant 64 : i32
          %broadcast_in_dim3A_222 = vector.broadcast %broadcast_in_dim3A_221 : i32 to vector<16xi32>
          %add3A_223 = vector.broadcast %scan3A_215 : i32 to vector<16xi32>
          %add3A_224 = arith.addi %broadcast_in_dim3A_222, %add3A_223 : vector<16xi32>
          %gather3A = tpu.vector_load_idx %arg12[%add3A_172, %add3A_220] : memref<64x128xf32, #tpu.memory_space<vmem>>[vector<16xi32>, vector<16xi32>], vector<16xf32>,
          %gather3A_225 = tpu.vector_load_idx %arg12[%add3A_172, %add3A_224] : memref<64x128xf32, #tpu.memory_space<vmem>>[vector<16xi32>, vector<16xi32>], vector<16xf32>,
          %mul3A_226 = arith.mulf %gather3A, %exp3A_176 : vector<16xf32>
          tpu.vector_store_idx %arg15[%add3A_172, %add3A_220], %mul3A_226 : memref<64x160xf32, #tpu.memory_space<vmem>>[vector<16xi32>, vector<16xi32>], vector<16xf32>,
          %broadcast_in_dim3A_227 = arith.constant 80 : i32
          %broadcast_in_dim3A_228 = vector.broadcast %broadcast_in_dim3A_227 : i32 to vector<16xi32>
          %add3A_229 = vector.broadcast %scan3A_215 : i32 to vector<16xi32>
          %add3A_230 = arith.addi %broadcast_in_dim3A_228, %add3A_229 : vector<16xi32>
          %mul3A_231 = arith.mulf %gather3A_225, %exp3A_180 : vector<16xf32>
          tpu.vector_store_idx %arg15[%add3A_172, %add3A_230], %mul3A_231 : memref<64x160xf32, #tpu.memory_space<vmem>>[vector<16xi32>, vector<16xi32>], vector<16xf32>,
          %scan3A_232 = arith.constant 0 : i32
          scf.yield %scan3A_232 : i32
        }
        %scan3A_191 = arith.constant 64 : i32
        %iota3A_192 = tpu.iota {dimensions = array<i32: 0>} : vector<16xi32>
        %add3A_193 = arith.constant 48 : i32
        %add3A_194 = vector.broadcast %add3A_193 : i32 to vector<16xi32>
        %add3A_195 = arith.addi %iota3A_192, %add3A_194 : vector<16xi32>
        %get3A_196 = arith.constant 48 : index
        %get3A_197 = tpu.vector_load %arg13[%get3A_196] {strides = array<i32>} : memref<64xf32, #tpu.memory_space<vmem>>, vector<16xf32>,
        %sub3A_198 = arith.subf %get3A_197, %get3A_123 : vector<16xf32>
        %exp3A_199 = math.exp %sub3A_198 : vector<16xf32>
        %get3A_200 = arith.constant 48 : index
        %get3A_201 = tpu.vector_load %arg14[%get3A_200] {strides = array<i32>} : memref<64xf32, #tpu.memory_space<vmem>>, vector<16xf32>,
        %sub3A_202 = arith.subf %get3A_201, %get3A_125 : vector<16xf32>
        %exp3A_203 = math.exp %sub3A_202 : vector<16xf32>
        %broadcast_in_dim3A_204 = arith.constant 64 : i32
        %broadcast_in_dim3A_205 = vector.broadcast %broadcast_in_dim3A_204 : i32 to vector<16xi32>
        tpu.vector_store_idx %arg15[%add3A_195, %broadcast_in_dim3A_205], %exp3A_199 : memref<64x160xf32, #tpu.memory_space<vmem>>[vector<16xi32>, vector<16xi32>], vector<16xf32>,
        %broadcast_in_dim3A_206 = arith.constant 144 : i32
        %broadcast_in_dim3A_207 = vector.broadcast %broadcast_in_dim3A_206 : i32 to vector<16xi32>
        tpu.vector_store_idx %arg15[%add3A_195, %broadcast_in_dim3A_207], %exp3A_203 : memref<64x160xf32, #tpu.memory_space<vmem>>[vector<16xi32>, vector<16xi32>], vector<16xf32>,
        %scan3A_208 = arith.constant 0 : i32
        %scan3A_209 = arith.constant 0 : i32
        %scan3A_210 = arith.constant 64 : i32
        %scan3A_211 = arith.addi %scan3A_209, %scan3A_210 : i32
        %scan3A_212 = arith.constant 1 : i32
        %scan3A_213 = scf.for %scan3A_215 = %scan3A_209 to %scan3A_211 step %scan3A_212 iter_args(%scan3A_216 = %scan3A_208) -> (i32)  : i32 {
          %broadcast_in_dim3A_217 = arith.constant 0 : i32
          %broadcast_in_dim3A_218 = vector.broadcast %broadcast_in_dim3A_217 : i32 to vector<16xi32>
          %add3A_219 = vector.broadcast %scan3A_215 : i32 to vector<16xi32>
          %add3A_220 = arith.addi %broadcast_in_dim3A_218, %add3A_219 : vector<16xi32>
          %broadcast_in_dim3A_221 = arith.constant 64 : i32
          %broadcast_in_dim3A_222 = vector.broadcast %broadcast_in_dim3A_221 : i32 to vector<16xi32>
          %add3A_223 = vector.broadcast %scan3A_215 : i32 to vector<16xi32>
          %add3A_224 = arith.addi %broadcast_in_dim3A_222, %add3A_223 : vector<16xi32>
          %gather3A = tpu.vector_load_idx %arg12[%add3A_195, %add3A_220] : memref<64x128xf32, #tpu.memory_space<vmem>>[vector<16xi32>, vector<16xi32>], vector<16xf32>,
          %gather3A_225 = tpu.vector_load_idx %arg12[%add3A_195, %add3A_224] : memref<64x128xf32, #tpu.memory_space<vmem>>[vector<16xi32>, vector<16xi32>], vector<16xf32>,
          %mul3A_226 = arith.mulf %gather3A, %exp3A_199 : vector<16xf32>
          tpu.vector_store_idx %arg15[%add3A_195, %add3A_220], %mul3A_226 : memref<64x160xf32, #tpu.memory_space<vmem>>[vector<16xi32>, vector<16xi32>], vector<16xf32>,
          %broadcast_in_dim3A_227 = arith.constant 80 : i32
          %broadcast_in_dim3A_228 = vector.broadcast %broadcast_in_dim3A_227 : i32 to vector<16xi32>
          %add3A_229 = vector.broadcast %scan3A_215 : i32 to vector<16xi32>
          %add3A_230 = arith.addi %broadcast_in_dim3A_228, %add3A_229 : vector<16xi32>
          %mul3A_231 = arith.mulf %gather3A_225, %exp3A_203 : vector<16xf32>
          tpu.vector_store_idx %arg15[%add3A_195, %add3A_230], %mul3A_231 : memref<64x160xf32, #tpu.memory_space<vmem>>[vector<16xi32>, vector<16xi32>], vector<16xf32>,
          %scan3A_232 = arith.constant 0 : i32
          scf.yield %scan3A_232 : i32
        }
        %scan3A_214 = arith.constant 64 : i32
        "tpu.region"() ({
          %run_scoped3A = tpu.sem_alloc : memref<!tpu.dma_semaphore, #tpu.memory_space<semaphore_mem>>
          %dma_start3A_215 = arith.constant 0 : i32
          %dma_start3A_216 = arith.constant 0 : i32
          %dma_start3A_217 = tpu.memref_slice %arg8[%dma_start3A_215, %dma_start3A_216] : memref<10240x160xf32, #tpu.memory_space<vmem_shared>> -> memref<10240x160xf32, #tpu.memory_space<vmem_shared>>
          tpu.enqueue_indirect_dma source(%arg15 : memref<64x160xf32, #tpu.memory_space<vmem>>) target(%dma_start3A_217 : memref<10240x160xf32, #tpu.memory_space<vmem_shared>>) offsets(%arg10 : memref<64xi32, #tpu.memory_space<vmem>>) semaphore(%run_scoped3A : memref<!tpu.dma_semaphore, #tpu.memory_space<semaphore_mem>>) {add = true}
          %dma_wait3A_218 = arith.constant 0 : i32
          %dma_wait3A_219 = arith.constant 0 : i32
          %dma_wait3A_220 = tpu.memref_slice %arg8[%dma_wait3A_218, %dma_wait3A_219] : memref<10240x160xf32, #tpu.memory_space<vmem_shared>> -> memref<10240x160xf32, #tpu.memory_space<vmem_shared>>
          tpu.wait_indirect_dma semaphore(%run_scoped3A : memref<!tpu.dma_semaphore, #tpu.memory_space<semaphore_mem>>) src(%arg15 : memref<64x160xf32, #tpu.memory_space<vmem>>) dst(%dma_wait3A_220 : memref<10240x160xf32, #tpu.memory_space<vmem_shared>>)
          tpu.yield
        }) : () -> ()
      }
      %scan3A_36 = arith.constant 160 : i32
      %barrier3A_37 = arith.constant 0 : index
      tpu.barrier barrier_id(%barrier3A_37)
      %add3A_38 = arith.constant 0 : i32
      %add3A_39 = arith.addi %add3A_38, %mul3A_12 : i32
      "tpu.region"() ({
        %run_scoped3A = tpu.sem_alloc : memref<!tpu.dma_semaphore, #tpu.memory_space<semaphore_mem>>
        %dma_start3A = arith.constant 0 : i32
        %dma_start3A_78 = tpu.memref_slice %arg7[%add3A_39, %dma_start3A] : memref<40960x160xf32, #tpu.memory_space<hbm>> -> memref<640x160xf32, #tpu.memory_space<hbm>>
        %dma_start3A_79 = arith.constant 0 : i32
        %dma_start3A_80 = tpu.memref_slice %arg8[%mul3A_12, %dma_start3A_79] : memref<10240x160xf32, #tpu.memory_space<vmem_shared>> -> memref<640x160xf32, #tpu.memory_space<vmem_shared>>
        tpu.enqueue_dma source(%dma_start3A_80 : memref<640x160xf32, #tpu.memory_space<vmem_shared>>) target(%dma_start3A_78 : memref<640x160xf32, #tpu.memory_space<hbm>>) target_semaphore(%run_scoped3A : memref<!tpu.dma_semaphore, #tpu.memory_space<semaphore_mem>>)
        %dma_wait3A = arith.constant 0 : i32
        %dma_wait3A_81 = tpu.memref_slice %arg7[%add3A_39, %dma_wait3A] : memref<40960x160xf32, #tpu.memory_space<hbm>> -> memref<640x160xf32, #tpu.memory_space<hbm>>
        %dma_wait3A_82 = arith.constant 0 : i32
        %dma_wait3A_83 = tpu.memref_slice %arg8[%mul3A_12, %dma_wait3A_82] : memref<10240x160xf32, #tpu.memory_space<vmem_shared>> -> memref<640x160xf32, #tpu.memory_space<vmem_shared>>
        tpu.wait_dma2 semaphore(%run_scoped3A : memref<!tpu.dma_semaphore, #tpu.memory_space<semaphore_mem>>) src(%dma_wait3A_83 : memref<640x160xf32, #tpu.memory_space<vmem_shared>>) dst(%dma_wait3A_81 : memref<640x160xf32, #tpu.memory_space<hbm>>)
        tpu.yield
      }) : () -> ()
      %barrier3A_40 = arith.constant 0 : index
      tpu.barrier barrier_id(%barrier3A_40)
      %scan3A_41 = arith.constant 0 : i32
      %scan3A_42 = arith.constant 64 : i32
      %scan3A_43 = arith.addi %scan3A_41, %scan3A_42 : i32
      %scan3A_44 = arith.constant 1 : i32
      scf.for %scan3A_78 = %scan3A_41 to %scan3A_43 step %scan3A_44  : i32 {
        %mul3A_79 = arith.constant 1 : i32
        %mul3A_80 = arith.muli %scan3A_78, %mul3A_79 : i32
        %add3A_81 = arith.constant 0 : i32
        %add3A_82 = arith.addi %add3A_81, %mul3A_80 : i32
        %swap3A = arith.index_cast %add3A_82 : i32 to index
        %swap3A_83 = arith.constant 0 : index
        %swap3A_84 = tpu.vector_load %arg15[%swap3A, %swap3A_83] {strides = array<i32>} : memref<64x160xf32, #tpu.memory_space<vmem>>, vector<16xf32>,
        tpu.vector_store %arg15[%swap3A, %swap3A_83], %broadcast_in_dim3A_0 {strides = array<i32>} : memref<64x160xf32, #tpu.memory_space<vmem>>, vector<16xf32>,
        %swap3A_85 = arith.index_cast %add3A_82 : i32 to index
        %swap3A_86 = arith.constant 16 : index
        %swap3A_87 = tpu.vector_load %arg15[%swap3A_85, %swap3A_86] {strides = array<i32>} : memref<64x160xf32, #tpu.memory_space<vmem>>, vector<16xf32>,
        tpu.vector_store %arg15[%swap3A_85, %swap3A_86], %broadcast_in_dim3A_0 {strides = array<i32>} : memref<64x160xf32, #tpu.memory_space<vmem>>, vector<16xf32>,
        %swap3A_88 = arith.index_cast %add3A_82 : i32 to index
        %swap3A_89 = arith.constant 32 : index
        %swap3A_90 = tpu.vector_load %arg15[%swap3A_88, %swap3A_89] {strides = array<i32>} : memref<64x160xf32, #tpu.memory_space<vmem>>, vector<16xf32>,
        tpu.vector_store %arg15[%swap3A_88, %swap3A_89], %broadcast_in_dim3A_0 {strides = array<i32>} : memref<64x160xf32, #tpu.memory_space<vmem>>, vector<16xf32>,
        %swap3A_91 = arith.index_cast %add3A_82 : i32 to index
        %swap3A_92 = arith.constant 48 : index
        %swap3A_93 = tpu.vector_load %arg15[%swap3A_91, %swap3A_92] {strides = array<i32>} : memref<64x160xf32, #tpu.memory_space<vmem>>, vector<16xf32>,
        tpu.vector_store %arg15[%swap3A_91, %swap3A_92], %broadcast_in_dim3A_0 {strides = array<i32>} : memref<64x160xf32, #tpu.memory_space<vmem>>, vector<16xf32>,
        %swap3A_94 = arith.index_cast %add3A_82 : i32 to index
        %swap3A_95 = arith.constant 64 : index
        %swap3A_96 = tpu.vector_load %arg15[%swap3A_94, %swap3A_95] {strides = array<i32>} : memref<64x160xf32, #tpu.memory_space<vmem>>, vector<16xf32>,
        tpu.vector_store %arg15[%swap3A_94, %swap3A_95], %broadcast_in_dim3A_0 {strides = array<i32>} : memref<64x160xf32, #tpu.memory_space<vmem>>, vector<16xf32>,
        %swap3A_97 = arith.index_cast %add3A_82 : i32 to index
        %swap3A_98 = arith.constant 80 : index
        %swap3A_99 = tpu.vector_load %arg15[%swap3A_97, %swap3A_98] {strides = array<i32>} : memref<64x160xf32, #tpu.memory_space<vmem>>, vector<16xf32>,
        tpu.vector_store %arg15[%swap3A_97, %swap3A_98], %broadcast_in_dim3A_0 {strides = array<i32>} : memref<64x160xf32, #tpu.memory_space<vmem>>, vector<16xf32>,
        %swap3A_100 = arith.index_cast %add3A_82 : i32 to index
        %swap3A_101 = arith.constant 96 : index
        %swap3A_102 = tpu.vector_load %arg15[%swap3A_100, %swap3A_101] {strides = array<i32>} : memref<64x160xf32, #tpu.memory_space<vmem>>, vector<16xf32>,
        tpu.vector_store %arg15[%swap3A_100, %swap3A_101], %broadcast_in_dim3A_0 {strides = array<i32>} : memref<64x160xf32, #tpu.memory_space<vmem>>, vector<16xf32>,
        %swap3A_103 = arith.index_cast %add3A_82 : i32 to index
        %swap3A_104 = arith.constant 112 : index
        %swap3A_105 = tpu.vector_load %arg15[%swap3A_103, %swap3A_104] {strides = array<i32>} : memref<64x160xf32, #tpu.memory_space<vmem>>, vector<16xf32>,
        tpu.vector_store %arg15[%swap3A_103, %swap3A_104], %broadcast_in_dim3A_0 {strides = array<i32>} : memref<64x160xf32, #tpu.memory_space<vmem>>, vector<16xf32>,
        %swap3A_106 = arith.index_cast %add3A_82 : i32 to index
        %swap3A_107 = arith.constant 128 : index
        %swap3A_108 = tpu.vector_load %arg15[%swap3A_106, %swap3A_107] {strides = array<i32>} : memref<64x160xf32, #tpu.memory_space<vmem>>, vector<16xf32>,
        tpu.vector_store %arg15[%swap3A_106, %swap3A_107], %broadcast_in_dim3A_0 {strides = array<i32>} : memref<64x160xf32, #tpu.memory_space<vmem>>, vector<16xf32>,
        %swap3A_109 = arith.index_cast %add3A_82 : i32 to index
        %swap3A_110 = arith.constant 144 : index
        %swap3A_111 = tpu.vector_load %arg15[%swap3A_109, %swap3A_110] {strides = array<i32>} : memref<64x160xf32, #tpu.memory_space<vmem>>, vector<16xf32>,
        tpu.vector_store %arg15[%swap3A_109, %swap3A_110], %broadcast_in_dim3A_0 {strides = array<i32>} : memref<64x160xf32, #tpu.memory_space<vmem>>, vector<16xf32>,
      }
      %scan3A_45 = arith.constant 64 : i32
      %mul3A_46 = arith.constant 640 : i32
      %mul3A_47 = arith.muli %arg1, %mul3A_46 : i32
      %add3A_48 = arith.constant 0 : i32
      %add3A_49 = arith.addi %mul3A_47, %add3A_48 : i32
      "tpu.region"() ({
        %run_scoped3A = tpu.sem_alloc : memref<!tpu.dma_semaphore, #tpu.memory_space<semaphore_mem>>
        %dma_start3A = arith.constant 0 : i32
        %dma_start3A_78 = tpu.memref_slice %arg8[%add3A_49, %dma_start3A] : memref<10240x160xf32, #tpu.memory_space<vmem_shared>> -> memref<64x160xf32, #tpu.memory_space<vmem_shared>>
        %dma_start3A_79 = arith.constant 0 : i32
        %dma_start3A_80 = tpu.memref_slice %arg8[%add3A_49, %dma_start3A_79] : memref<10240x160xf32, #tpu.memory_space<vmem_shared>> -> memref<64x160xf32, #tpu.memory_space<vmem_shared>>
        tpu.enqueue_dma source(%arg15 : memref<64x160xf32, #tpu.memory_space<vmem>>) target(%dma_start3A_80 : memref<64x160xf32, #tpu.memory_space<vmem_shared>>) target_semaphore(%run_scoped3A : memref<!tpu.dma_semaphore, #tpu.memory_space<semaphore_mem>>)
        %dma_wait3A = arith.constant 0 : i32
        %dma_wait3A_81 = tpu.memref_slice %arg8[%add3A_49, %dma_wait3A] : memref<10240x160xf32, #tpu.memory_space<vmem_shared>> -> memref<64x160xf32, #tpu.memory_space<vmem_shared>>
        %dma_wait3A_82 = arith.constant 0 : i32
        %dma_wait3A_83 = tpu.memref_slice %arg8[%add3A_49, %dma_wait3A_82] : memref<10240x160xf32, #tpu.memory_space<vmem_shared>> -> memref<64x160xf32, #tpu.memory_space<vmem_shared>>
        tpu.wait_dma2 semaphore(%run_scoped3A : memref<!tpu.dma_semaphore, #tpu.memory_space<semaphore_mem>>) src(%arg15 : memref<64x160xf32, #tpu.memory_space<vmem>>) dst(%dma_wait3A_83 : memref<64x160xf32, #tpu.memory_space<vmem_shared>>)
        tpu.yield
      }) : () -> ()
      %add3A_50 = arith.constant 64 : i32
      %add3A_51 = arith.addi %mul3A_47, %add3A_50 : i32
      "tpu.region"() ({
        %run_scoped3A = tpu.sem_alloc : memref<!tpu.dma_semaphore, #tpu.memory_space<semaphore_mem>>
        %dma_start3A = arith.constant 0 : i32
        %dma_start3A_78 = tpu.memref_slice %arg8[%add3A_51, %dma_start3A] : memref<10240x160xf32, #tpu.memory_space<vmem_shared>> -> memref<64x160xf32, #tpu.memory_space<vmem_shared>>
        %dma_start3A_79 = arith.constant 0 : i32
        %dma_start3A_80 = tpu.memref_slice %arg8[%add3A_51, %dma_start3A_79] : memref<10240x160xf32, #tpu.memory_space<vmem_shared>> -> memref<64x160xf32, #tpu.memory_space<vmem_shared>>
        tpu.enqueue_dma source(%arg15 : memref<64x160xf32, #tpu.memory_space<vmem>>) target(%dma_start3A_80 : memref<64x160xf32, #tpu.memory_space<vmem_shared>>) target_semaphore(%run_scoped3A : memref<!tpu.dma_semaphore, #tpu.memory_space<semaphore_mem>>)
        %dma_wait3A = arith.constant 0 : i32
        %dma_wait3A_81 = tpu.memref_slice %arg8[%add3A_51, %dma_wait3A] : memref<10240x160xf32, #tpu.memory_space<vmem_shared>> -> memref<64x160xf32, #tpu.memory_space<vmem_shared>>
        %dma_wait3A_82 = arith.constant 0 : i32
        %dma_wait3A_83 = tpu.memref_slice %arg8[%add3A_51, %dma_wait3A_82] : memref<10240x160xf32, #tpu.memory_space<vmem_shared>> -> memref<64x160xf32, #tpu.memory_space<vmem_shared>>
        tpu.wait_dma2 semaphore(%run_scoped3A : memref<!tpu.dma_semaphore, #tpu.memory_space<semaphore_mem>>) src(%arg15 : memref<64x160xf32, #tpu.memory_space<vmem>>) dst(%dma_wait3A_83 : memref<64x160xf32, #tpu.memory_space<vmem_shared>>)
        tpu.yield
      }) : () -> ()
      %add3A_52 = arith.constant 128 : i32
      %add3A_53 = arith.addi %mul3A_47, %add3A_52 : i32
      "tpu.region"() ({
        %run_scoped3A = tpu.sem_alloc : memref<!tpu.dma_semaphore, #tpu.memory_space<semaphore_mem>>
        %dma_start3A = arith.constant 0 : i32
        %dma_start3A_78 = tpu.memref_slice %arg8[%add3A_53, %dma_start3A] : memref<10240x160xf32, #tpu.memory_space<vmem_shared>> -> memref<64x160xf32, #tpu.memory_space<vmem_shared>>
        %dma_start3A_79 = arith.constant 0 : i32
        %dma_start3A_80 = tpu.memref_slice %arg8[%add3A_53, %dma_start3A_79] : memref<10240x160xf32, #tpu.memory_space<vmem_shared>> -> memref<64x160xf32, #tpu.memory_space<vmem_shared>>
        tpu.enqueue_dma source(%arg15 : memref<64x160xf32, #tpu.memory_space<vmem>>) target(%dma_start3A_80 : memref<64x160xf32, #tpu.memory_space<vmem_shared>>) target_semaphore(%run_scoped3A : memref<!tpu.dma_semaphore, #tpu.memory_space<semaphore_mem>>)
        %dma_wait3A = arith.constant 0 : i32
        %dma_wait3A_81 = tpu.memref_slice %arg8[%add3A_53, %dma_wait3A] : memref<10240x160xf32, #tpu.memory_space<vmem_shared>> -> memref<64x160xf32, #tpu.memory_space<vmem_shared>>
        %dma_wait3A_82 = arith.constant 0 : i32
        %dma_wait3A_83 = tpu.memref_slice %arg8[%add3A_53, %dma_wait3A_82] : memref<10240x160xf32, #tpu.memory_space<vmem_shared>> -> memref<64x160xf32, #tpu.memory_space<vmem_shared>>
        tpu.wait_dma2 semaphore(%run_scoped3A : memref<!tpu.dma_semaphore, #tpu.memory_space<semaphore_mem>>) src(%arg15 : memref<64x160xf32, #tpu.memory_space<vmem>>) dst(%dma_wait3A_83 : memref<64x160xf32, #tpu.memory_space<vmem_shared>>)
        tpu.yield
      }) : () -> ()
      %add3A_54 = arith.constant 192 : i32
      %add3A_55 = arith.addi %mul3A_47, %add3A_54 : i32
      "tpu.region"() ({
        %run_scoped3A = tpu.sem_alloc : memref<!tpu.dma_semaphore, #tpu.memory_space<semaphore_mem>>
        %dma_start3A = arith.constant 0 : i32
        %dma_start3A_78 = tpu.memref_slice %arg8[%add3A_55, %dma_start3A] : memref<10240x160xf32, #tpu.memory_space<vmem_shared>> -> memref<64x160xf32, #tpu.memory_space<vmem_shared>>
        %dma_start3A_79 = arith.constant 0 : i32
        %dma_start3A_80 = tpu.memref_slice %arg8[%add3A_55, %dma_start3A_79] : memref<10240x160xf32, #tpu.memory_space<vmem_shared>> -> memref<64x160xf32, #tpu.memory_space<vmem_shared>>
        tpu.enqueue_dma source(%arg15 : memref<64x160xf32, #tpu.memory_space<vmem>>) target(%dma_start3A_80 : memref<64x160xf32, #tpu.memory_space<vmem_shared>>) target_semaphore(%run_scoped3A : memref<!tpu.dma_semaphore, #tpu.memory_space<semaphore_mem>>)
        %dma_wait3A = arith.constant 0 : i32
        %dma_wait3A_81 = tpu.memref_slice %arg8[%add3A_55, %dma_wait3A] : memref<10240x160xf32, #tpu.memory_space<vmem_shared>> -> memref<64x160xf32, #tpu.memory_space<vmem_shared>>
        %dma_wait3A_82 = arith.constant 0 : i32
        %dma_wait3A_83 = tpu.memref_slice %arg8[%add3A_55, %dma_wait3A_82] : memref<10240x160xf32, #tpu.memory_space<vmem_shared>> -> memref<64x160xf32, #tpu.memory_space<vmem_shared>>
        tpu.wait_dma2 semaphore(%run_scoped3A : memref<!tpu.dma_semaphore, #tpu.memory_space<semaphore_mem>>) src(%arg15 : memref<64x160xf32, #tpu.memory_space<vmem>>) dst(%dma_wait3A_83 : memref<64x160xf32, #tpu.memory_space<vmem_shared>>)
        tpu.yield
      }) : () -> ()
      %add3A_56 = arith.constant 256 : i32
      %add3A_57 = arith.addi %mul3A_47, %add3A_56 : i32
      "tpu.region"() ({
        %run_scoped3A = tpu.sem_alloc : memref<!tpu.dma_semaphore, #tpu.memory_space<semaphore_mem>>
        %dma_start3A = arith.constant 0 : i32
        %dma_start3A_78 = tpu.memref_slice %arg8[%add3A_57, %dma_start3A] : memref<10240x160xf32, #tpu.memory_space<vmem_shared>> -> memref<64x160xf32, #tpu.memory_space<vmem_shared>>
        %dma_start3A_79 = arith.constant 0 : i32
        %dma_start3A_80 = tpu.memref_slice %arg8[%add3A_57, %dma_start3A_79] : memref<10240x160xf32, #tpu.memory_space<vmem_shared>> -> memref<64x160xf32, #tpu.memory_space<vmem_shared>>
        tpu.enqueue_dma source(%arg15 : memref<64x160xf32, #tpu.memory_space<vmem>>) target(%dma_start3A_80 : memref<64x160xf32, #tpu.memory_space<vmem_shared>>) target_semaphore(%run_scoped3A : memref<!tpu.dma_semaphore, #tpu.memory_space<semaphore_mem>>)
        %dma_wait3A = arith.constant 0 : i32
        %dma_wait3A_81 = tpu.memref_slice %arg8[%add3A_57, %dma_wait3A] : memref<10240x160xf32, #tpu.memory_space<vmem_shared>> -> memref<64x160xf32, #tpu.memory_space<vmem_shared>>
        %dma_wait3A_82 = arith.constant 0 : i32
        %dma_wait3A_83 = tpu.memref_slice %arg8[%add3A_57, %dma_wait3A_82] : memref<10240x160xf32, #tpu.memory_space<vmem_shared>> -> memref<64x160xf32, #tpu.memory_space<vmem_shared>>
        tpu.wait_dma2 semaphore(%run_scoped3A : memref<!tpu.dma_semaphore, #tpu.memory_space<semaphore_mem>>) src(%arg15 : memref<64x160xf32, #tpu.memory_space<vmem>>) dst(%dma_wait3A_83 : memref<64x160xf32, #tpu.memory_space<vmem_shared>>)
        tpu.yield
      }) : () -> ()
      %add3A_58 = arith.constant 320 : i32
      %add3A_59 = arith.addi %mul3A_47, %add3A_58 : i32
      "tpu.region"() ({
        %run_scoped3A = tpu.sem_alloc : memref<!tpu.dma_semaphore, #tpu.memory_space<semaphore_mem>>
        %dma_start3A = arith.constant 0 : i32
        %dma_start3A_78 = tpu.memref_slice %arg8[%add3A_59, %dma_start3A] : memref<10240x160xf32, #tpu.memory_space<vmem_shared>> -> memref<64x160xf32, #tpu.memory_space<vmem_shared>>
        %dma_start3A_79 = arith.constant 0 : i32
        %dma_start3A_80 = tpu.memref_slice %arg8[%add3A_59, %dma_start3A_79] : memref<10240x160xf32, #tpu.memory_space<vmem_shared>> -> memref<64x160xf32, #tpu.memory_space<vmem_shared>>
        tpu.enqueue_dma source(%arg15 : memref<64x160xf32, #tpu.memory_space<vmem>>) target(%dma_start3A_80 : memref<64x160xf32, #tpu.memory_space<vmem_shared>>) target_semaphore(%run_scoped3A : memref<!tpu.dma_semaphore, #tpu.memory_space<semaphore_mem>>)
        %dma_wait3A = arith.constant 0 : i32
        %dma_wait3A_81 = tpu.memref_slice %arg8[%add3A_59, %dma_wait3A] : memref<10240x160xf32, #tpu.memory_space<vmem_shared>> -> memref<64x160xf32, #tpu.memory_space<vmem_shared>>
        %dma_wait3A_82 = arith.constant 0 : i32
        %dma_wait3A_83 = tpu.memref_slice %arg8[%add3A_59, %dma_wait3A_82] : memref<10240x160xf32, #tpu.memory_space<vmem_shared>> -> memref<64x160xf32, #tpu.memory_space<vmem_shared>>
        tpu.wait_dma2 semaphore(%run_scoped3A : memref<!tpu.dma_semaphore, #tpu.memory_space<semaphore_mem>>) src(%arg15 : memref<64x160xf32, #tpu.memory_space<vmem>>) dst(%dma_wait3A_83 : memref<64x160xf32, #tpu.memory_space<vmem_shared>>)
        tpu.yield
      }) : () -> ()
      %add3A_60 = arith.constant 384 : i32
      %add3A_61 = arith.addi %mul3A_47, %add3A_60 : i32
      "tpu.region"() ({
        %run_scoped3A = tpu.sem_alloc : memref<!tpu.dma_semaphore, #tpu.memory_space<semaphore_mem>>
        %dma_start3A = arith.constant 0 : i32
        %dma_start3A_78 = tpu.memref_slice %arg8[%add3A_61, %dma_start3A] : memref<10240x160xf32, #tpu.memory_space<vmem_shared>> -> memref<64x160xf32, #tpu.memory_space<vmem_shared>>
        %dma_start3A_79 = arith.constant 0 : i32
        %dma_start3A_80 = tpu.memref_slice %arg8[%add3A_61, %dma_start3A_79] : memref<10240x160xf32, #tpu.memory_space<vmem_shared>> -> memref<64x160xf32, #tpu.memory_space<vmem_shared>>
        tpu.enqueue_dma source(%arg15 : memref<64x160xf32, #tpu.memory_space<vmem>>) target(%dma_start3A_80 : memref<64x160xf32, #tpu.memory_space<vmem_shared>>) target_semaphore(%run_scoped3A : memref<!tpu.dma_semaphore, #tpu.memory_space<semaphore_mem>>)
        %dma_wait3A = arith.constant 0 : i32
        %dma_wait3A_81 = tpu.memref_slice %arg8[%add3A_61, %dma_wait3A] : memref<10240x160xf32, #tpu.memory_space<vmem_shared>> -> memref<64x160xf32, #tpu.memory_space<vmem_shared>>
        %dma_wait3A_82 = arith.constant 0 : i32
        %dma_wait3A_83 = tpu.memref_slice %arg8[%add3A_61, %dma_wait3A_82] : memref<10240x160xf32, #tpu.memory_space<vmem_shared>> -> memref<64x160xf32, #tpu.memory_space<vmem_shared>>
        tpu.wait_dma2 semaphore(%run_scoped3A : memref<!tpu.dma_semaphore, #tpu.memory_space<semaphore_mem>>) src(%arg15 : memref<64x160xf32, #tpu.memory_space<vmem>>) dst(%dma_wait3A_83 : memref<64x160xf32, #tpu.memory_space<vmem_shared>>)
        tpu.yield
      }) : () -> ()
      %add3A_62 = arith.constant 448 : i32
      %add3A_63 = arith.addi %mul3A_47, %add3A_62 : i32
      "tpu.region"() ({
        %run_scoped3A = tpu.sem_alloc : memref<!tpu.dma_semaphore, #tpu.memory_space<semaphore_mem>>
        %dma_start3A = arith.constant 0 : i32
        %dma_start3A_78 = tpu.memref_slice %arg8[%add3A_63, %dma_start3A] : memref<10240x160xf32, #tpu.memory_space<vmem_shared>> -> memref<64x160xf32, #tpu.memory_space<vmem_shared>>
        %dma_start3A_79 = arith.constant 0 : i32
        %dma_start3A_80 = tpu.memref_slice %arg8[%add3A_63, %dma_start3A_79] : memref<10240x160xf32, #tpu.memory_space<vmem_shared>> -> memref<64x160xf32, #tpu.memory_space<vmem_shared>>
        tpu.enqueue_dma source(%arg15 : memref<64x160xf32, #tpu.memory_space<vmem>>) target(%dma_start3A_80 : memref<64x160xf32, #tpu.memory_space<vmem_shared>>) target_semaphore(%run_scoped3A : memref<!tpu.dma_semaphore, #tpu.memory_space<semaphore_mem>>)
        %dma_wait3A = arith.constant 0 : i32
        %dma_wait3A_81 = tpu.memref_slice %arg8[%add3A_63, %dma_wait3A] : memref<10240x160xf32, #tpu.memory_space<vmem_shared>> -> memref<64x160xf32, #tpu.memory_space<vmem_shared>>
        %dma_wait3A_82 = arith.constant 0 : i32
        %dma_wait3A_83 = tpu.memref_slice %arg8[%add3A_63, %dma_wait3A_82] : memref<10240x160xf32, #tpu.memory_space<vmem_shared>> -> memref<64x160xf32, #tpu.memory_space<vmem_shared>>
        tpu.wait_dma2 semaphore(%run_scoped3A : memref<!tpu.dma_semaphore, #tpu.memory_space<semaphore_mem>>) src(%arg15 : memref<64x160xf32, #tpu.memory_space<vmem>>) dst(%dma_wait3A_83 : memref<64x160xf32, #tpu.memory_space<vmem_shared>>)
        tpu.yield
      }) : () -> ()
      %add3A_64 = arith.constant 512 : i32
      %add3A_65 = arith.addi %mul3A_47, %add3A_64 : i32
      "tpu.region"() ({
        %run_scoped3A = tpu.sem_alloc : memref<!tpu.dma_semaphore, #tpu.memory_space<semaphore_mem>>
        %dma_start3A = arith.constant 0 : i32
        %dma_start3A_78 = tpu.memref_slice %arg8[%add3A_65, %dma_start3A] : memref<10240x160xf32, #tpu.memory_space<vmem_shared>> -> memref<64x160xf32, #tpu.memory_space<vmem_shared>>
        %dma_start3A_79 = arith.constant 0 : i32
        %dma_start3A_80 = tpu.memref_slice %arg8[%add3A_65, %dma_start3A_79] : memref<10240x160xf32, #tpu.memory_space<vmem_shared>> -> memref<64x160xf32, #tpu.memory_space<vmem_shared>>
        tpu.enqueue_dma source(%arg15 : memref<64x160xf32, #tpu.memory_space<vmem>>) target(%dma_start3A_80 : memref<64x160xf32, #tpu.memory_space<vmem_shared>>) target_semaphore(%run_scoped3A : memref<!tpu.dma_semaphore, #tpu.memory_space<semaphore_mem>>)
        %dma_wait3A = arith.constant 0 : i32
        %dma_wait3A_81 = tpu.memref_slice %arg8[%add3A_65, %dma_wait3A] : memref<10240x160xf32, #tpu.memory_space<vmem_shared>> -> memref<64x160xf32, #tpu.memory_space<vmem_shared>>
        %dma_wait3A_82 = arith.constant 0 : i32
        %dma_wait3A_83 = tpu.memref_slice %arg8[%add3A_65, %dma_wait3A_82] : memref<10240x160xf32, #tpu.memory_space<vmem_shared>> -> memref<64x160xf32, #tpu.memory_space<vmem_shared>>
        tpu.wait_dma2 semaphore(%run_scoped3A : memref<!tpu.dma_semaphore, #tpu.memory_space<semaphore_mem>>) src(%arg15 : memref<64x160xf32, #tpu.memory_space<vmem>>) dst(%dma_wait3A_83 : memref<64x160xf32, #tpu.memory_space<vmem_shared>>)
        tpu.yield
      }) : () -> ()
      %add3A_66 = arith.constant 576 : i32
      %add3A_67 = arith.addi %mul3A_47, %add3A_66 : i32
      "tpu.region"() ({
        %run_scoped3A = tpu.sem_alloc : memref<!tpu.dma_semaphore, #tpu.memory_space<semaphore_mem>>
        %dma_start3A = arith.constant 0 : i32
        %dma_start3A_78 = tpu.memref_slice %arg8[%add3A_67, %dma_start3A] : memref<10240x160xf32, #tpu.memory_space<vmem_shared>> -> memref<64x160xf32, #tpu.memory_space<vmem_shared>>
        %dma_start3A_79 = arith.constant 0 : i32
        %dma_start3A_80 = tpu.memref_slice %arg8[%add3A_67, %dma_start3A_79] : memref<10240x160xf32, #tpu.memory_space<vmem_shared>> -> memref<64x160xf32, #tpu.memory_space<vmem_shared>>
        tpu.enqueue_dma source(%arg15 : memref<64x160xf32, #tpu.memory_space<vmem>>) target(%dma_start3A_80 : memref<64x160xf32, #tpu.memory_space<vmem_shared>>) target_semaphore(%run_scoped3A : memref<!tpu.dma_semaphore, #tpu.memory_space<semaphore_mem>>)
        %dma_wait3A = arith.constant 0 : i32
        %dma_wait3A_81 = tpu.memref_slice %arg8[%add3A_67, %dma_wait3A] : memref<10240x160xf32, #tpu.memory_space<vmem_shared>> -> memref<64x160xf32, #tpu.memory_space<vmem_shared>>
        %dma_wait3A_82 = arith.constant 0 : i32
        %dma_wait3A_83 = tpu.memref_slice %arg8[%add3A_67, %dma_wait3A_82] : memref<10240x160xf32, #tpu.memory_space<vmem_shared>> -> memref<64x160xf32, #tpu.memory_space<vmem_shared>>
        tpu.wait_dma2 semaphore(%run_scoped3A : memref<!tpu.dma_semaphore, #tpu.memory_space<semaphore_mem>>) src(%arg15 : memref<64x160xf32, #tpu.memory_space<vmem>>) dst(%dma_wait3A_83 : memref<64x160xf32, #tpu.memory_space<vmem_shared>>)
        tpu.yield
      }) : () -> ()
      %barrier3A_68 = arith.constant 0 : index
      tpu.barrier barrier_id(%barrier3A_68)
      %scan3A_69 = arith.constant 0 : i32
      %scan3A_70 = arith.constant 160 : i32
      %scan3A_71 = arith.addi %scan3A_69, %scan3A_70 : i32
      %scan3A_72 = arith.constant 1 : i32
      scf.for %scan3A_78 = %scan3A_69 to %scan3A_71 step %scan3A_72  : i32 {
        %mul3A_79 = arith.constant 1 : i32
        %mul3A_80 = arith.muli %scan3A_78, %mul3A_79 : i32
        %add3A_81 = arith.constant 0 : i32
        %add3A_82 = arith.addi %add3A_81, %mul3A_80 : i32
        %mul3A_83 = arith.constant 10240 : i32
        %mul3A_84 = arith.muli %arg1, %mul3A_83 : i32
        %mul3A_85 = arith.constant 64 : i32
        %mul3A_86 = arith.muli %add3A_82, %mul3A_85 : i32
        %add3A_87 = arith.addi %mul3A_84, %mul3A_86 : i32
        "tpu.region"() ({
          %run_scoped3A = tpu.sem_alloc : memref<!tpu.dma_semaphore, #tpu.memory_space<semaphore_mem>>
          %dma_start3A_215 = tpu.memref_slice %arg4[%add3A_87] : memref<163840xi32, #tpu.memory_space<hbm>> -> memref<64xi32, #tpu.memory_space<hbm>>
          %dma_start3A_216 = tpu.memref_slice %arg4[%add3A_87] : memref<163840xi32, #tpu.memory_space<hbm>> -> memref<64xi32, #tpu.memory_space<hbm>>
          tpu.enqueue_dma source(%dma_start3A_216 : memref<64xi32, #tpu.memory_space<hbm>>) target(%arg9 : memref<64xi32, #tpu.memory_space<vmem>>) target_semaphore(%run_scoped3A : memref<!tpu.dma_semaphore, #tpu.memory_space<semaphore_mem>>)
          %dma_wait3A_217 = tpu.memref_slice %arg4[%add3A_87] : memref<163840xi32, #tpu.memory_space<hbm>> -> memref<64xi32, #tpu.memory_space<hbm>>
          %dma_wait3A_218 = tpu.memref_slice %arg4[%add3A_87] : memref<163840xi32, #tpu.memory_space<hbm>> -> memref<64xi32, #tpu.memory_space<hbm>>
          tpu.wait_dma2 semaphore(%run_scoped3A : memref<!tpu.dma_semaphore, #tpu.memory_space<semaphore_mem>>) src(%dma_wait3A_218 : memref<64xi32, #tpu.memory_space<hbm>>) dst(%arg9 : memref<64xi32, #tpu.memory_space<vmem>>)
          tpu.yield
        }) : () -> ()
        "tpu.region"() ({
          %run_scoped3A = tpu.sem_alloc : memref<!tpu.dma_semaphore, #tpu.memory_space<semaphore_mem>>
          %dma_start3A_215 = tpu.memref_slice %arg5[%add3A_87] : memref<163840xi32, #tpu.memory_space<hbm>> -> memref<64xi32, #tpu.memory_space<hbm>>
          %dma_start3A_216 = tpu.memref_slice %arg5[%add3A_87] : memref<163840xi32, #tpu.memory_space<hbm>> -> memref<64xi32, #tpu.memory_space<hbm>>
          tpu.enqueue_dma source(%dma_start3A_216 : memref<64xi32, #tpu.memory_space<hbm>>) target(%arg10 : memref<64xi32, #tpu.memory_space<vmem>>) target_semaphore(%run_scoped3A : memref<!tpu.dma_semaphore, #tpu.memory_space<semaphore_mem>>)
          %dma_wait3A_217 = tpu.memref_slice %arg5[%add3A_87] : memref<163840xi32, #tpu.memory_space<hbm>> -> memref<64xi32, #tpu.memory_space<hbm>>
          %dma_wait3A_218 = tpu.memref_slice %arg5[%add3A_87] : memref<163840xi32, #tpu.memory_space<hbm>> -> memref<64xi32, #tpu.memory_space<hbm>>
          tpu.wait_dma2 semaphore(%run_scoped3A : memref<!tpu.dma_semaphore, #tpu.memory_space<semaphore_mem>>) src(%dma_wait3A_218 : memref<64xi32, #tpu.memory_space<hbm>>) dst(%arg10 : memref<64xi32, #tpu.memory_space<vmem>>)
          tpu.yield
        }) : () -> ()
        %add3A_88 = arith.constant 327680 : i32
        %add3A_89 = arith.addi %add3A_88, %add3A_87 : i32
        "tpu.region"() ({
          %run_scoped3A = tpu.sem_alloc : memref<!tpu.dma_semaphore, #tpu.memory_space<semaphore_mem>>
          %dma_start3A_215 = tpu.memref_slice %arg3[%add3A_89] : memref<1310720xf32, #tpu.memory_space<hbm>> -> memref<64xf32, #tpu.memory_space<hbm>>
          %dma_start3A_216 = tpu.memref_slice %arg3[%add3A_89] : memref<1310720xf32, #tpu.memory_space<hbm>> -> memref<64xf32, #tpu.memory_space<hbm>>
          tpu.enqueue_dma source(%dma_start3A_216 : memref<64xf32, #tpu.memory_space<hbm>>) target(%arg13 : memref<64xf32, #tpu.memory_space<vmem>>) target_semaphore(%run_scoped3A : memref<!tpu.dma_semaphore, #tpu.memory_space<semaphore_mem>>)
          %dma_wait3A_217 = tpu.memref_slice %arg3[%add3A_89] : memref<1310720xf32, #tpu.memory_space<hbm>> -> memref<64xf32, #tpu.memory_space<hbm>>
          %dma_wait3A_218 = tpu.memref_slice %arg3[%add3A_89] : memref<1310720xf32, #tpu.memory_space<hbm>> -> memref<64xf32, #tpu.memory_space<hbm>>
          tpu.wait_dma2 semaphore(%run_scoped3A : memref<!tpu.dma_semaphore, #tpu.memory_space<semaphore_mem>>) src(%dma_wait3A_218 : memref<64xf32, #tpu.memory_space<hbm>>) dst(%arg13 : memref<64xf32, #tpu.memory_space<vmem>>)
          tpu.yield
        }) : () -> ()
        %add3A_90 = arith.constant 491520 : i32
        %add3A_91 = arith.addi %add3A_90, %add3A_87 : i32
        "tpu.region"() ({
          %run_scoped3A = tpu.sem_alloc : memref<!tpu.dma_semaphore, #tpu.memory_space<semaphore_mem>>
          %dma_start3A_215 = tpu.memref_slice %arg3[%add3A_91] : memref<1310720xf32, #tpu.memory_space<hbm>> -> memref<64xf32, #tpu.memory_space<hbm>>
          %dma_start3A_216 = tpu.memref_slice %arg3[%add3A_91] : memref<1310720xf32, #tpu.memory_space<hbm>> -> memref<64xf32, #tpu.memory_space<hbm>>
          tpu.enqueue_dma source(%dma_start3A_216 : memref<64xf32, #tpu.memory_space<hbm>>) target(%arg14 : memref<64xf32, #tpu.memory_space<vmem>>) target_semaphore(%run_scoped3A : memref<!tpu.dma_semaphore, #tpu.memory_space<semaphore_mem>>)
          %dma_wait3A_217 = tpu.memref_slice %arg3[%add3A_91] : memref<1310720xf32, #tpu.memory_space<hbm>> -> memref<64xf32, #tpu.memory_space<hbm>>
          %dma_wait3A_218 = tpu.memref_slice %arg3[%add3A_91] : memref<1310720xf32, #tpu.memory_space<hbm>> -> memref<64xf32, #tpu.memory_space<hbm>>
          tpu.wait_dma2 semaphore(%run_scoped3A : memref<!tpu.dma_semaphore, #tpu.memory_space<semaphore_mem>>) src(%dma_wait3A_218 : memref<64xf32, #tpu.memory_space<hbm>>) dst(%arg14 : memref<64xf32, #tpu.memory_space<vmem>>)
          tpu.yield
        }) : () -> ()
        %get3A = arith.constant 0 : index
        %get3A_92 = tpu.vector_load %arg9[%get3A] {strides = array<i32>} : memref<64xi32, #tpu.memory_space<vmem>>, vector<16xi32>,
        %add3A_93 = arith.constant 10240 : i32
        %add3A_94 = vector.broadcast %add3A_93 : i32 to vector<16xi32>
        %add3A_95 = arith.addi %get3A_92, %add3A_94 : vector<16xi32>
        %swap3A = arith.constant 0 : index
        %swap3A_96 = tpu.vector_load %arg11[%swap3A] {strides = array<i32>} : memref<64xi32, #tpu.memory_space<vmem>>, vector<16xi32>,
        tpu.vector_store %arg11[%swap3A], %add3A_95 {strides = array<i32>} : memref<64xi32, #tpu.memory_space<vmem>>, vector<16xi32>,
        %get3A_97 = arith.constant 16 : index
        %get3A_98 = tpu.vector_load %arg9[%get3A_97] {strides = array<i32>} : memref<64xi32, #tpu.memory_space<vmem>>, vector<16xi32>,
        %add3A_99 = arith.constant 10240 : i32
        %add3A_100 = vector.broadcast %add3A_99 : i32 to vector<16xi32>
        %add3A_101 = arith.addi %get3A_98, %add3A_100 : vector<16xi32>
        %swap3A_102 = arith.constant 16 : index
        %swap3A_103 = tpu.vector_load %arg11[%swap3A_102] {strides = array<i32>} : memref<64xi32, #tpu.memory_space<vmem>>, vector<16xi32>,
        tpu.vector_store %arg11[%swap3A_102], %add3A_101 {strides = array<i32>} : memref<64xi32, #tpu.memory_space<vmem>>, vector<16xi32>,
        %get3A_104 = arith.constant 32 : index
        %get3A_105 = tpu.vector_load %arg9[%get3A_104] {strides = array<i32>} : memref<64xi32, #tpu.memory_space<vmem>>, vector<16xi32>,
        %add3A_106 = arith.constant 10240 : i32
        %add3A_107 = vector.broadcast %add3A_106 : i32 to vector<16xi32>
        %add3A_108 = arith.addi %get3A_105, %add3A_107 : vector<16xi32>
        %swap3A_109 = arith.constant 32 : index
        %swap3A_110 = tpu.vector_load %arg11[%swap3A_109] {strides = array<i32>} : memref<64xi32, #tpu.memory_space<vmem>>, vector<16xi32>,
        tpu.vector_store %arg11[%swap3A_109], %add3A_108 {strides = array<i32>} : memref<64xi32, #tpu.memory_space<vmem>>, vector<16xi32>,
        %get3A_111 = arith.constant 48 : index
        %get3A_112 = tpu.vector_load %arg9[%get3A_111] {strides = array<i32>} : memref<64xi32, #tpu.memory_space<vmem>>, vector<16xi32>,
        %add3A_113 = arith.constant 10240 : i32
        %add3A_114 = vector.broadcast %add3A_113 : i32 to vector<16xi32>
        %add3A_115 = arith.addi %get3A_112, %add3A_114 : vector<16xi32>
        %swap3A_116 = arith.constant 48 : index
        %swap3A_117 = tpu.vector_load %arg11[%swap3A_116] {strides = array<i32>} : memref<64xi32, #tpu.memory_space<vmem>>, vector<16xi32>,
        tpu.vector_store %arg11[%swap3A_116], %add3A_115 {strides = array<i32>} : memref<64xi32, #tpu.memory_space<vmem>>, vector<16xi32>,
        %dma_start3A = arith.constant 0 : i32
        %dma_start3A_118 = arith.constant 0 : i32
        %dma_start3A_119 = tpu.memref_slice %arg2[%dma_start3A, %dma_start3A_118] : memref<40960x128xf32, #tpu.memory_space<hbm>> -> memref<40960x128xf32, #tpu.memory_space<hbm>>
        tpu.enqueue_indirect_dma source(%dma_start3A_119 : memref<40960x128xf32, #tpu.memory_space<hbm>>) target(%arg12 : memref<64x128xf32, #tpu.memory_space<vmem>>) offsets(%arg11 : memref<64xi32, #tpu.memory_space<vmem>>) semaphore(%arg17 : memref<!tpu.dma_semaphore, #tpu.memory_space<semaphore_mem>>)
        %dma_wait3A = arith.constant 0 : i32
        %dma_wait3A_120 = arith.constant 0 : i32
        %dma_wait3A_121 = tpu.memref_slice %arg2[%dma_wait3A, %dma_wait3A_120] : memref<40960x128xf32, #tpu.memory_space<hbm>> -> memref<40960x128xf32, #tpu.memory_space<hbm>>
        tpu.wait_indirect_dma semaphore(%arg17 : memref<!tpu.dma_semaphore, #tpu.memory_space<semaphore_mem>>) src(%dma_wait3A_121 : memref<40960x128xf32, #tpu.memory_space<hbm>>) dst(%arg12 : memref<64x128xf32, #tpu.memory_space<vmem>>)
        %get3A_122 = arith.constant 32 : index
        %get3A_123 = tpu.vector_load %arg16[%get3A_122] {strides = array<i32>} : memref<128xf32, #tpu.memory_space<vmem>>, vector<16xf32>,
        %get3A_124 = arith.constant 48 : index
        %get3A_125 = tpu.vector_load %arg16[%get3A_124] {strides = array<i32>} : memref<128xf32, #tpu.memory_space<vmem>>, vector<16xf32>,
        %iota3A = tpu.iota {dimensions = array<i32: 0>} : vector<16xi32>
        %add3A_126 = arith.constant 0 : i32
        %add3A_127 = vector.broadcast %add3A_126 : i32 to vector<16xi32>
        %add3A_128 = arith.addi %iota3A, %add3A_127 : vector<16xi32>
        %get3A_129 = arith.constant 0 : index
        %get3A_130 = tpu.vector_load %arg13[%get3A_129] {strides = array<i32>} : memref<64xf32, #tpu.memory_space<vmem>>, vector<16xf32>,
        %sub3A = arith.subf %get3A_130, %get3A_123 : vector<16xf32>
        %exp3A = math.exp %sub3A : vector<16xf32>
        %get3A_131 = arith.constant 0 : index
        %get3A_132 = tpu.vector_load %arg14[%get3A_131] {strides = array<i32>} : memref<64xf32, #tpu.memory_space<vmem>>, vector<16xf32>,
        %sub3A_133 = arith.subf %get3A_132, %get3A_125 : vector<16xf32>
        %exp3A_134 = math.exp %sub3A_133 : vector<16xf32>
        %broadcast_in_dim3A_135 = arith.constant 64 : i32
        %broadcast_in_dim3A_136 = vector.broadcast %broadcast_in_dim3A_135 : i32 to vector<16xi32>
        tpu.vector_store_idx %arg15[%add3A_128, %broadcast_in_dim3A_136], %exp3A : memref<64x160xf32, #tpu.memory_space<vmem>>[vector<16xi32>, vector<16xi32>], vector<16xf32>,
        %broadcast_in_dim3A_137 = arith.constant 144 : i32
        %broadcast_in_dim3A_138 = vector.broadcast %broadcast_in_dim3A_137 : i32 to vector<16xi32>
        tpu.vector_store_idx %arg15[%add3A_128, %broadcast_in_dim3A_138], %exp3A_134 : memref<64x160xf32, #tpu.memory_space<vmem>>[vector<16xi32>, vector<16xi32>], vector<16xf32>,
        %scan3A_139 = arith.constant 0 : i32
        %scan3A_140 = arith.constant 0 : i32
        %scan3A_141 = arith.constant 64 : i32
        %scan3A_142 = arith.addi %scan3A_140, %scan3A_141 : i32
        %scan3A_143 = arith.constant 1 : i32
        %scan3A_144 = scf.for %scan3A_215 = %scan3A_140 to %scan3A_142 step %scan3A_143 iter_args(%scan3A_216 = %scan3A_139) -> (i32)  : i32 {
          %broadcast_in_dim3A_217 = arith.constant 0 : i32
          %broadcast_in_dim3A_218 = vector.broadcast %broadcast_in_dim3A_217 : i32 to vector<16xi32>
          %add3A_219 = vector.broadcast %scan3A_215 : i32 to vector<16xi32>
          %add3A_220 = arith.addi %broadcast_in_dim3A_218, %add3A_219 : vector<16xi32>
          %broadcast_in_dim3A_221 = arith.constant 64 : i32
          %broadcast_in_dim3A_222 = vector.broadcast %broadcast_in_dim3A_221 : i32 to vector<16xi32>
          %add3A_223 = vector.broadcast %scan3A_215 : i32 to vector<16xi32>
          %add3A_224 = arith.addi %broadcast_in_dim3A_222, %add3A_223 : vector<16xi32>
          %gather3A = tpu.vector_load_idx %arg12[%add3A_128, %add3A_220] : memref<64x128xf32, #tpu.memory_space<vmem>>[vector<16xi32>, vector<16xi32>], vector<16xf32>,
          %gather3A_225 = tpu.vector_load_idx %arg12[%add3A_128, %add3A_224] : memref<64x128xf32, #tpu.memory_space<vmem>>[vector<16xi32>, vector<16xi32>], vector<16xf32>,
          %mul3A_226 = arith.mulf %gather3A, %exp3A : vector<16xf32>
          tpu.vector_store_idx %arg15[%add3A_128, %add3A_220], %mul3A_226 : memref<64x160xf32, #tpu.memory_space<vmem>>[vector<16xi32>, vector<16xi32>], vector<16xf32>,
          %broadcast_in_dim3A_227 = arith.constant 80 : i32
          %broadcast_in_dim3A_228 = vector.broadcast %broadcast_in_dim3A_227 : i32 to vector<16xi32>
          %add3A_229 = vector.broadcast %scan3A_215 : i32 to vector<16xi32>
          %add3A_230 = arith.addi %broadcast_in_dim3A_228, %add3A_229 : vector<16xi32>
          %mul3A_231 = arith.mulf %gather3A_225, %exp3A_134 : vector<16xf32>
          tpu.vector_store_idx %arg15[%add3A_128, %add3A_230], %mul3A_231 : memref<64x160xf32, #tpu.memory_space<vmem>>[vector<16xi32>, vector<16xi32>], vector<16xf32>,
          %scan3A_232 = arith.constant 0 : i32
          scf.yield %scan3A_232 : i32
        }
        %scan3A_145 = arith.constant 64 : i32
        %iota3A_146 = tpu.iota {dimensions = array<i32: 0>} : vector<16xi32>
        %add3A_147 = arith.constant 16 : i32
        %add3A_148 = vector.broadcast %add3A_147 : i32 to vector<16xi32>
        %add3A_149 = arith.addi %iota3A_146, %add3A_148 : vector<16xi32>
        %get3A_150 = arith.constant 16 : index
        %get3A_151 = tpu.vector_load %arg13[%get3A_150] {strides = array<i32>} : memref<64xf32, #tpu.memory_space<vmem>>, vector<16xf32>,
        %sub3A_152 = arith.subf %get3A_151, %get3A_123 : vector<16xf32>
        %exp3A_153 = math.exp %sub3A_152 : vector<16xf32>
        %get3A_154 = arith.constant 16 : index
        %get3A_155 = tpu.vector_load %arg14[%get3A_154] {strides = array<i32>} : memref<64xf32, #tpu.memory_space<vmem>>, vector<16xf32>,
        %sub3A_156 = arith.subf %get3A_155, %get3A_125 : vector<16xf32>
        %exp3A_157 = math.exp %sub3A_156 : vector<16xf32>
        %broadcast_in_dim3A_158 = arith.constant 64 : i32
        %broadcast_in_dim3A_159 = vector.broadcast %broadcast_in_dim3A_158 : i32 to vector<16xi32>
        tpu.vector_store_idx %arg15[%add3A_149, %broadcast_in_dim3A_159], %exp3A_153 : memref<64x160xf32, #tpu.memory_space<vmem>>[vector<16xi32>, vector<16xi32>], vector<16xf32>,
        %broadcast_in_dim3A_160 = arith.constant 144 : i32
        %broadcast_in_dim3A_161 = vector.broadcast %broadcast_in_dim3A_160 : i32 to vector<16xi32>
        tpu.vector_store_idx %arg15[%add3A_149, %broadcast_in_dim3A_161], %exp3A_157 : memref<64x160xf32, #tpu.memory_space<vmem>>[vector<16xi32>, vector<16xi32>], vector<16xf32>,
        %scan3A_162 = arith.constant 0 : i32
        %scan3A_163 = arith.constant 0 : i32
        %scan3A_164 = arith.constant 64 : i32
        %scan3A_165 = arith.addi %scan3A_163, %scan3A_164 : i32
        %scan3A_166 = arith.constant 1 : i32
        %scan3A_167 = scf.for %scan3A_215 = %scan3A_163 to %scan3A_165 step %scan3A_166 iter_args(%scan3A_216 = %scan3A_162) -> (i32)  : i32 {
          %broadcast_in_dim3A_217 = arith.constant 0 : i32
          %broadcast_in_dim3A_218 = vector.broadcast %broadcast_in_dim3A_217 : i32 to vector<16xi32>
          %add3A_219 = vector.broadcast %scan3A_215 : i32 to vector<16xi32>
          %add3A_220 = arith.addi %broadcast_in_dim3A_218, %add3A_219 : vector<16xi32>
          %broadcast_in_dim3A_221 = arith.constant 64 : i32
          %broadcast_in_dim3A_222 = vector.broadcast %broadcast_in_dim3A_221 : i32 to vector<16xi32>
          %add3A_223 = vector.broadcast %scan3A_215 : i32 to vector<16xi32>
          %add3A_224 = arith.addi %broadcast_in_dim3A_222, %add3A_223 : vector<16xi32>
          %gather3A = tpu.vector_load_idx %arg12[%add3A_149, %add3A_220] : memref<64x128xf32, #tpu.memory_space<vmem>>[vector<16xi32>, vector<16xi32>], vector<16xf32>,
          %gather3A_225 = tpu.vector_load_idx %arg12[%add3A_149, %add3A_224] : memref<64x128xf32, #tpu.memory_space<vmem>>[vector<16xi32>, vector<16xi32>], vector<16xf32>,
          %mul3A_226 = arith.mulf %gather3A, %exp3A_153 : vector<16xf32>
          tpu.vector_store_idx %arg15[%add3A_149, %add3A_220], %mul3A_226 : memref<64x160xf32, #tpu.memory_space<vmem>>[vector<16xi32>, vector<16xi32>], vector<16xf32>,
          %broadcast_in_dim3A_227 = arith.constant 80 : i32
          %broadcast_in_dim3A_228 = vector.broadcast %broadcast_in_dim3A_227 : i32 to vector<16xi32>
          %add3A_229 = vector.broadcast %scan3A_215 : i32 to vector<16xi32>
          %add3A_230 = arith.addi %broadcast_in_dim3A_228, %add3A_229 : vector<16xi32>
          %mul3A_231 = arith.mulf %gather3A_225, %exp3A_157 : vector<16xf32>
          tpu.vector_store_idx %arg15[%add3A_149, %add3A_230], %mul3A_231 : memref<64x160xf32, #tpu.memory_space<vmem>>[vector<16xi32>, vector<16xi32>], vector<16xf32>,
          %scan3A_232 = arith.constant 0 : i32
          scf.yield %scan3A_232 : i32
        }
        %scan3A_168 = arith.constant 64 : i32
        %iota3A_169 = tpu.iota {dimensions = array<i32: 0>} : vector<16xi32>
        %add3A_170 = arith.constant 32 : i32
        %add3A_171 = vector.broadcast %add3A_170 : i32 to vector<16xi32>
        %add3A_172 = arith.addi %iota3A_169, %add3A_171 : vector<16xi32>
        %get3A_173 = arith.constant 32 : index
        %get3A_174 = tpu.vector_load %arg13[%get3A_173] {strides = array<i32>} : memref<64xf32, #tpu.memory_space<vmem>>, vector<16xf32>,
        %sub3A_175 = arith.subf %get3A_174, %get3A_123 : vector<16xf32>
        %exp3A_176 = math.exp %sub3A_175 : vector<16xf32>
        %get3A_177 = arith.constant 32 : index
        %get3A_178 = tpu.vector_load %arg14[%get3A_177] {strides = array<i32>} : memref<64xf32, #tpu.memory_space<vmem>>, vector<16xf32>,
        %sub3A_179 = arith.subf %get3A_178, %get3A_125 : vector<16xf32>
        %exp3A_180 = math.exp %sub3A_179 : vector<16xf32>
        %broadcast_in_dim3A_181 = arith.constant 64 : i32
        %broadcast_in_dim3A_182 = vector.broadcast %broadcast_in_dim3A_181 : i32 to vector<16xi32>
        tpu.vector_store_idx %arg15[%add3A_172, %broadcast_in_dim3A_182], %exp3A_176 : memref<64x160xf32, #tpu.memory_space<vmem>>[vector<16xi32>, vector<16xi32>], vector<16xf32>,
        %broadcast_in_dim3A_183 = arith.constant 144 : i32
        %broadcast_in_dim3A_184 = vector.broadcast %broadcast_in_dim3A_183 : i32 to vector<16xi32>
        tpu.vector_store_idx %arg15[%add3A_172, %broadcast_in_dim3A_184], %exp3A_180 : memref<64x160xf32, #tpu.memory_space<vmem>>[vector<16xi32>, vector<16xi32>], vector<16xf32>,
        %scan3A_185 = arith.constant 0 : i32
        %scan3A_186 = arith.constant 0 : i32
        %scan3A_187 = arith.constant 64 : i32
        %scan3A_188 = arith.addi %scan3A_186, %scan3A_187 : i32
        %scan3A_189 = arith.constant 1 : i32
        %scan3A_190 = scf.for %scan3A_215 = %scan3A_186 to %scan3A_188 step %scan3A_189 iter_args(%scan3A_216 = %scan3A_185) -> (i32)  : i32 {
          %broadcast_in_dim3A_217 = arith.constant 0 : i32
          %broadcast_in_dim3A_218 = vector.broadcast %broadcast_in_dim3A_217 : i32 to vector<16xi32>
          %add3A_219 = vector.broadcast %scan3A_215 : i32 to vector<16xi32>
          %add3A_220 = arith.addi %broadcast_in_dim3A_218, %add3A_219 : vector<16xi32>
          %broadcast_in_dim3A_221 = arith.constant 64 : i32
          %broadcast_in_dim3A_222 = vector.broadcast %broadcast_in_dim3A_221 : i32 to vector<16xi32>
          %add3A_223 = vector.broadcast %scan3A_215 : i32 to vector<16xi32>
          %add3A_224 = arith.addi %broadcast_in_dim3A_222, %add3A_223 : vector<16xi32>
          %gather3A = tpu.vector_load_idx %arg12[%add3A_172, %add3A_220] : memref<64x128xf32, #tpu.memory_space<vmem>>[vector<16xi32>, vector<16xi32>], vector<16xf32>,
          %gather3A_225 = tpu.vector_load_idx %arg12[%add3A_172, %add3A_224] : memref<64x128xf32, #tpu.memory_space<vmem>>[vector<16xi32>, vector<16xi32>], vector<16xf32>,
          %mul3A_226 = arith.mulf %gather3A, %exp3A_176 : vector<16xf32>
          tpu.vector_store_idx %arg15[%add3A_172, %add3A_220], %mul3A_226 : memref<64x160xf32, #tpu.memory_space<vmem>>[vector<16xi32>, vector<16xi32>], vector<16xf32>,
          %broadcast_in_dim3A_227 = arith.constant 80 : i32
          %broadcast_in_dim3A_228 = vector.broadcast %broadcast_in_dim3A_227 : i32 to vector<16xi32>
          %add3A_229 = vector.broadcast %scan3A_215 : i32 to vector<16xi32>
          %add3A_230 = arith.addi %broadcast_in_dim3A_228, %add3A_229 : vector<16xi32>
          %mul3A_231 = arith.mulf %gather3A_225, %exp3A_180 : vector<16xf32>
          tpu.vector_store_idx %arg15[%add3A_172, %add3A_230], %mul3A_231 : memref<64x160xf32, #tpu.memory_space<vmem>>[vector<16xi32>, vector<16xi32>], vector<16xf32>,
          %scan3A_232 = arith.constant 0 : i32
          scf.yield %scan3A_232 : i32
        }
        %scan3A_191 = arith.constant 64 : i32
        %iota3A_192 = tpu.iota {dimensions = array<i32: 0>} : vector<16xi32>
        %add3A_193 = arith.constant 48 : i32
        %add3A_194 = vector.broadcast %add3A_193 : i32 to vector<16xi32>
        %add3A_195 = arith.addi %iota3A_192, %add3A_194 : vector<16xi32>
        %get3A_196 = arith.constant 48 : index
        %get3A_197 = tpu.vector_load %arg13[%get3A_196] {strides = array<i32>} : memref<64xf32, #tpu.memory_space<vmem>>, vector<16xf32>,
        %sub3A_198 = arith.subf %get3A_197, %get3A_123 : vector<16xf32>
        %exp3A_199 = math.exp %sub3A_198 : vector<16xf32>
        %get3A_200 = arith.constant 48 : index
        %get3A_201 = tpu.vector_load %arg14[%get3A_200] {strides = array<i32>} : memref<64xf32, #tpu.memory_space<vmem>>, vector<16xf32>,
        %sub3A_202 = arith.subf %get3A_201, %get3A_125 : vector<16xf32>
        %exp3A_203 = math.exp %sub3A_202 : vector<16xf32>
        %broadcast_in_dim3A_204 = arith.constant 64 : i32
        %broadcast_in_dim3A_205 = vector.broadcast %broadcast_in_dim3A_204 : i32 to vector<16xi32>
        tpu.vector_store_idx %arg15[%add3A_195, %broadcast_in_dim3A_205], %exp3A_199 : memref<64x160xf32, #tpu.memory_space<vmem>>[vector<16xi32>, vector<16xi32>], vector<16xf32>,
        %broadcast_in_dim3A_206 = arith.constant 144 : i32
        %broadcast_in_dim3A_207 = vector.broadcast %broadcast_in_dim3A_206 : i32 to vector<16xi32>
        tpu.vector_store_idx %arg15[%add3A_195, %broadcast_in_dim3A_207], %exp3A_203 : memref<64x160xf32, #tpu.memory_space<vmem>>[vector<16xi32>, vector<16xi32>], vector<16xf32>,
        %scan3A_208 = arith.constant 0 : i32
        %scan3A_209 = arith.constant 0 : i32
        %scan3A_210 = arith.constant 64 : i32
        %scan3A_211 = arith.addi %scan3A_209, %scan3A_210 : i32
        %scan3A_212 = arith.constant 1 : i32
        %scan3A_213 = scf.for %scan3A_215 = %scan3A_209 to %scan3A_211 step %scan3A_212 iter_args(%scan3A_216 = %scan3A_208) -> (i32)  : i32 {
          %broadcast_in_dim3A_217 = arith.constant 0 : i32
          %broadcast_in_dim3A_218 = vector.broadcast %broadcast_in_dim3A_217 : i32 to vector<16xi32>
          %add3A_219 = vector.broadcast %scan3A_215 : i32 to vector<16xi32>
          %add3A_220 = arith.addi %broadcast_in_dim3A_218, %add3A_219 : vector<16xi32>
          %broadcast_in_dim3A_221 = arith.constant 64 : i32
          %broadcast_in_dim3A_222 = vector.broadcast %broadcast_in_dim3A_221 : i32 to vector<16xi32>
          %add3A_223 = vector.broadcast %scan3A_215 : i32 to vector<16xi32>
          %add3A_224 = arith.addi %broadcast_in_dim3A_222, %add3A_223 : vector<16xi32>
          %gather3A = tpu.vector_load_idx %arg12[%add3A_195, %add3A_220] : memref<64x128xf32, #tpu.memory_space<vmem>>[vector<16xi32>, vector<16xi32>], vector<16xf32>,
          %gather3A_225 = tpu.vector_load_idx %arg12[%add3A_195, %add3A_224] : memref<64x128xf32, #tpu.memory_space<vmem>>[vector<16xi32>, vector<16xi32>], vector<16xf32>,
          %mul3A_226 = arith.mulf %gather3A, %exp3A_199 : vector<16xf32>
          tpu.vector_store_idx %arg15[%add3A_195, %add3A_220], %mul3A_226 : memref<64x160xf32, #tpu.memory_space<vmem>>[vector<16xi32>, vector<16xi32>], vector<16xf32>,
          %broadcast_in_dim3A_227 = arith.constant 80 : i32
          %broadcast_in_dim3A_228 = vector.broadcast %broadcast_in_dim3A_227 : i32 to vector<16xi32>
          %add3A_229 = vector.broadcast %scan3A_215 : i32 to vector<16xi32>
          %add3A_230 = arith.addi %broadcast_in_dim3A_228, %add3A_229 : vector<16xi32>
          %mul3A_231 = arith.mulf %gather3A_225, %exp3A_203 : vector<16xf32>
          tpu.vector_store_idx %arg15[%add3A_195, %add3A_230], %mul3A_231 : memref<64x160xf32, #tpu.memory_space<vmem>>[vector<16xi32>, vector<16xi32>], vector<16xf32>,
          %scan3A_232 = arith.constant 0 : i32
          scf.yield %scan3A_232 : i32
        }
        %scan3A_214 = arith.constant 64 : i32
        "tpu.region"() ({
          %run_scoped3A = tpu.sem_alloc : memref<!tpu.dma_semaphore, #tpu.memory_space<semaphore_mem>>
          %dma_start3A_215 = arith.constant 0 : i32
          %dma_start3A_216 = arith.constant 0 : i32
          %dma_start3A_217 = tpu.memref_slice %arg8[%dma_start3A_215, %dma_start3A_216] : memref<10240x160xf32, #tpu.memory_space<vmem_shared>> -> memref<10240x160xf32, #tpu.memory_space<vmem_shared>>
          tpu.enqueue_indirect_dma source(%arg15 : memref<64x160xf32, #tpu.memory_space<vmem>>) target(%dma_start3A_217 : memref<10240x160xf32, #tpu.memory_space<vmem_shared>>) offsets(%arg10 : memref<64xi32, #tpu.memory_space<vmem>>) semaphore(%run_scoped3A : memref<!tpu.dma_semaphore, #tpu.memory_space<semaphore_mem>>) {add = true}
          %dma_wait3A_218 = arith.constant 0 : i32
          %dma_wait3A_219 = arith.constant 0 : i32
          %dma_wait3A_220 = tpu.memref_slice %arg8[%dma_wait3A_218, %dma_wait3A_219] : memref<10240x160xf32, #tpu.memory_space<vmem_shared>> -> memref<10240x160xf32, #tpu.memory_space<vmem_shared>>
          tpu.wait_indirect_dma semaphore(%run_scoped3A : memref<!tpu.dma_semaphore, #tpu.memory_space<semaphore_mem>>) src(%arg15 : memref<64x160xf32, #tpu.memory_space<vmem>>) dst(%dma_wait3A_220 : memref<10240x160xf32, #tpu.memory_space<vmem_shared>>)
          tpu.yield
        }) : () -> ()
      }
      %scan3A_73 = arith.constant 160 : i32
      %barrier3A_74 = arith.constant 0 : index
      tpu.barrier barrier_id(%barrier3A_74)
      %add3A_75 = arith.constant 10240 : i32
      %add3A_76 = arith.addi %add3A_75, %mul3A_47 : i32
      "tpu.region"() ({
        %run_scoped3A = tpu.sem_alloc : memref<!tpu.dma_semaphore, #tpu.memory_space<semaphore_mem>>
        %dma_start3A = arith.constant 0 : i32
        %dma_start3A_78 = tpu.memref_slice %arg7[%add3A_76, %dma_start3A] : memref<40960x160xf32, #tpu.memory_space<hbm>> -> memref<640x160xf32, #tpu.memory_space<hbm>>
        %dma_start3A_79 = arith.constant 0 : i32
        %dma_start3A_80 = tpu.memref_slice %arg8[%mul3A_47, %dma_start3A_79] : memref<10240x160xf32, #tpu.memory_space<vmem_shared>> -> memref<640x160xf32, #tpu.memory_space<vmem_shared>>
        tpu.enqueue_dma source(%dma_start3A_80 : memref<640x160xf32, #tpu.memory_space<vmem_shared>>) target(%dma_start3A_78 : memref<640x160xf32, #tpu.memory_space<hbm>>) target_semaphore(%run_scoped3A : memref<!tpu.dma_semaphore, #tpu.memory_space<semaphore_mem>>)
        %dma_wait3A = arith.constant 0 : i32
        %dma_wait3A_81 = tpu.memref_slice %arg7[%add3A_76, %dma_wait3A] : memref<40960x160xf32, #tpu.memory_space<hbm>> -> memref<640x160xf32, #tpu.memory_space<hbm>>
        %dma_wait3A_82 = arith.constant 0 : i32
        %dma_wait3A_83 = tpu.memref_slice %arg8[%mul3A_47, %dma_wait3A_82] : memref<10240x160xf32, #tpu.memory_space<vmem_shared>> -> memref<640x160xf32, #tpu.memory_space<vmem_shared>>
        tpu.wait_dma2 semaphore(%run_scoped3A : memref<!tpu.dma_semaphore, #tpu.memory_space<semaphore_mem>>) src(%dma_wait3A_83 : memref<640x160xf32, #tpu.memory_space<vmem_shared>>) dst(%dma_wait3A_81 : memref<640x160xf32, #tpu.memory_space<hbm>>)
        tpu.yield
      }) : () -> ()
      %barrier3A_77 = arith.constant 0 : index
      tpu.barrier barrier_id(%barrier3A_77)
    } else {
    }
    %eq3A_3 = arith.constant 1 : i32
    %eq3A_4 = arith.cmpi eq, %arg0, %eq3A_3 : i32
    %convert_element_type3A_5 = arith.extui %eq3A_4 : i1 to i32
    %cond3A_6 = arith.constant 0 : i32
    %cond3A_7 = arith.cmpi ne, %convert_element_type3A_5, %cond3A_6 : i32
    scf.if %cond3A_7 {
      %scan3A = arith.constant 0 : i32
      %scan3A_8 = arith.constant 64 : i32
      %scan3A_9 = arith.addi %scan3A, %scan3A_8 : i32
      %scan3A_10 = arith.constant 1 : i32
      scf.for %scan3A_78 = %scan3A to %scan3A_9 step %scan3A_10  : i32 {
        %mul3A_79 = arith.constant 1 : i32
        %mul3A_80 = arith.muli %scan3A_78, %mul3A_79 : i32
        %add3A_81 = arith.constant 0 : i32
        %add3A_82 = arith.addi %add3A_81, %mul3A_80 : i32
        %swap3A = arith.index_cast %add3A_82 : i32 to index
        %swap3A_83 = arith.constant 0 : index
        %swap3A_84 = tpu.vector_load %arg15[%swap3A, %swap3A_83] {strides = array<i32>} : memref<64x160xf32, #tpu.memory_space<vmem>>, vector<16xf32>,
        tpu.vector_store %arg15[%swap3A, %swap3A_83], %broadcast_in_dim3A_0 {strides = array<i32>} : memref<64x160xf32, #tpu.memory_space<vmem>>, vector<16xf32>,
        %swap3A_85 = arith.index_cast %add3A_82 : i32 to index
        %swap3A_86 = arith.constant 16 : index
        %swap3A_87 = tpu.vector_load %arg15[%swap3A_85, %swap3A_86] {strides = array<i32>} : memref<64x160xf32, #tpu.memory_space<vmem>>, vector<16xf32>,
        tpu.vector_store %arg15[%swap3A_85, %swap3A_86], %broadcast_in_dim3A_0 {strides = array<i32>} : memref<64x160xf32, #tpu.memory_space<vmem>>, vector<16xf32>,
        %swap3A_88 = arith.index_cast %add3A_82 : i32 to index
        %swap3A_89 = arith.constant 32 : index
        %swap3A_90 = tpu.vector_load %arg15[%swap3A_88, %swap3A_89] {strides = array<i32>} : memref<64x160xf32, #tpu.memory_space<vmem>>, vector<16xf32>,
        tpu.vector_store %arg15[%swap3A_88, %swap3A_89], %broadcast_in_dim3A_0 {strides = array<i32>} : memref<64x160xf32, #tpu.memory_space<vmem>>, vector<16xf32>,
        %swap3A_91 = arith.index_cast %add3A_82 : i32 to index
        %swap3A_92 = arith.constant 48 : index
        %swap3A_93 = tpu.vector_load %arg15[%swap3A_91, %swap3A_92] {strides = array<i32>} : memref<64x160xf32, #tpu.memory_space<vmem>>, vector<16xf32>,
        tpu.vector_store %arg15[%swap3A_91, %swap3A_92], %broadcast_in_dim3A_0 {strides = array<i32>} : memref<64x160xf32, #tpu.memory_space<vmem>>, vector<16xf32>,
        %swap3A_94 = arith.index_cast %add3A_82 : i32 to index
        %swap3A_95 = arith.constant 64 : index
        %swap3A_96 = tpu.vector_load %arg15[%swap3A_94, %swap3A_95] {strides = array<i32>} : memref<64x160xf32, #tpu.memory_space<vmem>>, vector<16xf32>,
        tpu.vector_store %arg15[%swap3A_94, %swap3A_95], %broadcast_in_dim3A_0 {strides = array<i32>} : memref<64x160xf32, #tpu.memory_space<vmem>>, vector<16xf32>,
        %swap3A_97 = arith.index_cast %add3A_82 : i32 to index
        %swap3A_98 = arith.constant 80 : index
        %swap3A_99 = tpu.vector_load %arg15[%swap3A_97, %swap3A_98] {strides = array<i32>} : memref<64x160xf32, #tpu.memory_space<vmem>>, vector<16xf32>,
        tpu.vector_store %arg15[%swap3A_97, %swap3A_98], %broadcast_in_dim3A_0 {strides = array<i32>} : memref<64x160xf32, #tpu.memory_space<vmem>>, vector<16xf32>,
        %swap3A_100 = arith.index_cast %add3A_82 : i32 to index
        %swap3A_101 = arith.constant 96 : index
        %swap3A_102 = tpu.vector_load %arg15[%swap3A_100, %swap3A_101] {strides = array<i32>} : memref<64x160xf32, #tpu.memory_space<vmem>>, vector<16xf32>,
        tpu.vector_store %arg15[%swap3A_100, %swap3A_101], %broadcast_in_dim3A_0 {strides = array<i32>} : memref<64x160xf32, #tpu.memory_space<vmem>>, vector<16xf32>,
        %swap3A_103 = arith.index_cast %add3A_82 : i32 to index
        %swap3A_104 = arith.constant 112 : index
        %swap3A_105 = tpu.vector_load %arg15[%swap3A_103, %swap3A_104] {strides = array<i32>} : memref<64x160xf32, #tpu.memory_space<vmem>>, vector<16xf32>,
        tpu.vector_store %arg15[%swap3A_103, %swap3A_104], %broadcast_in_dim3A_0 {strides = array<i32>} : memref<64x160xf32, #tpu.memory_space<vmem>>, vector<16xf32>,
        %swap3A_106 = arith.index_cast %add3A_82 : i32 to index
        %swap3A_107 = arith.constant 128 : index
        %swap3A_108 = tpu.vector_load %arg15[%swap3A_106, %swap3A_107] {strides = array<i32>} : memref<64x160xf32, #tpu.memory_space<vmem>>, vector<16xf32>,
        tpu.vector_store %arg15[%swap3A_106, %swap3A_107], %broadcast_in_dim3A_0 {strides = array<i32>} : memref<64x160xf32, #tpu.memory_space<vmem>>, vector<16xf32>,
        %swap3A_109 = arith.index_cast %add3A_82 : i32 to index
        %swap3A_110 = arith.constant 144 : index
        %swap3A_111 = tpu.vector_load %arg15[%swap3A_109, %swap3A_110] {strides = array<i32>} : memref<64x160xf32, #tpu.memory_space<vmem>>, vector<16xf32>,
        tpu.vector_store %arg15[%swap3A_109, %swap3A_110], %broadcast_in_dim3A_0 {strides = array<i32>} : memref<64x160xf32, #tpu.memory_space<vmem>>, vector<16xf32>,
      }
      %scan3A_11 = arith.constant 64 : i32
      %mul3A = arith.constant 640 : i32
      %mul3A_12 = arith.muli %arg1, %mul3A : i32
      %add3A = arith.constant 0 : i32
      %add3A_13 = arith.addi %mul3A_12, %add3A : i32
      "tpu.region"() ({
        %run_scoped3A = tpu.sem_alloc : memref<!tpu.dma_semaphore, #tpu.memory_space<semaphore_mem>>
        %dma_start3A = arith.constant 0 : i32
        %dma_start3A_78 = tpu.memref_slice %arg8[%add3A_13, %dma_start3A] : memref<10240x160xf32, #tpu.memory_space<vmem_shared>> -> memref<64x160xf32, #tpu.memory_space<vmem_shared>>
        %dma_start3A_79 = arith.constant 0 : i32
        %dma_start3A_80 = tpu.memref_slice %arg8[%add3A_13, %dma_start3A_79] : memref<10240x160xf32, #tpu.memory_space<vmem_shared>> -> memref<64x160xf32, #tpu.memory_space<vmem_shared>>
        tpu.enqueue_dma source(%arg15 : memref<64x160xf32, #tpu.memory_space<vmem>>) target(%dma_start3A_80 : memref<64x160xf32, #tpu.memory_space<vmem_shared>>) target_semaphore(%run_scoped3A : memref<!tpu.dma_semaphore, #tpu.memory_space<semaphore_mem>>)
        %dma_wait3A = arith.constant 0 : i32
        %dma_wait3A_81 = tpu.memref_slice %arg8[%add3A_13, %dma_wait3A] : memref<10240x160xf32, #tpu.memory_space<vmem_shared>> -> memref<64x160xf32, #tpu.memory_space<vmem_shared>>
        %dma_wait3A_82 = arith.constant 0 : i32
        %dma_wait3A_83 = tpu.memref_slice %arg8[%add3A_13, %dma_wait3A_82] : memref<10240x160xf32, #tpu.memory_space<vmem_shared>> -> memref<64x160xf32, #tpu.memory_space<vmem_shared>>
        tpu.wait_dma2 semaphore(%run_scoped3A : memref<!tpu.dma_semaphore, #tpu.memory_space<semaphore_mem>>) src(%arg15 : memref<64x160xf32, #tpu.memory_space<vmem>>) dst(%dma_wait3A_83 : memref<64x160xf32, #tpu.memory_space<vmem_shared>>)
        tpu.yield
      }) : () -> ()
      %add3A_14 = arith.constant 64 : i32
      %add3A_15 = arith.addi %mul3A_12, %add3A_14 : i32
      "tpu.region"() ({
        %run_scoped3A = tpu.sem_alloc : memref<!tpu.dma_semaphore, #tpu.memory_space<semaphore_mem>>
        %dma_start3A = arith.constant 0 : i32
        %dma_start3A_78 = tpu.memref_slice %arg8[%add3A_15, %dma_start3A] : memref<10240x160xf32, #tpu.memory_space<vmem_shared>> -> memref<64x160xf32, #tpu.memory_space<vmem_shared>>
        %dma_start3A_79 = arith.constant 0 : i32
        %dma_start3A_80 = tpu.memref_slice %arg8[%add3A_15, %dma_start3A_79] : memref<10240x160xf32, #tpu.memory_space<vmem_shared>> -> memref<64x160xf32, #tpu.memory_space<vmem_shared>>
        tpu.enqueue_dma source(%arg15 : memref<64x160xf32, #tpu.memory_space<vmem>>) target(%dma_start3A_80 : memref<64x160xf32, #tpu.memory_space<vmem_shared>>) target_semaphore(%run_scoped3A : memref<!tpu.dma_semaphore, #tpu.memory_space<semaphore_mem>>)
        %dma_wait3A = arith.constant 0 : i32
        %dma_wait3A_81 = tpu.memref_slice %arg8[%add3A_15, %dma_wait3A] : memref<10240x160xf32, #tpu.memory_space<vmem_shared>> -> memref<64x160xf32, #tpu.memory_space<vmem_shared>>
        %dma_wait3A_82 = arith.constant 0 : i32
        %dma_wait3A_83 = tpu.memref_slice %arg8[%add3A_15, %dma_wait3A_82] : memref<10240x160xf32, #tpu.memory_space<vmem_shared>> -> memref<64x160xf32, #tpu.memory_space<vmem_shared>>
        tpu.wait_dma2 semaphore(%run_scoped3A : memref<!tpu.dma_semaphore, #tpu.memory_space<semaphore_mem>>) src(%arg15 : memref<64x160xf32, #tpu.memory_space<vmem>>) dst(%dma_wait3A_83 : memref<64x160xf32, #tpu.memory_space<vmem_shared>>)
        tpu.yield
      }) : () -> ()
      %add3A_16 = arith.constant 128 : i32
      %add3A_17 = arith.addi %mul3A_12, %add3A_16 : i32
      "tpu.region"() ({
        %run_scoped3A = tpu.sem_alloc : memref<!tpu.dma_semaphore, #tpu.memory_space<semaphore_mem>>
        %dma_start3A = arith.constant 0 : i32
        %dma_start3A_78 = tpu.memref_slice %arg8[%add3A_17, %dma_start3A] : memref<10240x160xf32, #tpu.memory_space<vmem_shared>> -> memref<64x160xf32, #tpu.memory_space<vmem_shared>>
        %dma_start3A_79 = arith.constant 0 : i32
        %dma_start3A_80 = tpu.memref_slice %arg8[%add3A_17, %dma_start3A_79] : memref<10240x160xf32, #tpu.memory_space<vmem_shared>> -> memref<64x160xf32, #tpu.memory_space<vmem_shared>>
        tpu.enqueue_dma source(%arg15 : memref<64x160xf32, #tpu.memory_space<vmem>>) target(%dma_start3A_80 : memref<64x160xf32, #tpu.memory_space<vmem_shared>>) target_semaphore(%run_scoped3A : memref<!tpu.dma_semaphore, #tpu.memory_space<semaphore_mem>>)
        %dma_wait3A = arith.constant 0 : i32
        %dma_wait3A_81 = tpu.memref_slice %arg8[%add3A_17, %dma_wait3A] : memref<10240x160xf32, #tpu.memory_space<vmem_shared>> -> memref<64x160xf32, #tpu.memory_space<vmem_shared>>
        %dma_wait3A_82 = arith.constant 0 : i32
        %dma_wait3A_83 = tpu.memref_slice %arg8[%add3A_17, %dma_wait3A_82] : memref<10240x160xf32, #tpu.memory_space<vmem_shared>> -> memref<64x160xf32, #tpu.memory_space<vmem_shared>>
        tpu.wait_dma2 semaphore(%run_scoped3A : memref<!tpu.dma_semaphore, #tpu.memory_space<semaphore_mem>>) src(%arg15 : memref<64x160xf32, #tpu.memory_space<vmem>>) dst(%dma_wait3A_83 : memref<64x160xf32, #tpu.memory_space<vmem_shared>>)
        tpu.yield
      }) : () -> ()
      %add3A_18 = arith.constant 192 : i32
      %add3A_19 = arith.addi %mul3A_12, %add3A_18 : i32
      "tpu.region"() ({
        %run_scoped3A = tpu.sem_alloc : memref<!tpu.dma_semaphore, #tpu.memory_space<semaphore_mem>>
        %dma_start3A = arith.constant 0 : i32
        %dma_start3A_78 = tpu.memref_slice %arg8[%add3A_19, %dma_start3A] : memref<10240x160xf32, #tpu.memory_space<vmem_shared>> -> memref<64x160xf32, #tpu.memory_space<vmem_shared>>
        %dma_start3A_79 = arith.constant 0 : i32
        %dma_start3A_80 = tpu.memref_slice %arg8[%add3A_19, %dma_start3A_79] : memref<10240x160xf32, #tpu.memory_space<vmem_shared>> -> memref<64x160xf32, #tpu.memory_space<vmem_shared>>
        tpu.enqueue_dma source(%arg15 : memref<64x160xf32, #tpu.memory_space<vmem>>) target(%dma_start3A_80 : memref<64x160xf32, #tpu.memory_space<vmem_shared>>) target_semaphore(%run_scoped3A : memref<!tpu.dma_semaphore, #tpu.memory_space<semaphore_mem>>)
        %dma_wait3A = arith.constant 0 : i32
        %dma_wait3A_81 = tpu.memref_slice %arg8[%add3A_19, %dma_wait3A] : memref<10240x160xf32, #tpu.memory_space<vmem_shared>> -> memref<64x160xf32, #tpu.memory_space<vmem_shared>>
        %dma_wait3A_82 = arith.constant 0 : i32
        %dma_wait3A_83 = tpu.memref_slice %arg8[%add3A_19, %dma_wait3A_82] : memref<10240x160xf32, #tpu.memory_space<vmem_shared>> -> memref<64x160xf32, #tpu.memory_space<vmem_shared>>
        tpu.wait_dma2 semaphore(%run_scoped3A : memref<!tpu.dma_semaphore, #tpu.memory_space<semaphore_mem>>) src(%arg15 : memref<64x160xf32, #tpu.memory_space<vmem>>) dst(%dma_wait3A_83 : memref<64x160xf32, #tpu.memory_space<vmem_shared>>)
        tpu.yield
      }) : () -> ()
      %add3A_20 = arith.constant 256 : i32
      %add3A_21 = arith.addi %mul3A_12, %add3A_20 : i32
      "tpu.region"() ({
        %run_scoped3A = tpu.sem_alloc : memref<!tpu.dma_semaphore, #tpu.memory_space<semaphore_mem>>
        %dma_start3A = arith.constant 0 : i32
        %dma_start3A_78 = tpu.memref_slice %arg8[%add3A_21, %dma_start3A] : memref<10240x160xf32, #tpu.memory_space<vmem_shared>> -> memref<64x160xf32, #tpu.memory_space<vmem_shared>>
        %dma_start3A_79 = arith.constant 0 : i32
        %dma_start3A_80 = tpu.memref_slice %arg8[%add3A_21, %dma_start3A_79] : memref<10240x160xf32, #tpu.memory_space<vmem_shared>> -> memref<64x160xf32, #tpu.memory_space<vmem_shared>>
        tpu.enqueue_dma source(%arg15 : memref<64x160xf32, #tpu.memory_space<vmem>>) target(%dma_start3A_80 : memref<64x160xf32, #tpu.memory_space<vmem_shared>>) target_semaphore(%run_scoped3A : memref<!tpu.dma_semaphore, #tpu.memory_space<semaphore_mem>>)
        %dma_wait3A = arith.constant 0 : i32
        %dma_wait3A_81 = tpu.memref_slice %arg8[%add3A_21, %dma_wait3A] : memref<10240x160xf32, #tpu.memory_space<vmem_shared>> -> memref<64x160xf32, #tpu.memory_space<vmem_shared>>
        %dma_wait3A_82 = arith.constant 0 : i32
        %dma_wait3A_83 = tpu.memref_slice %arg8[%add3A_21, %dma_wait3A_82] : memref<10240x160xf32, #tpu.memory_space<vmem_shared>> -> memref<64x160xf32, #tpu.memory_space<vmem_shared>>
        tpu.wait_dma2 semaphore(%run_scoped3A : memref<!tpu.dma_semaphore, #tpu.memory_space<semaphore_mem>>) src(%arg15 : memref<64x160xf32, #tpu.memory_space<vmem>>) dst(%dma_wait3A_83 : memref<64x160xf32, #tpu.memory_space<vmem_shared>>)
        tpu.yield
      }) : () -> ()
      %add3A_22 = arith.constant 320 : i32
      %add3A_23 = arith.addi %mul3A_12, %add3A_22 : i32
      "tpu.region"() ({
        %run_scoped3A = tpu.sem_alloc : memref<!tpu.dma_semaphore, #tpu.memory_space<semaphore_mem>>
        %dma_start3A = arith.constant 0 : i32
        %dma_start3A_78 = tpu.memref_slice %arg8[%add3A_23, %dma_start3A] : memref<10240x160xf32, #tpu.memory_space<vmem_shared>> -> memref<64x160xf32, #tpu.memory_space<vmem_shared>>
        %dma_start3A_79 = arith.constant 0 : i32
        %dma_start3A_80 = tpu.memref_slice %arg8[%add3A_23, %dma_start3A_79] : memref<10240x160xf32, #tpu.memory_space<vmem_shared>> -> memref<64x160xf32, #tpu.memory_space<vmem_shared>>
        tpu.enqueue_dma source(%arg15 : memref<64x160xf32, #tpu.memory_space<vmem>>) target(%dma_start3A_80 : memref<64x160xf32, #tpu.memory_space<vmem_shared>>) target_semaphore(%run_scoped3A : memref<!tpu.dma_semaphore, #tpu.memory_space<semaphore_mem>>)
        %dma_wait3A = arith.constant 0 : i32
        %dma_wait3A_81 = tpu.memref_slice %arg8[%add3A_23, %dma_wait3A] : memref<10240x160xf32, #tpu.memory_space<vmem_shared>> -> memref<64x160xf32, #tpu.memory_space<vmem_shared>>
        %dma_wait3A_82 = arith.constant 0 : i32
        %dma_wait3A_83 = tpu.memref_slice %arg8[%add3A_23, %dma_wait3A_82] : memref<10240x160xf32, #tpu.memory_space<vmem_shared>> -> memref<64x160xf32, #tpu.memory_space<vmem_shared>>
        tpu.wait_dma2 semaphore(%run_scoped3A : memref<!tpu.dma_semaphore, #tpu.memory_space<semaphore_mem>>) src(%arg15 : memref<64x160xf32, #tpu.memory_space<vmem>>) dst(%dma_wait3A_83 : memref<64x160xf32, #tpu.memory_space<vmem_shared>>)
        tpu.yield
      }) : () -> ()
      %add3A_24 = arith.constant 384 : i32
      %add3A_25 = arith.addi %mul3A_12, %add3A_24 : i32
      "tpu.region"() ({
        %run_scoped3A = tpu.sem_alloc : memref<!tpu.dma_semaphore, #tpu.memory_space<semaphore_mem>>
        %dma_start3A = arith.constant 0 : i32
        %dma_start3A_78 = tpu.memref_slice %arg8[%add3A_25, %dma_start3A] : memref<10240x160xf32, #tpu.memory_space<vmem_shared>> -> memref<64x160xf32, #tpu.memory_space<vmem_shared>>
        %dma_start3A_79 = arith.constant 0 : i32
        %dma_start3A_80 = tpu.memref_slice %arg8[%add3A_25, %dma_start3A_79] : memref<10240x160xf32, #tpu.memory_space<vmem_shared>> -> memref<64x160xf32, #tpu.memory_space<vmem_shared>>
        tpu.enqueue_dma source(%arg15 : memref<64x160xf32, #tpu.memory_space<vmem>>) target(%dma_start3A_80 : memref<64x160xf32, #tpu.memory_space<vmem_shared>>) target_semaphore(%run_scoped3A : memref<!tpu.dma_semaphore, #tpu.memory_space<semaphore_mem>>)
        %dma_wait3A = arith.constant 0 : i32
        %dma_wait3A_81 = tpu.memref_slice %arg8[%add3A_25, %dma_wait3A] : memref<10240x160xf32, #tpu.memory_space<vmem_shared>> -> memref<64x160xf32, #tpu.memory_space<vmem_shared>>
        %dma_wait3A_82 = arith.constant 0 : i32
        %dma_wait3A_83 = tpu.memref_slice %arg8[%add3A_25, %dma_wait3A_82] : memref<10240x160xf32, #tpu.memory_space<vmem_shared>> -> memref<64x160xf32, #tpu.memory_space<vmem_shared>>
        tpu.wait_dma2 semaphore(%run_scoped3A : memref<!tpu.dma_semaphore, #tpu.memory_space<semaphore_mem>>) src(%arg15 : memref<64x160xf32, #tpu.memory_space<vmem>>) dst(%dma_wait3A_83 : memref<64x160xf32, #tpu.memory_space<vmem_shared>>)
        tpu.yield
      }) : () -> ()
      %add3A_26 = arith.constant 448 : i32
      %add3A_27 = arith.addi %mul3A_12, %add3A_26 : i32
      "tpu.region"() ({
        %run_scoped3A = tpu.sem_alloc : memref<!tpu.dma_semaphore, #tpu.memory_space<semaphore_mem>>
        %dma_start3A = arith.constant 0 : i32
        %dma_start3A_78 = tpu.memref_slice %arg8[%add3A_27, %dma_start3A] : memref<10240x160xf32, #tpu.memory_space<vmem_shared>> -> memref<64x160xf32, #tpu.memory_space<vmem_shared>>
        %dma_start3A_79 = arith.constant 0 : i32
        %dma_start3A_80 = tpu.memref_slice %arg8[%add3A_27, %dma_start3A_79] : memref<10240x160xf32, #tpu.memory_space<vmem_shared>> -> memref<64x160xf32, #tpu.memory_space<vmem_shared>>
        tpu.enqueue_dma source(%arg15 : memref<64x160xf32, #tpu.memory_space<vmem>>) target(%dma_start3A_80 : memref<64x160xf32, #tpu.memory_space<vmem_shared>>) target_semaphore(%run_scoped3A : memref<!tpu.dma_semaphore, #tpu.memory_space<semaphore_mem>>)
        %dma_wait3A = arith.constant 0 : i32
        %dma_wait3A_81 = tpu.memref_slice %arg8[%add3A_27, %dma_wait3A] : memref<10240x160xf32, #tpu.memory_space<vmem_shared>> -> memref<64x160xf32, #tpu.memory_space<vmem_shared>>
        %dma_wait3A_82 = arith.constant 0 : i32
        %dma_wait3A_83 = tpu.memref_slice %arg8[%add3A_27, %dma_wait3A_82] : memref<10240x160xf32, #tpu.memory_space<vmem_shared>> -> memref<64x160xf32, #tpu.memory_space<vmem_shared>>
        tpu.wait_dma2 semaphore(%run_scoped3A : memref<!tpu.dma_semaphore, #tpu.memory_space<semaphore_mem>>) src(%arg15 : memref<64x160xf32, #tpu.memory_space<vmem>>) dst(%dma_wait3A_83 : memref<64x160xf32, #tpu.memory_space<vmem_shared>>)
        tpu.yield
      }) : () -> ()
      %add3A_28 = arith.constant 512 : i32
      %add3A_29 = arith.addi %mul3A_12, %add3A_28 : i32
      "tpu.region"() ({
        %run_scoped3A = tpu.sem_alloc : memref<!tpu.dma_semaphore, #tpu.memory_space<semaphore_mem>>
        %dma_start3A = arith.constant 0 : i32
        %dma_start3A_78 = tpu.memref_slice %arg8[%add3A_29, %dma_start3A] : memref<10240x160xf32, #tpu.memory_space<vmem_shared>> -> memref<64x160xf32, #tpu.memory_space<vmem_shared>>
        %dma_start3A_79 = arith.constant 0 : i32
        %dma_start3A_80 = tpu.memref_slice %arg8[%add3A_29, %dma_start3A_79] : memref<10240x160xf32, #tpu.memory_space<vmem_shared>> -> memref<64x160xf32, #tpu.memory_space<vmem_shared>>
        tpu.enqueue_dma source(%arg15 : memref<64x160xf32, #tpu.memory_space<vmem>>) target(%dma_start3A_80 : memref<64x160xf32, #tpu.memory_space<vmem_shared>>) target_semaphore(%run_scoped3A : memref<!tpu.dma_semaphore, #tpu.memory_space<semaphore_mem>>)
        %dma_wait3A = arith.constant 0 : i32
        %dma_wait3A_81 = tpu.memref_slice %arg8[%add3A_29, %dma_wait3A] : memref<10240x160xf32, #tpu.memory_space<vmem_shared>> -> memref<64x160xf32, #tpu.memory_space<vmem_shared>>
        %dma_wait3A_82 = arith.constant 0 : i32
        %dma_wait3A_83 = tpu.memref_slice %arg8[%add3A_29, %dma_wait3A_82] : memref<10240x160xf32, #tpu.memory_space<vmem_shared>> -> memref<64x160xf32, #tpu.memory_space<vmem_shared>>
        tpu.wait_dma2 semaphore(%run_scoped3A : memref<!tpu.dma_semaphore, #tpu.memory_space<semaphore_mem>>) src(%arg15 : memref<64x160xf32, #tpu.memory_space<vmem>>) dst(%dma_wait3A_83 : memref<64x160xf32, #tpu.memory_space<vmem_shared>>)
        tpu.yield
      }) : () -> ()
      %add3A_30 = arith.constant 576 : i32
      %add3A_31 = arith.addi %mul3A_12, %add3A_30 : i32
      "tpu.region"() ({
        %run_scoped3A = tpu.sem_alloc : memref<!tpu.dma_semaphore, #tpu.memory_space<semaphore_mem>>
        %dma_start3A = arith.constant 0 : i32
        %dma_start3A_78 = tpu.memref_slice %arg8[%add3A_31, %dma_start3A] : memref<10240x160xf32, #tpu.memory_space<vmem_shared>> -> memref<64x160xf32, #tpu.memory_space<vmem_shared>>
        %dma_start3A_79 = arith.constant 0 : i32
        %dma_start3A_80 = tpu.memref_slice %arg8[%add3A_31, %dma_start3A_79] : memref<10240x160xf32, #tpu.memory_space<vmem_shared>> -> memref<64x160xf32, #tpu.memory_space<vmem_shared>>
        tpu.enqueue_dma source(%arg15 : memref<64x160xf32, #tpu.memory_space<vmem>>) target(%dma_start3A_80 : memref<64x160xf32, #tpu.memory_space<vmem_shared>>) target_semaphore(%run_scoped3A : memref<!tpu.dma_semaphore, #tpu.memory_space<semaphore_mem>>)
        %dma_wait3A = arith.constant 0 : i32
        %dma_wait3A_81 = tpu.memref_slice %arg8[%add3A_31, %dma_wait3A] : memref<10240x160xf32, #tpu.memory_space<vmem_shared>> -> memref<64x160xf32, #tpu.memory_space<vmem_shared>>
        %dma_wait3A_82 = arith.constant 0 : i32
        %dma_wait3A_83 = tpu.memref_slice %arg8[%add3A_31, %dma_wait3A_82] : memref<10240x160xf32, #tpu.memory_space<vmem_shared>> -> memref<64x160xf32, #tpu.memory_space<vmem_shared>>
        tpu.wait_dma2 semaphore(%run_scoped3A : memref<!tpu.dma_semaphore, #tpu.memory_space<semaphore_mem>>) src(%arg15 : memref<64x160xf32, #tpu.memory_space<vmem>>) dst(%dma_wait3A_83 : memref<64x160xf32, #tpu.memory_space<vmem_shared>>)
        tpu.yield
      }) : () -> ()
      %barrier3A = arith.constant 0 : index
      tpu.barrier barrier_id(%barrier3A)
      %scan3A_32 = arith.constant 0 : i32
      %scan3A_33 = arith.constant 160 : i32
      %scan3A_34 = arith.addi %scan3A_32, %scan3A_33 : i32
      %scan3A_35 = arith.constant 1 : i32
      scf.for %scan3A_78 = %scan3A_32 to %scan3A_34 step %scan3A_35  : i32 {
        %mul3A_79 = arith.constant 1 : i32
        %mul3A_80 = arith.muli %scan3A_78, %mul3A_79 : i32
        %add3A_81 = arith.constant 0 : i32
        %add3A_82 = arith.addi %add3A_81, %mul3A_80 : i32
        %mul3A_83 = arith.constant 10240 : i32
        %mul3A_84 = arith.muli %arg1, %mul3A_83 : i32
        %mul3A_85 = arith.constant 64 : i32
        %mul3A_86 = arith.muli %add3A_82, %mul3A_85 : i32
        %add3A_87 = arith.addi %mul3A_84, %mul3A_86 : i32
        "tpu.region"() ({
          %run_scoped3A = tpu.sem_alloc : memref<!tpu.dma_semaphore, #tpu.memory_space<semaphore_mem>>
          %dma_start3A_215 = tpu.memref_slice %arg4[%add3A_87] : memref<163840xi32, #tpu.memory_space<hbm>> -> memref<64xi32, #tpu.memory_space<hbm>>
          %dma_start3A_216 = tpu.memref_slice %arg4[%add3A_87] : memref<163840xi32, #tpu.memory_space<hbm>> -> memref<64xi32, #tpu.memory_space<hbm>>
          tpu.enqueue_dma source(%dma_start3A_216 : memref<64xi32, #tpu.memory_space<hbm>>) target(%arg9 : memref<64xi32, #tpu.memory_space<vmem>>) target_semaphore(%run_scoped3A : memref<!tpu.dma_semaphore, #tpu.memory_space<semaphore_mem>>)
          %dma_wait3A_217 = tpu.memref_slice %arg4[%add3A_87] : memref<163840xi32, #tpu.memory_space<hbm>> -> memref<64xi32, #tpu.memory_space<hbm>>
          %dma_wait3A_218 = tpu.memref_slice %arg4[%add3A_87] : memref<163840xi32, #tpu.memory_space<hbm>> -> memref<64xi32, #tpu.memory_space<hbm>>
          tpu.wait_dma2 semaphore(%run_scoped3A : memref<!tpu.dma_semaphore, #tpu.memory_space<semaphore_mem>>) src(%dma_wait3A_218 : memref<64xi32, #tpu.memory_space<hbm>>) dst(%arg9 : memref<64xi32, #tpu.memory_space<vmem>>)
          tpu.yield
        }) : () -> ()
        "tpu.region"() ({
          %run_scoped3A = tpu.sem_alloc : memref<!tpu.dma_semaphore, #tpu.memory_space<semaphore_mem>>
          %dma_start3A_215 = tpu.memref_slice %arg5[%add3A_87] : memref<163840xi32, #tpu.memory_space<hbm>> -> memref<64xi32, #tpu.memory_space<hbm>>
          %dma_start3A_216 = tpu.memref_slice %arg5[%add3A_87] : memref<163840xi32, #tpu.memory_space<hbm>> -> memref<64xi32, #tpu.memory_space<hbm>>
          tpu.enqueue_dma source(%dma_start3A_216 : memref<64xi32, #tpu.memory_space<hbm>>) target(%arg10 : memref<64xi32, #tpu.memory_space<vmem>>) target_semaphore(%run_scoped3A : memref<!tpu.dma_semaphore, #tpu.memory_space<semaphore_mem>>)
          %dma_wait3A_217 = tpu.memref_slice %arg5[%add3A_87] : memref<163840xi32, #tpu.memory_space<hbm>> -> memref<64xi32, #tpu.memory_space<hbm>>
          %dma_wait3A_218 = tpu.memref_slice %arg5[%add3A_87] : memref<163840xi32, #tpu.memory_space<hbm>> -> memref<64xi32, #tpu.memory_space<hbm>>
          tpu.wait_dma2 semaphore(%run_scoped3A : memref<!tpu.dma_semaphore, #tpu.memory_space<semaphore_mem>>) src(%dma_wait3A_218 : memref<64xi32, #tpu.memory_space<hbm>>) dst(%arg10 : memref<64xi32, #tpu.memory_space<vmem>>)
          tpu.yield
        }) : () -> ()
        %add3A_88 = arith.constant 655360 : i32
        %add3A_89 = arith.addi %add3A_88, %add3A_87 : i32
        "tpu.region"() ({
          %run_scoped3A = tpu.sem_alloc : memref<!tpu.dma_semaphore, #tpu.memory_space<semaphore_mem>>
          %dma_start3A_215 = tpu.memref_slice %arg3[%add3A_89] : memref<1310720xf32, #tpu.memory_space<hbm>> -> memref<64xf32, #tpu.memory_space<hbm>>
          %dma_start3A_216 = tpu.memref_slice %arg3[%add3A_89] : memref<1310720xf32, #tpu.memory_space<hbm>> -> memref<64xf32, #tpu.memory_space<hbm>>
          tpu.enqueue_dma source(%dma_start3A_216 : memref<64xf32, #tpu.memory_space<hbm>>) target(%arg13 : memref<64xf32, #tpu.memory_space<vmem>>) target_semaphore(%run_scoped3A : memref<!tpu.dma_semaphore, #tpu.memory_space<semaphore_mem>>)
          %dma_wait3A_217 = tpu.memref_slice %arg3[%add3A_89] : memref<1310720xf32, #tpu.memory_space<hbm>> -> memref<64xf32, #tpu.memory_space<hbm>>
          %dma_wait3A_218 = tpu.memref_slice %arg3[%add3A_89] : memref<1310720xf32, #tpu.memory_space<hbm>> -> memref<64xf32, #tpu.memory_space<hbm>>
          tpu.wait_dma2 semaphore(%run_scoped3A : memref<!tpu.dma_semaphore, #tpu.memory_space<semaphore_mem>>) src(%dma_wait3A_218 : memref<64xf32, #tpu.memory_space<hbm>>) dst(%arg13 : memref<64xf32, #tpu.memory_space<vmem>>)
          tpu.yield
        }) : () -> ()
        %add3A_90 = arith.constant 819200 : i32
        %add3A_91 = arith.addi %add3A_90, %add3A_87 : i32
        "tpu.region"() ({
          %run_scoped3A = tpu.sem_alloc : memref<!tpu.dma_semaphore, #tpu.memory_space<semaphore_mem>>
          %dma_start3A_215 = tpu.memref_slice %arg3[%add3A_91] : memref<1310720xf32, #tpu.memory_space<hbm>> -> memref<64xf32, #tpu.memory_space<hbm>>
          %dma_start3A_216 = tpu.memref_slice %arg3[%add3A_91] : memref<1310720xf32, #tpu.memory_space<hbm>> -> memref<64xf32, #tpu.memory_space<hbm>>
          tpu.enqueue_dma source(%dma_start3A_216 : memref<64xf32, #tpu.memory_space<hbm>>) target(%arg14 : memref<64xf32, #tpu.memory_space<vmem>>) target_semaphore(%run_scoped3A : memref<!tpu.dma_semaphore, #tpu.memory_space<semaphore_mem>>)
          %dma_wait3A_217 = tpu.memref_slice %arg3[%add3A_91] : memref<1310720xf32, #tpu.memory_space<hbm>> -> memref<64xf32, #tpu.memory_space<hbm>>
          %dma_wait3A_218 = tpu.memref_slice %arg3[%add3A_91] : memref<1310720xf32, #tpu.memory_space<hbm>> -> memref<64xf32, #tpu.memory_space<hbm>>
          tpu.wait_dma2 semaphore(%run_scoped3A : memref<!tpu.dma_semaphore, #tpu.memory_space<semaphore_mem>>) src(%dma_wait3A_218 : memref<64xf32, #tpu.memory_space<hbm>>) dst(%arg14 : memref<64xf32, #tpu.memory_space<vmem>>)
          tpu.yield
        }) : () -> ()
        %get3A = arith.constant 0 : index
        %get3A_92 = tpu.vector_load %arg9[%get3A] {strides = array<i32>} : memref<64xi32, #tpu.memory_space<vmem>>, vector<16xi32>,
        %add3A_93 = arith.constant 20480 : i32
        %add3A_94 = vector.broadcast %add3A_93 : i32 to vector<16xi32>
        %add3A_95 = arith.addi %get3A_92, %add3A_94 : vector<16xi32>
        %swap3A = arith.constant 0 : index
        %swap3A_96 = tpu.vector_load %arg11[%swap3A] {strides = array<i32>} : memref<64xi32, #tpu.memory_space<vmem>>, vector<16xi32>,
        tpu.vector_store %arg11[%swap3A], %add3A_95 {strides = array<i32>} : memref<64xi32, #tpu.memory_space<vmem>>, vector<16xi32>,
        %get3A_97 = arith.constant 16 : index
        %get3A_98 = tpu.vector_load %arg9[%get3A_97] {strides = array<i32>} : memref<64xi32, #tpu.memory_space<vmem>>, vector<16xi32>,
        %add3A_99 = arith.constant 20480 : i32
        %add3A_100 = vector.broadcast %add3A_99 : i32 to vector<16xi32>
        %add3A_101 = arith.addi %get3A_98, %add3A_100 : vector<16xi32>
        %swap3A_102 = arith.constant 16 : index
        %swap3A_103 = tpu.vector_load %arg11[%swap3A_102] {strides = array<i32>} : memref<64xi32, #tpu.memory_space<vmem>>, vector<16xi32>,
        tpu.vector_store %arg11[%swap3A_102], %add3A_101 {strides = array<i32>} : memref<64xi32, #tpu.memory_space<vmem>>, vector<16xi32>,
        %get3A_104 = arith.constant 32 : index
        %get3A_105 = tpu.vector_load %arg9[%get3A_104] {strides = array<i32>} : memref<64xi32, #tpu.memory_space<vmem>>, vector<16xi32>,
        %add3A_106 = arith.constant 20480 : i32
        %add3A_107 = vector.broadcast %add3A_106 : i32 to vector<16xi32>
        %add3A_108 = arith.addi %get3A_105, %add3A_107 : vector<16xi32>
        %swap3A_109 = arith.constant 32 : index
        %swap3A_110 = tpu.vector_load %arg11[%swap3A_109] {strides = array<i32>} : memref<64xi32, #tpu.memory_space<vmem>>, vector<16xi32>,
        tpu.vector_store %arg11[%swap3A_109], %add3A_108 {strides = array<i32>} : memref<64xi32, #tpu.memory_space<vmem>>, vector<16xi32>,
        %get3A_111 = arith.constant 48 : index
        %get3A_112 = tpu.vector_load %arg9[%get3A_111] {strides = array<i32>} : memref<64xi32, #tpu.memory_space<vmem>>, vector<16xi32>,
        %add3A_113 = arith.constant 20480 : i32
        %add3A_114 = vector.broadcast %add3A_113 : i32 to vector<16xi32>
        %add3A_115 = arith.addi %get3A_112, %add3A_114 : vector<16xi32>
        %swap3A_116 = arith.constant 48 : index
        %swap3A_117 = tpu.vector_load %arg11[%swap3A_116] {strides = array<i32>} : memref<64xi32, #tpu.memory_space<vmem>>, vector<16xi32>,
        tpu.vector_store %arg11[%swap3A_116], %add3A_115 {strides = array<i32>} : memref<64xi32, #tpu.memory_space<vmem>>, vector<16xi32>,
        %dma_start3A = arith.constant 0 : i32
        %dma_start3A_118 = arith.constant 0 : i32
        %dma_start3A_119 = tpu.memref_slice %arg2[%dma_start3A, %dma_start3A_118] : memref<40960x128xf32, #tpu.memory_space<hbm>> -> memref<40960x128xf32, #tpu.memory_space<hbm>>
        tpu.enqueue_indirect_dma source(%dma_start3A_119 : memref<40960x128xf32, #tpu.memory_space<hbm>>) target(%arg12 : memref<64x128xf32, #tpu.memory_space<vmem>>) offsets(%arg11 : memref<64xi32, #tpu.memory_space<vmem>>) semaphore(%arg17 : memref<!tpu.dma_semaphore, #tpu.memory_space<semaphore_mem>>)
        %dma_wait3A = arith.constant 0 : i32
        %dma_wait3A_120 = arith.constant 0 : i32
        %dma_wait3A_121 = tpu.memref_slice %arg2[%dma_wait3A, %dma_wait3A_120] : memref<40960x128xf32, #tpu.memory_space<hbm>> -> memref<40960x128xf32, #tpu.memory_space<hbm>>
        tpu.wait_indirect_dma semaphore(%arg17 : memref<!tpu.dma_semaphore, #tpu.memory_space<semaphore_mem>>) src(%dma_wait3A_121 : memref<40960x128xf32, #tpu.memory_space<hbm>>) dst(%arg12 : memref<64x128xf32, #tpu.memory_space<vmem>>)
        %get3A_122 = arith.constant 64 : index
        %get3A_123 = tpu.vector_load %arg16[%get3A_122] {strides = array<i32>} : memref<128xf32, #tpu.memory_space<vmem>>, vector<16xf32>,
        %get3A_124 = arith.constant 80 : index
        %get3A_125 = tpu.vector_load %arg16[%get3A_124] {strides = array<i32>} : memref<128xf32, #tpu.memory_space<vmem>>, vector<16xf32>,
        %iota3A = tpu.iota {dimensions = array<i32: 0>} : vector<16xi32>
        %add3A_126 = arith.constant 0 : i32
        %add3A_127 = vector.broadcast %add3A_126 : i32 to vector<16xi32>
        %add3A_128 = arith.addi %iota3A, %add3A_127 : vector<16xi32>
        %get3A_129 = arith.constant 0 : index
        %get3A_130 = tpu.vector_load %arg13[%get3A_129] {strides = array<i32>} : memref<64xf32, #tpu.memory_space<vmem>>, vector<16xf32>,
        %sub3A = arith.subf %get3A_130, %get3A_123 : vector<16xf32>
        %exp3A = math.exp %sub3A : vector<16xf32>
        %get3A_131 = arith.constant 0 : index
        %get3A_132 = tpu.vector_load %arg14[%get3A_131] {strides = array<i32>} : memref<64xf32, #tpu.memory_space<vmem>>, vector<16xf32>,
        %sub3A_133 = arith.subf %get3A_132, %get3A_125 : vector<16xf32>
        %exp3A_134 = math.exp %sub3A_133 : vector<16xf32>
        %broadcast_in_dim3A_135 = arith.constant 64 : i32
        %broadcast_in_dim3A_136 = vector.broadcast %broadcast_in_dim3A_135 : i32 to vector<16xi32>
        tpu.vector_store_idx %arg15[%add3A_128, %broadcast_in_dim3A_136], %exp3A : memref<64x160xf32, #tpu.memory_space<vmem>>[vector<16xi32>, vector<16xi32>], vector<16xf32>,
        %broadcast_in_dim3A_137 = arith.constant 144 : i32
        %broadcast_in_dim3A_138 = vector.broadcast %broadcast_in_dim3A_137 : i32 to vector<16xi32>
        tpu.vector_store_idx %arg15[%add3A_128, %broadcast_in_dim3A_138], %exp3A_134 : memref<64x160xf32, #tpu.memory_space<vmem>>[vector<16xi32>, vector<16xi32>], vector<16xf32>,
        %scan3A_139 = arith.constant 0 : i32
        %scan3A_140 = arith.constant 0 : i32
        %scan3A_141 = arith.constant 64 : i32
        %scan3A_142 = arith.addi %scan3A_140, %scan3A_141 : i32
        %scan3A_143 = arith.constant 1 : i32
        %scan3A_144 = scf.for %scan3A_215 = %scan3A_140 to %scan3A_142 step %scan3A_143 iter_args(%scan3A_216 = %scan3A_139) -> (i32)  : i32 {
          %broadcast_in_dim3A_217 = arith.constant 0 : i32
          %broadcast_in_dim3A_218 = vector.broadcast %broadcast_in_dim3A_217 : i32 to vector<16xi32>
          %add3A_219 = vector.broadcast %scan3A_215 : i32 to vector<16xi32>
          %add3A_220 = arith.addi %broadcast_in_dim3A_218, %add3A_219 : vector<16xi32>
          %broadcast_in_dim3A_221 = arith.constant 64 : i32
          %broadcast_in_dim3A_222 = vector.broadcast %broadcast_in_dim3A_221 : i32 to vector<16xi32>
          %add3A_223 = vector.broadcast %scan3A_215 : i32 to vector<16xi32>
          %add3A_224 = arith.addi %broadcast_in_dim3A_222, %add3A_223 : vector<16xi32>
          %gather3A = tpu.vector_load_idx %arg12[%add3A_128, %add3A_220] : memref<64x128xf32, #tpu.memory_space<vmem>>[vector<16xi32>, vector<16xi32>], vector<16xf32>,
          %gather3A_225 = tpu.vector_load_idx %arg12[%add3A_128, %add3A_224] : memref<64x128xf32, #tpu.memory_space<vmem>>[vector<16xi32>, vector<16xi32>], vector<16xf32>,
          %mul3A_226 = arith.mulf %gather3A, %exp3A : vector<16xf32>
          tpu.vector_store_idx %arg15[%add3A_128, %add3A_220], %mul3A_226 : memref<64x160xf32, #tpu.memory_space<vmem>>[vector<16xi32>, vector<16xi32>], vector<16xf32>,
          %broadcast_in_dim3A_227 = arith.constant 80 : i32
          %broadcast_in_dim3A_228 = vector.broadcast %broadcast_in_dim3A_227 : i32 to vector<16xi32>
          %add3A_229 = vector.broadcast %scan3A_215 : i32 to vector<16xi32>
          %add3A_230 = arith.addi %broadcast_in_dim3A_228, %add3A_229 : vector<16xi32>
          %mul3A_231 = arith.mulf %gather3A_225, %exp3A_134 : vector<16xf32>
          tpu.vector_store_idx %arg15[%add3A_128, %add3A_230], %mul3A_231 : memref<64x160xf32, #tpu.memory_space<vmem>>[vector<16xi32>, vector<16xi32>], vector<16xf32>,
          %scan3A_232 = arith.constant 0 : i32
          scf.yield %scan3A_232 : i32
        }
        %scan3A_145 = arith.constant 64 : i32
        %iota3A_146 = tpu.iota {dimensions = array<i32: 0>} : vector<16xi32>
        %add3A_147 = arith.constant 16 : i32
        %add3A_148 = vector.broadcast %add3A_147 : i32 to vector<16xi32>
        %add3A_149 = arith.addi %iota3A_146, %add3A_148 : vector<16xi32>
        %get3A_150 = arith.constant 16 : index
        %get3A_151 = tpu.vector_load %arg13[%get3A_150] {strides = array<i32>} : memref<64xf32, #tpu.memory_space<vmem>>, vector<16xf32>,
        %sub3A_152 = arith.subf %get3A_151, %get3A_123 : vector<16xf32>
        %exp3A_153 = math.exp %sub3A_152 : vector<16xf32>
        %get3A_154 = arith.constant 16 : index
        %get3A_155 = tpu.vector_load %arg14[%get3A_154] {strides = array<i32>} : memref<64xf32, #tpu.memory_space<vmem>>, vector<16xf32>,
        %sub3A_156 = arith.subf %get3A_155, %get3A_125 : vector<16xf32>
        %exp3A_157 = math.exp %sub3A_156 : vector<16xf32>
        %broadcast_in_dim3A_158 = arith.constant 64 : i32
        %broadcast_in_dim3A_159 = vector.broadcast %broadcast_in_dim3A_158 : i32 to vector<16xi32>
        tpu.vector_store_idx %arg15[%add3A_149, %broadcast_in_dim3A_159], %exp3A_153 : memref<64x160xf32, #tpu.memory_space<vmem>>[vector<16xi32>, vector<16xi32>], vector<16xf32>,
        %broadcast_in_dim3A_160 = arith.constant 144 : i32
        %broadcast_in_dim3A_161 = vector.broadcast %broadcast_in_dim3A_160 : i32 to vector<16xi32>
        tpu.vector_store_idx %arg15[%add3A_149, %broadcast_in_dim3A_161], %exp3A_157 : memref<64x160xf32, #tpu.memory_space<vmem>>[vector<16xi32>, vector<16xi32>], vector<16xf32>,
        %scan3A_162 = arith.constant 0 : i32
        %scan3A_163 = arith.constant 0 : i32
        %scan3A_164 = arith.constant 64 : i32
        %scan3A_165 = arith.addi %scan3A_163, %scan3A_164 : i32
        %scan3A_166 = arith.constant 1 : i32
        %scan3A_167 = scf.for %scan3A_215 = %scan3A_163 to %scan3A_165 step %scan3A_166 iter_args(%scan3A_216 = %scan3A_162) -> (i32)  : i32 {
          %broadcast_in_dim3A_217 = arith.constant 0 : i32
          %broadcast_in_dim3A_218 = vector.broadcast %broadcast_in_dim3A_217 : i32 to vector<16xi32>
          %add3A_219 = vector.broadcast %scan3A_215 : i32 to vector<16xi32>
          %add3A_220 = arith.addi %broadcast_in_dim3A_218, %add3A_219 : vector<16xi32>
          %broadcast_in_dim3A_221 = arith.constant 64 : i32
          %broadcast_in_dim3A_222 = vector.broadcast %broadcast_in_dim3A_221 : i32 to vector<16xi32>
          %add3A_223 = vector.broadcast %scan3A_215 : i32 to vector<16xi32>
          %add3A_224 = arith.addi %broadcast_in_dim3A_222, %add3A_223 : vector<16xi32>
          %gather3A = tpu.vector_load_idx %arg12[%add3A_149, %add3A_220] : memref<64x128xf32, #tpu.memory_space<vmem>>[vector<16xi32>, vector<16xi32>], vector<16xf32>,
          %gather3A_225 = tpu.vector_load_idx %arg12[%add3A_149, %add3A_224] : memref<64x128xf32, #tpu.memory_space<vmem>>[vector<16xi32>, vector<16xi32>], vector<16xf32>,
          %mul3A_226 = arith.mulf %gather3A, %exp3A_153 : vector<16xf32>
          tpu.vector_store_idx %arg15[%add3A_149, %add3A_220], %mul3A_226 : memref<64x160xf32, #tpu.memory_space<vmem>>[vector<16xi32>, vector<16xi32>], vector<16xf32>,
          %broadcast_in_dim3A_227 = arith.constant 80 : i32
          %broadcast_in_dim3A_228 = vector.broadcast %broadcast_in_dim3A_227 : i32 to vector<16xi32>
          %add3A_229 = vector.broadcast %scan3A_215 : i32 to vector<16xi32>
          %add3A_230 = arith.addi %broadcast_in_dim3A_228, %add3A_229 : vector<16xi32>
          %mul3A_231 = arith.mulf %gather3A_225, %exp3A_157 : vector<16xf32>
          tpu.vector_store_idx %arg15[%add3A_149, %add3A_230], %mul3A_231 : memref<64x160xf32, #tpu.memory_space<vmem>>[vector<16xi32>, vector<16xi32>], vector<16xf32>,
          %scan3A_232 = arith.constant 0 : i32
          scf.yield %scan3A_232 : i32
        }
        %scan3A_168 = arith.constant 64 : i32
        %iota3A_169 = tpu.iota {dimensions = array<i32: 0>} : vector<16xi32>
        %add3A_170 = arith.constant 32 : i32
        %add3A_171 = vector.broadcast %add3A_170 : i32 to vector<16xi32>
        %add3A_172 = arith.addi %iota3A_169, %add3A_171 : vector<16xi32>
        %get3A_173 = arith.constant 32 : index
        %get3A_174 = tpu.vector_load %arg13[%get3A_173] {strides = array<i32>} : memref<64xf32, #tpu.memory_space<vmem>>, vector<16xf32>,
        %sub3A_175 = arith.subf %get3A_174, %get3A_123 : vector<16xf32>
        %exp3A_176 = math.exp %sub3A_175 : vector<16xf32>
        %get3A_177 = arith.constant 32 : index
        %get3A_178 = tpu.vector_load %arg14[%get3A_177] {strides = array<i32>} : memref<64xf32, #tpu.memory_space<vmem>>, vector<16xf32>,
        %sub3A_179 = arith.subf %get3A_178, %get3A_125 : vector<16xf32>
        %exp3A_180 = math.exp %sub3A_179 : vector<16xf32>
        %broadcast_in_dim3A_181 = arith.constant 64 : i32
        %broadcast_in_dim3A_182 = vector.broadcast %broadcast_in_dim3A_181 : i32 to vector<16xi32>
        tpu.vector_store_idx %arg15[%add3A_172, %broadcast_in_dim3A_182], %exp3A_176 : memref<64x160xf32, #tpu.memory_space<vmem>>[vector<16xi32>, vector<16xi32>], vector<16xf32>,
        %broadcast_in_dim3A_183 = arith.constant 144 : i32
        %broadcast_in_dim3A_184 = vector.broadcast %broadcast_in_dim3A_183 : i32 to vector<16xi32>
        tpu.vector_store_idx %arg15[%add3A_172, %broadcast_in_dim3A_184], %exp3A_180 : memref<64x160xf32, #tpu.memory_space<vmem>>[vector<16xi32>, vector<16xi32>], vector<16xf32>,
        %scan3A_185 = arith.constant 0 : i32
        %scan3A_186 = arith.constant 0 : i32
        %scan3A_187 = arith.constant 64 : i32
        %scan3A_188 = arith.addi %scan3A_186, %scan3A_187 : i32
        %scan3A_189 = arith.constant 1 : i32
        %scan3A_190 = scf.for %scan3A_215 = %scan3A_186 to %scan3A_188 step %scan3A_189 iter_args(%scan3A_216 = %scan3A_185) -> (i32)  : i32 {
          %broadcast_in_dim3A_217 = arith.constant 0 : i32
          %broadcast_in_dim3A_218 = vector.broadcast %broadcast_in_dim3A_217 : i32 to vector<16xi32>
          %add3A_219 = vector.broadcast %scan3A_215 : i32 to vector<16xi32>
          %add3A_220 = arith.addi %broadcast_in_dim3A_218, %add3A_219 : vector<16xi32>
          %broadcast_in_dim3A_221 = arith.constant 64 : i32
          %broadcast_in_dim3A_222 = vector.broadcast %broadcast_in_dim3A_221 : i32 to vector<16xi32>
          %add3A_223 = vector.broadcast %scan3A_215 : i32 to vector<16xi32>
          %add3A_224 = arith.addi %broadcast_in_dim3A_222, %add3A_223 : vector<16xi32>
          %gather3A = tpu.vector_load_idx %arg12[%add3A_172, %add3A_220] : memref<64x128xf32, #tpu.memory_space<vmem>>[vector<16xi32>, vector<16xi32>], vector<16xf32>,
          %gather3A_225 = tpu.vector_load_idx %arg12[%add3A_172, %add3A_224] : memref<64x128xf32, #tpu.memory_space<vmem>>[vector<16xi32>, vector<16xi32>], vector<16xf32>,
          %mul3A_226 = arith.mulf %gather3A, %exp3A_176 : vector<16xf32>
          tpu.vector_store_idx %arg15[%add3A_172, %add3A_220], %mul3A_226 : memref<64x160xf32, #tpu.memory_space<vmem>>[vector<16xi32>, vector<16xi32>], vector<16xf32>,
          %broadcast_in_dim3A_227 = arith.constant 80 : i32
          %broadcast_in_dim3A_228 = vector.broadcast %broadcast_in_dim3A_227 : i32 to vector<16xi32>
          %add3A_229 = vector.broadcast %scan3A_215 : i32 to vector<16xi32>
          %add3A_230 = arith.addi %broadcast_in_dim3A_228, %add3A_229 : vector<16xi32>
          %mul3A_231 = arith.mulf %gather3A_225, %exp3A_180 : vector<16xf32>
          tpu.vector_store_idx %arg15[%add3A_172, %add3A_230], %mul3A_231 : memref<64x160xf32, #tpu.memory_space<vmem>>[vector<16xi32>, vector<16xi32>], vector<16xf32>,
          %scan3A_232 = arith.constant 0 : i32
          scf.yield %scan3A_232 : i32
        }
        %scan3A_191 = arith.constant 64 : i32
        %iota3A_192 = tpu.iota {dimensions = array<i32: 0>} : vector<16xi32>
        %add3A_193 = arith.constant 48 : i32
        %add3A_194 = vector.broadcast %add3A_193 : i32 to vector<16xi32>
        %add3A_195 = arith.addi %iota3A_192, %add3A_194 : vector<16xi32>
        %get3A_196 = arith.constant 48 : index
        %get3A_197 = tpu.vector_load %arg13[%get3A_196] {strides = array<i32>} : memref<64xf32, #tpu.memory_space<vmem>>, vector<16xf32>,
        %sub3A_198 = arith.subf %get3A_197, %get3A_123 : vector<16xf32>
        %exp3A_199 = math.exp %sub3A_198 : vector<16xf32>
        %get3A_200 = arith.constant 48 : index
        %get3A_201 = tpu.vector_load %arg14[%get3A_200] {strides = array<i32>} : memref<64xf32, #tpu.memory_space<vmem>>, vector<16xf32>,
        %sub3A_202 = arith.subf %get3A_201, %get3A_125 : vector<16xf32>
        %exp3A_203 = math.exp %sub3A_202 : vector<16xf32>
        %broadcast_in_dim3A_204 = arith.constant 64 : i32
        %broadcast_in_dim3A_205 = vector.broadcast %broadcast_in_dim3A_204 : i32 to vector<16xi32>
        tpu.vector_store_idx %arg15[%add3A_195, %broadcast_in_dim3A_205], %exp3A_199 : memref<64x160xf32, #tpu.memory_space<vmem>>[vector<16xi32>, vector<16xi32>], vector<16xf32>,
        %broadcast_in_dim3A_206 = arith.constant 144 : i32
        %broadcast_in_dim3A_207 = vector.broadcast %broadcast_in_dim3A_206 : i32 to vector<16xi32>
        tpu.vector_store_idx %arg15[%add3A_195, %broadcast_in_dim3A_207], %exp3A_203 : memref<64x160xf32, #tpu.memory_space<vmem>>[vector<16xi32>, vector<16xi32>], vector<16xf32>,
        %scan3A_208 = arith.constant 0 : i32
        %scan3A_209 = arith.constant 0 : i32
        %scan3A_210 = arith.constant 64 : i32
        %scan3A_211 = arith.addi %scan3A_209, %scan3A_210 : i32
        %scan3A_212 = arith.constant 1 : i32
        %scan3A_213 = scf.for %scan3A_215 = %scan3A_209 to %scan3A_211 step %scan3A_212 iter_args(%scan3A_216 = %scan3A_208) -> (i32)  : i32 {
          %broadcast_in_dim3A_217 = arith.constant 0 : i32
          %broadcast_in_dim3A_218 = vector.broadcast %broadcast_in_dim3A_217 : i32 to vector<16xi32>
          %add3A_219 = vector.broadcast %scan3A_215 : i32 to vector<16xi32>
          %add3A_220 = arith.addi %broadcast_in_dim3A_218, %add3A_219 : vector<16xi32>
          %broadcast_in_dim3A_221 = arith.constant 64 : i32
          %broadcast_in_dim3A_222 = vector.broadcast %broadcast_in_dim3A_221 : i32 to vector<16xi32>
          %add3A_223 = vector.broadcast %scan3A_215 : i32 to vector<16xi32>
          %add3A_224 = arith.addi %broadcast_in_dim3A_222, %add3A_223 : vector<16xi32>
          %gather3A = tpu.vector_load_idx %arg12[%add3A_195, %add3A_220] : memref<64x128xf32, #tpu.memory_space<vmem>>[vector<16xi32>, vector<16xi32>], vector<16xf32>,
          %gather3A_225 = tpu.vector_load_idx %arg12[%add3A_195, %add3A_224] : memref<64x128xf32, #tpu.memory_space<vmem>>[vector<16xi32>, vector<16xi32>], vector<16xf32>,
          %mul3A_226 = arith.mulf %gather3A, %exp3A_199 : vector<16xf32>
          tpu.vector_store_idx %arg15[%add3A_195, %add3A_220], %mul3A_226 : memref<64x160xf32, #tpu.memory_space<vmem>>[vector<16xi32>, vector<16xi32>], vector<16xf32>,
          %broadcast_in_dim3A_227 = arith.constant 80 : i32
          %broadcast_in_dim3A_228 = vector.broadcast %broadcast_in_dim3A_227 : i32 to vector<16xi32>
          %add3A_229 = vector.broadcast %scan3A_215 : i32 to vector<16xi32>
          %add3A_230 = arith.addi %broadcast_in_dim3A_228, %add3A_229 : vector<16xi32>
          %mul3A_231 = arith.mulf %gather3A_225, %exp3A_203 : vector<16xf32>
          tpu.vector_store_idx %arg15[%add3A_195, %add3A_230], %mul3A_231 : memref<64x160xf32, #tpu.memory_space<vmem>>[vector<16xi32>, vector<16xi32>], vector<16xf32>,
          %scan3A_232 = arith.constant 0 : i32
          scf.yield %scan3A_232 : i32
        }
        %scan3A_214 = arith.constant 64 : i32
        "tpu.region"() ({
          %run_scoped3A = tpu.sem_alloc : memref<!tpu.dma_semaphore, #tpu.memory_space<semaphore_mem>>
          %dma_start3A_215 = arith.constant 0 : i32
          %dma_start3A_216 = arith.constant 0 : i32
          %dma_start3A_217 = tpu.memref_slice %arg8[%dma_start3A_215, %dma_start3A_216] : memref<10240x160xf32, #tpu.memory_space<vmem_shared>> -> memref<10240x160xf32, #tpu.memory_space<vmem_shared>>
          tpu.enqueue_indirect_dma source(%arg15 : memref<64x160xf32, #tpu.memory_space<vmem>>) target(%dma_start3A_217 : memref<10240x160xf32, #tpu.memory_space<vmem_shared>>) offsets(%arg10 : memref<64xi32, #tpu.memory_space<vmem>>) semaphore(%run_scoped3A : memref<!tpu.dma_semaphore, #tpu.memory_space<semaphore_mem>>) {add = true}
          %dma_wait3A_218 = arith.constant 0 : i32
          %dma_wait3A_219 = arith.constant 0 : i32
          %dma_wait3A_220 = tpu.memref_slice %arg8[%dma_wait3A_218, %dma_wait3A_219] : memref<10240x160xf32, #tpu.memory_space<vmem_shared>> -> memref<10240x160xf32, #tpu.memory_space<vmem_shared>>
          tpu.wait_indirect_dma semaphore(%run_scoped3A : memref<!tpu.dma_semaphore, #tpu.memory_space<semaphore_mem>>) src(%arg15 : memref<64x160xf32, #tpu.memory_space<vmem>>) dst(%dma_wait3A_220 : memref<10240x160xf32, #tpu.memory_space<vmem_shared>>)
          tpu.yield
        }) : () -> ()
      }
      %scan3A_36 = arith.constant 160 : i32
      %barrier3A_37 = arith.constant 0 : index
      tpu.barrier barrier_id(%barrier3A_37)
      %add3A_38 = arith.constant 20480 : i32
      %add3A_39 = arith.addi %add3A_38, %mul3A_12 : i32
      "tpu.region"() ({
        %run_scoped3A = tpu.sem_alloc : memref<!tpu.dma_semaphore, #tpu.memory_space<semaphore_mem>>
        %dma_start3A = arith.constant 0 : i32
        %dma_start3A_78 = tpu.memref_slice %arg7[%add3A_39, %dma_start3A] : memref<40960x160xf32, #tpu.memory_space<hbm>> -> memref<640x160xf32, #tpu.memory_space<hbm>>
        %dma_start3A_79 = arith.constant 0 : i32
        %dma_start3A_80 = tpu.memref_slice %arg8[%mul3A_12, %dma_start3A_79] : memref<10240x160xf32, #tpu.memory_space<vmem_shared>> -> memref<640x160xf32, #tpu.memory_space<vmem_shared>>
        tpu.enqueue_dma source(%dma_start3A_80 : memref<640x160xf32, #tpu.memory_space<vmem_shared>>) target(%dma_start3A_78 : memref<640x160xf32, #tpu.memory_space<hbm>>) target_semaphore(%run_scoped3A : memref<!tpu.dma_semaphore, #tpu.memory_space<semaphore_mem>>)
        %dma_wait3A = arith.constant 0 : i32
        %dma_wait3A_81 = tpu.memref_slice %arg7[%add3A_39, %dma_wait3A] : memref<40960x160xf32, #tpu.memory_space<hbm>> -> memref<640x160xf32, #tpu.memory_space<hbm>>
        %dma_wait3A_82 = arith.constant 0 : i32
        %dma_wait3A_83 = tpu.memref_slice %arg8[%mul3A_12, %dma_wait3A_82] : memref<10240x160xf32, #tpu.memory_space<vmem_shared>> -> memref<640x160xf32, #tpu.memory_space<vmem_shared>>
        tpu.wait_dma2 semaphore(%run_scoped3A : memref<!tpu.dma_semaphore, #tpu.memory_space<semaphore_mem>>) src(%dma_wait3A_83 : memref<640x160xf32, #tpu.memory_space<vmem_shared>>) dst(%dma_wait3A_81 : memref<640x160xf32, #tpu.memory_space<hbm>>)
        tpu.yield
      }) : () -> ()
      %barrier3A_40 = arith.constant 0 : index
      tpu.barrier barrier_id(%barrier3A_40)
      %scan3A_41 = arith.constant 0 : i32
      %scan3A_42 = arith.constant 64 : i32
      %scan3A_43 = arith.addi %scan3A_41, %scan3A_42 : i32
      %scan3A_44 = arith.constant 1 : i32
      scf.for %scan3A_78 = %scan3A_41 to %scan3A_43 step %scan3A_44  : i32 {
        %mul3A_79 = arith.constant 1 : i32
        %mul3A_80 = arith.muli %scan3A_78, %mul3A_79 : i32
        %add3A_81 = arith.constant 0 : i32
        %add3A_82 = arith.addi %add3A_81, %mul3A_80 : i32
        %swap3A = arith.index_cast %add3A_82 : i32 to index
        %swap3A_83 = arith.constant 0 : index
        %swap3A_84 = tpu.vector_load %arg15[%swap3A, %swap3A_83] {strides = array<i32>} : memref<64x160xf32, #tpu.memory_space<vmem>>, vector<16xf32>,
        tpu.vector_store %arg15[%swap3A, %swap3A_83], %broadcast_in_dim3A_0 {strides = array<i32>} : memref<64x160xf32, #tpu.memory_space<vmem>>, vector<16xf32>,
        %swap3A_85 = arith.index_cast %add3A_82 : i32 to index
        %swap3A_86 = arith.constant 16 : index
        %swap3A_87 = tpu.vector_load %arg15[%swap3A_85, %swap3A_86] {strides = array<i32>} : memref<64x160xf32, #tpu.memory_space<vmem>>, vector<16xf32>,
        tpu.vector_store %arg15[%swap3A_85, %swap3A_86], %broadcast_in_dim3A_0 {strides = array<i32>} : memref<64x160xf32, #tpu.memory_space<vmem>>, vector<16xf32>,
        %swap3A_88 = arith.index_cast %add3A_82 : i32 to index
        %swap3A_89 = arith.constant 32 : index
        %swap3A_90 = tpu.vector_load %arg15[%swap3A_88, %swap3A_89] {strides = array<i32>} : memref<64x160xf32, #tpu.memory_space<vmem>>, vector<16xf32>,
        tpu.vector_store %arg15[%swap3A_88, %swap3A_89], %broadcast_in_dim3A_0 {strides = array<i32>} : memref<64x160xf32, #tpu.memory_space<vmem>>, vector<16xf32>,
        %swap3A_91 = arith.index_cast %add3A_82 : i32 to index
        %swap3A_92 = arith.constant 48 : index
        %swap3A_93 = tpu.vector_load %arg15[%swap3A_91, %swap3A_92] {strides = array<i32>} : memref<64x160xf32, #tpu.memory_space<vmem>>, vector<16xf32>,
        tpu.vector_store %arg15[%swap3A_91, %swap3A_92], %broadcast_in_dim3A_0 {strides = array<i32>} : memref<64x160xf32, #tpu.memory_space<vmem>>, vector<16xf32>,
        %swap3A_94 = arith.index_cast %add3A_82 : i32 to index
        %swap3A_95 = arith.constant 64 : index
        %swap3A_96 = tpu.vector_load %arg15[%swap3A_94, %swap3A_95] {strides = array<i32>} : memref<64x160xf32, #tpu.memory_space<vmem>>, vector<16xf32>,
        tpu.vector_store %arg15[%swap3A_94, %swap3A_95], %broadcast_in_dim3A_0 {strides = array<i32>} : memref<64x160xf32, #tpu.memory_space<vmem>>, vector<16xf32>,
        %swap3A_97 = arith.index_cast %add3A_82 : i32 to index
        %swap3A_98 = arith.constant 80 : index
        %swap3A_99 = tpu.vector_load %arg15[%swap3A_97, %swap3A_98] {strides = array<i32>} : memref<64x160xf32, #tpu.memory_space<vmem>>, vector<16xf32>,
        tpu.vector_store %arg15[%swap3A_97, %swap3A_98], %broadcast_in_dim3A_0 {strides = array<i32>} : memref<64x160xf32, #tpu.memory_space<vmem>>, vector<16xf32>,
        %swap3A_100 = arith.index_cast %add3A_82 : i32 to index
        %swap3A_101 = arith.constant 96 : index
        %swap3A_102 = tpu.vector_load %arg15[%swap3A_100, %swap3A_101] {strides = array<i32>} : memref<64x160xf32, #tpu.memory_space<vmem>>, vector<16xf32>,
        tpu.vector_store %arg15[%swap3A_100, %swap3A_101], %broadcast_in_dim3A_0 {strides = array<i32>} : memref<64x160xf32, #tpu.memory_space<vmem>>, vector<16xf32>,
        %swap3A_103 = arith.index_cast %add3A_82 : i32 to index
        %swap3A_104 = arith.constant 112 : index
        %swap3A_105 = tpu.vector_load %arg15[%swap3A_103, %swap3A_104] {strides = array<i32>} : memref<64x160xf32, #tpu.memory_space<vmem>>, vector<16xf32>,
        tpu.vector_store %arg15[%swap3A_103, %swap3A_104], %broadcast_in_dim3A_0 {strides = array<i32>} : memref<64x160xf32, #tpu.memory_space<vmem>>, vector<16xf32>,
        %swap3A_106 = arith.index_cast %add3A_82 : i32 to index
        %swap3A_107 = arith.constant 128 : index
        %swap3A_108 = tpu.vector_load %arg15[%swap3A_106, %swap3A_107] {strides = array<i32>} : memref<64x160xf32, #tpu.memory_space<vmem>>, vector<16xf32>,
        tpu.vector_store %arg15[%swap3A_106, %swap3A_107], %broadcast_in_dim3A_0 {strides = array<i32>} : memref<64x160xf32, #tpu.memory_space<vmem>>, vector<16xf32>,
        %swap3A_109 = arith.index_cast %add3A_82 : i32 to index
        %swap3A_110 = arith.constant 144 : index
        %swap3A_111 = tpu.vector_load %arg15[%swap3A_109, %swap3A_110] {strides = array<i32>} : memref<64x160xf32, #tpu.memory_space<vmem>>, vector<16xf32>,
        tpu.vector_store %arg15[%swap3A_109, %swap3A_110], %broadcast_in_dim3A_0 {strides = array<i32>} : memref<64x160xf32, #tpu.memory_space<vmem>>, vector<16xf32>,
      }
      %scan3A_45 = arith.constant 64 : i32
      %mul3A_46 = arith.constant 640 : i32
      %mul3A_47 = arith.muli %arg1, %mul3A_46 : i32
      %add3A_48 = arith.constant 0 : i32
      %add3A_49 = arith.addi %mul3A_47, %add3A_48 : i32
      "tpu.region"() ({
        %run_scoped3A = tpu.sem_alloc : memref<!tpu.dma_semaphore, #tpu.memory_space<semaphore_mem>>
        %dma_start3A = arith.constant 0 : i32
        %dma_start3A_78 = tpu.memref_slice %arg8[%add3A_49, %dma_start3A] : memref<10240x160xf32, #tpu.memory_space<vmem_shared>> -> memref<64x160xf32, #tpu.memory_space<vmem_shared>>
        %dma_start3A_79 = arith.constant 0 : i32
        %dma_start3A_80 = tpu.memref_slice %arg8[%add3A_49, %dma_start3A_79] : memref<10240x160xf32, #tpu.memory_space<vmem_shared>> -> memref<64x160xf32, #tpu.memory_space<vmem_shared>>
        tpu.enqueue_dma source(%arg15 : memref<64x160xf32, #tpu.memory_space<vmem>>) target(%dma_start3A_80 : memref<64x160xf32, #tpu.memory_space<vmem_shared>>) target_semaphore(%run_scoped3A : memref<!tpu.dma_semaphore, #tpu.memory_space<semaphore_mem>>)
        %dma_wait3A = arith.constant 0 : i32
        %dma_wait3A_81 = tpu.memref_slice %arg8[%add3A_49, %dma_wait3A] : memref<10240x160xf32, #tpu.memory_space<vmem_shared>> -> memref<64x160xf32, #tpu.memory_space<vmem_shared>>
        %dma_wait3A_82 = arith.constant 0 : i32
        %dma_wait3A_83 = tpu.memref_slice %arg8[%add3A_49, %dma_wait3A_82] : memref<10240x160xf32, #tpu.memory_space<vmem_shared>> -> memref<64x160xf32, #tpu.memory_space<vmem_shared>>
        tpu.wait_dma2 semaphore(%run_scoped3A : memref<!tpu.dma_semaphore, #tpu.memory_space<semaphore_mem>>) src(%arg15 : memref<64x160xf32, #tpu.memory_space<vmem>>) dst(%dma_wait3A_83 : memref<64x160xf32, #tpu.memory_space<vmem_shared>>)
        tpu.yield
      }) : () -> ()
      %add3A_50 = arith.constant 64 : i32
      %add3A_51 = arith.addi %mul3A_47, %add3A_50 : i32
      "tpu.region"() ({
        %run_scoped3A = tpu.sem_alloc : memref<!tpu.dma_semaphore, #tpu.memory_space<semaphore_mem>>
        %dma_start3A = arith.constant 0 : i32
        %dma_start3A_78 = tpu.memref_slice %arg8[%add3A_51, %dma_start3A] : memref<10240x160xf32, #tpu.memory_space<vmem_shared>> -> memref<64x160xf32, #tpu.memory_space<vmem_shared>>
        %dma_start3A_79 = arith.constant 0 : i32
        %dma_start3A_80 = tpu.memref_slice %arg8[%add3A_51, %dma_start3A_79] : memref<10240x160xf32, #tpu.memory_space<vmem_shared>> -> memref<64x160xf32, #tpu.memory_space<vmem_shared>>
        tpu.enqueue_dma source(%arg15 : memref<64x160xf32, #tpu.memory_space<vmem>>) target(%dma_start3A_80 : memref<64x160xf32, #tpu.memory_space<vmem_shared>>) target_semaphore(%run_scoped3A : memref<!tpu.dma_semaphore, #tpu.memory_space<semaphore_mem>>)
        %dma_wait3A = arith.constant 0 : i32
        %dma_wait3A_81 = tpu.memref_slice %arg8[%add3A_51, %dma_wait3A] : memref<10240x160xf32, #tpu.memory_space<vmem_shared>> -> memref<64x160xf32, #tpu.memory_space<vmem_shared>>
        %dma_wait3A_82 = arith.constant 0 : i32
        %dma_wait3A_83 = tpu.memref_slice %arg8[%add3A_51, %dma_wait3A_82] : memref<10240x160xf32, #tpu.memory_space<vmem_shared>> -> memref<64x160xf32, #tpu.memory_space<vmem_shared>>
        tpu.wait_dma2 semaphore(%run_scoped3A : memref<!tpu.dma_semaphore, #tpu.memory_space<semaphore_mem>>) src(%arg15 : memref<64x160xf32, #tpu.memory_space<vmem>>) dst(%dma_wait3A_83 : memref<64x160xf32, #tpu.memory_space<vmem_shared>>)
        tpu.yield
      }) : () -> ()
      %add3A_52 = arith.constant 128 : i32
      %add3A_53 = arith.addi %mul3A_47, %add3A_52 : i32
      "tpu.region"() ({
        %run_scoped3A = tpu.sem_alloc : memref<!tpu.dma_semaphore, #tpu.memory_space<semaphore_mem>>
        %dma_start3A = arith.constant 0 : i32
        %dma_start3A_78 = tpu.memref_slice %arg8[%add3A_53, %dma_start3A] : memref<10240x160xf32, #tpu.memory_space<vmem_shared>> -> memref<64x160xf32, #tpu.memory_space<vmem_shared>>
        %dma_start3A_79 = arith.constant 0 : i32
        %dma_start3A_80 = tpu.memref_slice %arg8[%add3A_53, %dma_start3A_79] : memref<10240x160xf32, #tpu.memory_space<vmem_shared>> -> memref<64x160xf32, #tpu.memory_space<vmem_shared>>
        tpu.enqueue_dma source(%arg15 : memref<64x160xf32, #tpu.memory_space<vmem>>) target(%dma_start3A_80 : memref<64x160xf32, #tpu.memory_space<vmem_shared>>) target_semaphore(%run_scoped3A : memref<!tpu.dma_semaphore, #tpu.memory_space<semaphore_mem>>)
        %dma_wait3A = arith.constant 0 : i32
        %dma_wait3A_81 = tpu.memref_slice %arg8[%add3A_53, %dma_wait3A] : memref<10240x160xf32, #tpu.memory_space<vmem_shared>> -> memref<64x160xf32, #tpu.memory_space<vmem_shared>>
        %dma_wait3A_82 = arith.constant 0 : i32
        %dma_wait3A_83 = tpu.memref_slice %arg8[%add3A_53, %dma_wait3A_82] : memref<10240x160xf32, #tpu.memory_space<vmem_shared>> -> memref<64x160xf32, #tpu.memory_space<vmem_shared>>
        tpu.wait_dma2 semaphore(%run_scoped3A : memref<!tpu.dma_semaphore, #tpu.memory_space<semaphore_mem>>) src(%arg15 : memref<64x160xf32, #tpu.memory_space<vmem>>) dst(%dma_wait3A_83 : memref<64x160xf32, #tpu.memory_space<vmem_shared>>)
        tpu.yield
      }) : () -> ()
      %add3A_54 = arith.constant 192 : i32
      %add3A_55 = arith.addi %mul3A_47, %add3A_54 : i32
      "tpu.region"() ({
        %run_scoped3A = tpu.sem_alloc : memref<!tpu.dma_semaphore, #tpu.memory_space<semaphore_mem>>
        %dma_start3A = arith.constant 0 : i32
        %dma_start3A_78 = tpu.memref_slice %arg8[%add3A_55, %dma_start3A] : memref<10240x160xf32, #tpu.memory_space<vmem_shared>> -> memref<64x160xf32, #tpu.memory_space<vmem_shared>>
        %dma_start3A_79 = arith.constant 0 : i32
        %dma_start3A_80 = tpu.memref_slice %arg8[%add3A_55, %dma_start3A_79] : memref<10240x160xf32, #tpu.memory_space<vmem_shared>> -> memref<64x160xf32, #tpu.memory_space<vmem_shared>>
        tpu.enqueue_dma source(%arg15 : memref<64x160xf32, #tpu.memory_space<vmem>>) target(%dma_start3A_80 : memref<64x160xf32, #tpu.memory_space<vmem_shared>>) target_semaphore(%run_scoped3A : memref<!tpu.dma_semaphore, #tpu.memory_space<semaphore_mem>>)
        %dma_wait3A = arith.constant 0 : i32
        %dma_wait3A_81 = tpu.memref_slice %arg8[%add3A_55, %dma_wait3A] : memref<10240x160xf32, #tpu.memory_space<vmem_shared>> -> memref<64x160xf32, #tpu.memory_space<vmem_shared>>
        %dma_wait3A_82 = arith.constant 0 : i32
        %dma_wait3A_83 = tpu.memref_slice %arg8[%add3A_55, %dma_wait3A_82] : memref<10240x160xf32, #tpu.memory_space<vmem_shared>> -> memref<64x160xf32, #tpu.memory_space<vmem_shared>>
        tpu.wait_dma2 semaphore(%run_scoped3A : memref<!tpu.dma_semaphore, #tpu.memory_space<semaphore_mem>>) src(%arg15 : memref<64x160xf32, #tpu.memory_space<vmem>>) dst(%dma_wait3A_83 : memref<64x160xf32, #tpu.memory_space<vmem_shared>>)
        tpu.yield
      }) : () -> ()
      %add3A_56 = arith.constant 256 : i32
      %add3A_57 = arith.addi %mul3A_47, %add3A_56 : i32
      "tpu.region"() ({
        %run_scoped3A = tpu.sem_alloc : memref<!tpu.dma_semaphore, #tpu.memory_space<semaphore_mem>>
        %dma_start3A = arith.constant 0 : i32
        %dma_start3A_78 = tpu.memref_slice %arg8[%add3A_57, %dma_start3A] : memref<10240x160xf32, #tpu.memory_space<vmem_shared>> -> memref<64x160xf32, #tpu.memory_space<vmem_shared>>
        %dma_start3A_79 = arith.constant 0 : i32
        %dma_start3A_80 = tpu.memref_slice %arg8[%add3A_57, %dma_start3A_79] : memref<10240x160xf32, #tpu.memory_space<vmem_shared>> -> memref<64x160xf32, #tpu.memory_space<vmem_shared>>
        tpu.enqueue_dma source(%arg15 : memref<64x160xf32, #tpu.memory_space<vmem>>) target(%dma_start3A_80 : memref<64x160xf32, #tpu.memory_space<vmem_shared>>) target_semaphore(%run_scoped3A : memref<!tpu.dma_semaphore, #tpu.memory_space<semaphore_mem>>)
        %dma_wait3A = arith.constant 0 : i32
        %dma_wait3A_81 = tpu.memref_slice %arg8[%add3A_57, %dma_wait3A] : memref<10240x160xf32, #tpu.memory_space<vmem_shared>> -> memref<64x160xf32, #tpu.memory_space<vmem_shared>>
        %dma_wait3A_82 = arith.constant 0 : i32
        %dma_wait3A_83 = tpu.memref_slice %arg8[%add3A_57, %dma_wait3A_82] : memref<10240x160xf32, #tpu.memory_space<vmem_shared>> -> memref<64x160xf32, #tpu.memory_space<vmem_shared>>
        tpu.wait_dma2 semaphore(%run_scoped3A : memref<!tpu.dma_semaphore, #tpu.memory_space<semaphore_mem>>) src(%arg15 : memref<64x160xf32, #tpu.memory_space<vmem>>) dst(%dma_wait3A_83 : memref<64x160xf32, #tpu.memory_space<vmem_shared>>)
        tpu.yield
      }) : () -> ()
      %add3A_58 = arith.constant 320 : i32
      %add3A_59 = arith.addi %mul3A_47, %add3A_58 : i32
      "tpu.region"() ({
        %run_scoped3A = tpu.sem_alloc : memref<!tpu.dma_semaphore, #tpu.memory_space<semaphore_mem>>
        %dma_start3A = arith.constant 0 : i32
        %dma_start3A_78 = tpu.memref_slice %arg8[%add3A_59, %dma_start3A] : memref<10240x160xf32, #tpu.memory_space<vmem_shared>> -> memref<64x160xf32, #tpu.memory_space<vmem_shared>>
        %dma_start3A_79 = arith.constant 0 : i32
        %dma_start3A_80 = tpu.memref_slice %arg8[%add3A_59, %dma_start3A_79] : memref<10240x160xf32, #tpu.memory_space<vmem_shared>> -> memref<64x160xf32, #tpu.memory_space<vmem_shared>>
        tpu.enqueue_dma source(%arg15 : memref<64x160xf32, #tpu.memory_space<vmem>>) target(%dma_start3A_80 : memref<64x160xf32, #tpu.memory_space<vmem_shared>>) target_semaphore(%run_scoped3A : memref<!tpu.dma_semaphore, #tpu.memory_space<semaphore_mem>>)
        %dma_wait3A = arith.constant 0 : i32
        %dma_wait3A_81 = tpu.memref_slice %arg8[%add3A_59, %dma_wait3A] : memref<10240x160xf32, #tpu.memory_space<vmem_shared>> -> memref<64x160xf32, #tpu.memory_space<vmem_shared>>
        %dma_wait3A_82 = arith.constant 0 : i32
        %dma_wait3A_83 = tpu.memref_slice %arg8[%add3A_59, %dma_wait3A_82] : memref<10240x160xf32, #tpu.memory_space<vmem_shared>> -> memref<64x160xf32, #tpu.memory_space<vmem_shared>>
        tpu.wait_dma2 semaphore(%run_scoped3A : memref<!tpu.dma_semaphore, #tpu.memory_space<semaphore_mem>>) src(%arg15 : memref<64x160xf32, #tpu.memory_space<vmem>>) dst(%dma_wait3A_83 : memref<64x160xf32, #tpu.memory_space<vmem_shared>>)
        tpu.yield
      }) : () -> ()
      %add3A_60 = arith.constant 384 : i32
      %add3A_61 = arith.addi %mul3A_47, %add3A_60 : i32
      "tpu.region"() ({
        %run_scoped3A = tpu.sem_alloc : memref<!tpu.dma_semaphore, #tpu.memory_space<semaphore_mem>>
        %dma_start3A = arith.constant 0 : i32
        %dma_start3A_78 = tpu.memref_slice %arg8[%add3A_61, %dma_start3A] : memref<10240x160xf32, #tpu.memory_space<vmem_shared>> -> memref<64x160xf32, #tpu.memory_space<vmem_shared>>
        %dma_start3A_79 = arith.constant 0 : i32
        %dma_start3A_80 = tpu.memref_slice %arg8[%add3A_61, %dma_start3A_79] : memref<10240x160xf32, #tpu.memory_space<vmem_shared>> -> memref<64x160xf32, #tpu.memory_space<vmem_shared>>
        tpu.enqueue_dma source(%arg15 : memref<64x160xf32, #tpu.memory_space<vmem>>) target(%dma_start3A_80 : memref<64x160xf32, #tpu.memory_space<vmem_shared>>) target_semaphore(%run_scoped3A : memref<!tpu.dma_semaphore, #tpu.memory_space<semaphore_mem>>)
        %dma_wait3A = arith.constant 0 : i32
        %dma_wait3A_81 = tpu.memref_slice %arg8[%add3A_61, %dma_wait3A] : memref<10240x160xf32, #tpu.memory_space<vmem_shared>> -> memref<64x160xf32, #tpu.memory_space<vmem_shared>>
        %dma_wait3A_82 = arith.constant 0 : i32
        %dma_wait3A_83 = tpu.memref_slice %arg8[%add3A_61, %dma_wait3A_82] : memref<10240x160xf32, #tpu.memory_space<vmem_shared>> -> memref<64x160xf32, #tpu.memory_space<vmem_shared>>
        tpu.wait_dma2 semaphore(%run_scoped3A : memref<!tpu.dma_semaphore, #tpu.memory_space<semaphore_mem>>) src(%arg15 : memref<64x160xf32, #tpu.memory_space<vmem>>) dst(%dma_wait3A_83 : memref<64x160xf32, #tpu.memory_space<vmem_shared>>)
        tpu.yield
      }) : () -> ()
      %add3A_62 = arith.constant 448 : i32
      %add3A_63 = arith.addi %mul3A_47, %add3A_62 : i32
      "tpu.region"() ({
        %run_scoped3A = tpu.sem_alloc : memref<!tpu.dma_semaphore, #tpu.memory_space<semaphore_mem>>
        %dma_start3A = arith.constant 0 : i32
        %dma_start3A_78 = tpu.memref_slice %arg8[%add3A_63, %dma_start3A] : memref<10240x160xf32, #tpu.memory_space<vmem_shared>> -> memref<64x160xf32, #tpu.memory_space<vmem_shared>>
        %dma_start3A_79 = arith.constant 0 : i32
        %dma_start3A_80 = tpu.memref_slice %arg8[%add3A_63, %dma_start3A_79] : memref<10240x160xf32, #tpu.memory_space<vmem_shared>> -> memref<64x160xf32, #tpu.memory_space<vmem_shared>>
        tpu.enqueue_dma source(%arg15 : memref<64x160xf32, #tpu.memory_space<vmem>>) target(%dma_start3A_80 : memref<64x160xf32, #tpu.memory_space<vmem_shared>>) target_semaphore(%run_scoped3A : memref<!tpu.dma_semaphore, #tpu.memory_space<semaphore_mem>>)
        %dma_wait3A = arith.constant 0 : i32
        %dma_wait3A_81 = tpu.memref_slice %arg8[%add3A_63, %dma_wait3A] : memref<10240x160xf32, #tpu.memory_space<vmem_shared>> -> memref<64x160xf32, #tpu.memory_space<vmem_shared>>
        %dma_wait3A_82 = arith.constant 0 : i32
        %dma_wait3A_83 = tpu.memref_slice %arg8[%add3A_63, %dma_wait3A_82] : memref<10240x160xf32, #tpu.memory_space<vmem_shared>> -> memref<64x160xf32, #tpu.memory_space<vmem_shared>>
        tpu.wait_dma2 semaphore(%run_scoped3A : memref<!tpu.dma_semaphore, #tpu.memory_space<semaphore_mem>>) src(%arg15 : memref<64x160xf32, #tpu.memory_space<vmem>>) dst(%dma_wait3A_83 : memref<64x160xf32, #tpu.memory_space<vmem_shared>>)
        tpu.yield
      }) : () -> ()
      %add3A_64 = arith.constant 512 : i32
      %add3A_65 = arith.addi %mul3A_47, %add3A_64 : i32
      "tpu.region"() ({
        %run_scoped3A = tpu.sem_alloc : memref<!tpu.dma_semaphore, #tpu.memory_space<semaphore_mem>>
        %dma_start3A = arith.constant 0 : i32
        %dma_start3A_78 = tpu.memref_slice %arg8[%add3A_65, %dma_start3A] : memref<10240x160xf32, #tpu.memory_space<vmem_shared>> -> memref<64x160xf32, #tpu.memory_space<vmem_shared>>
        %dma_start3A_79 = arith.constant 0 : i32
        %dma_start3A_80 = tpu.memref_slice %arg8[%add3A_65, %dma_start3A_79] : memref<10240x160xf32, #tpu.memory_space<vmem_shared>> -> memref<64x160xf32, #tpu.memory_space<vmem_shared>>
        tpu.enqueue_dma source(%arg15 : memref<64x160xf32, #tpu.memory_space<vmem>>) target(%dma_start3A_80 : memref<64x160xf32, #tpu.memory_space<vmem_shared>>) target_semaphore(%run_scoped3A : memref<!tpu.dma_semaphore, #tpu.memory_space<semaphore_mem>>)
        %dma_wait3A = arith.constant 0 : i32
        %dma_wait3A_81 = tpu.memref_slice %arg8[%add3A_65, %dma_wait3A] : memref<10240x160xf32, #tpu.memory_space<vmem_shared>> -> memref<64x160xf32, #tpu.memory_space<vmem_shared>>
        %dma_wait3A_82 = arith.constant 0 : i32
        %dma_wait3A_83 = tpu.memref_slice %arg8[%add3A_65, %dma_wait3A_82] : memref<10240x160xf32, #tpu.memory_space<vmem_shared>> -> memref<64x160xf32, #tpu.memory_space<vmem_shared>>
        tpu.wait_dma2 semaphore(%run_scoped3A : memref<!tpu.dma_semaphore, #tpu.memory_space<semaphore_mem>>) src(%arg15 : memref<64x160xf32, #tpu.memory_space<vmem>>) dst(%dma_wait3A_83 : memref<64x160xf32, #tpu.memory_space<vmem_shared>>)
        tpu.yield
      }) : () -> ()
      %add3A_66 = arith.constant 576 : i32
      %add3A_67 = arith.addi %mul3A_47, %add3A_66 : i32
      "tpu.region"() ({
        %run_scoped3A = tpu.sem_alloc : memref<!tpu.dma_semaphore, #tpu.memory_space<semaphore_mem>>
        %dma_start3A = arith.constant 0 : i32
        %dma_start3A_78 = tpu.memref_slice %arg8[%add3A_67, %dma_start3A] : memref<10240x160xf32, #tpu.memory_space<vmem_shared>> -> memref<64x160xf32, #tpu.memory_space<vmem_shared>>
        %dma_start3A_79 = arith.constant 0 : i32
        %dma_start3A_80 = tpu.memref_slice %arg8[%add3A_67, %dma_start3A_79] : memref<10240x160xf32, #tpu.memory_space<vmem_shared>> -> memref<64x160xf32, #tpu.memory_space<vmem_shared>>
        tpu.enqueue_dma source(%arg15 : memref<64x160xf32, #tpu.memory_space<vmem>>) target(%dma_start3A_80 : memref<64x160xf32, #tpu.memory_space<vmem_shared>>) target_semaphore(%run_scoped3A : memref<!tpu.dma_semaphore, #tpu.memory_space<semaphore_mem>>)
        %dma_wait3A = arith.constant 0 : i32
        %dma_wait3A_81 = tpu.memref_slice %arg8[%add3A_67, %dma_wait3A] : memref<10240x160xf32, #tpu.memory_space<vmem_shared>> -> memref<64x160xf32, #tpu.memory_space<vmem_shared>>
        %dma_wait3A_82 = arith.constant 0 : i32
        %dma_wait3A_83 = tpu.memref_slice %arg8[%add3A_67, %dma_wait3A_82] : memref<10240x160xf32, #tpu.memory_space<vmem_shared>> -> memref<64x160xf32, #tpu.memory_space<vmem_shared>>
        tpu.wait_dma2 semaphore(%run_scoped3A : memref<!tpu.dma_semaphore, #tpu.memory_space<semaphore_mem>>) src(%arg15 : memref<64x160xf32, #tpu.memory_space<vmem>>) dst(%dma_wait3A_83 : memref<64x160xf32, #tpu.memory_space<vmem_shared>>)
        tpu.yield
      }) : () -> ()
      %barrier3A_68 = arith.constant 0 : index
      tpu.barrier barrier_id(%barrier3A_68)
      %scan3A_69 = arith.constant 0 : i32
      %scan3A_70 = arith.constant 160 : i32
      %scan3A_71 = arith.addi %scan3A_69, %scan3A_70 : i32
      %scan3A_72 = arith.constant 1 : i32
      scf.for %scan3A_78 = %scan3A_69 to %scan3A_71 step %scan3A_72  : i32 {
        %mul3A_79 = arith.constant 1 : i32
        %mul3A_80 = arith.muli %scan3A_78, %mul3A_79 : i32
        %add3A_81 = arith.constant 0 : i32
        %add3A_82 = arith.addi %add3A_81, %mul3A_80 : i32
        %mul3A_83 = arith.constant 10240 : i32
        %mul3A_84 = arith.muli %arg1, %mul3A_83 : i32
        %mul3A_85 = arith.constant 64 : i32
        %mul3A_86 = arith.muli %add3A_82, %mul3A_85 : i32
        %add3A_87 = arith.addi %mul3A_84, %mul3A_86 : i32
        "tpu.region"() ({
          %run_scoped3A = tpu.sem_alloc : memref<!tpu.dma_semaphore, #tpu.memory_space<semaphore_mem>>
          %dma_start3A_215 = tpu.memref_slice %arg4[%add3A_87] : memref<163840xi32, #tpu.memory_space<hbm>> -> memref<64xi32, #tpu.memory_space<hbm>>
          %dma_start3A_216 = tpu.memref_slice %arg4[%add3A_87] : memref<163840xi32, #tpu.memory_space<hbm>> -> memref<64xi32, #tpu.memory_space<hbm>>
          tpu.enqueue_dma source(%dma_start3A_216 : memref<64xi32, #tpu.memory_space<hbm>>) target(%arg9 : memref<64xi32, #tpu.memory_space<vmem>>) target_semaphore(%run_scoped3A : memref<!tpu.dma_semaphore, #tpu.memory_space<semaphore_mem>>)
          %dma_wait3A_217 = tpu.memref_slice %arg4[%add3A_87] : memref<163840xi32, #tpu.memory_space<hbm>> -> memref<64xi32, #tpu.memory_space<hbm>>
          %dma_wait3A_218 = tpu.memref_slice %arg4[%add3A_87] : memref<163840xi32, #tpu.memory_space<hbm>> -> memref<64xi32, #tpu.memory_space<hbm>>
          tpu.wait_dma2 semaphore(%run_scoped3A : memref<!tpu.dma_semaphore, #tpu.memory_space<semaphore_mem>>) src(%dma_wait3A_218 : memref<64xi32, #tpu.memory_space<hbm>>) dst(%arg9 : memref<64xi32, #tpu.memory_space<vmem>>)
          tpu.yield
        }) : () -> ()
        "tpu.region"() ({
          %run_scoped3A = tpu.sem_alloc : memref<!tpu.dma_semaphore, #tpu.memory_space<semaphore_mem>>
          %dma_start3A_215 = tpu.memref_slice %arg5[%add3A_87] : memref<163840xi32, #tpu.memory_space<hbm>> -> memref<64xi32, #tpu.memory_space<hbm>>
          %dma_start3A_216 = tpu.memref_slice %arg5[%add3A_87] : memref<163840xi32, #tpu.memory_space<hbm>> -> memref<64xi32, #tpu.memory_space<hbm>>
          tpu.enqueue_dma source(%dma_start3A_216 : memref<64xi32, #tpu.memory_space<hbm>>) target(%arg10 : memref<64xi32, #tpu.memory_space<vmem>>) target_semaphore(%run_scoped3A : memref<!tpu.dma_semaphore, #tpu.memory_space<semaphore_mem>>)
          %dma_wait3A_217 = tpu.memref_slice %arg5[%add3A_87] : memref<163840xi32, #tpu.memory_space<hbm>> -> memref<64xi32, #tpu.memory_space<hbm>>
          %dma_wait3A_218 = tpu.memref_slice %arg5[%add3A_87] : memref<163840xi32, #tpu.memory_space<hbm>> -> memref<64xi32, #tpu.memory_space<hbm>>
          tpu.wait_dma2 semaphore(%run_scoped3A : memref<!tpu.dma_semaphore, #tpu.memory_space<semaphore_mem>>) src(%dma_wait3A_218 : memref<64xi32, #tpu.memory_space<hbm>>) dst(%arg10 : memref<64xi32, #tpu.memory_space<vmem>>)
          tpu.yield
        }) : () -> ()
        %add3A_88 = arith.constant 983040 : i32
        %add3A_89 = arith.addi %add3A_88, %add3A_87 : i32
        "tpu.region"() ({
          %run_scoped3A = tpu.sem_alloc : memref<!tpu.dma_semaphore, #tpu.memory_space<semaphore_mem>>
          %dma_start3A_215 = tpu.memref_slice %arg3[%add3A_89] : memref<1310720xf32, #tpu.memory_space<hbm>> -> memref<64xf32, #tpu.memory_space<hbm>>
          %dma_start3A_216 = tpu.memref_slice %arg3[%add3A_89] : memref<1310720xf32, #tpu.memory_space<hbm>> -> memref<64xf32, #tpu.memory_space<hbm>>
          tpu.enqueue_dma source(%dma_start3A_216 : memref<64xf32, #tpu.memory_space<hbm>>) target(%arg13 : memref<64xf32, #tpu.memory_space<vmem>>) target_semaphore(%run_scoped3A : memref<!tpu.dma_semaphore, #tpu.memory_space<semaphore_mem>>)
          %dma_wait3A_217 = tpu.memref_slice %arg3[%add3A_89] : memref<1310720xf32, #tpu.memory_space<hbm>> -> memref<64xf32, #tpu.memory_space<hbm>>
          %dma_wait3A_218 = tpu.memref_slice %arg3[%add3A_89] : memref<1310720xf32, #tpu.memory_space<hbm>> -> memref<64xf32, #tpu.memory_space<hbm>>
          tpu.wait_dma2 semaphore(%run_scoped3A : memref<!tpu.dma_semaphore, #tpu.memory_space<semaphore_mem>>) src(%dma_wait3A_218 : memref<64xf32, #tpu.memory_space<hbm>>) dst(%arg13 : memref<64xf32, #tpu.memory_space<vmem>>)
          tpu.yield
        }) : () -> ()
        %add3A_90 = arith.constant 1146880 : i32
        %add3A_91 = arith.addi %add3A_90, %add3A_87 : i32
        "tpu.region"() ({
          %run_scoped3A = tpu.sem_alloc : memref<!tpu.dma_semaphore, #tpu.memory_space<semaphore_mem>>
          %dma_start3A_215 = tpu.memref_slice %arg3[%add3A_91] : memref<1310720xf32, #tpu.memory_space<hbm>> -> memref<64xf32, #tpu.memory_space<hbm>>
          %dma_start3A_216 = tpu.memref_slice %arg3[%add3A_91] : memref<1310720xf32, #tpu.memory_space<hbm>> -> memref<64xf32, #tpu.memory_space<hbm>>
          tpu.enqueue_dma source(%dma_start3A_216 : memref<64xf32, #tpu.memory_space<hbm>>) target(%arg14 : memref<64xf32, #tpu.memory_space<vmem>>) target_semaphore(%run_scoped3A : memref<!tpu.dma_semaphore, #tpu.memory_space<semaphore_mem>>)
          %dma_wait3A_217 = tpu.memref_slice %arg3[%add3A_91] : memref<1310720xf32, #tpu.memory_space<hbm>> -> memref<64xf32, #tpu.memory_space<hbm>>
          %dma_wait3A_218 = tpu.memref_slice %arg3[%add3A_91] : memref<1310720xf32, #tpu.memory_space<hbm>> -> memref<64xf32, #tpu.memory_space<hbm>>
          tpu.wait_dma2 semaphore(%run_scoped3A : memref<!tpu.dma_semaphore, #tpu.memory_space<semaphore_mem>>) src(%dma_wait3A_218 : memref<64xf32, #tpu.memory_space<hbm>>) dst(%arg14 : memref<64xf32, #tpu.memory_space<vmem>>)
          tpu.yield
        }) : () -> ()
        %get3A = arith.constant 0 : index
        %get3A_92 = tpu.vector_load %arg9[%get3A] {strides = array<i32>} : memref<64xi32, #tpu.memory_space<vmem>>, vector<16xi32>,
        %add3A_93 = arith.constant 30720 : i32
        %add3A_94 = vector.broadcast %add3A_93 : i32 to vector<16xi32>
        %add3A_95 = arith.addi %get3A_92, %add3A_94 : vector<16xi32>
        %swap3A = arith.constant 0 : index
        %swap3A_96 = tpu.vector_load %arg11[%swap3A] {strides = array<i32>} : memref<64xi32, #tpu.memory_space<vmem>>, vector<16xi32>,
        tpu.vector_store %arg11[%swap3A], %add3A_95 {strides = array<i32>} : memref<64xi32, #tpu.memory_space<vmem>>, vector<16xi32>,
        %get3A_97 = arith.constant 16 : index
        %get3A_98 = tpu.vector_load %arg9[%get3A_97] {strides = array<i32>} : memref<64xi32, #tpu.memory_space<vmem>>, vector<16xi32>,
        %add3A_99 = arith.constant 30720 : i32
        %add3A_100 = vector.broadcast %add3A_99 : i32 to vector<16xi32>
        %add3A_101 = arith.addi %get3A_98, %add3A_100 : vector<16xi32>
        %swap3A_102 = arith.constant 16 : index
        %swap3A_103 = tpu.vector_load %arg11[%swap3A_102] {strides = array<i32>} : memref<64xi32, #tpu.memory_space<vmem>>, vector<16xi32>,
        tpu.vector_store %arg11[%swap3A_102], %add3A_101 {strides = array<i32>} : memref<64xi32, #tpu.memory_space<vmem>>, vector<16xi32>,
        %get3A_104 = arith.constant 32 : index
        %get3A_105 = tpu.vector_load %arg9[%get3A_104] {strides = array<i32>} : memref<64xi32, #tpu.memory_space<vmem>>, vector<16xi32>,
        %add3A_106 = arith.constant 30720 : i32
        %add3A_107 = vector.broadcast %add3A_106 : i32 to vector<16xi32>
        %add3A_108 = arith.addi %get3A_105, %add3A_107 : vector<16xi32>
        %swap3A_109 = arith.constant 32 : index
        %swap3A_110 = tpu.vector_load %arg11[%swap3A_109] {strides = array<i32>} : memref<64xi32, #tpu.memory_space<vmem>>, vector<16xi32>,
        tpu.vector_store %arg11[%swap3A_109], %add3A_108 {strides = array<i32>} : memref<64xi32, #tpu.memory_space<vmem>>, vector<16xi32>,
        %get3A_111 = arith.constant 48 : index
        %get3A_112 = tpu.vector_load %arg9[%get3A_111] {strides = array<i32>} : memref<64xi32, #tpu.memory_space<vmem>>, vector<16xi32>,
        %add3A_113 = arith.constant 30720 : i32
        %add3A_114 = vector.broadcast %add3A_113 : i32 to vector<16xi32>
        %add3A_115 = arith.addi %get3A_112, %add3A_114 : vector<16xi32>
        %swap3A_116 = arith.constant 48 : index
        %swap3A_117 = tpu.vector_load %arg11[%swap3A_116] {strides = array<i32>} : memref<64xi32, #tpu.memory_space<vmem>>, vector<16xi32>,
        tpu.vector_store %arg11[%swap3A_116], %add3A_115 {strides = array<i32>} : memref<64xi32, #tpu.memory_space<vmem>>, vector<16xi32>,
        %dma_start3A = arith.constant 0 : i32
        %dma_start3A_118 = arith.constant 0 : i32
        %dma_start3A_119 = tpu.memref_slice %arg2[%dma_start3A, %dma_start3A_118] : memref<40960x128xf32, #tpu.memory_space<hbm>> -> memref<40960x128xf32, #tpu.memory_space<hbm>>
        tpu.enqueue_indirect_dma source(%dma_start3A_119 : memref<40960x128xf32, #tpu.memory_space<hbm>>) target(%arg12 : memref<64x128xf32, #tpu.memory_space<vmem>>) offsets(%arg11 : memref<64xi32, #tpu.memory_space<vmem>>) semaphore(%arg17 : memref<!tpu.dma_semaphore, #tpu.memory_space<semaphore_mem>>)
        %dma_wait3A = arith.constant 0 : i32
        %dma_wait3A_120 = arith.constant 0 : i32
        %dma_wait3A_121 = tpu.memref_slice %arg2[%dma_wait3A, %dma_wait3A_120] : memref<40960x128xf32, #tpu.memory_space<hbm>> -> memref<40960x128xf32, #tpu.memory_space<hbm>>
        tpu.wait_indirect_dma semaphore(%arg17 : memref<!tpu.dma_semaphore, #tpu.memory_space<semaphore_mem>>) src(%dma_wait3A_121 : memref<40960x128xf32, #tpu.memory_space<hbm>>) dst(%arg12 : memref<64x128xf32, #tpu.memory_space<vmem>>)
        %get3A_122 = arith.constant 96 : index
        %get3A_123 = tpu.vector_load %arg16[%get3A_122] {strides = array<i32>} : memref<128xf32, #tpu.memory_space<vmem>>, vector<16xf32>,
        %get3A_124 = arith.constant 112 : index
        %get3A_125 = tpu.vector_load %arg16[%get3A_124] {strides = array<i32>} : memref<128xf32, #tpu.memory_space<vmem>>, vector<16xf32>,
        %iota3A = tpu.iota {dimensions = array<i32: 0>} : vector<16xi32>
        %add3A_126 = arith.constant 0 : i32
        %add3A_127 = vector.broadcast %add3A_126 : i32 to vector<16xi32>
        %add3A_128 = arith.addi %iota3A, %add3A_127 : vector<16xi32>
        %get3A_129 = arith.constant 0 : index
        %get3A_130 = tpu.vector_load %arg13[%get3A_129] {strides = array<i32>} : memref<64xf32, #tpu.memory_space<vmem>>, vector<16xf32>,
        %sub3A = arith.subf %get3A_130, %get3A_123 : vector<16xf32>
        %exp3A = math.exp %sub3A : vector<16xf32>
        %get3A_131 = arith.constant 0 : index
        %get3A_132 = tpu.vector_load %arg14[%get3A_131] {strides = array<i32>} : memref<64xf32, #tpu.memory_space<vmem>>, vector<16xf32>,
        %sub3A_133 = arith.subf %get3A_132, %get3A_125 : vector<16xf32>
        %exp3A_134 = math.exp %sub3A_133 : vector<16xf32>
        %broadcast_in_dim3A_135 = arith.constant 64 : i32
        %broadcast_in_dim3A_136 = vector.broadcast %broadcast_in_dim3A_135 : i32 to vector<16xi32>
        tpu.vector_store_idx %arg15[%add3A_128, %broadcast_in_dim3A_136], %exp3A : memref<64x160xf32, #tpu.memory_space<vmem>>[vector<16xi32>, vector<16xi32>], vector<16xf32>,
        %broadcast_in_dim3A_137 = arith.constant 144 : i32
        %broadcast_in_dim3A_138 = vector.broadcast %broadcast_in_dim3A_137 : i32 to vector<16xi32>
        tpu.vector_store_idx %arg15[%add3A_128, %broadcast_in_dim3A_138], %exp3A_134 : memref<64x160xf32, #tpu.memory_space<vmem>>[vector<16xi32>, vector<16xi32>], vector<16xf32>,
        %scan3A_139 = arith.constant 0 : i32
        %scan3A_140 = arith.constant 0 : i32
        %scan3A_141 = arith.constant 64 : i32
        %scan3A_142 = arith.addi %scan3A_140, %scan3A_141 : i32
        %scan3A_143 = arith.constant 1 : i32
        %scan3A_144 = scf.for %scan3A_215 = %scan3A_140 to %scan3A_142 step %scan3A_143 iter_args(%scan3A_216 = %scan3A_139) -> (i32)  : i32 {
          %broadcast_in_dim3A_217 = arith.constant 0 : i32
          %broadcast_in_dim3A_218 = vector.broadcast %broadcast_in_dim3A_217 : i32 to vector<16xi32>
          %add3A_219 = vector.broadcast %scan3A_215 : i32 to vector<16xi32>
          %add3A_220 = arith.addi %broadcast_in_dim3A_218, %add3A_219 : vector<16xi32>
          %broadcast_in_dim3A_221 = arith.constant 64 : i32
          %broadcast_in_dim3A_222 = vector.broadcast %broadcast_in_dim3A_221 : i32 to vector<16xi32>
          %add3A_223 = vector.broadcast %scan3A_215 : i32 to vector<16xi32>
          %add3A_224 = arith.addi %broadcast_in_dim3A_222, %add3A_223 : vector<16xi32>
          %gather3A = tpu.vector_load_idx %arg12[%add3A_128, %add3A_220] : memref<64x128xf32, #tpu.memory_space<vmem>>[vector<16xi32>, vector<16xi32>], vector<16xf32>,
          %gather3A_225 = tpu.vector_load_idx %arg12[%add3A_128, %add3A_224] : memref<64x128xf32, #tpu.memory_space<vmem>>[vector<16xi32>, vector<16xi32>], vector<16xf32>,
          %mul3A_226 = arith.mulf %gather3A, %exp3A : vector<16xf32>
          tpu.vector_store_idx %arg15[%add3A_128, %add3A_220], %mul3A_226 : memref<64x160xf32, #tpu.memory_space<vmem>>[vector<16xi32>, vector<16xi32>], vector<16xf32>,
          %broadcast_in_dim3A_227 = arith.constant 80 : i32
          %broadcast_in_dim3A_228 = vector.broadcast %broadcast_in_dim3A_227 : i32 to vector<16xi32>
          %add3A_229 = vector.broadcast %scan3A_215 : i32 to vector<16xi32>
          %add3A_230 = arith.addi %broadcast_in_dim3A_228, %add3A_229 : vector<16xi32>
          %mul3A_231 = arith.mulf %gather3A_225, %exp3A_134 : vector<16xf32>
          tpu.vector_store_idx %arg15[%add3A_128, %add3A_230], %mul3A_231 : memref<64x160xf32, #tpu.memory_space<vmem>>[vector<16xi32>, vector<16xi32>], vector<16xf32>,
          %scan3A_232 = arith.constant 0 : i32
          scf.yield %scan3A_232 : i32
        }
        %scan3A_145 = arith.constant 64 : i32
        %iota3A_146 = tpu.iota {dimensions = array<i32: 0>} : vector<16xi32>
        %add3A_147 = arith.constant 16 : i32
        %add3A_148 = vector.broadcast %add3A_147 : i32 to vector<16xi32>
        %add3A_149 = arith.addi %iota3A_146, %add3A_148 : vector<16xi32>
        %get3A_150 = arith.constant 16 : index
        %get3A_151 = tpu.vector_load %arg13[%get3A_150] {strides = array<i32>} : memref<64xf32, #tpu.memory_space<vmem>>, vector<16xf32>,
        %sub3A_152 = arith.subf %get3A_151, %get3A_123 : vector<16xf32>
        %exp3A_153 = math.exp %sub3A_152 : vector<16xf32>
        %get3A_154 = arith.constant 16 : index
        %get3A_155 = tpu.vector_load %arg14[%get3A_154] {strides = array<i32>} : memref<64xf32, #tpu.memory_space<vmem>>, vector<16xf32>,
        %sub3A_156 = arith.subf %get3A_155, %get3A_125 : vector<16xf32>
        %exp3A_157 = math.exp %sub3A_156 : vector<16xf32>
        %broadcast_in_dim3A_158 = arith.constant 64 : i32
        %broadcast_in_dim3A_159 = vector.broadcast %broadcast_in_dim3A_158 : i32 to vector<16xi32>
        tpu.vector_store_idx %arg15[%add3A_149, %broadcast_in_dim3A_159], %exp3A_153 : memref<64x160xf32, #tpu.memory_space<vmem>>[vector<16xi32>, vector<16xi32>], vector<16xf32>,
        %broadcast_in_dim3A_160 = arith.constant 144 : i32
        %broadcast_in_dim3A_161 = vector.broadcast %broadcast_in_dim3A_160 : i32 to vector<16xi32>
        tpu.vector_store_idx %arg15[%add3A_149, %broadcast_in_dim3A_161], %exp3A_157 : memref<64x160xf32, #tpu.memory_space<vmem>>[vector<16xi32>, vector<16xi32>], vector<16xf32>,
        %scan3A_162 = arith.constant 0 : i32
        %scan3A_163 = arith.constant 0 : i32
        %scan3A_164 = arith.constant 64 : i32
        %scan3A_165 = arith.addi %scan3A_163, %scan3A_164 : i32
        %scan3A_166 = arith.constant 1 : i32
        %scan3A_167 = scf.for %scan3A_215 = %scan3A_163 to %scan3A_165 step %scan3A_166 iter_args(%scan3A_216 = %scan3A_162) -> (i32)  : i32 {
          %broadcast_in_dim3A_217 = arith.constant 0 : i32
          %broadcast_in_dim3A_218 = vector.broadcast %broadcast_in_dim3A_217 : i32 to vector<16xi32>
          %add3A_219 = vector.broadcast %scan3A_215 : i32 to vector<16xi32>
          %add3A_220 = arith.addi %broadcast_in_dim3A_218, %add3A_219 : vector<16xi32>
          %broadcast_in_dim3A_221 = arith.constant 64 : i32
          %broadcast_in_dim3A_222 = vector.broadcast %broadcast_in_dim3A_221 : i32 to vector<16xi32>
          %add3A_223 = vector.broadcast %scan3A_215 : i32 to vector<16xi32>
          %add3A_224 = arith.addi %broadcast_in_dim3A_222, %add3A_223 : vector<16xi32>
          %gather3A = tpu.vector_load_idx %arg12[%add3A_149, %add3A_220] : memref<64x128xf32, #tpu.memory_space<vmem>>[vector<16xi32>, vector<16xi32>], vector<16xf32>,
          %gather3A_225 = tpu.vector_load_idx %arg12[%add3A_149, %add3A_224] : memref<64x128xf32, #tpu.memory_space<vmem>>[vector<16xi32>, vector<16xi32>], vector<16xf32>,
          %mul3A_226 = arith.mulf %gather3A, %exp3A_153 : vector<16xf32>
          tpu.vector_store_idx %arg15[%add3A_149, %add3A_220], %mul3A_226 : memref<64x160xf32, #tpu.memory_space<vmem>>[vector<16xi32>, vector<16xi32>], vector<16xf32>,
          %broadcast_in_dim3A_227 = arith.constant 80 : i32
          %broadcast_in_dim3A_228 = vector.broadcast %broadcast_in_dim3A_227 : i32 to vector<16xi32>
          %add3A_229 = vector.broadcast %scan3A_215 : i32 to vector<16xi32>
          %add3A_230 = arith.addi %broadcast_in_dim3A_228, %add3A_229 : vector<16xi32>
          %mul3A_231 = arith.mulf %gather3A_225, %exp3A_157 : vector<16xf32>
          tpu.vector_store_idx %arg15[%add3A_149, %add3A_230], %mul3A_231 : memref<64x160xf32, #tpu.memory_space<vmem>>[vector<16xi32>, vector<16xi32>], vector<16xf32>,
          %scan3A_232 = arith.constant 0 : i32
          scf.yield %scan3A_232 : i32
        }
        %scan3A_168 = arith.constant 64 : i32
        %iota3A_169 = tpu.iota {dimensions = array<i32: 0>} : vector<16xi32>
        %add3A_170 = arith.constant 32 : i32
        %add3A_171 = vector.broadcast %add3A_170 : i32 to vector<16xi32>
        %add3A_172 = arith.addi %iota3A_169, %add3A_171 : vector<16xi32>
        %get3A_173 = arith.constant 32 : index
        %get3A_174 = tpu.vector_load %arg13[%get3A_173] {strides = array<i32>} : memref<64xf32, #tpu.memory_space<vmem>>, vector<16xf32>,
        %sub3A_175 = arith.subf %get3A_174, %get3A_123 : vector<16xf32>
        %exp3A_176 = math.exp %sub3A_175 : vector<16xf32>
        %get3A_177 = arith.constant 32 : index
        %get3A_178 = tpu.vector_load %arg14[%get3A_177] {strides = array<i32>} : memref<64xf32, #tpu.memory_space<vmem>>, vector<16xf32>,
        %sub3A_179 = arith.subf %get3A_178, %get3A_125 : vector<16xf32>
        %exp3A_180 = math.exp %sub3A_179 : vector<16xf32>
        %broadcast_in_dim3A_181 = arith.constant 64 : i32
        %broadcast_in_dim3A_182 = vector.broadcast %broadcast_in_dim3A_181 : i32 to vector<16xi32>
        tpu.vector_store_idx %arg15[%add3A_172, %broadcast_in_dim3A_182], %exp3A_176 : memref<64x160xf32, #tpu.memory_space<vmem>>[vector<16xi32>, vector<16xi32>], vector<16xf32>,
        %broadcast_in_dim3A_183 = arith.constant 144 : i32
        %broadcast_in_dim3A_184 = vector.broadcast %broadcast_in_dim3A_183 : i32 to vector<16xi32>
        tpu.vector_store_idx %arg15[%add3A_172, %broadcast_in_dim3A_184], %exp3A_180 : memref<64x160xf32, #tpu.memory_space<vmem>>[vector<16xi32>, vector<16xi32>], vector<16xf32>,
        %scan3A_185 = arith.constant 0 : i32
        %scan3A_186 = arith.constant 0 : i32
        %scan3A_187 = arith.constant 64 : i32
        %scan3A_188 = arith.addi %scan3A_186, %scan3A_187 : i32
        %scan3A_189 = arith.constant 1 : i32
        %scan3A_190 = scf.for %scan3A_215 = %scan3A_186 to %scan3A_188 step %scan3A_189 iter_args(%scan3A_216 = %scan3A_185) -> (i32)  : i32 {
          %broadcast_in_dim3A_217 = arith.constant 0 : i32
          %broadcast_in_dim3A_218 = vector.broadcast %broadcast_in_dim3A_217 : i32 to vector<16xi32>
          %add3A_219 = vector.broadcast %scan3A_215 : i32 to vector<16xi32>
          %add3A_220 = arith.addi %broadcast_in_dim3A_218, %add3A_219 : vector<16xi32>
          %broadcast_in_dim3A_221 = arith.constant 64 : i32
          %broadcast_in_dim3A_222 = vector.broadcast %broadcast_in_dim3A_221 : i32 to vector<16xi32>
          %add3A_223 = vector.broadcast %scan3A_215 : i32 to vector<16xi32>
          %add3A_224 = arith.addi %broadcast_in_dim3A_222, %add3A_223 : vector<16xi32>
          %gather3A = tpu.vector_load_idx %arg12[%add3A_172, %add3A_220] : memref<64x128xf32, #tpu.memory_space<vmem>>[vector<16xi32>, vector<16xi32>], vector<16xf32>,
          %gather3A_225 = tpu.vector_load_idx %arg12[%add3A_172, %add3A_224] : memref<64x128xf32, #tpu.memory_space<vmem>>[vector<16xi32>, vector<16xi32>], vector<16xf32>,
          %mul3A_226 = arith.mulf %gather3A, %exp3A_176 : vector<16xf32>
          tpu.vector_store_idx %arg15[%add3A_172, %add3A_220], %mul3A_226 : memref<64x160xf32, #tpu.memory_space<vmem>>[vector<16xi32>, vector<16xi32>], vector<16xf32>,
          %broadcast_in_dim3A_227 = arith.constant 80 : i32
          %broadcast_in_dim3A_228 = vector.broadcast %broadcast_in_dim3A_227 : i32 to vector<16xi32>
          %add3A_229 = vector.broadcast %scan3A_215 : i32 to vector<16xi32>
          %add3A_230 = arith.addi %broadcast_in_dim3A_228, %add3A_229 : vector<16xi32>
          %mul3A_231 = arith.mulf %gather3A_225, %exp3A_180 : vector<16xf32>
          tpu.vector_store_idx %arg15[%add3A_172, %add3A_230], %mul3A_231 : memref<64x160xf32, #tpu.memory_space<vmem>>[vector<16xi32>, vector<16xi32>], vector<16xf32>,
          %scan3A_232 = arith.constant 0 : i32
          scf.yield %scan3A_232 : i32
        }
        %scan3A_191 = arith.constant 64 : i32
        %iota3A_192 = tpu.iota {dimensions = array<i32: 0>} : vector<16xi32>
        %add3A_193 = arith.constant 48 : i32
        %add3A_194 = vector.broadcast %add3A_193 : i32 to vector<16xi32>
        %add3A_195 = arith.addi %iota3A_192, %add3A_194 : vector<16xi32>
        %get3A_196 = arith.constant 48 : index
        %get3A_197 = tpu.vector_load %arg13[%get3A_196] {strides = array<i32>} : memref<64xf32, #tpu.memory_space<vmem>>, vector<16xf32>,
        %sub3A_198 = arith.subf %get3A_197, %get3A_123 : vector<16xf32>
        %exp3A_199 = math.exp %sub3A_198 : vector<16xf32>
        %get3A_200 = arith.constant 48 : index
        %get3A_201 = tpu.vector_load %arg14[%get3A_200] {strides = array<i32>} : memref<64xf32, #tpu.memory_space<vmem>>, vector<16xf32>,
        %sub3A_202 = arith.subf %get3A_201, %get3A_125 : vector<16xf32>
        %exp3A_203 = math.exp %sub3A_202 : vector<16xf32>
        %broadcast_in_dim3A_204 = arith.constant 64 : i32
        %broadcast_in_dim3A_205 = vector.broadcast %broadcast_in_dim3A_204 : i32 to vector<16xi32>
        tpu.vector_store_idx %arg15[%add3A_195, %broadcast_in_dim3A_205], %exp3A_199 : memref<64x160xf32, #tpu.memory_space<vmem>>[vector<16xi32>, vector<16xi32>], vector<16xf32>,
        %broadcast_in_dim3A_206 = arith.constant 144 : i32
        %broadcast_in_dim3A_207 = vector.broadcast %broadcast_in_dim3A_206 : i32 to vector<16xi32>
        tpu.vector_store_idx %arg15[%add3A_195, %broadcast_in_dim3A_207], %exp3A_203 : memref<64x160xf32, #tpu.memory_space<vmem>>[vector<16xi32>, vector<16xi32>], vector<16xf32>,
        %scan3A_208 = arith.constant 0 : i32
        %scan3A_209 = arith.constant 0 : i32
        %scan3A_210 = arith.constant 64 : i32
        %scan3A_211 = arith.addi %scan3A_209, %scan3A_210 : i32
        %scan3A_212 = arith.constant 1 : i32
        %scan3A_213 = scf.for %scan3A_215 = %scan3A_209 to %scan3A_211 step %scan3A_212 iter_args(%scan3A_216 = %scan3A_208) -> (i32)  : i32 {
          %broadcast_in_dim3A_217 = arith.constant 0 : i32
          %broadcast_in_dim3A_218 = vector.broadcast %broadcast_in_dim3A_217 : i32 to vector<16xi32>
          %add3A_219 = vector.broadcast %scan3A_215 : i32 to vector<16xi32>
          %add3A_220 = arith.addi %broadcast_in_dim3A_218, %add3A_219 : vector<16xi32>
          %broadcast_in_dim3A_221 = arith.constant 64 : i32
          %broadcast_in_dim3A_222 = vector.broadcast %broadcast_in_dim3A_221 : i32 to vector<16xi32>
          %add3A_223 = vector.broadcast %scan3A_215 : i32 to vector<16xi32>
          %add3A_224 = arith.addi %broadcast_in_dim3A_222, %add3A_223 : vector<16xi32>
          %gather3A = tpu.vector_load_idx %arg12[%add3A_195, %add3A_220] : memref<64x128xf32, #tpu.memory_space<vmem>>[vector<16xi32>, vector<16xi32>], vector<16xf32>,
          %gather3A_225 = tpu.vector_load_idx %arg12[%add3A_195, %add3A_224] : memref<64x128xf32, #tpu.memory_space<vmem>>[vector<16xi32>, vector<16xi32>], vector<16xf32>,
          %mul3A_226 = arith.mulf %gather3A, %exp3A_199 : vector<16xf32>
          tpu.vector_store_idx %arg15[%add3A_195, %add3A_220], %mul3A_226 : memref<64x160xf32, #tpu.memory_space<vmem>>[vector<16xi32>, vector<16xi32>], vector<16xf32>,
          %broadcast_in_dim3A_227 = arith.constant 80 : i32
          %broadcast_in_dim3A_228 = vector.broadcast %broadcast_in_dim3A_227 : i32 to vector<16xi32>
          %add3A_229 = vector.broadcast %scan3A_215 : i32 to vector<16xi32>
          %add3A_230 = arith.addi %broadcast_in_dim3A_228, %add3A_229 : vector<16xi32>
          %mul3A_231 = arith.mulf %gather3A_225, %exp3A_203 : vector<16xf32>
          tpu.vector_store_idx %arg15[%add3A_195, %add3A_230], %mul3A_231 : memref<64x160xf32, #tpu.memory_space<vmem>>[vector<16xi32>, vector<16xi32>], vector<16xf32>,
          %scan3A_232 = arith.constant 0 : i32
          scf.yield %scan3A_232 : i32
        }
        %scan3A_214 = arith.constant 64 : i32
        "tpu.region"() ({
          %run_scoped3A = tpu.sem_alloc : memref<!tpu.dma_semaphore, #tpu.memory_space<semaphore_mem>>
          %dma_start3A_215 = arith.constant 0 : i32
          %dma_start3A_216 = arith.constant 0 : i32
          %dma_start3A_217 = tpu.memref_slice %arg8[%dma_start3A_215, %dma_start3A_216] : memref<10240x160xf32, #tpu.memory_space<vmem_shared>> -> memref<10240x160xf32, #tpu.memory_space<vmem_shared>>
          tpu.enqueue_indirect_dma source(%arg15 : memref<64x160xf32, #tpu.memory_space<vmem>>) target(%dma_start3A_217 : memref<10240x160xf32, #tpu.memory_space<vmem_shared>>) offsets(%arg10 : memref<64xi32, #tpu.memory_space<vmem>>) semaphore(%run_scoped3A : memref<!tpu.dma_semaphore, #tpu.memory_space<semaphore_mem>>) {add = true}
          %dma_wait3A_218 = arith.constant 0 : i32
          %dma_wait3A_219 = arith.constant 0 : i32
          %dma_wait3A_220 = tpu.memref_slice %arg8[%dma_wait3A_218, %dma_wait3A_219] : memref<10240x160xf32, #tpu.memory_space<vmem_shared>> -> memref<10240x160xf32, #tpu.memory_space<vmem_shared>>
          tpu.wait_indirect_dma semaphore(%run_scoped3A : memref<!tpu.dma_semaphore, #tpu.memory_space<semaphore_mem>>) src(%arg15 : memref<64x160xf32, #tpu.memory_space<vmem>>) dst(%dma_wait3A_220 : memref<10240x160xf32, #tpu.memory_space<vmem_shared>>)
          tpu.yield
        }) : () -> ()
      }
      %scan3A_73 = arith.constant 160 : i32
      %barrier3A_74 = arith.constant 0 : index
      tpu.barrier barrier_id(%barrier3A_74)
      %add3A_75 = arith.constant 30720 : i32
      %add3A_76 = arith.addi %add3A_75, %mul3A_47 : i32
      "tpu.region"() ({
        %run_scoped3A = tpu.sem_alloc : memref<!tpu.dma_semaphore, #tpu.memory_space<semaphore_mem>>
        %dma_start3A = arith.constant 0 : i32
        %dma_start3A_78 = tpu.memref_slice %arg7[%add3A_76, %dma_start3A] : memref<40960x160xf32, #tpu.memory_space<hbm>> -> memref<640x160xf32, #tpu.memory_space<hbm>>
        %dma_start3A_79 = arith.constant 0 : i32
        %dma_start3A_80 = tpu.memref_slice %arg8[%mul3A_47, %dma_start3A_79] : memref<10240x160xf32, #tpu.memory_space<vmem_shared>> -> memref<640x160xf32, #tpu.memory_space<vmem_shared>>
        tpu.enqueue_dma source(%dma_start3A_80 : memref<640x160xf32, #tpu.memory_space<vmem_shared>>) target(%dma_start3A_78 : memref<640x160xf32, #tpu.memory_space<hbm>>) target_semaphore(%run_scoped3A : memref<!tpu.dma_semaphore, #tpu.memory_space<semaphore_mem>>)
        %dma_wait3A = arith.constant 0 : i32
        %dma_wait3A_81 = tpu.memref_slice %arg7[%add3A_76, %dma_wait3A] : memref<40960x160xf32, #tpu.memory_space<hbm>> -> memref<640x160xf32, #tpu.memory_space<hbm>>
        %dma_wait3A_82 = arith.constant 0 : i32
        %dma_wait3A_83 = tpu.memref_slice %arg8[%mul3A_47, %dma_wait3A_82] : memref<10240x160xf32, #tpu.memory_space<vmem_shared>> -> memref<640x160xf32, #tpu.memory_space<vmem_shared>>
        tpu.wait_dma2 semaphore(%run_scoped3A : memref<!tpu.dma_semaphore, #tpu.memory_space<semaphore_mem>>) src(%dma_wait3A_83 : memref<640x160xf32, #tpu.memory_space<vmem_shared>>) dst(%dma_wait3A_81 : memref<640x160xf32, #tpu.memory_space<hbm>>)
        tpu.yield
      }) : () -> ()
      %barrier3A_77 = arith.constant 0 : index
      tpu.barrier barrier_id(%barrier3A_77)
    } else {
    }
    return
  }
}

module attributes {stable_mosaic.version = 14 : i64} {
  func.func @body(%arg0: i32, %arg1: memref<256x256xf32, #tpu.memory_space<vmem>>, %arg2: memref<256xf32, #tpu.memory_space<vmem>>, %arg3: memref<256xf32, #tpu.memory_space<vmem>>, %arg4: memref<256x512xf32, #tpu.memory_space<vmem>>, %arg5: memref<512xf32, #tpu.memory_space<vmem>>, %arg6: memref<256x512xf32, #tpu.memory_space<vmem>>, %arg7: memref<256x512xf32, #tpu.memory_space<vmem>>, %arg8: memref<512xf32, #tpu.memory_space<vmem>>, %arg9: memref<256x512xf32, #tpu.memory_space<vmem>>, %arg10: memref<512xf32, #tpu.memory_space<vmem>>, %arg11: memref<256xf32, #tpu.memory_space<vmem>>, %arg12: memref<256xf32, #tpu.memory_space<vmem>>, %arg13: memref<256x1024xf32, #tpu.memory_space<vmem>>, %arg14: memref<1024xf32, #tpu.memory_space<vmem>>, %arg15: memref<1024x256xf32, #tpu.memory_space<vmem>>, %arg16: memref<256xf32, #tpu.memory_space<vmem>>, %arg17: memref<256xf32, #tpu.memory_space<vmem>>, %arg18: memref<256xf32, #tpu.memory_space<vmem>>, %arg19: memref<256x512xf32, #tpu.memory_space<vmem>>, %arg20: memref<256x512xf32, #tpu.memory_space<vmem>>, %arg21: memref<4x256x128xf32, #tpu.memory_space<vmem>>, %arg22: memref<256x512xf32, #tpu.memory_space<vmem>>, %arg23: memref<256x256xf32, #tpu.memory_space<vmem>>, %arg24: memref<256x256xf32, #tpu.memory_space<vmem>>) attributes {dimension_semantics = [#tpu.dimension_semantics<arbitrary>], iteration_bounds = array<i64: 40>, scalar_prefetch = 0 : i64, scratch_operands = 0 : i64, tpu.core_type = #tpu.core_type<tc>, window_params = [{transform_indices = @transform_0, window_bounds = array<i64: 256, 256>}, {pipeline_mode = #tpu.pipeline_mode<synchronous>, transform_indices = @transform_1, window_bounds = array<i64: 256>}, {pipeline_mode = #tpu.pipeline_mode<synchronous>, transform_indices = @transform_2, window_bounds = array<i64: 256>}, {pipeline_mode = #tpu.pipeline_mode<synchronous>, transform_indices = @transform_3, window_bounds = array<i64: 256, 512>}, {pipeline_mode = #tpu.pipeline_mode<synchronous>, transform_indices = @transform_4, window_bounds = array<i64: 512>}, {pipeline_mode = #tpu.pipeline_mode<synchronous>, transform_indices = @transform_5, window_bounds = array<i64: 256, 512>}, {pipeline_mode = #tpu.pipeline_mode<synchronous>, transform_indices = @transform_6, window_bounds = array<i64: 256, 512>}, {pipeline_mode = #tpu.pipeline_mode<synchronous>, transform_indices = @transform_7, window_bounds = array<i64: 512>}, {pipeline_mode = #tpu.pipeline_mode<synchronous>, transform_indices = @transform_8, window_bounds = array<i64: 256, 512>}, {pipeline_mode = #tpu.pipeline_mode<synchronous>, transform_indices = @transform_9, window_bounds = array<i64: 512>}, {pipeline_mode = #tpu.pipeline_mode<synchronous>, transform_indices = @transform_10, window_bounds = array<i64: 256>}, {pipeline_mode = #tpu.pipeline_mode<synchronous>, transform_indices = @transform_11, window_bounds = array<i64: 256>}, {pipeline_mode = #tpu.pipeline_mode<synchronous>, transform_indices = @transform_12, window_bounds = array<i64: 256, 1024>}, {pipeline_mode = #tpu.pipeline_mode<synchronous>, transform_indices = @transform_13, window_bounds = array<i64: 1024>}, {pipeline_mode = #tpu.pipeline_mode<synchronous>, transform_indices = @transform_14, window_bounds = array<i64: 1024, 256>}, {pipeline_mode = #tpu.pipeline_mode<synchronous>, transform_indices = @transform_15, window_bounds = array<i64: 256>}, {pipeline_mode = #tpu.pipeline_mode<synchronous>, transform_indices = @transform_16, window_bounds = array<i64: 256>}, {pipeline_mode = #tpu.pipeline_mode<synchronous>, transform_indices = @transform_17, window_bounds = array<i64: 256>}, {transform_indices = @transform_18, window_bounds = array<i64: 256, 512>}, {transform_indices = @transform_19, window_bounds = array<i64: 256, 512>}, {transform_indices = @transform_20, window_bounds = array<i64: 4, 256, 128>}, {transform_indices = @transform_21, window_bounds = array<i64: 256, 512>}, {transform_indices = @transform_22, window_bounds = array<i64: 256, 256>}, {transform_indices = @transform_23, window_bounds = array<i64: 256, 256>}]} {
    %get3A = arith.constant 0 : index
    %get3A_0 = arith.constant 0 : index
    %get3A_1 = vector.load %arg1[%get3A, %get3A_0] : memref<256x256xf32, #tpu.memory_space<vmem>>, vector<256x256xf32>
    %get3A_2 = arith.constant 0 : index
    %get3A_3 = vector.load %arg2[%get3A_2] : memref<256xf32, #tpu.memory_space<vmem>>, vector<256xf32>
    %get3A_4 = arith.constant 0 : index
    %get3A_5 = vector.load %arg3[%get3A_4] : memref<256xf32, #tpu.memory_space<vmem>>, vector<256xf32>
    %reduce_sum3A = arith.constant dense<0.000000e+00> : vector<256xf32>
    %reduce_sum3A_6 = vector.multi_reduction <add>, %get3A_1, %reduce_sum3A [1] : vector<256x256xf32> to vector<256xf32>
    %broadcast_in_dim3A = vector.shape_cast %reduce_sum3A_6 : vector<256xf32> to vector<256x1xf32>
    %div3A = arith.constant 2.560000e+02 : f32
    %div3A_7 = vector.broadcast %div3A : f32 to vector<256x1xf32>
    %div3A_8 = arith.divf %broadcast_in_dim3A, %div3A_7 : vector<256x1xf32>
    %sub3A = vector.broadcast %div3A_8 : vector<256x1xf32> to vector<256x256xf32>
    %sub3A_9 = arith.subf %get3A_1, %sub3A : vector<256x256xf32>
    %integer_pow3A = arith.mulf %sub3A_9, %sub3A_9 : vector<256x256xf32>
    %reduce_sum3A_10 = arith.constant dense<0.000000e+00> : vector<256xf32>
    %reduce_sum3A_11 = vector.multi_reduction <add>, %integer_pow3A, %reduce_sum3A_10 [1] : vector<256x256xf32> to vector<256xf32>
    %broadcast_in_dim3A_12 = vector.shape_cast %reduce_sum3A_11 : vector<256xf32> to vector<256x1xf32>
    %div3A_13 = arith.constant 2.560000e+02 : f32
    %div3A_14 = vector.broadcast %div3A_13 : f32 to vector<256x1xf32>
    %div3A_15 = arith.divf %broadcast_in_dim3A_12, %div3A_14 : vector<256x1xf32>
    %sub3A_16 = vector.broadcast %div3A_8 : vector<256x1xf32> to vector<256x256xf32>
    %sub3A_17 = arith.subf %get3A_1, %sub3A_16 : vector<256x256xf32>
    %add3A = arith.constant 9.99999974E-6 : f32
    %add3A_18 = vector.broadcast %add3A : f32 to vector<256x1xf32>
    %add3A_19 = arith.addf %div3A_15, %add3A_18 : vector<256x1xf32>
    %rsqrt3A = math.rsqrt %add3A_19 : vector<256x1xf32>
    %mul3A = vector.broadcast %rsqrt3A : vector<256x1xf32> to vector<256x256xf32>
    %mul3A_20 = arith.mulf %sub3A_17, %mul3A : vector<256x256xf32>
    %broadcast_in_dim3A_21 = vector.shape_cast %get3A_3 : vector<256xf32> to vector<1x256xf32>
    %mul3A_22 = vector.broadcast %broadcast_in_dim3A_21 : vector<1x256xf32> to vector<256x256xf32>
    %mul3A_23 = arith.mulf %mul3A_20, %mul3A_22 : vector<256x256xf32>
    %broadcast_in_dim3A_24 = vector.shape_cast %get3A_5 : vector<256xf32> to vector<1x256xf32>
    %add3A_25 = vector.broadcast %broadcast_in_dim3A_24 : vector<1x256xf32> to vector<256x256xf32>
    %add3A_26 = arith.addf %mul3A_23, %add3A_25 : vector<256x256xf32>
    %swap3A = arith.constant 0 : index
    %swap3A_27 = arith.constant 0 : index
    %swap3A_28 = vector.load %arg23[%swap3A, %swap3A_27] : memref<256x256xf32, #tpu.memory_space<vmem>>, vector<256x256xf32>
    tpu.vector_store %arg23[%swap3A, %swap3A_27], %add3A_26 {strides = array<i32>} : memref<256x256xf32, #tpu.memory_space<vmem>>, vector<256x256xf32>,
    %get3A_29 = arith.constant 0 : index
    %get3A_30 = arith.constant 0 : index
    %get3A_31 = vector.load %arg4[%get3A_29, %get3A_30] : memref<256x512xf32, #tpu.memory_space<vmem>>, vector<256x512xf32>
    %dot_general3A = arith.constant dense<0.000000e+00> : vector<256x512xf32>
    %dot_general3A_32 = tpu.matmul %add3A_26, %get3A_31, %dot_general3A {dimension_numbers = #tpu.dot_dimension_numbers<[1], [0], [0], [1], [0, 0, 1, 1], [], []>, transpose_lhs_hint = false} : vector<256x256xf32>, vector<256x512xf32>, vector<256x512xf32> -> vector<256x512xf32>
    %get3A_33 = arith.constant 0 : index
    %get3A_34 = vector.load %arg5[%get3A_33] : memref<512xf32, #tpu.memory_space<vmem>>, vector<512xf32>
    %broadcast_in_dim3A_35 = vector.shape_cast %get3A_34 : vector<512xf32> to vector<1x512xf32>
    %add3A_36 = vector.broadcast %broadcast_in_dim3A_35 : vector<1x512xf32> to vector<256x512xf32>
    %add3A_37 = arith.addf %dot_general3A_32, %add3A_36 : vector<256x512xf32>
    %swap3A_38 = arith.constant 0 : index
    %swap3A_39 = arith.constant 0 : index
    %swap3A_40 = vector.load %arg19[%swap3A_38, %swap3A_39] : memref<256x512xf32, #tpu.memory_space<vmem>>, vector<256x512xf32>
    tpu.vector_store %arg19[%swap3A_38, %swap3A_39], %add3A_37 {strides = array<i32>} : memref<256x512xf32, #tpu.memory_space<vmem>>, vector<256x512xf32>,
    %get3A_41 = arith.constant 0 : index
    %get3A_42 = arith.constant 0 : index
    %get3A_43 = vector.load %arg6[%get3A_41, %get3A_42] : memref<256x512xf32, #tpu.memory_space<vmem>>, vector<256x512xf32>
    %dot_general3A_44 = arith.constant dense<0.000000e+00> : vector<256x512xf32>
    %dot_general3A_45 = tpu.matmul %add3A_26, %get3A_43, %dot_general3A_44 {dimension_numbers = #tpu.dot_dimension_numbers<[1], [0], [0], [1], [0, 0, 1, 1], [], []>, transpose_lhs_hint = false} : vector<256x256xf32>, vector<256x512xf32>, vector<256x512xf32> -> vector<256x512xf32>
    %swap3A_46 = arith.constant 0 : index
    %swap3A_47 = arith.constant 0 : index
    %swap3A_48 = vector.load %arg20[%swap3A_46, %swap3A_47] : memref<256x512xf32, #tpu.memory_space<vmem>>, vector<256x512xf32>
    tpu.vector_store %arg20[%swap3A_46, %swap3A_47], %dot_general3A_45 {strides = array<i32>} : memref<256x512xf32, #tpu.memory_space<vmem>>, vector<256x512xf32>,
    %get3A_49 = arith.constant 0 : index
    %get3A_50 = arith.constant 0 : index
    %get3A_51 = vector.load %arg7[%get3A_49, %get3A_50] : memref<256x512xf32, #tpu.memory_space<vmem>>, vector<256x512xf32>
    %dot_general3A_52 = arith.constant dense<0.000000e+00> : vector<256x512xf32>
    %dot_general3A_53 = tpu.matmul %add3A_26, %get3A_51, %dot_general3A_52 {dimension_numbers = #tpu.dot_dimension_numbers<[1], [0], [0], [1], [0, 0, 1, 1], [], []>, transpose_lhs_hint = false} : vector<256x256xf32>, vector<256x512xf32>, vector<256x512xf32> -> vector<256x512xf32>
    %get3A_54 = arith.constant 0 : index
    %get3A_55 = vector.load %arg8[%get3A_54] : memref<512xf32, #tpu.memory_space<vmem>>, vector<512xf32>
    %broadcast_in_dim3A_56 = vector.shape_cast %get3A_55 : vector<512xf32> to vector<1x512xf32>
    %add3A_57 = vector.broadcast %broadcast_in_dim3A_56 : vector<1x512xf32> to vector<256x512xf32>
    %add3A_58 = arith.addf %dot_general3A_53, %add3A_57 : vector<256x512xf32>
    %slice3A = vector.extract_strided_slice %add3A_58 {offsets = [0, 0], sizes = [256, 128], strides = [1, 1]} : vector<256x512xf32> to vector<256x128xf32>
    %swap3A_59 = arith.constant 0 : index
    %swap3A_60 = arith.constant 0 : index
    %swap3A_61 = arith.constant 0 : index
    %swap3A_62 = vector.load %arg21[%swap3A_59, %swap3A_60, %swap3A_61] : memref<4x256x128xf32, #tpu.memory_space<vmem>>, vector<1x256x128xf32>
    %swap3A_63 = vector.shape_cast %swap3A_62 : vector<1x256x128xf32> to vector<256x128xf32>
    %swap3A_64 = vector.shape_cast %slice3A : vector<256x128xf32> to vector<1x256x128xf32>
    tpu.vector_store %arg21[%swap3A_59, %swap3A_60, %swap3A_61], %swap3A_64 {strides = array<i32>} : memref<4x256x128xf32, #tpu.memory_space<vmem>>, vector<1x256x128xf32>,
    %slice3A_65 = vector.extract_strided_slice %add3A_58 {offsets = [0, 128], sizes = [256, 128], strides = [1, 1]} : vector<256x512xf32> to vector<256x128xf32>
    %swap3A_66 = arith.constant 1 : index
    %swap3A_67 = arith.constant 0 : index
    %swap3A_68 = arith.constant 0 : index
    %swap3A_69 = vector.load %arg21[%swap3A_66, %swap3A_67, %swap3A_68] : memref<4x256x128xf32, #tpu.memory_space<vmem>>, vector<1x256x128xf32>
    %swap3A_70 = vector.shape_cast %swap3A_69 : vector<1x256x128xf32> to vector<256x128xf32>
    %swap3A_71 = vector.shape_cast %slice3A_65 : vector<256x128xf32> to vector<1x256x128xf32>
    tpu.vector_store %arg21[%swap3A_66, %swap3A_67, %swap3A_68], %swap3A_71 {strides = array<i32>} : memref<4x256x128xf32, #tpu.memory_space<vmem>>, vector<1x256x128xf32>,
    %slice3A_72 = vector.extract_strided_slice %add3A_58 {offsets = [0, 256], sizes = [256, 128], strides = [1, 1]} : vector<256x512xf32> to vector<256x128xf32>
    %swap3A_73 = arith.constant 2 : index
    %swap3A_74 = arith.constant 0 : index
    %swap3A_75 = arith.constant 0 : index
    %swap3A_76 = vector.load %arg21[%swap3A_73, %swap3A_74, %swap3A_75] : memref<4x256x128xf32, #tpu.memory_space<vmem>>, vector<1x256x128xf32>
    %swap3A_77 = vector.shape_cast %swap3A_76 : vector<1x256x128xf32> to vector<256x128xf32>
    %swap3A_78 = vector.shape_cast %slice3A_72 : vector<256x128xf32> to vector<1x256x128xf32>
    tpu.vector_store %arg21[%swap3A_73, %swap3A_74, %swap3A_75], %swap3A_78 {strides = array<i32>} : memref<4x256x128xf32, #tpu.memory_space<vmem>>, vector<1x256x128xf32>,
    %slice3A_79 = vector.extract_strided_slice %add3A_58 {offsets = [0, 384], sizes = [256, 128], strides = [1, 1]} : vector<256x512xf32> to vector<256x128xf32>
    %swap3A_80 = arith.constant 3 : index
    %swap3A_81 = arith.constant 0 : index
    %swap3A_82 = arith.constant 0 : index
    %swap3A_83 = vector.load %arg21[%swap3A_80, %swap3A_81, %swap3A_82] : memref<4x256x128xf32, #tpu.memory_space<vmem>>, vector<1x256x128xf32>
    %swap3A_84 = vector.shape_cast %swap3A_83 : vector<1x256x128xf32> to vector<256x128xf32>
    %swap3A_85 = vector.shape_cast %slice3A_79 : vector<256x128xf32> to vector<1x256x128xf32>
    tpu.vector_store %arg21[%swap3A_80, %swap3A_81, %swap3A_82], %swap3A_85 {strides = array<i32>} : memref<4x256x128xf32, #tpu.memory_space<vmem>>, vector<1x256x128xf32>,
    %get3A_86 = arith.constant 0 : index
    %get3A_87 = arith.constant 0 : index
    %get3A_88 = vector.load %arg9[%get3A_86, %get3A_87] : memref<256x512xf32, #tpu.memory_space<vmem>>, vector<256x512xf32>
    %dot_general3A_89 = arith.constant dense<0.000000e+00> : vector<256x512xf32>
    %dot_general3A_90 = tpu.matmul %add3A_26, %get3A_88, %dot_general3A_89 {dimension_numbers = #tpu.dot_dimension_numbers<[1], [0], [0], [1], [0, 0, 1, 1], [], []>, transpose_lhs_hint = false} : vector<256x256xf32>, vector<256x512xf32>, vector<256x512xf32> -> vector<256x512xf32>
    %get3A_91 = arith.constant 0 : index
    %get3A_92 = vector.load %arg10[%get3A_91] : memref<512xf32, #tpu.memory_space<vmem>>, vector<512xf32>
    %broadcast_in_dim3A_93 = vector.shape_cast %get3A_92 : vector<512xf32> to vector<1x512xf32>
    %add3A_94 = vector.broadcast %broadcast_in_dim3A_93 : vector<1x512xf32> to vector<256x512xf32>
    %add3A_95 = arith.addf %dot_general3A_90, %add3A_94 : vector<256x512xf32>
    %swap3A_96 = arith.constant 0 : index
    %swap3A_97 = arith.constant 0 : index
    %swap3A_98 = vector.load %arg22[%swap3A_96, %swap3A_97] : memref<256x512xf32, #tpu.memory_space<vmem>>, vector<256x512xf32>
    tpu.vector_store %arg22[%swap3A_96, %swap3A_97], %add3A_95 {strides = array<i32>} : memref<256x512xf32, #tpu.memory_space<vmem>>, vector<256x512xf32>,
    %get3A_99 = arith.constant 0 : index
    %get3A_100 = vector.load %arg11[%get3A_99] : memref<256xf32, #tpu.memory_space<vmem>>, vector<256xf32>
    %get3A_101 = arith.constant 0 : index
    %get3A_102 = vector.load %arg12[%get3A_101] : memref<256xf32, #tpu.memory_space<vmem>>, vector<256xf32>
    %reduce_sum3A_103 = arith.constant dense<0.000000e+00> : vector<256xf32>
    %reduce_sum3A_104 = vector.multi_reduction <add>, %get3A_1, %reduce_sum3A_103 [1] : vector<256x256xf32> to vector<256xf32>
    %broadcast_in_dim3A_105 = vector.shape_cast %reduce_sum3A_104 : vector<256xf32> to vector<256x1xf32>
    %div3A_106 = arith.constant 2.560000e+02 : f32
    %div3A_107 = vector.broadcast %div3A_106 : f32 to vector<256x1xf32>
    %div3A_108 = arith.divf %broadcast_in_dim3A_105, %div3A_107 : vector<256x1xf32>
    %sub3A_109 = vector.broadcast %div3A_108 : vector<256x1xf32> to vector<256x256xf32>
    %sub3A_110 = arith.subf %get3A_1, %sub3A_109 : vector<256x256xf32>
    %integer_pow3A_111 = arith.mulf %sub3A_110, %sub3A_110 : vector<256x256xf32>
    %reduce_sum3A_112 = arith.constant dense<0.000000e+00> : vector<256xf32>
    %reduce_sum3A_113 = vector.multi_reduction <add>, %integer_pow3A_111, %reduce_sum3A_112 [1] : vector<256x256xf32> to vector<256xf32>
    %broadcast_in_dim3A_114 = vector.shape_cast %reduce_sum3A_113 : vector<256xf32> to vector<256x1xf32>
    %div3A_115 = arith.constant 2.560000e+02 : f32
    %div3A_116 = vector.broadcast %div3A_115 : f32 to vector<256x1xf32>
    %div3A_117 = arith.divf %broadcast_in_dim3A_114, %div3A_116 : vector<256x1xf32>
    %sub3A_118 = vector.broadcast %div3A_108 : vector<256x1xf32> to vector<256x256xf32>
    %sub3A_119 = arith.subf %get3A_1, %sub3A_118 : vector<256x256xf32>
    %add3A_120 = arith.constant 9.99999974E-6 : f32
    %add3A_121 = vector.broadcast %add3A_120 : f32 to vector<256x1xf32>
    %add3A_122 = arith.addf %div3A_117, %add3A_121 : vector<256x1xf32>
    %rsqrt3A_123 = math.rsqrt %add3A_122 : vector<256x1xf32>
    %mul3A_124 = vector.broadcast %rsqrt3A_123 : vector<256x1xf32> to vector<256x256xf32>
    %mul3A_125 = arith.mulf %sub3A_119, %mul3A_124 : vector<256x256xf32>
    %broadcast_in_dim3A_126 = vector.shape_cast %get3A_100 : vector<256xf32> to vector<1x256xf32>
    %mul3A_127 = vector.broadcast %broadcast_in_dim3A_126 : vector<1x256xf32> to vector<256x256xf32>
    %mul3A_128 = arith.mulf %mul3A_125, %mul3A_127 : vector<256x256xf32>
    %broadcast_in_dim3A_129 = vector.shape_cast %get3A_102 : vector<256xf32> to vector<1x256xf32>
    %add3A_130 = vector.broadcast %broadcast_in_dim3A_129 : vector<1x256xf32> to vector<256x256xf32>
    %add3A_131 = arith.addf %mul3A_128, %add3A_130 : vector<256x256xf32>
    %get3A_132 = arith.constant 0 : index
    %get3A_133 = arith.constant 0 : index
    %get3A_134 = vector.load %arg13[%get3A_132, %get3A_133] : memref<256x1024xf32, #tpu.memory_space<vmem>>, vector<256x1024xf32>
    %dot_general3A_135 = arith.constant dense<0.000000e+00> : vector<256x1024xf32>
    %dot_general3A_136 = tpu.matmul %add3A_131, %get3A_134, %dot_general3A_135 {dimension_numbers = #tpu.dot_dimension_numbers<[1], [0], [0], [1], [0, 0, 1, 1], [], []>, transpose_lhs_hint = false} : vector<256x256xf32>, vector<256x1024xf32>, vector<256x1024xf32> -> vector<256x1024xf32>
    %get3A_137 = arith.constant 0 : index
    %get3A_138 = vector.load %arg14[%get3A_137] : memref<1024xf32, #tpu.memory_space<vmem>>, vector<1024xf32>
    %broadcast_in_dim3A_139 = vector.shape_cast %get3A_138 : vector<1024xf32> to vector<1x1024xf32>
    %add3A_140 = vector.broadcast %broadcast_in_dim3A_139 : vector<1x1024xf32> to vector<256x1024xf32>
    %add3A_141 = arith.addf %dot_general3A_136, %add3A_140 : vector<256x1024xf32>
    %max3A = arith.constant 0.000000e+00 : f32
    %max3A_142 = vector.broadcast %max3A : f32 to vector<256x1024xf32>
    %max3A_143 = arith.maximumf %add3A_141, %max3A_142 : vector<256x1024xf32>
    %get3A_144 = arith.constant 0 : index
    %get3A_145 = arith.constant 0 : index
    %get3A_146 = vector.load %arg15[%get3A_144, %get3A_145] : memref<1024x256xf32, #tpu.memory_space<vmem>>, vector<1024x256xf32>
    %dot_general3A_147 = arith.constant dense<0.000000e+00> : vector<256x256xf32>
    %dot_general3A_148 = tpu.matmul %max3A_143, %get3A_146, %dot_general3A_147 {dimension_numbers = #tpu.dot_dimension_numbers<[1], [0], [0], [1], [0, 0, 1, 1], [], []>, transpose_lhs_hint = false} : vector<256x1024xf32>, vector<1024x256xf32>, vector<256x256xf32> -> vector<256x256xf32>
    %get3A_149 = arith.constant 0 : index
    %get3A_150 = vector.load %arg16[%get3A_149] : memref<256xf32, #tpu.memory_space<vmem>>, vector<256xf32>
    %broadcast_in_dim3A_151 = vector.shape_cast %get3A_150 : vector<256xf32> to vector<1x256xf32>
    %add3A_152 = vector.broadcast %broadcast_in_dim3A_151 : vector<1x256xf32> to vector<256x256xf32>
    %add3A_153 = arith.addf %dot_general3A_148, %add3A_152 : vector<256x256xf32>
    %get3A_154 = arith.constant 0 : index
    %get3A_155 = vector.load %arg17[%get3A_154] : memref<256xf32, #tpu.memory_space<vmem>>, vector<256xf32>
    %get3A_156 = arith.constant 0 : index
    %get3A_157 = vector.load %arg18[%get3A_156] : memref<256xf32, #tpu.memory_space<vmem>>, vector<256xf32>
    %reduce_sum3A_158 = arith.constant dense<0.000000e+00> : vector<256xf32>
    %reduce_sum3A_159 = vector.multi_reduction <add>, %add3A_153, %reduce_sum3A_158 [1] : vector<256x256xf32> to vector<256xf32>
    %broadcast_in_dim3A_160 = vector.shape_cast %reduce_sum3A_159 : vector<256xf32> to vector<256x1xf32>
    %div3A_161 = arith.constant 2.560000e+02 : f32
    %div3A_162 = vector.broadcast %div3A_161 : f32 to vector<256x1xf32>
    %div3A_163 = arith.divf %broadcast_in_dim3A_160, %div3A_162 : vector<256x1xf32>
    %sub3A_164 = vector.broadcast %div3A_163 : vector<256x1xf32> to vector<256x256xf32>
    %sub3A_165 = arith.subf %add3A_153, %sub3A_164 : vector<256x256xf32>
    %integer_pow3A_166 = arith.mulf %sub3A_165, %sub3A_165 : vector<256x256xf32>
    %reduce_sum3A_167 = arith.constant dense<0.000000e+00> : vector<256xf32>
    %reduce_sum3A_168 = vector.multi_reduction <add>, %integer_pow3A_166, %reduce_sum3A_167 [1] : vector<256x256xf32> to vector<256xf32>
    %broadcast_in_dim3A_169 = vector.shape_cast %reduce_sum3A_168 : vector<256xf32> to vector<256x1xf32>
    %div3A_170 = arith.constant 2.560000e+02 : f32
    %div3A_171 = vector.broadcast %div3A_170 : f32 to vector<256x1xf32>
    %div3A_172 = arith.divf %broadcast_in_dim3A_169, %div3A_171 : vector<256x1xf32>
    %sub3A_173 = vector.broadcast %div3A_163 : vector<256x1xf32> to vector<256x256xf32>
    %sub3A_174 = arith.subf %add3A_153, %sub3A_173 : vector<256x256xf32>
    %add3A_175 = arith.constant 9.99999974E-6 : f32
    %add3A_176 = vector.broadcast %add3A_175 : f32 to vector<256x1xf32>
    %add3A_177 = arith.addf %div3A_172, %add3A_176 : vector<256x1xf32>
    %rsqrt3A_178 = math.rsqrt %add3A_177 : vector<256x1xf32>
    %mul3A_179 = vector.broadcast %rsqrt3A_178 : vector<256x1xf32> to vector<256x256xf32>
    %mul3A_180 = arith.mulf %sub3A_174, %mul3A_179 : vector<256x256xf32>
    %broadcast_in_dim3A_181 = vector.shape_cast %get3A_155 : vector<256xf32> to vector<1x256xf32>
    %mul3A_182 = vector.broadcast %broadcast_in_dim3A_181 : vector<1x256xf32> to vector<256x256xf32>
    %mul3A_183 = arith.mulf %mul3A_180, %mul3A_182 : vector<256x256xf32>
    %broadcast_in_dim3A_184 = vector.shape_cast %get3A_157 : vector<256xf32> to vector<1x256xf32>
    %add3A_185 = vector.broadcast %broadcast_in_dim3A_184 : vector<1x256xf32> to vector<256x256xf32>
    %add3A_186 = arith.addf %mul3A_183, %add3A_185 : vector<256x256xf32>
    %swap3A_187 = arith.constant 0 : index
    %swap3A_188 = arith.constant 0 : index
    %swap3A_189 = vector.load %arg24[%swap3A_187, %swap3A_188] : memref<256x256xf32, #tpu.memory_space<vmem>>, vector<256x256xf32>
    tpu.vector_store %arg24[%swap3A_187, %swap3A_188], %add3A_186 {strides = array<i32>} : memref<256x256xf32, #tpu.memory_space<vmem>>, vector<256x256xf32>,
    return
  }
  func.func @transform_0(%arg0: i32) -> (i32, i32) {
    %c0_i32 = arith.constant 0 : i32
    %c0_i32_0 = arith.constant 0 : i32
    return %arg0, %c0_i32 : i32, i32
  }
  func.func @transform_1(%arg0: i32) -> i32 {
    %c0_i32 = arith.constant 0 : i32
    %c0_i32_0 = arith.constant 0 : i32
    return %c0_i32 : i32
  }
  func.func @transform_2(%arg0: i32) -> i32 {
    %c0_i32 = arith.constant 0 : i32
    %c0_i32_0 = arith.constant 0 : i32
    return %c0_i32 : i32
  }
  func.func @transform_3(%arg0: i32) -> (i32, i32) {
    %c0_i32 = arith.constant 0 : i32
    %c0_i32_0 = arith.constant 0 : i32
    %c0_i32_1 = arith.constant 0 : i32
    return %c0_i32, %c0_i32_0 : i32, i32
  }
  func.func @transform_4(%arg0: i32) -> i32 {
    %c0_i32 = arith.constant 0 : i32
    %c0_i32_0 = arith.constant 0 : i32
    return %c0_i32 : i32
  }
  func.func @transform_5(%arg0: i32) -> (i32, i32) {
    %c0_i32 = arith.constant 0 : i32
    %c0_i32_0 = arith.constant 0 : i32
    %c0_i32_1 = arith.constant 0 : i32
    return %c0_i32, %c0_i32_0 : i32, i32
  }
  func.func @transform_6(%arg0: i32) -> (i32, i32) {
    %c0_i32 = arith.constant 0 : i32
    %c0_i32_0 = arith.constant 0 : i32
    %c0_i32_1 = arith.constant 0 : i32
    return %c0_i32, %c0_i32_0 : i32, i32
  }
  func.func @transform_7(%arg0: i32) -> i32 {
    %c0_i32 = arith.constant 0 : i32
    %c0_i32_0 = arith.constant 0 : i32
    return %c0_i32 : i32
  }
  func.func @transform_8(%arg0: i32) -> (i32, i32) {
    %c0_i32 = arith.constant 0 : i32
    %c0_i32_0 = arith.constant 0 : i32
    %c0_i32_1 = arith.constant 0 : i32
    return %c0_i32, %c0_i32_0 : i32, i32
  }
  func.func @transform_9(%arg0: i32) -> i32 {
    %c0_i32 = arith.constant 0 : i32
    %c0_i32_0 = arith.constant 0 : i32
    return %c0_i32 : i32
  }
  func.func @transform_10(%arg0: i32) -> i32 {
    %c0_i32 = arith.constant 0 : i32
    %c0_i32_0 = arith.constant 0 : i32
    return %c0_i32 : i32
  }
  func.func @transform_11(%arg0: i32) -> i32 {
    %c0_i32 = arith.constant 0 : i32
    %c0_i32_0 = arith.constant 0 : i32
    return %c0_i32 : i32
  }
  func.func @transform_12(%arg0: i32) -> (i32, i32) {
    %c0_i32 = arith.constant 0 : i32
    %c0_i32_0 = arith.constant 0 : i32
    %c0_i32_1 = arith.constant 0 : i32
    return %c0_i32, %c0_i32_0 : i32, i32
  }
  func.func @transform_13(%arg0: i32) -> i32 {
    %c0_i32 = arith.constant 0 : i32
    %c0_i32_0 = arith.constant 0 : i32
    return %c0_i32 : i32
  }
  func.func @transform_14(%arg0: i32) -> (i32, i32) {
    %c0_i32 = arith.constant 0 : i32
    %c0_i32_0 = arith.constant 0 : i32
    %c0_i32_1 = arith.constant 0 : i32
    return %c0_i32, %c0_i32_0 : i32, i32
  }
  func.func @transform_15(%arg0: i32) -> i32 {
    %c0_i32 = arith.constant 0 : i32
    %c0_i32_0 = arith.constant 0 : i32
    return %c0_i32 : i32
  }
  func.func @transform_16(%arg0: i32) -> i32 {
    %c0_i32 = arith.constant 0 : i32
    %c0_i32_0 = arith.constant 0 : i32
    return %c0_i32 : i32
  }
  func.func @transform_17(%arg0: i32) -> i32 {
    %c0_i32 = arith.constant 0 : i32
    %c0_i32_0 = arith.constant 0 : i32
    return %c0_i32 : i32
  }
  func.func @transform_18(%arg0: i32) -> (i32, i32) {
    %c0_i32 = arith.constant 0 : i32
    %c0_i32_0 = arith.constant 0 : i32
    return %arg0, %c0_i32 : i32, i32
  }
  func.func @transform_19(%arg0: i32) -> (i32, i32) {
    %c0_i32 = arith.constant 0 : i32
    %c0_i32_0 = arith.constant 0 : i32
    return %arg0, %c0_i32 : i32, i32
  }
  func.func @transform_20(%arg0: i32) -> (i32, i32, i32) {
    %c0_i32 = arith.constant 0 : i32
    %c0_i32_0 = arith.constant 0 : i32
    %c0_i32_1 = arith.constant 0 : i32
    return %c0_i32, %arg0, %c0_i32_0 : i32, i32, i32
  }
  func.func @transform_21(%arg0: i32) -> (i32, i32) {
    %c0_i32 = arith.constant 0 : i32
    %c0_i32_0 = arith.constant 0 : i32
    return %arg0, %c0_i32 : i32, i32
  }
  func.func @transform_22(%arg0: i32) -> (i32, i32) {
    %c0_i32 = arith.constant 0 : i32
    %c0_i32_0 = arith.constant 0 : i32
    return %arg0, %c0_i32 : i32, i32
  }
  func.func @transform_23(%arg0: i32) -> (i32, i32) {
    %c0_i32 = arith.constant 0 : i32
    %c0_i32_0 = arith.constant 0 : i32
    return %arg0, %c0_i32 : i32, i32
  }
}

module attributes {stable_mosaic.version = 14 : i64} {
  func.func @_post_body(%arg0: i32, %arg1: memref<4x256x160xf32, #tpu.memory_space<vmem>>, %arg2: memref<256x256xf32, #tpu.memory_space<vmem>>, %arg3: memref<256x512xf32, #tpu.memory_space<vmem>>, %arg4: memref<256x256xf32, #tpu.memory_space<vmem>>, %arg5: memref<256x256xf32, #tpu.memory_space<vmem>>, %arg6: memref<768x512xf32, #tpu.memory_space<vmem>>, %arg7: memref<512xf32, #tpu.memory_space<vmem>>, %arg8: memref<512x256xf32, #tpu.memory_space<vmem>>, %arg9: memref<256xf32, #tpu.memory_space<vmem>>, %arg10: memref<256xf32, #tpu.memory_space<vmem>>, %arg11: memref<256xf32, #tpu.memory_space<vmem>>, %arg12: memref<256x256xf32, #tpu.memory_space<vmem>>) attributes {dimension_semantics = [#tpu.dimension_semantics<arbitrary>], iteration_bounds = array<i64: 40>, scalar_prefetch = 0 : i64, scratch_operands = 0 : i64, tpu.core_type = #tpu.core_type<tc>, window_params = [{transform_indices = @transform_0, window_bounds = array<i64: 4, 256, 160>}, {transform_indices = @transform_1, window_bounds = array<i64: 256, 256>}, {transform_indices = @transform_2, window_bounds = array<i64: 256, 512>}, {transform_indices = @transform_3, window_bounds = array<i64: 256, 256>}, {transform_indices = @transform_4, window_bounds = array<i64: 256, 256>}, {pipeline_mode = #tpu.pipeline_mode<synchronous>, transform_indices = @transform_5, window_bounds = array<i64: 768, 512>}, {pipeline_mode = #tpu.pipeline_mode<synchronous>, transform_indices = @transform_6, window_bounds = array<i64: 512>}, {pipeline_mode = #tpu.pipeline_mode<synchronous>, transform_indices = @transform_7, window_bounds = array<i64: 512, 256>}, {pipeline_mode = #tpu.pipeline_mode<synchronous>, transform_indices = @transform_8, window_bounds = array<i64: 256>}, {pipeline_mode = #tpu.pipeline_mode<synchronous>, transform_indices = @transform_9, window_bounds = array<i64: 256>}, {pipeline_mode = #tpu.pipeline_mode<synchronous>, transform_indices = @transform_10, window_bounds = array<i64: 256>}, {transform_indices = @transform_11, window_bounds = array<i64: 256, 256>}]} {
    %get3A = arith.constant 0 : index
    %get3A_0 = arith.constant 0 : index
    %get3A_1 = arith.constant 64 : index
    %get3A_2 = vector.load %arg1[%get3A, %get3A_0, %get3A_1] : memref<4x256x160xf32, #tpu.memory_space<vmem>>, vector<1x256x1xf32>
    %get3A_3 = vector.shape_cast %get3A_2 : vector<1x256x1xf32> to vector<256xf32>
    %max3A = arith.constant 1.000000e-30 : f32
    %max3A_4 = vector.broadcast %max3A : f32 to vector<256xf32>
    %max3A_5 = arith.maximumf %get3A_3, %max3A_4 : vector<256xf32>
    %get3A_6 = arith.constant 0 : index
    %get3A_7 = arith.constant 0 : index
    %get3A_8 = arith.constant 0 : index
    %get3A_9 = vector.load %arg1[%get3A_6, %get3A_7, %get3A_8] : memref<4x256x160xf32, #tpu.memory_space<vmem>>, vector<1x256x64xf32>
    %get3A_10 = vector.shape_cast %get3A_9 : vector<1x256x64xf32> to vector<256x64xf32>
    %broadcast_in_dim3A = vector.shape_cast %max3A_5 : vector<256xf32> to vector<256x1xf32>
    %div3A = vector.broadcast %broadcast_in_dim3A : vector<256x1xf32> to vector<256x64xf32>
    %div3A_11 = arith.divf %get3A_10, %div3A : vector<256x64xf32>
    %get3A_12 = arith.constant 0 : index
    %get3A_13 = arith.constant 0 : index
    %get3A_14 = arith.constant 144 : index
    %get3A_15 = vector.load %arg1[%get3A_12, %get3A_13, %get3A_14] : memref<4x256x160xf32, #tpu.memory_space<vmem>>, vector<1x256x1xf32>
    %get3A_16 = vector.shape_cast %get3A_15 : vector<1x256x1xf32> to vector<256xf32>
    %max3A_17 = arith.constant 1.000000e-30 : f32
    %max3A_18 = vector.broadcast %max3A_17 : f32 to vector<256xf32>
    %max3A_19 = arith.maximumf %get3A_16, %max3A_18 : vector<256xf32>
    %get3A_20 = arith.constant 0 : index
    %get3A_21 = arith.constant 0 : index
    %get3A_22 = arith.constant 80 : index
    %get3A_23 = vector.load %arg1[%get3A_20, %get3A_21, %get3A_22] : memref<4x256x160xf32, #tpu.memory_space<vmem>>, vector<1x256x64xf32>
    %get3A_24 = vector.shape_cast %get3A_23 : vector<1x256x64xf32> to vector<256x64xf32>
    %broadcast_in_dim3A_25 = vector.shape_cast %max3A_19 : vector<256xf32> to vector<256x1xf32>
    %div3A_26 = vector.broadcast %broadcast_in_dim3A_25 : vector<256x1xf32> to vector<256x64xf32>
    %div3A_27 = arith.divf %get3A_24, %div3A_26 : vector<256x64xf32>
    %get3A_28 = arith.constant 1 : index
    %get3A_29 = arith.constant 0 : index
    %get3A_30 = arith.constant 64 : index
    %get3A_31 = vector.load %arg1[%get3A_28, %get3A_29, %get3A_30] : memref<4x256x160xf32, #tpu.memory_space<vmem>>, vector<1x256x1xf32>
    %get3A_32 = vector.shape_cast %get3A_31 : vector<1x256x1xf32> to vector<256xf32>
    %max3A_33 = arith.constant 1.000000e-30 : f32
    %max3A_34 = vector.broadcast %max3A_33 : f32 to vector<256xf32>
    %max3A_35 = arith.maximumf %get3A_32, %max3A_34 : vector<256xf32>
    %get3A_36 = arith.constant 1 : index
    %get3A_37 = arith.constant 0 : index
    %get3A_38 = arith.constant 0 : index
    %get3A_39 = vector.load %arg1[%get3A_36, %get3A_37, %get3A_38] : memref<4x256x160xf32, #tpu.memory_space<vmem>>, vector<1x256x64xf32>
    %get3A_40 = vector.shape_cast %get3A_39 : vector<1x256x64xf32> to vector<256x64xf32>
    %broadcast_in_dim3A_41 = vector.shape_cast %max3A_35 : vector<256xf32> to vector<256x1xf32>
    %div3A_42 = vector.broadcast %broadcast_in_dim3A_41 : vector<256x1xf32> to vector<256x64xf32>
    %div3A_43 = arith.divf %get3A_40, %div3A_42 : vector<256x64xf32>
    %get3A_44 = arith.constant 1 : index
    %get3A_45 = arith.constant 0 : index
    %get3A_46 = arith.constant 144 : index
    %get3A_47 = vector.load %arg1[%get3A_44, %get3A_45, %get3A_46] : memref<4x256x160xf32, #tpu.memory_space<vmem>>, vector<1x256x1xf32>
    %get3A_48 = vector.shape_cast %get3A_47 : vector<1x256x1xf32> to vector<256xf32>
    %max3A_49 = arith.constant 1.000000e-30 : f32
    %max3A_50 = vector.broadcast %max3A_49 : f32 to vector<256xf32>
    %max3A_51 = arith.maximumf %get3A_48, %max3A_50 : vector<256xf32>
    %get3A_52 = arith.constant 1 : index
    %get3A_53 = arith.constant 0 : index
    %get3A_54 = arith.constant 80 : index
    %get3A_55 = vector.load %arg1[%get3A_52, %get3A_53, %get3A_54] : memref<4x256x160xf32, #tpu.memory_space<vmem>>, vector<1x256x64xf32>
    %get3A_56 = vector.shape_cast %get3A_55 : vector<1x256x64xf32> to vector<256x64xf32>
    %broadcast_in_dim3A_57 = vector.shape_cast %max3A_51 : vector<256xf32> to vector<256x1xf32>
    %div3A_58 = vector.broadcast %broadcast_in_dim3A_57 : vector<256x1xf32> to vector<256x64xf32>
    %div3A_59 = arith.divf %get3A_56, %div3A_58 : vector<256x64xf32>
    %get3A_60 = arith.constant 2 : index
    %get3A_61 = arith.constant 0 : index
    %get3A_62 = arith.constant 64 : index
    %get3A_63 = vector.load %arg1[%get3A_60, %get3A_61, %get3A_62] : memref<4x256x160xf32, #tpu.memory_space<vmem>>, vector<1x256x1xf32>
    %get3A_64 = vector.shape_cast %get3A_63 : vector<1x256x1xf32> to vector<256xf32>
    %max3A_65 = arith.constant 1.000000e-30 : f32
    %max3A_66 = vector.broadcast %max3A_65 : f32 to vector<256xf32>
    %max3A_67 = arith.maximumf %get3A_64, %max3A_66 : vector<256xf32>
    %get3A_68 = arith.constant 2 : index
    %get3A_69 = arith.constant 0 : index
    %get3A_70 = arith.constant 0 : index
    %get3A_71 = vector.load %arg1[%get3A_68, %get3A_69, %get3A_70] : memref<4x256x160xf32, #tpu.memory_space<vmem>>, vector<1x256x64xf32>
    %get3A_72 = vector.shape_cast %get3A_71 : vector<1x256x64xf32> to vector<256x64xf32>
    %broadcast_in_dim3A_73 = vector.shape_cast %max3A_67 : vector<256xf32> to vector<256x1xf32>
    %div3A_74 = vector.broadcast %broadcast_in_dim3A_73 : vector<256x1xf32> to vector<256x64xf32>
    %div3A_75 = arith.divf %get3A_72, %div3A_74 : vector<256x64xf32>
    %get3A_76 = arith.constant 2 : index
    %get3A_77 = arith.constant 0 : index
    %get3A_78 = arith.constant 144 : index
    %get3A_79 = vector.load %arg1[%get3A_76, %get3A_77, %get3A_78] : memref<4x256x160xf32, #tpu.memory_space<vmem>>, vector<1x256x1xf32>
    %get3A_80 = vector.shape_cast %get3A_79 : vector<1x256x1xf32> to vector<256xf32>
    %max3A_81 = arith.constant 1.000000e-30 : f32
    %max3A_82 = vector.broadcast %max3A_81 : f32 to vector<256xf32>
    %max3A_83 = arith.maximumf %get3A_80, %max3A_82 : vector<256xf32>
    %get3A_84 = arith.constant 2 : index
    %get3A_85 = arith.constant 0 : index
    %get3A_86 = arith.constant 80 : index
    %get3A_87 = vector.load %arg1[%get3A_84, %get3A_85, %get3A_86] : memref<4x256x160xf32, #tpu.memory_space<vmem>>, vector<1x256x64xf32>
    %get3A_88 = vector.shape_cast %get3A_87 : vector<1x256x64xf32> to vector<256x64xf32>
    %broadcast_in_dim3A_89 = vector.shape_cast %max3A_83 : vector<256xf32> to vector<256x1xf32>
    %div3A_90 = vector.broadcast %broadcast_in_dim3A_89 : vector<256x1xf32> to vector<256x64xf32>
    %div3A_91 = arith.divf %get3A_88, %div3A_90 : vector<256x64xf32>
    %get3A_92 = arith.constant 3 : index
    %get3A_93 = arith.constant 0 : index
    %get3A_94 = arith.constant 64 : index
    %get3A_95 = vector.load %arg1[%get3A_92, %get3A_93, %get3A_94] : memref<4x256x160xf32, #tpu.memory_space<vmem>>, vector<1x256x1xf32>
    %get3A_96 = vector.shape_cast %get3A_95 : vector<1x256x1xf32> to vector<256xf32>
    %max3A_97 = arith.constant 1.000000e-30 : f32
    %max3A_98 = vector.broadcast %max3A_97 : f32 to vector<256xf32>
    %max3A_99 = arith.maximumf %get3A_96, %max3A_98 : vector<256xf32>
    %get3A_100 = arith.constant 3 : index
    %get3A_101 = arith.constant 0 : index
    %get3A_102 = arith.constant 0 : index
    %get3A_103 = vector.load %arg1[%get3A_100, %get3A_101, %get3A_102] : memref<4x256x160xf32, #tpu.memory_space<vmem>>, vector<1x256x64xf32>
    %get3A_104 = vector.shape_cast %get3A_103 : vector<1x256x64xf32> to vector<256x64xf32>
    %broadcast_in_dim3A_105 = vector.shape_cast %max3A_99 : vector<256xf32> to vector<256x1xf32>
    %div3A_106 = vector.broadcast %broadcast_in_dim3A_105 : vector<256x1xf32> to vector<256x64xf32>
    %div3A_107 = arith.divf %get3A_104, %div3A_106 : vector<256x64xf32>
    %get3A_108 = arith.constant 3 : index
    %get3A_109 = arith.constant 0 : index
    %get3A_110 = arith.constant 144 : index
    %get3A_111 = vector.load %arg1[%get3A_108, %get3A_109, %get3A_110] : memref<4x256x160xf32, #tpu.memory_space<vmem>>, vector<1x256x1xf32>
    %get3A_112 = vector.shape_cast %get3A_111 : vector<1x256x1xf32> to vector<256xf32>
    %max3A_113 = arith.constant 1.000000e-30 : f32
    %max3A_114 = vector.broadcast %max3A_113 : f32 to vector<256xf32>
    %max3A_115 = arith.maximumf %get3A_112, %max3A_114 : vector<256xf32>
    %get3A_116 = arith.constant 3 : index
    %get3A_117 = arith.constant 0 : index
    %get3A_118 = arith.constant 80 : index
    %get3A_119 = vector.load %arg1[%get3A_116, %get3A_117, %get3A_118] : memref<4x256x160xf32, #tpu.memory_space<vmem>>, vector<1x256x64xf32>
    %get3A_120 = vector.shape_cast %get3A_119 : vector<1x256x64xf32> to vector<256x64xf32>
    %broadcast_in_dim3A_121 = vector.shape_cast %max3A_115 : vector<256xf32> to vector<256x1xf32>
    %div3A_122 = vector.broadcast %broadcast_in_dim3A_121 : vector<256x1xf32> to vector<256x64xf32>
    %div3A_123 = arith.divf %get3A_120, %div3A_122 : vector<256x64xf32>
    %concatenate3A = tpu.concatenate %div3A_11, %div3A_27, %div3A_43, %div3A_59, %div3A_75, %div3A_91, %div3A_107, %div3A_123 in 1 : vector<256x64xf32>, vector<256x64xf32>, vector<256x64xf32>, vector<256x64xf32>, vector<256x64xf32>, vector<256x64xf32>, vector<256x64xf32>, vector<256x64xf32> -> vector<256x512xf32>
    %get3A_124 = arith.constant 0 : index
    %get3A_125 = arith.constant 0 : index
    %get3A_126 = vector.load %arg2[%get3A_124, %get3A_125] : memref<256x256xf32, #tpu.memory_space<vmem>>, vector<256x256xf32>
    %get3A_127 = arith.constant 0 : index
    %get3A_128 = arith.constant 0 : index
    %get3A_129 = vector.load %arg6[%get3A_127, %get3A_128] : memref<768x512xf32, #tpu.memory_space<vmem>>, vector<512x512xf32>
    %dot_general3A = arith.constant dense<0.000000e+00> : vector<256x512xf32>
    %dot_general3A_130 = tpu.matmul %concatenate3A, %get3A_129, %dot_general3A {dimension_numbers = #tpu.dot_dimension_numbers<[1], [0], [0], [1], [0, 0, 1, 1], [], []>, transpose_lhs_hint = false} : vector<256x512xf32>, vector<512x512xf32>, vector<256x512xf32> -> vector<256x512xf32>
    %get3A_131 = arith.constant 512 : index
    %get3A_132 = arith.constant 0 : index
    %get3A_133 = vector.load %arg6[%get3A_131, %get3A_132] : memref<768x512xf32, #tpu.memory_space<vmem>>, vector<256x512xf32>
    %dot_general3A_134 = arith.constant dense<0.000000e+00> : vector<256x512xf32>
    %dot_general3A_135 = tpu.matmul %get3A_126, %get3A_133, %dot_general3A_134 {dimension_numbers = #tpu.dot_dimension_numbers<[1], [0], [0], [1], [0, 0, 1, 1], [], []>, transpose_lhs_hint = false} : vector<256x256xf32>, vector<256x512xf32>, vector<256x512xf32> -> vector<256x512xf32>
    %add3A = arith.addf %dot_general3A_130, %dot_general3A_135 : vector<256x512xf32>
    %get3A_136 = arith.constant 0 : index
    %get3A_137 = vector.load %arg7[%get3A_136] : memref<512xf32, #tpu.memory_space<vmem>>, vector<512xf32>
    %broadcast_in_dim3A_138 = vector.shape_cast %get3A_137 : vector<512xf32> to vector<1x512xf32>
    %add3A_139 = vector.broadcast %broadcast_in_dim3A_138 : vector<1x512xf32> to vector<256x512xf32>
    %add3A_140 = arith.addf %add3A, %add3A_139 : vector<256x512xf32>
    %logistic3A = arith.negf %add3A_140 : vector<256x512xf32>
    %logistic3A_141 = math.exp %logistic3A : vector<256x512xf32>
    %logistic3A_142 = arith.constant 1.000000e+00 : f32
    %logistic3A_143 = vector.broadcast %logistic3A_142 : f32 to vector<256x512xf32>
    %logistic3A_144 = arith.addf %logistic3A_143, %logistic3A_141 : vector<256x512xf32>
    %logistic3A_145 = arith.divf %logistic3A_143, %logistic3A_144 : vector<256x512xf32>
    %get3A_146 = arith.constant 0 : index
    %get3A_147 = arith.constant 0 : index
    %get3A_148 = vector.load %arg3[%get3A_146, %get3A_147] : memref<256x512xf32, #tpu.memory_space<vmem>>, vector<256x512xf32>
    %sub3A = arith.subf %get3A_148, %concatenate3A : vector<256x512xf32>
    %mul3A = arith.mulf %logistic3A_145, %sub3A : vector<256x512xf32>
    %add3A_149 = arith.addf %concatenate3A, %mul3A : vector<256x512xf32>
    %get3A_150 = arith.constant 0 : index
    %get3A_151 = arith.constant 0 : index
    %get3A_152 = vector.load %arg8[%get3A_150, %get3A_151] : memref<512x256xf32, #tpu.memory_space<vmem>>, vector<512x256xf32>
    %dot_general3A_153 = arith.constant dense<0.000000e+00> : vector<256x256xf32>
    %dot_general3A_154 = tpu.matmul %add3A_149, %get3A_152, %dot_general3A_153 {dimension_numbers = #tpu.dot_dimension_numbers<[1], [0], [0], [1], [0, 0, 1, 1], [], []>, transpose_lhs_hint = false} : vector<256x512xf32>, vector<512x256xf32>, vector<256x256xf32> -> vector<256x256xf32>
    %get3A_155 = arith.constant 0 : index
    %get3A_156 = vector.load %arg9[%get3A_155] : memref<256xf32, #tpu.memory_space<vmem>>, vector<256xf32>
    %broadcast_in_dim3A_157 = vector.shape_cast %get3A_156 : vector<256xf32> to vector<1x256xf32>
    %add3A_158 = vector.broadcast %broadcast_in_dim3A_157 : vector<1x256xf32> to vector<256x256xf32>
    %add3A_159 = arith.addf %dot_general3A_154, %add3A_158 : vector<256x256xf32>
    %get3A_160 = arith.constant 0 : index
    %get3A_161 = arith.constant 0 : index
    %get3A_162 = vector.load %arg4[%get3A_160, %get3A_161] : memref<256x256xf32, #tpu.memory_space<vmem>>, vector<256x256xf32>
    %get3A_163 = arith.constant 0 : index
    %get3A_164 = vector.load %arg10[%get3A_163] : memref<256xf32, #tpu.memory_space<vmem>>, vector<256xf32>
    %get3A_165 = arith.constant 0 : index
    %get3A_166 = vector.load %arg11[%get3A_165] : memref<256xf32, #tpu.memory_space<vmem>>, vector<256xf32>
    %reduce_sum3A = arith.constant dense<0.000000e+00> : vector<256xf32>
    %reduce_sum3A_167 = vector.multi_reduction <add>, %add3A_159, %reduce_sum3A [1] : vector<256x256xf32> to vector<256xf32>
    %broadcast_in_dim3A_168 = vector.shape_cast %reduce_sum3A_167 : vector<256xf32> to vector<256x1xf32>
    %div3A_169 = arith.constant 2.560000e+02 : f32
    %div3A_170 = vector.broadcast %div3A_169 : f32 to vector<256x1xf32>
    %div3A_171 = arith.divf %broadcast_in_dim3A_168, %div3A_170 : vector<256x1xf32>
    %sub3A_172 = vector.broadcast %div3A_171 : vector<256x1xf32> to vector<256x256xf32>
    %sub3A_173 = arith.subf %add3A_159, %sub3A_172 : vector<256x256xf32>
    %integer_pow3A = arith.mulf %sub3A_173, %sub3A_173 : vector<256x256xf32>
    %reduce_sum3A_174 = arith.constant dense<0.000000e+00> : vector<256xf32>
    %reduce_sum3A_175 = vector.multi_reduction <add>, %integer_pow3A, %reduce_sum3A_174 [1] : vector<256x256xf32> to vector<256xf32>
    %broadcast_in_dim3A_176 = vector.shape_cast %reduce_sum3A_175 : vector<256xf32> to vector<256x1xf32>
    %div3A_177 = arith.constant 2.560000e+02 : f32
    %div3A_178 = vector.broadcast %div3A_177 : f32 to vector<256x1xf32>
    %div3A_179 = arith.divf %broadcast_in_dim3A_176, %div3A_178 : vector<256x1xf32>
    %sub3A_180 = vector.broadcast %div3A_171 : vector<256x1xf32> to vector<256x256xf32>
    %sub3A_181 = arith.subf %add3A_159, %sub3A_180 : vector<256x256xf32>
    %add3A_182 = arith.constant 9.99999974E-6 : f32
    %add3A_183 = vector.broadcast %add3A_182 : f32 to vector<256x1xf32>
    %add3A_184 = arith.addf %div3A_179, %add3A_183 : vector<256x1xf32>
    %rsqrt3A = math.rsqrt %add3A_184 : vector<256x1xf32>
    %mul3A_185 = vector.broadcast %rsqrt3A : vector<256x1xf32> to vector<256x256xf32>
    %mul3A_186 = arith.mulf %sub3A_181, %mul3A_185 : vector<256x256xf32>
    %broadcast_in_dim3A_187 = vector.shape_cast %get3A_164 : vector<256xf32> to vector<1x256xf32>
    %mul3A_188 = vector.broadcast %broadcast_in_dim3A_187 : vector<1x256xf32> to vector<256x256xf32>
    %mul3A_189 = arith.mulf %mul3A_186, %mul3A_188 : vector<256x256xf32>
    %broadcast_in_dim3A_190 = vector.shape_cast %get3A_166 : vector<256xf32> to vector<1x256xf32>
    %add3A_191 = vector.broadcast %broadcast_in_dim3A_190 : vector<1x256xf32> to vector<256x256xf32>
    %add3A_192 = arith.addf %mul3A_189, %add3A_191 : vector<256x256xf32>
    %add3A_193 = arith.addf %get3A_162, %add3A_192 : vector<256x256xf32>
    %swap3A = arith.constant 0 : index
    %swap3A_194 = arith.constant 0 : index
    %swap3A_195 = vector.load %arg12[%swap3A, %swap3A_194] : memref<256x256xf32, #tpu.memory_space<vmem>>, vector<256x256xf32>
    tpu.vector_store %arg12[%swap3A, %swap3A_194], %add3A_193 {strides = array<i32>} : memref<256x256xf32, #tpu.memory_space<vmem>>, vector<256x256xf32>,
    return
  }
  func.func @transform_0(%arg0: i32) -> (i32, i32, i32) {
    %c0_i32 = arith.constant 0 : i32
    %c0_i32_0 = arith.constant 0 : i32
    %c0_i32_1 = arith.constant 0 : i32
    return %c0_i32, %arg0, %c0_i32_0 : i32, i32, i32
  }
  func.func @transform_1(%arg0: i32) -> (i32, i32) {
    %c0_i32 = arith.constant 0 : i32
    %c0_i32_0 = arith.constant 0 : i32
    return %arg0, %c0_i32 : i32, i32
  }
  func.func @transform_2(%arg0: i32) -> (i32, i32) {
    %c0_i32 = arith.constant 0 : i32
    %c0_i32_0 = arith.constant 0 : i32
    return %arg0, %c0_i32 : i32, i32
  }
  func.func @transform_3(%arg0: i32) -> (i32, i32) {
    %c0_i32 = arith.constant 0 : i32
    %c0_i32_0 = arith.constant 0 : i32
    return %arg0, %c0_i32 : i32, i32
  }
  func.func @transform_4(%arg0: i32) -> (i32, i32) {
    %c0_i32 = arith.constant 0 : i32
    %c0_i32_0 = arith.constant 0 : i32
    return %arg0, %c0_i32 : i32, i32
  }
  func.func @transform_5(%arg0: i32) -> (i32, i32) {
    %c0_i32 = arith.constant 0 : i32
    %c0_i32_0 = arith.constant 0 : i32
    %c0_i32_1 = arith.constant 0 : i32
    return %c0_i32, %c0_i32_0 : i32, i32
  }
  func.func @transform_6(%arg0: i32) -> i32 {
    %c0_i32 = arith.constant 0 : i32
    %c0_i32_0 = arith.constant 0 : i32
    return %c0_i32 : i32
  }
  func.func @transform_7(%arg0: i32) -> (i32, i32) {
    %c0_i32 = arith.constant 0 : i32
    %c0_i32_0 = arith.constant 0 : i32
    %c0_i32_1 = arith.constant 0 : i32
    return %c0_i32, %c0_i32_0 : i32, i32
  }
  func.func @transform_8(%arg0: i32) -> i32 {
    %c0_i32 = arith.constant 0 : i32
    %c0_i32_0 = arith.constant 0 : i32
    return %c0_i32 : i32
  }
  func.func @transform_9(%arg0: i32) -> i32 {
    %c0_i32 = arith.constant 0 : i32
    %c0_i32_0 = arith.constant 0 : i32
    return %c0_i32 : i32
  }
  func.func @transform_10(%arg0: i32) -> i32 {
    %c0_i32 = arith.constant 0 : i32
    %c0_i32_0 = arith.constant 0 : i32
    return %c0_i32 : i32
  }
  func.func @transform_11(%arg0: i32) -> (i32, i32) {
    %c0_i32 = arith.constant 0 : i32
    %c0_i32_0 = arith.constant 0 : i32
    return %arg0, %c0_i32 : i32, i32
  }
}

</mosaic_0001>

<sc_bundles>
// kernel: kernel.6.cloned.1.call-start
scs
__scs_entry_jumppad:
0x0: {  	(pc) =	sbr.rel $0x88, $3  }
0x1: {  	(tag) =	ssettag $0x0;
	lr =	simm.s32 $0x1  }
0x2: {  	[smem:$0x3F88] =	sst lr;
	_ =	strace $0xD0000000  }
0x3: {  	_ = 	snop  }
0x4: {  	_ = 	snop  }
0x5: {  	_ = 	snop  }
0x6: {  	_ = 	snop  }
0x7: {  	_ = 	snop  }
__scs_overlays_trampoline_lowered:
0x8: {  	[smem:$0x3F97] =	sst s0  }
0x9: {  	[smem:$0x3F98] =	sst s1  }
0xa: {  	[smem:$0x3F99] =	sst s2  }
0xb: {  	[smem:$0x3F9A] =	sst s3  }
0xc: {  	[smem:$0x3F9B] =	sst s4  }
0xd: {  	[smem:$0x3F9C] =	sst s5  }
0xe: {  	[smem:$0x3F9D] =	sst s6  }
0xf: {  	[smem:$0x3F9E] =	sst s7  }
0x10: {  	[smem:$0x3F9F] =	sst s8  }
0x11: {  	[smem:$0x3FA0] =	sst s9;
	s0 =	simm.s32 @!p0 $0x0  }
0x12: {  	s1 =	sld [smem:$0x3F86];
	s0 =	simm.s32 @p0 $0x1  }
0x13: {  	[smem:$0x3FA1] =	sst s0;
	s0 =	simm.s32 @!p1 $0x0  }
0x14: {  	s2 =	sld [smem:$0x3F85];
	s0 =	simm.s32 @p1 $0x1  }
0x15: {  	[smem:$0x3FA2] =	sst s0;
	s0 =	simm.s32 @!p2 $0x0  }
0x16: {  	s3 =	sld [smem:$0x3FDB];
	s0 =	simm.s32 @p2 $0x1  }
0x17: {  	s4 =	simm.s32 $0x1BF5;
	[smem:$0x3FA4] =	sst s0  }
0x18: {  	s0 =	sld [smem:$0x3F87];
	_ =	swait.ge [sflag:s4], $0x0  }
0x19: {  	s7 =	sld [smem:$0x3F88]  }
0x1a: {  	s8 =	sadd.s32 $0xFFFFE003, lr  }
0x1b: {  	s9 =	sadd.s32 $0xFFFFFEF7, lr;
	s5 =	simm.s32 $0xFFFFFFFF;
	p2 =	slt.u32 s8, $0xFFFFF086  }
0x1c: {  	p1 =	slt.u32 s9, $0xF7A;
	s5 =	simm.s32 @!p2 $0x0  }
0x1d: {  	s5 =	simm.s32 @p1 $0x1;
	p0 =	seq.s32 s7, s2  }
0x1e: {  	s7 =	smul.u32 @!p0 $0xF7A, s2;
	p2 =	seq.s32 @!p0 s5, $0x0  }
0x1f: {  	s9 =	smul.u32 $0xF7A, s1;
	s8 =	simm.s32 @!p0 $0x1BF5;
	p2 =	por !p2, p0  }
0x20: {  	[sflag:s8] =	ssyncset.s32 @!p0 $0xFFFFF086;
	s6 =	sadd.s32 @!p0 s3, s7;
	s7 =	simm.s32 @!p0 $0x108  }
0x21: {  	s3 =	sadd.s32 s3, s9;
	s6 =	sadd.s32 @!p0 $0x88, s6;
	s7 =	simm.s32 @p2 $0x1082  }
0x22: {  	[simem:s7], [sflag:s8] =	dma.local @!p0 [hbm:s6], $0xF7A  }
0x23: {  	s9 =	sor.u32 $0xD0000000, s2;
	s6 =	simm.s32 $0x108;
	_ =	swait.ge @!p0 [sflag:s8], $0x0  }
0x24: {  	s3 =	sadd.s32 $0x88, s3;
	s6 =	simm.s32 @!p1 $0x1082;
	[sflag:s4] =	ssyncset.s32 $0xFFFFF086  }
0x25: {  	[simem:s6], [sflag:s4] =	dma.local [hbm:s3], $0xF7A  }
0x26: {  	[smem:$0x3F88] =	sst s1;
	(tag) =	ssettag s2;
	_ =	strace s9  }
0x27: {  	s1 =	sld [smem:$0x3F98]  }
0x28: {  	s2 =	sld [smem:$0x3F99]  }
0x29: {  	s4 =	sld [smem:$0x3F9B]  }
0x2a: {  	p0 =	seq.s32 s5, $0x0;
	s5 =	sld [smem:$0x3F9C]  }
0x2b: {  	s6 =	sld [smem:$0x3F9D]  }
0x2c: {  	s7 =	sld [smem:$0x3F9E]  }
0x2d: {  	s3 =	simm.s32 $0x108;
	s8 =	sld [smem:$0x3F9F]  }
0x2e: {  	s3 =	simm.s32 @!p0 $0x1082;
	s9 =	sld [smem:$0x3FA0]  }
0x2f: {  	lr =	sadd.s32 s0, s3;
	s0 =	sld [smem:$0x3F97]  }
0x30: {  	s3 =	sld [smem:$0x3F9A]  }
0x31: {  	[smem:$0x3FA3] =	sst s10  }
0x32: {  	s10 =	sld [smem:$0x3FA1];
	_ =	sdelay $0x3  }
0x33: {  	p0 =	seq.s32 s10, $0x1;
	s10 =	sld [smem:$0x3FA3];
	_ =	sdelay $0x3  }
0x34: {  	[smem:$0x3FA3] =	sst s10  }
0x35: {  	s10 =	sld [smem:$0x3FA2];
	_ =	sdelay $0x3  }
0x36: {  	p1 =	seq.s32 s10, $0x1;
	s10 =	sld [smem:$0x3FA3];
	_ =	sdelay $0x3  }
0x37: {  	[smem:$0x3FA3] =	sst s10  }
0x38: {  	s10 =	sld [smem:$0x3FA4]  }
0x39: {  	_ = 	snop;
	(pc) =	sbr.ind lr, $3  }
0x3a: {  	_ = 	snop  }
0x3b: {  	_ = 	snop  }
0x3c: {  	p2 =	seq.s32 s10, $0x1;
	s10 =	sld [smem:$0x3FA3]  }
0x3d: {  	_ =	shalt  }
0x3e: {  	_ =	shalt  }
0x3f: {  	_ =	shalt  }
0x40: {  	_ =	shalt  }
0x41: {  	_ =	shalt  }
0x42: {  	_ =	shalt  }
0x43: {  	_ =	shalt  }
0x44: {  	_ =	shalt  }
0x45: {  	_ =	shalt  }
0x46: {  	_ =	shalt  }
0x47: {  	_ =	shalt  }
0x48: {  	_ =	shalt  }
0x49: {  	_ =	shalt  }
0x4a: {  	_ =	shalt  }
0x4b: {  	_ =	shalt  }
0x4c: {  	_ =	shalt  }
0x4d: {  	_ =	shalt  }
0x4e: {  	_ =	shalt  }
0x4f: {  	_ =	shalt  }
0x50: {  	_ =	shalt  }
0x51: {  	_ =	shalt  }
0x52: {  	_ =	shalt  }
0x53: {  	_ =	shalt  }
0x54: {  	_ =	shalt  }
0x55: {  	_ =	shalt  }
0x56: {  	_ =	shalt  }
0x57: {  	_ =	shalt  }
0x58: {  	_ =	shalt  }
0x59: {  	_ =	shalt  }
0x5a: {  	_ =	shalt  }
0x5b: {  	_ =	shalt  }
0x5c: {  	_ =	shalt  }
0x5d: {  	_ =	shalt  }
0x5e: {  	_ =	shalt  }
0x5f: {  	_ =	shalt  }
0x60: {  	_ =	shalt  }
0x61: {  	_ =	shalt  }
0x62: {  	_ =	shalt  }
0x63: {  	_ =	shalt  }
0x64: {  	_ =	shalt  }
0x65: {  	_ =	shalt  }
0x66: {  	_ =	shalt  }
0x67: {  	_ =	shalt  }
0x68: {  	_ =	shalt  }
0x69: {  	_ =	shalt  }
0x6a: {  	_ =	shalt  }
0x6b: {  	_ =	shalt  }
0x6c: {  	_ =	shalt  }
0x6d: {  	_ =	shalt  }
0x6e: {  	_ =	shalt  }
0x6f: {  	_ =	shalt  }
0x70: {  	_ =	shalt  }
0x71: {  	_ =	shalt  }
0x72: {  	_ =	shalt  }
0x73: {  	_ =	shalt  }
0x74: {  	_ =	shalt  }
0x75: {  	_ =	shalt  }
0x76: {  	_ =	shalt  }
0x77: {  	_ =	shalt  }
0x78: {  	_ =	shalt  }
0x79: {  	_ =	shalt  }
0x7a: {  	_ =	shalt  }
0x7b: {  	_ =	shalt  }
0x7c: {  	_ =	shalt  }
0x7d: {  	_ =	shalt  }
0x7e: {  	_ =	shalt  }
0x7f: {  	_ =	shalt  }
0x80: {  	_ =	shalt  }
0x81: {  	_ =	shalt  }
0x82: {  	_ =	shalt  }
0x83: {  	_ =	shalt  }
0x84: {  	_ =	shalt  }
0x85: {  	_ =	shalt  }
0x86: {  	_ =	shalt  }
0x87: {  	_ =	shalt  }
.Lfunc_end0:
.L_simem_size_0:
called_computation_lowered:
.L_overlay_start_0:
0x88: {  	s2 =	sld [smem:$0x3FD9]  }
0x89: {  	s3 =	sld [smem:$0x3FFE];
	_ =	sdelay $0x1  }
0x8a: {  	s1 =	srdreg.scid  }
0x8b: {  	s0 =	sand.u32 $0x1, s1  }
0x8c: {  	s17 =	sshll.u32 s0, $0xA;
	s2 =	sadd.s32 s3, s2  }
0x8d: {  	s2 =	sadd.s32 s2, s17  }
0x8e: {  	[smem:$0x3FAF] =	sst s2  }
0x8f: {  	_ = 	snop  }
0x90: {  	s2 =	sld [smem:$0x3FD0];
	(tm) =	ssettm $0x1  }
0x91: {  	s18 =	sld [smem:$0x3FFB];
	_ =	sdelay $0x3  }
0x92: {  	_ =	strace s18  }
0x93: {  	s3 =	sld [smem:$0x3FFC];
	_ =	sdelay $0x3  }
0x94: {  	_ =	strace s3  }
0x95: {  	s3 =	sld [smem:$0x3FFD];
	_ =	sdelay $0x3  }
0x96: {  	_ =	strace s3  }
0x97: {  	_ =	strace $0x8FFFFFFF  }
0x98: {  	s19 =	sld [smem:$0x3FDB];
	_ =	sdelay $0x1  }
0x99: {  	s4 =	simm.s32 $_scs_section_size  }
0x9a: {  	s5 =	simm.s32 $_size__tile_overlayer_lowered;
	s6 =	simm.s32 $_tile_overlayer_lowered  }
0x9b: {  	s22 =	simm.s32 $0x1BFF;
	s21 =	sshll.u32 s6, $0x1;
	s3 =	sadd.s32 s4, s19  }
0x9c: {  	s7 =	simm.s32 $0x0;
	s20 =	sshll.u32 s5, $0x1;
	s5 =	sadd.s32 s21, s3  }
0x9d: {  	[timem:s7], [sflag:s22] =	dma.local [hbm:s5], s20  }
0x9e: {  	_ =	swait.ge [sflag:s22], s20  }
0x9f: {  	s4 =	ssub.s32 $0x0, s20;
	[sflag:s22] =	ssyncset.done $0x0  }
0xa0: {  	[sflag:s22] =	ssyncadd.s32 s4;
	_ =	sdelay $0x1  }
0xa1: {  	s23 =	simm.s32 $0x1B8B  }
0xa2: {  	_ =	swait.ge [sflag:s23], $0x1  }
0xa3: {  	[sflag:s23] =	ssyncset.done $0x0  }
0xa4: {  	s25 =	simm.s32 $0x1B8E;
	s24 =	sld [smem:$0x3FFE];
	[sflag:s23] =	ssyncadd.s32 $0xFFFFFFFF  }
0xa5: {  	s26 =	simm.s32 $execute0_lowered;
	[smem:$0x3FD2] =	sst s25  }
0xa6: {  	s5 =	sshll.u32 s26, $0x1;
	_ =	strace $0x80000046;
	[dreg:$0x1] =	wrdreg $0xFFFFFFFF  }
0xa7: {  	s28 =	simm.s32 $_size_execute0_lowered;
	s3 =	sadd.s32 s3, s5;
	[dreg:$0x0] =	wrdreg $0x0  }
0xa8: {  	s5 =	sshll.u32 s28, $0x1;
	[dreg:$0x2] =	wrdreg s3  }
0xa9: {  	[dreg:$0x3] =	wrdreg s5  }
0xaa: {  	[dreg:$0x4] =	wrdreg $0xC0  }
0xab: {  	_ =	task [dreg:s7], $0x5FFFF  }
0xac: {  	[dreg:$0x1] =	wrdreg $0xFFFFFFFF  }
0xad: {  	[dreg:$0x0] =	wrdreg $0x60  }
0xae: {  	[dreg:$0x2] =	wrdreg s24  }
0xaf: {  	[dreg:$0x3] =	wrdreg s2  }
0xb0: {  	[dreg:$0x4] =	wrdreg $0x9  }
0xb1: {  	_ =	task.clear_ibuf [dreg:s7], $0x5FFFF;
	_ =	strace $0x90000046  }
0xb2: {  	s29 =	simm.s32 $0x9;
	_ =	strace $0x80000048  }
0xb3: {  	_ =	swait.ge [sflag:s29], $0x1  }
0xb4: {  	[sflag:s29] =	ssyncadd.s32 $0xFFFFFFFF  }
0xb5: {  	_ =	strace $0x90000048  }
0xb6: {  	_ =	sfence  }
0xb7: {  	s30 =	sld [smem:$0x0];
	_ =	sdelay $0x2  }
0xb8: {  	s31 =	sshll.u32 s1, $0xD;
	s1 =	sshrl.u32 s1, $0x2  }
0xb9: {  	s3 =	sand.u32 $0x4000, s31;
	s1 =	sadd.s32 s1, s30  }
0xba: {  	s0 =	sor.u32 s3, s0;
	s1 =	sshll.u32 s1, $0x11  }
0xbb: {  	s0 =	sor.u32 s1, s0  }
0xbc: {  	s0 =	sadd.s32 $0x8F2B, s0  }
0xbd: {  	[sflag:s0] =	ssyncadd.remote.s32 $0x1  }
0xbe: {  	_ =	sfence.sel $0xFFFF  }
0xbf: {  	[dreg:$0x0] =	wrdreg $0xFFFFFFFF;
	(pc) =	sbr.abs _section_cstart, $3  }
0xc0: {  	[dreg:$0x1] =	wrdreg $0xFFFFFFFF  }
0xc1: {  	_ =	task.clear_ibuf [dreg:s7], $0x2FFFF;
	_ =	strace $0x9FFFFFFF  }
0xc2: {  	(tm) =	ssettm $0x7FFFFFFF  }
0xc3: {  	_ =	shalt  }
tec
execute0_lowered:
.L_overlay_start_1:
0x0: {  	(tag) =	ssettag $0x1  }
0x1: {  	s8 =	rddreg [dreg:$0x0]  }
0x2: {  	s1 =	rddreg [dreg:$0x1];
	s3 =	simm.s32 $0x0  }
0x3: {  	s4 =	srdreg.scid;
	s2 =	stileid.u32;
	s12 =	simm.s32 $0x40  }
0x4: {  	v0 =	vlaneseq.u32;
	s13 =	simm.s32 $0x80;
	s14 =	simm.s32 $0x8080;
	s15 =	simm.s32 $0x1  }
0x5: {  	s16 =	simm.s32 $0x2;
	s17 =	simm.s32 $0x10080;
	s18 =	simm.s32 $0x100C0;
	v0 =	vmul.u32 $0x200, v0  }
0x6: {  	v1 =	vimm.f32 $-3.000000010e+38;
	s19 =	simm.s32 $0x10100;
	s20 =	simm.s32 $0x10140;
	s21 =	simm.s32 $0x10180  }
0x7: {  	s22 =	simm.s32 $0x101C0;
	s23 =	simm.s32 $0x10200;
	s24 =	simm.s32 $0x10240;
	v2 =	vor.u32 $0x40, v0;
	v3 =	vor.u32 $0x80, v0  }
0x8: {  	s25 =	simm.s32 $0x3;
	s26 =	simm.s32 $0x10280;
	s28 =	simm.s32 $0x0;
	v4 =	vor.u32 $0xC0, v0;
	v5 =	vor.u32 $0x100, v0;
	v6 =	vor.u32 $0x140, v0  }
0x9: {  	[smem:$0x7FF] =	sst s3;
	s7 =	sand.u32 $0x1, s4;
	s4 =	sadd.s32 $0x54000, s8;
	v7 =	vor.u32 $0x180, v0;
	v8 =	vor.u32 $0x1C0, v0;
	v9 =	vor.u32 $0x2000, v0  }
0xa: {  	s6 =	sshll.u32 s2, $0x1;
	s5 =	sadd.s32 $0x374000, s8;
	_ =	strace $0x80000047;
	v10 =	vor.u32 $0x2040, v0;
	v11 =	vor.u32 $0x2080, v0;
	v12 =	vor.u32 $0x20C0, v0  }
0xb: {  	s9 =	sor.u32 s7, s6;
	s6 =	sadd.s32 $0xF9000, s8;
	s11 =	ssub.s32 $0x2, s7;
	v13 =	vor.u32 $0x2100, v0;
	v14 =	vor.u32 $0x2140, v0;
	v15 =	vor.u32 $0x2180, v0  }
0xc: {  	s7 =	sadd.s32 $0xF4000, s8;
	s10 =	sshll.u32 s9, $0x4;
	s31 =	sshrl.u32 s11, $0x1;
	v16 =	vor.u32 $0x21C0, v0;
	v17 =	vor.u32 $0x4000, v0;
	v18 =	vor.u32 $0x4040, v0  }
0xd: {  	v19 =	vor.u32 $0x4080, v0;
	v20 =	vor.u32 $0x40C0, v0;
	v21 =	vor.u32 $0x4100, v0;
	s10 =	sadd.s32 s10, s8;
	s11 =	ssub.s32 s11, s31;
	s8 =	smul.u32 $0x1400, s9  }
0xe: {  	v22 =	vor.u32 $0x4140, v0;
	v23 =	vor.u32 $0x4180, v0;
	v24 =	vor.u32 $0x41C0, v0;
	s9 =	sadd.s32 $0xFE000, s10;
	s10 =	smax.u32 s11, $0x1;
	s11 =	simm.s32 $0x4  }
.LBB2_1:
0xf: {  	[tilespmem:$0x10280] =	vst v1  }
0x10: {  	[tilespmem:$0x10290] =	vst v1  }
0x11: {  	[tilespmem:$0x102A0] =	vst v1  }
0x12: {  	[tilespmem:$0x102B0] =	vst v1  }
0x13: {  	[tilespmem:$0x102C0] =	vst v1  }
0x14: {  	[tilespmem:$0x102D0] =	vst v1  }
0x15: {  	[tilespmem:$0x102E0] =	vst v1  }
0x16: {  	[tilespmem:$0x102F0] =	vst v1;
	s29 =	simm.s32 $0x0  }
.LBB2_2:
0x17: {  	s30 =	sshll.u32 s29, $0x6  }
0x18: {  	s30 =	sadd.s32 s8, s30  }
0x19: {  	s30 =	sshrl.u32 s30, $0x3  }
0x1a: {  	s0 =	simm.s32 $0x0;
	s31 =	sadd.s32 s6, s30  }
0x1b: {  	[tilespmem:s0], [sflag:$0x4] =	stream.linear.gather [hbm4b:s31+s0], $0x40, $0x38;
	[tilespmem:$0x10300] =	vst v63  }
0x1c: {  	_ =	swait.ge [sflag:s11], $0x40  }
0x1d: {  	[sflag:s11] =	ssyncset.done $0x0  }
0x1e: {  	s31 =	sadd.s32 s7, s30;
	[sflag:s11] =	ssyncadd.s32 $0xFFFFFFC0  }
0x1f: {  	[tilespmem:s12], [sflag:$0x4] =	stream.linear.gather [hbm4b:s31+s0], $0x40, $0x38;
	[tilespmem:$0x10300] =	vst v63  }
0x20: {  	_ =	swait.ge [sflag:s11], $0x40  }
0x21: {  	[sflag:s11] =	ssyncset.done $0x0  }
0x22: {  	[sflag:s11] =	ssyncadd.s32 $0xFFFFFFC0  }
0x23: {  	[tilespmem:s13], [sflag:$0x1] =	stream.indirect.gather [hbm4b:s4+s12], $0x200, s12, s12, $0xb8;
	[tilespmem:$0x10300] =	vst v63  }
0x24: {  	_ = 	snop  }
0x25: {  	[tilespmem:s14], [sflag:$0x2] =	stream.indirect.gather [hbm4b:s5+s12], $0x200, s0, s12, $0xb8;
	[tilespmem:$0x10300] =	vst v63  }
0x26: {  	_ =	swait.ge [sflag:s15], $0x8000  }
0x27: {  	v26 =	vor.u32 s0, v8;
	[sflag:s15] =	ssyncset.done $0x0  }
0x28: {  	[sflag:s15] =	ssyncadd.s32 $0xFFFF8000  }
0x29: {  	v29 =	vor.u32 s0, v7;
	_ =	swait.ge [sflag:s16], $0x8000  }
0x2a: {  	[sflag:s16] =	ssyncset.done $0x0  }
0x2b: {  	v31 =	vor.u32 s0, v6;
	[sflag:s16] =	ssyncadd.s32 $0xFFFF8000  }
0x2c: {  	v25 =	vld.idx.msk [tilespmem:v26+s13+$0x0], $0xffff  }
0x2d: {  	v32 =	vor.u32 s0, v5;
	v27 =	vld.idx.msk [tilespmem:v26+s14+$0x0], $0xffff  }
0x2e: {  	v28 =	vld.idx.msk [tilespmem:v29+s13+$0x0], $0xffff  }
0x2f: {  	v35 =	vor.u32 s0, v4;
	v30 =	vld.idx.msk [tilespmem:v29+s14+$0x0], $0xffff  }
0x30: {  	v33 =	vld.idx.msk [tilespmem:v31+s13+$0x0], $0xffff  }
0x31: {  	v44 =	vor.u32 s0, v3;
	v34 =	vld.idx.msk [tilespmem:v31+s14+$0x0], $0xffff  }
0x32: {  	v37 =	vld.idx.msk [tilespmem:v32+s13+$0x0], $0xffff  }
0x33: {  	v45 =	vor.u32 s0, v2;
	v39 =	vld.idx.msk [tilespmem:v32+s14+$0x0], $0xffff  }
0x34: {  	v36 =	vimm.f32 $0.0e+00;
	v40 =	vimm.f32 $0.0e+00;
	v38 =	vimm.f32 $0.0e+00;
	v41 =	vld.idx.msk [tilespmem:v35+s13+$0x0], $0xffff  }
0x35: {  	v46 =	vor.u32 s0, v0;
	v26 =	vimm.f32 $0.0e+00;
	v31 =	vimm.f32 $0.0e+00;
	v42 =	vld.idx.msk [tilespmem:v35+s14+$0x0], $0xffff  }
0x36: {  	s31 =	simm.s32 $0x1;
	v29 =	vimm.f32 $0.0e+00;
	v32 =	vimm.f32 $0.0e+00;
	v43 =	vld.idx.msk [tilespmem:v44+s13+$0x0], $0xffff;
	v35 =	vimm.f32 $0.0e+00  }
.LBB2_3:
0x37: {  	v47 =	vor.u32 s31, v8;
	p0 =	sne.s32 s31, $0x3F;
	v44 =	vld.idx.msk [tilespmem:v44+s14+$0x0], $0xffff  }
0x38: {  	v48 =	vld.idx.msk [tilespmem:v45+s13+$0x0], $0xffff  }
0x39: {  	v49 =	vor.u32 s31, v7;
	v45 =	vld.idx.msk [tilespmem:v45+s14+$0x0], $0xffff  }
0x3a: {  	v50 =	vld.idx.msk [tilespmem:v46+s13+$0x0], $0xffff  }
0x3b: {  	v51 =	vor.u32 s31, v6;
	v46 =	vld.idx.msk [tilespmem:v46+s14+$0x0], $0xffff  }
0x3c: {  	v52 =	vmul.f32 v27, v25;
	v25 =	vld.idx.msk [tilespmem:v47+s13+$0x0], $0xffff  }
0x3d: {  	v53 =	vor.u32 s31, v5;
	v33 =	vmul.f32 v34, v33;
	v34 =	vmul.f32 v30, v28;
	v27 =	vld.idx.msk [tilespmem:v47+s14+$0x0], $0xffff  }
0x3e: {  	v37 =	vmul.f32 v39, v37;
	v26 =	vadd.f32 v52, v26;
	v28 =	vld.idx.msk [tilespmem:v49+s13+$0x0], $0xffff  }
0x3f: {  	v31 =	vadd.f32 v33, v31;
	v29 =	vadd.f32 v34, v29;
	v47 =	vor.u32 s31, v4;
	v30 =	vld.idx.msk [tilespmem:v49+s14+$0x0], $0xffff  }
0x40: {  	v41 =	vmul.f32 v42, v41;
	v32 =	vadd.f32 v37, v32;
	v39 =	vmul.f32 v44, v43;
	v33 =	vld.idx.msk [tilespmem:v51+s13+$0x0], $0xffff  }
0x41: {  	v44 =	vor.u32 s31, v3;
	v43 =	vmul.f32 v45, v48;
	v42 =	vmul.f32 v46, v50;
	v34 =	vld.idx.msk [tilespmem:v51+s14+$0x0], $0xffff  }
.Ltmp0:
0x42: {  	v35 =	vadd.f32 v41, v35;
	v36 =	vadd.f32 v39, v36;
	v37 =	vld.idx.msk [tilespmem:v53+s13+$0x0], $0xffff;
	(pc) =	sbr.rel @p0 .LBB2_3-.Ltmp0, $4  }
0x43: {  	v45 =	vor.u32 s31, v2;
	v38 =	vadd.f32 v43, v38;
	v40 =	vadd.f32 v42, v40;
	v39 =	vld.idx.msk [tilespmem:v53+s14+$0x0], $0xffff  }
0x44: {  	v41 =	vld.idx.msk [tilespmem:v47+s13+$0x0], $0xffff  }
0x45: {  	v46 =	vor.u32 s31, v0;
	v42 =	vld.idx.msk [tilespmem:v47+s14+$0x0], $0xffff  }
0x46: {  	s31 =	sadd.s32 $0x1, s31;
	v43 =	vld.idx.msk [tilespmem:v44+s13+$0x0], $0xffff  }
0x47: {  	_ =	sdelay $0x3  }
0x48: {  	v47 =	vld.idx.msk [tilespmem:v46+s13+$0x0], $0xffff  }
0x49: {  	v55 =	vld.idx.msk [tilespmem:v46+s14+$0x0], $0xffff;
	v33 =	vmul.f32 v34, v33  }
0x4a: {  	v48 =	vld.idx.msk [tilespmem:v45+s13+$0x0], $0xffff;
	v28 =	vmul.f32 v30, v28  }
0x4b: {  	v56 =	vld.idx.msk [tilespmem:v45+s14+$0x0], $0xffff;
	v25 =	vmul.f32 v27, v25;
	v31 =	vadd.f32 v33, v31  }
0x4c: {  	v44 =	vld.idx.msk [tilespmem:v44+s14+$0x0], $0xffff;
	v37 =	vmul.f32 v39, v37;
	v28 =	vadd.f32 v28, v29  }
0x4d: {  	v30 =	vld [tilespmem:$0x102D0];
	v25 =	vadd.f32 v25, v26;
	v31 =	vmul.f32 $1.250000000e-01, v31  }
0x4e: {  	v27 =	vld [tilespmem:$0x102E0];
	v32 =	vadd.f32 v37, v32;
	v28 =	vmul.f32 $1.250000000e-01, v28  }
0x4f: {  	v61 =	vld [tilespmem:$0x102C0];
	v25 =	vmul.f32 $1.250000000e-01, v25;
	[tilespmem:$0x101C0] =	vst v31  }
0x50: {  	v41 =	vmul.f32 v42, v41;
	v32 =	vmul.f32 $1.250000000e-01, v32;
	[tilespmem:$0x10200] =	vst v28  }
0x51: {  	v60 =	vld [tilespmem:$0x102B0];
	[tilespmem:$0x10240] =	vst v25  }
0x52: {  	v46 =	vmul.f32 v55, v47;
	v35 =	vadd.f32 v41, v35;
	v26 =	vmax.f32 v30, v31;
	[tilespmem:$0x10180] =	vst v32  }
0x53: {  	v45 =	vmul.f32 v56, v48;
	v43 =	vmul.f32 v44, v43;
	v27 =	vmax.f32 v27, v28;
	[tilespmem:$0x102D0] =	vst v26  }
0x54: {  	v40 =	vadd.f32 v46, v40;
	v35 =	vmul.f32 $1.250000000e-01, v35;
	v29 =	vmax.f32 v61, v32;
	[tilespmem:$0x102E0] =	vst v27  }
0x55: {  	v57 =	vld [tilespmem:$0x10280];
	v38 =	vadd.f32 v45, v38;
	[tilespmem:$0x102C0] =	vst v29  }
0x56: {  	v58 =	vld [tilespmem:$0x10290];
	v36 =	vadd.f32 v43, v36;
	v40 =	vmul.f32 $1.250000000e-01, v40;
	[tilespmem:$0x10140] =	vst v35;
	v62 =	vmax.f32 v60, v35  }
0x57: {  	v59 =	vld [tilespmem:$0x102A0];
	v38 =	vmul.f32 $1.250000000e-01, v38;
	[tilespmem:$0x102B0] =	vst v62  }
0x58: {  	v29 =	vld [tilespmem:$0x102F0];
	v36 =	vmul.f32 $1.250000000e-01, v36;
	[tilespmem:$0x10080] =	vst v40  }
0x59: {  	s0 =	simm.s32 $0x0;
	[tilespmem:$0x100C0] =	vst v38  }
0x5a: {  	v26 =	vor.u32 s0, v16;
	v40 =	vmax.f32 v57, v40;
	[tilespmem:$0x10100] =	vst v36  }
0x5b: {  	v38 =	vmax.f32 v58, v38;
	[tilespmem:$0x10280] =	vst v40  }
0x5c: {  	v30 =	vor.u32 s0, v15;
	v36 =	vmax.f32 v59, v36;
	[tilespmem:$0x10290] =	vst v38  }
0x5d: {  	[tilespmem:$0x102A0] =	vst v36;
	v25 =	vmax.f32 v29, v25  }
0x5e: {  	v31 =	vor.u32 s0, v13;
	[tilespmem:$0x102F0] =	vst v25  }
0x5f: {  	v25 =	vld.idx.msk [tilespmem:v26+s13+$0x0], $0xffff  }
0x60: {  	v63 =	vor.u32 s0, v12;
	v27 =	vld.idx.msk [tilespmem:v26+s14+$0x0], $0xffff  }
0x61: {  	v28 =	vld.idx.msk [tilespmem:v30+s13+$0x0], $0xffff  }
0x62: {  	v44 =	vor.u32 s0, v11;
	v30 =	vld.idx.msk [tilespmem:v30+s14+$0x0], $0xffff  }
0x63: {  	v29 =	vor.u32 s0, v14;
	v37 =	vld.idx.msk [tilespmem:v31+s13+$0x0], $0xffff  }
0x64: {  	v39 =	vld.idx.msk [tilespmem:v31+s14+$0x0], $0xffff  }
0x65: {  	v41 =	vld.idx.msk [tilespmem:v63+s13+$0x0], $0xffff  }
0x66: {  	v45 =	vor.u32 s0, v10;
	v42 =	vld.idx.msk [tilespmem:v63+s14+$0x0], $0xffff  }
0x67: {  	v46 =	vor.u32 s0, v9;
	v32 =	vimm.f32 $0.0e+00;
	v35 =	vimm.f32 $0.0e+00;
	v43 =	vld.idx.msk [tilespmem:v44+s13+$0x0], $0xffff  }
0x68: {  	v36 =	vimm.f32 $0.0e+00;
	v40 =	vimm.f32 $0.0e+00;
	v38 =	vimm.f32 $0.0e+00;
	v33 =	vld.idx.msk [tilespmem:v29+s13+$0x0], $0xffff  }
0x69: {  	s31 =	simm.s32 $0x1;
	v26 =	vimm.f32 $0.0e+00;
	v31 =	vimm.f32 $0.0e+00;
	v34 =	vld.idx.msk [tilespmem:v29+s14+$0x0], $0xffff;
	v29 =	vimm.f32 $0.0e+00  }
.LBB2_5:
0x6a: {  	v47 =	vor.u32 s31, v16;
	p0 =	sne.s32 s31, $0x3F;
	v44 =	vld.idx.msk [tilespmem:v44+s14+$0x0], $0xffff  }
0x6b: {  	v48 =	vld.idx.msk [tilespmem:v45+s13+$0x0], $0xffff  }
0x6c: {  	v49 =	vor.u32 s31, v15;
	v45 =	vld.idx.msk [tilespmem:v45+s14+$0x0], $0xffff  }
0x6d: {  	v50 =	vld.idx.msk [tilespmem:v46+s13+$0x0], $0xffff  }
0x6e: {  	v51 =	vor.u32 s31, v14;
	v46 =	vld.idx.msk [tilespmem:v46+s14+$0x0], $0xffff  }
0x6f: {  	v52 =	vmul.f32 v27, v25;
	v25 =	vld.idx.msk [tilespmem:v47+s13+$0x0], $0xffff  }
0x70: {  	v53 =	vor.u32 s31, v13;
	v33 =	vmul.f32 v34, v33;
	v34 =	vmul.f32 v30, v28;
	v27 =	vld.idx.msk [tilespmem:v47+s14+$0x0], $0xffff  }
0x71: {  	v37 =	vmul.f32 v39, v37;
	v26 =	vadd.f32 v52, v26;
	v28 =	vld.idx.msk [tilespmem:v49+s13+$0x0], $0xffff  }
0x72: {  	v31 =	vadd.f32 v33, v31;
	v29 =	vadd.f32 v34, v29;
	v47 =	vor.u32 s31, v12;
	v30 =	vld.idx.msk [tilespmem:v49+s14+$0x0], $0xffff  }
0x73: {  	v41 =	vmul.f32 v42, v41;
	v32 =	vadd.f32 v37, v32;
	v39 =	vmul.f32 v44, v43;
	v33 =	vld.idx.msk [tilespmem:v51+s13+$0x0], $0xffff  }
0x74: {  	v44 =	vor.u32 s31, v11;
	v43 =	vmul.f32 v45, v48;
	v42 =	vmul.f32 v46, v50;
	v34 =	vld.idx.msk [tilespmem:v51+s14+$0x0], $0xffff  }
.Ltmp1:
0x75: {  	v35 =	vadd.f32 v41, v35;
	v36 =	vadd.f32 v39, v36;
	v37 =	vld.idx.msk [tilespmem:v53+s13+$0x0], $0xffff;
	(pc) =	sbr.rel @p0 .LBB2_5-.Ltmp1, $4  }
0x76: {  	v45 =	vor.u32 s31, v10;
	v38 =	vadd.f32 v43, v38;
	v40 =	vadd.f32 v42, v40;
	v39 =	vld.idx.msk [tilespmem:v53+s14+$0x0], $0xffff  }
0x77: {  	v41 =	vld.idx.msk [tilespmem:v47+s13+$0x0], $0xffff  }
0x78: {  	v46 =	vor.u32 s31, v9;
	v42 =	vld.idx.msk [tilespmem:v47+s14+$0x0], $0xffff  }
0x79: {  	s31 =	sadd.s32 $0x1, s31;
	v43 =	vld.idx.msk [tilespmem:v44+s13+$0x0], $0xffff  }
0x7a: {  	_ =	sdelay $0x3  }
0x7b: {  	v47 =	vld.idx.msk [tilespmem:v46+s13+$0x0], $0xffff  }
0x7c: {  	v55 =	vld.idx.msk [tilespmem:v46+s14+$0x0], $0xffff;
	v33 =	vmul.f32 v34, v33  }
0x7d: {  	v48 =	vld.idx.msk [tilespmem:v45+s13+$0x0], $0xffff;
	v28 =	vmul.f32 v30, v28  }
0x7e: {  	v56 =	vld.idx.msk [tilespmem:v45+s14+$0x0], $0xffff;
	v25 =	vmul.f32 v27, v25;
	v31 =	vadd.f32 v33, v31  }
0x7f: {  	v44 =	vld.idx.msk [tilespmem:v44+s14+$0x0], $0xffff;
	v37 =	vmul.f32 v39, v37;
	v28 =	vadd.f32 v28, v29  }
0x80: {  	v30 =	vld [tilespmem:$0x102D0];
	v25 =	vadd.f32 v25, v26;
	v31 =	vmul.f32 $1.250000000e-01, v31  }
0x81: {  	v27 =	vld [tilespmem:$0x102E0];
	v32 =	vadd.f32 v37, v32;
	v28 =	vmul.f32 $1.250000000e-01, v28  }
0x82: {  	v61 =	vld [tilespmem:$0x102C0];
	v25 =	vmul.f32 $1.250000000e-01, v25;
	[tilespmem:$0x101D0] =	vst v31  }
0x83: {  	v41 =	vmul.f32 v42, v41;
	v32 =	vmul.f32 $1.250000000e-01, v32;
	[tilespmem:$0x10210] =	vst v28  }
0x84: {  	v60 =	vld [tilespmem:$0x102B0];
	[tilespmem:$0x10250] =	vst v25  }
0x85: {  	v46 =	vmul.f32 v55, v47;
	v35 =	vadd.f32 v41, v35;
	v26 =	vmax.f32 v30, v31;
	[tilespmem:$0x10190] =	vst v32  }
0x86: {  	v45 =	vmul.f32 v56, v48;
	v43 =	vmul.f32 v44, v43;
	v27 =	vmax.f32 v27, v28;
	[tilespmem:$0x102D0] =	vst v26  }
0x87: {  	v40 =	vadd.f32 v46, v40;
	v35 =	vmul.f32 $1.250000000e-01, v35;
	v29 =	vmax.f32 v61, v32;
	[tilespmem:$0x102E0] =	vst v27  }
0x88: {  	v57 =	vld [tilespmem:$0x10280];
	v38 =	vadd.f32 v45, v38;
	[tilespmem:$0x102C0] =	vst v29  }
0x89: {  	v58 =	vld [tilespmem:$0x10290];
	v36 =	vadd.f32 v43, v36;
	v40 =	vmul.f32 $1.250000000e-01, v40;
	[tilespmem:$0x10150] =	vst v35;
	v62 =	vmax.f32 v60, v35  }
0x8a: {  	v59 =	vld [tilespmem:$0x102A0];
	v38 =	vmul.f32 $1.250000000e-01, v38;
	[tilespmem:$0x102B0] =	vst v62  }
0x8b: {  	v29 =	vld [tilespmem:$0x102F0];
	v36 =	vmul.f32 $1.250000000e-01, v36;
	[tilespmem:$0x10090] =	vst v40  }
0x8c: {  	s0 =	simm.s32 $0x0;
	[tilespmem:$0x100D0] =	vst v38  }
0x8d: {  	v26 =	vor.u32 s0, v24;
	v40 =	vmax.f32 v57, v40;
	[tilespmem:$0x10110] =	vst v36  }
0x8e: {  	v38 =	vmax.f32 v58, v38;
	[tilespmem:$0x10280] =	vst v40  }
0x8f: {  	v30 =	vor.u32 s0, v23;
	v36 =	vmax.f32 v59, v36;
	[tilespmem:$0x10290] =	vst v38  }
0x90: {  	[tilespmem:$0x102A0] =	vst v36;
	v25 =	vmax.f32 v29, v25  }
0x91: {  	v31 =	vor.u32 s0, v21;
	[tilespmem:$0x102F0] =	vst v25  }
0x92: {  	v25 =	vld.idx.msk [tilespmem:v26+s13+$0x0], $0xffff  }
0x93: {  	v63 =	vor.u32 s0, v20;
	v27 =	vld.idx.msk [tilespmem:v26+s14+$0x0], $0xffff  }
0x94: {  	v28 =	vld.idx.msk [tilespmem:v30+s13+$0x0], $0xffff  }
0x95: {  	v44 =	vor.u32 s0, v19;
	v30 =	vld.idx.msk [tilespmem:v30+s14+$0x0], $0xffff  }
0x96: {  	v29 =	vor.u32 s0, v22;
	v37 =	vld.idx.msk [tilespmem:v31+s13+$0x0], $0xffff  }
0x97: {  	v39 =	vld.idx.msk [tilespmem:v31+s14+$0x0], $0xffff  }
0x98: {  	v41 =	vld.idx.msk [tilespmem:v63+s13+$0x0], $0xffff  }
0x99: {  	v45 =	vor.u32 s0, v18;
	v42 =	vld.idx.msk [tilespmem:v63+s14+$0x0], $0xffff  }
0x9a: {  	v46 =	vor.u32 s0, v17;
	v32 =	vimm.f32 $0.0e+00;
	v35 =	vimm.f32 $0.0e+00;
	v43 =	vld.idx.msk [tilespmem:v44+s13+$0x0], $0xffff  }
0x9b: {  	v36 =	vimm.f32 $0.0e+00;
	v40 =	vimm.f32 $0.0e+00;
	v38 =	vimm.f32 $0.0e+00;
	v33 =	vld.idx.msk [tilespmem:v29+s13+$0x0], $0xffff  }
0x9c: {  	s31 =	simm.s32 $0x1;
	v26 =	vimm.f32 $0.0e+00;
	v31 =	vimm.f32 $0.0e+00;
	v34 =	vld.idx.msk [tilespmem:v29+s14+$0x0], $0xffff;
	v29 =	vimm.f32 $0.0e+00  }
.LBB2_7:
0x9d: {  	v47 =	vor.u32 s31, v24;
	p0 =	sne.s32 s31, $0x3F;
	v44 =	vld.idx.msk [tilespmem:v44+s14+$0x0], $0xffff  }
0x9e: {  	v48 =	vld.idx.msk [tilespmem:v45+s13+$0x0], $0xffff  }
0x9f: {  	v49 =	vor.u32 s31, v23;
	v45 =	vld.idx.msk [tilespmem:v45+s14+$0x0], $0xffff  }
0xa0: {  	v50 =	vld.idx.msk [tilespmem:v46+s13+$0x0], $0xffff  }
0xa1: {  	v51 =	vor.u32 s31, v22;
	v46 =	vld.idx.msk [tilespmem:v46+s14+$0x0], $0xffff  }
0xa2: {  	v52 =	vmul.f32 v27, v25;
	v25 =	vld.idx.msk [tilespmem:v47+s13+$0x0], $0xffff  }
0xa3: {  	v53 =	vor.u32 s31, v21;
	v33 =	vmul.f32 v34, v33;
	v34 =	vmul.f32 v30, v28;
	v27 =	vld.idx.msk [tilespmem:v47+s14+$0x0], $0xffff  }
0xa4: {  	v37 =	vmul.f32 v39, v37;
	v26 =	vadd.f32 v52, v26;
	v28 =	vld.idx.msk [tilespmem:v49+s13+$0x0], $0xffff  }
0xa5: {  	v31 =	vadd.f32 v33, v31;
	v29 =	vadd.f32 v34, v29;
	v47 =	vor.u32 s31, v20;
	v30 =	vld.idx.msk [tilespmem:v49+s14+$0x0], $0xffff  }
0xa6: {  	v41 =	vmul.f32 v42, v41;
	v32 =	vadd.f32 v37, v32;
	v39 =	vmul.f32 v44, v43;
	v33 =	vld.idx.msk [tilespmem:v51+s13+$0x0], $0xffff  }
0xa7: {  	v44 =	vor.u32 s31, v19;
	v43 =	vmul.f32 v45, v48;
	v42 =	vmul.f32 v46, v50;
	v34 =	vld.idx.msk [tilespmem:v51+s14+$0x0], $0xffff  }
.Ltmp2:
0xa8: {  	v35 =	vadd.f32 v41, v35;
	v36 =	vadd.f32 v39, v36;
	v37 =	vld.idx.msk [tilespmem:v53+s13+$0x0], $0xffff;
	(pc) =	sbr.rel @p0 .LBB2_7-.Ltmp2, $4  }
0xa9: {  	v45 =	vor.u32 s31, v18;
	v38 =	vadd.f32 v43, v38;
	v40 =	vadd.f32 v42, v40;
	v39 =	vld.idx.msk [tilespmem:v53+s14+$0x0], $0xffff  }
0xaa: {  	v41 =	vld.idx.msk [tilespmem:v47+s13+$0x0], $0xffff  }
0xab: {  	v46 =	vor.u32 s31, v17;
	v42 =	vld.idx.msk [tilespmem:v47+s14+$0x0], $0xffff  }
0xac: {  	s31 =	sadd.s32 $0x1, s31;
	v43 =	vld.idx.msk [tilespmem:v44+s13+$0x0], $0xffff  }
0xad: {  	_ =	sdelay $0x3  }
0xae: {  	v47 =	vld.idx.msk [tilespmem:v46+s13+$0x0], $0xffff  }
0xaf: {  	v54 =	vld.idx.msk [tilespmem:v46+s14+$0x0], $0xffff;
	v33 =	vmul.f32 v34, v33  }
0xb0: {  	v48 =	vld.idx.msk [tilespmem:v45+s13+$0x0], $0xffff;
	v28 =	vmul.f32 v30, v28  }
0xb1: {  	v55 =	vld.idx.msk [tilespmem:v45+s14+$0x0], $0xffff;
	v25 =	vmul.f32 v27, v25;
	v31 =	vadd.f32 v33, v31  }
0xb2: {  	v44 =	vld.idx.msk [tilespmem:v44+s14+$0x0], $0xffff;
	v37 =	vmul.f32 v39, v37;
	v28 =	vadd.f32 v28, v29  }
0xb3: {  	v27 =	vld [tilespmem:$0x102E0];
	v25 =	vadd.f32 v25, v26;
	v31 =	vmul.f32 $1.250000000e-01, v31  }
0xb4: {  	v60 =	vld [tilespmem:$0x102C0];
	v32 =	vadd.f32 v37, v32;
	v28 =	vmul.f32 $1.250000000e-01, v28  }
0xb5: {  	v26 =	vld [tilespmem:$0x102F0];
	v25 =	vmul.f32 $1.250000000e-01, v25;
	[tilespmem:$0x101E0] =	vst v31  }
0xb6: {  	v41 =	vmul.f32 v42, v41;
	v32 =	vmul.f32 $1.250000000e-01, v32;
	[tilespmem:$0x10220] =	vst v28  }
0xb7: {  	v30 =	vld [tilespmem:$0x102D0];
	[tilespmem:$0x10260] =	vst v25  }
0xb8: {  	v59 =	vld [tilespmem:$0x102B0];
	v35 =	vadd.f32 v41, v35;
	v27 =	vmax.f32 v27, v28;
	[tilespmem:$0x101A0] =	vst v32  }
0xb9: {  	v46 =	vmul.f32 v54, v47;
	v29 =	vmax.f32 v60, v32;
	[tilespmem:$0x102E0] =	vst v27  }
0xba: {  	v45 =	vmul.f32 v55, v48;
	v35 =	vmul.f32 $1.250000000e-01, v35;
	v25 =	vmax.f32 v26, v25;
	[tilespmem:$0x102C0] =	vst v29  }
0xbb: {  	v43 =	vmul.f32 v44, v43;
	v40 =	vadd.f32 v46, v40;
	[tilespmem:$0x102F0] =	vst v25  }
0xbc: {  	v56 =	vld [tilespmem:$0x10280];
	v38 =	vadd.f32 v45, v38;
	v29 =	vmax.f32 v30, v31;
	[tilespmem:$0x10160] =	vst v35  }
0xbd: {  	v58 =	vld [tilespmem:$0x102A0];
	v36 =	vadd.f32 v43, v36;
	v40 =	vmul.f32 $1.250000000e-01, v40;
	v61 =	vmax.f32 v59, v35;
	[tilespmem:$0x102D0] =	vst v29  }
0xbe: {  	v57 =	vld [tilespmem:$0x10290];
	v38 =	vmul.f32 $1.250000000e-01, v38;
	[tilespmem:$0x102B0] =	vst v61  }
0xbf: {  	s0 =	simm.s32 $0x0;
	v32 =	vor.u32 $0x61C0, v0;
	v36 =	vmul.f32 $1.250000000e-01, v36;
	[tilespmem:$0x100A0] =	vst v40  }
0xc0: {  	v29 =	vor.u32 s0, v32;
	[tilespmem:$0x100E0] =	vst v38  }
0xc1: {  	v35 =	vor.u32 $0x6180, v0;
	v40 =	vmax.f32 v56, v40;
	[tilespmem:$0x10120] =	vst v36  }
0xc2: {  	v28 =	vor.u32 s0, v35;
	v36 =	vmax.f32 v58, v36;
	[tilespmem:$0x10280] =	vst v40  }
0xc3: {  	v38 =	vmax.f32 v57, v38;
	[tilespmem:$0x102A0] =	vst v36;
	v36 =	vor.u32 $0x6140, v0  }
0xc4: {  	[tilespmem:$0x10290] =	vst v38;
	v30 =	vor.u32 s0, v36  }
0xc5: {  	v38 =	vor.u32 $0x6100, v0;
	v25 =	vld.idx.msk [tilespmem:v29+s13+$0x0], $0xffff  }
0xc6: {  	v62 =	vor.u32 s0, v38;
	v27 =	vld.idx.msk [tilespmem:v29+s14+$0x0], $0xffff  }
0xc7: {  	v40 =	vor.u32 $0x60C0, v0;
	v29 =	vld.idx.msk [tilespmem:v28+s13+$0x0], $0xffff  }
0xc8: {  	v63 =	vor.u32 s0, v40;
	v31 =	vld.idx.msk [tilespmem:v28+s14+$0x0], $0xffff  }
0xc9: {  	v42 =	vor.u32 $0x6080, v0;
	v34 =	vld.idx.msk [tilespmem:v30+s13+$0x0], $0xffff  }
0xca: {  	v51 =	vor.u32 s0, v42;
	v37 =	vld.idx.msk [tilespmem:v30+s14+$0x0], $0xffff  }
0xcb: {  	v39 =	vimm.f32 $0.0e+00;
	v33 =	vimm.f32 $0.0e+00;
	v43 =	vor.u32 $0x6040, v0;
	v44 =	vld.idx.msk [tilespmem:v62+s13+$0x0], $0xffff  }
0xcc: {  	v41 =	vimm.f32 $0.0e+00;
	v47 =	vimm.f32 $0.0e+00;
	v52 =	vor.u32 s0, v43;
	v49 =	vld.idx.msk [tilespmem:v62+s14+$0x0], $0xffff  }
0xcd: {  	v26 =	vimm.f32 $0.0e+00;
	v46 =	vor.u32 $0x6000, v0;
	v45 =	vimm.f32 $0.0e+00;
	v48 =	vld.idx.msk [tilespmem:v63+s13+$0x0], $0xffff  }
0xce: {  	s31 =	simm.s32 $0x1;
	v53 =	vor.u32 s0, v46;
	v28 =	vimm.f32 $0.0e+00;
	v30 =	vimm.f32 $0.0e+00;
	v50 =	vld.idx.msk [tilespmem:v63+s14+$0x0], $0xffff  }
.LBB2_9:
0xcf: {  	p0 =	sne.s32 s31, $0x3F;
	v54 =	vld.idx.msk [tilespmem:v51+s13+$0x0], $0xffff  }
0xd0: {  	v55 =	vor.u32 s31, v32;
	v51 =	vld.idx.msk [tilespmem:v51+s14+$0x0], $0xffff  }
0xd1: {  	v56 =	vld.idx.msk [tilespmem:v52+s13+$0x0], $0xffff  }
0xd2: {  	v57 =	vor.u32 s31, v35;
	v52 =	vld.idx.msk [tilespmem:v52+s14+$0x0], $0xffff  }
0xd3: {  	v58 =	vld.idx.msk [tilespmem:v53+s13+$0x0], $0xffff  }
0xd4: {  	v59 =	vor.u32 s31, v36;
	v53 =	vld.idx.msk [tilespmem:v53+s14+$0x0], $0xffff  }
0xd5: {  	v31 =	vmul.f32 v31, v29;
	v60 =	vmul.f32 v27, v25;
	v25 =	vld.idx.msk [tilespmem:v55+s13+$0x0], $0xffff  }
0xd6: {  	v61 =	vor.u32 s31, v38;
	v34 =	vmul.f32 v37, v34;
	v44 =	vmul.f32 v49, v44;
	v27 =	vld.idx.msk [tilespmem:v55+s14+$0x0], $0xffff  }
0xd7: {  	v26 =	vadd.f32 v31, v26;
	v28 =	vadd.f32 v60, v28;
	v29 =	vld.idx.msk [tilespmem:v57+s13+$0x0], $0xffff  }
0xd8: {  	v30 =	vadd.f32 v34, v30;
	v33 =	vadd.f32 v44, v33;
	v55 =	vor.u32 s31, v40;
	v31 =	vld.idx.msk [tilespmem:v57+s14+$0x0], $0xffff  }
0xd9: {  	v48 =	vmul.f32 v50, v48;
	v49 =	vmul.f32 v51, v54;
	v34 =	vld.idx.msk [tilespmem:v59+s13+$0x0], $0xffff  }
.Ltmp3:
0xda: {  	v51 =	vor.u32 s31, v42;
	v50 =	vmul.f32 v53, v58;
	v53 =	vmul.f32 v52, v56;
	v37 =	vld.idx.msk [tilespmem:v59+s14+$0x0], $0xffff;
	(pc) =	sbr.rel @p0 .LBB2_9-.Ltmp3, $4  }
0xdb: {  	v39 =	vadd.f32 v48, v39;
	v41 =	vadd.f32 v49, v41;
	v44 =	vld.idx.msk [tilespmem:v61+s13+$0x0], $0xffff  }
0xdc: {  	v52 =	vor.u32 s31, v43;
	v47 =	vadd.f32 v50, v47;
	v45 =	vadd.f32 v53, v45;
	v49 =	vld.idx.msk [tilespmem:v61+s14+$0x0], $0xffff  }
0xdd: {  	v48 =	vld.idx.msk [tilespmem:v55+s13+$0x0], $0xffff  }
0xde: {  	v53 =	vor.u32 s31, v46;
	s31 =	sadd.s32 $0x1, s31;
	v50 =	vld.idx.msk [tilespmem:v55+s14+$0x0], $0xffff  }
0xdf: {  	_ =	sdelay $0x3  }
0xe0: {  	v32 =	vld.idx.msk [tilespmem:v53+s13+$0x0], $0xffff  }
0xe1: {  	v35 =	vld.idx.msk [tilespmem:v53+s14+$0x0], $0xffff  }
0xe2: {  	v36 =	vld.idx.msk [tilespmem:v52+s13+$0x0], $0xffff;
	v34 =	vmul.f32 v37, v34  }
0xe3: {  	v38 =	vld.idx.msk [tilespmem:v52+s14+$0x0], $0xffff;
	v29 =	vmul.f32 v31, v29  }
0xe4: {  	v40 =	vld.idx.msk [tilespmem:v51+s13+$0x0], $0xffff;
	v25 =	vmul.f32 v27, v25;
	v30 =	vadd.f32 v34, v30  }
0xe5: {  	v60 =	vld [tilespmem:$0x102D0];
	v26 =	vadd.f32 v29, v26  }
0xe6: {  	v27 =	vld [tilespmem:$0x102E0];
	v25 =	vadd.f32 v25, v28;
	v30 =	vmul.f32 $1.250000000e-01, v30  }
0xe7: {  	v62 =	vld [tilespmem:$0x102F0];
	v26 =	vmul.f32 $1.250000000e-01, v26  }
0xe8: {  	v42 =	vld.idx.msk [tilespmem:v51+s14+$0x0], $0xffff;
	v54 =	vmul.f32 v49, v44;
	v25 =	vmul.f32 $1.250000000e-01, v25;
	[tilespmem:$0x101F0] =	vst v30  }
0xe9: {  	v57 =	vld [tilespmem:$0x102C0];
	[tilespmem:$0x10230] =	vst v26  }
0xea: {  	v52 =	vmul.f32 v50, v48;
	v33 =	vadd.f32 v54, v33;
	v63 =	vmax.f32 v60, v30;
	[tilespmem:$0x10270] =	vst v25  }
0xeb: {  	v32 =	vmul.f32 v35, v32;
	v36 =	vmul.f32 v38, v36;
	v26 =	vmax.f32 v27, v26;
	[tilespmem:$0x102D0] =	vst v63  }
0xec: {  	v39 =	vadd.f32 v52, v39;
	v33 =	vmul.f32 $1.250000000e-01, v33;
	v25 =	vmax.f32 v62, v25;
	[tilespmem:$0x102E0] =	vst v26  }
0xed: {  	v40 =	vmul.f32 v42, v40;
	v32 =	vadd.f32 v32, v47;
	[tilespmem:$0x102F0] =	vst v25  }
0xee: {  	v46 =	vld [tilespmem:$0x10280];
	v36 =	vadd.f32 v36, v45;
	v59 =	vmul.f32 $1.250000000e-01, v39;
	[tilespmem:$0x101B0] =	vst v33;
	v61 =	vmax.f32 v57, v33  }
0xef: {  	v51 =	vld [tilespmem:$0x10290];
	v40 =	vadd.f32 v40, v41;
	v32 =	vmul.f32 $1.250000000e-01, v32;
	[tilespmem:$0x102C0] =	vst v61  }
0xf0: {  	v43 =	vld [tilespmem:$0x102A0];
	v53 =	vmul.f32 $1.250000000e-01, v36;
	[tilespmem:$0x10170] =	vst v59  }
0xf1: {  	v55 =	vld [tilespmem:$0x102B0];
	v56 =	vmul.f32 $1.250000000e-01, v40;
	[tilespmem:$0x100B0] =	vst v32  }
0xf2: {  	[tilespmem:$0x100F0] =	vst v53  }
0xf3: {  	v32 =	vmax.f32 v46, v32;
	[tilespmem:$0x10130] =	vst v56  }
0xf4: {  	v35 =	vmax.f32 v51, v53;
	[tilespmem:$0x10280] =	vst v32  }
0xf5: {  	v58 =	vmax.f32 v43, v56;
	[tilespmem:$0x10290] =	vst v35  }
0xf6: {  	[tilespmem:$0x102A0] =	vst v58;
	v32 =	vmax.f32 v55, v59  }
0xf7: {  	s0 =	sadd.s32 s1, s30;
	[tilespmem:$0x102B0] =	vst v32  }
0xf8: {  	[hbm4b:s0+s3] =	stream.linear.scatter [tilespmem:s17], [sflag:$0x3], $0x40, $0x38;
	[tilespmem:$0x10300] =	vst v63  }
0xf9: {  	s30 =	sadd.s32 $0x5000, s0  }
0xfa: {  	[hbm4b:s30+s3] =	stream.linear.scatter [tilespmem:s18], [sflag:$0x3], $0x40, $0x38;
	[tilespmem:$0x10300] =	vst v63  }
0xfb: {  	s31 =	sadd.s32 $0xA000, s0  }
0xfc: {  	[hbm4b:s31+s3] =	stream.linear.scatter [tilespmem:s19], [sflag:$0x3], $0x40, $0x38;
	[tilespmem:$0x10300] =	vst v63  }
0xfd: {  	s31 =	sadd.s32 $0xF000, s0  }
0xfe: {  	[hbm4b:s31+s3] =	stream.linear.scatter [tilespmem:s20], [sflag:$0x3], $0x40, $0x38;
	[tilespmem:$0x10300] =	vst v63  }
0xff: {  	s31 =	sadd.s32 $0x14000, s0  }
0x100: {  	[hbm4b:s31+s3] =	stream.linear.scatter [tilespmem:s21], [sflag:$0x3], $0x40, $0x38;
	[tilespmem:$0x10300] =	vst v63  }
0x101: {  	s31 =	sadd.s32 $0x19000, s0  }
0x102: {  	[hbm4b:s31+s3] =	stream.linear.scatter [tilespmem:s22], [sflag:$0x3], $0x40, $0x38;
	[tilespmem:$0x10300] =	vst v63  }
0x103: {  	s31 =	sadd.s32 $0x1E000, s0  }
0x104: {  	[hbm4b:s31+s3] =	stream.linear.scatter [tilespmem:s23], [sflag:$0x3], $0x40, $0x38;
	[tilespmem:$0x10300] =	vst v63  }
0x105: {  	s0 =	sadd.s32 $0x23000, s0  }
0x106: {  	[hbm4b:s0+s3] =	stream.linear.scatter [tilespmem:s24], [sflag:$0x3], $0x40, $0x38;
	[tilespmem:$0x10300] =	vst v63  }
0x107: {  	_ =	swait.ge [sflag:s25], $0x40  }
0x108: {  	[sflag:s25] =	ssyncset.done $0x0  }
0x109: {  	[sflag:s25] =	ssyncadd.s32 $0xFFFFFFC0  }
0x10a: {  	_ =	swait.ge [sflag:s25], $0x40  }
0x10b: {  	[sflag:s25] =	ssyncset.done $0x0  }
0x10c: {  	[sflag:s25] =	ssyncadd.s32 $0xFFFFFFC0  }
0x10d: {  	_ =	swait.ge [sflag:s25], $0x40  }
0x10e: {  	[sflag:s25] =	ssyncset.done $0x0  }
0x10f: {  	[sflag:s25] =	ssyncadd.s32 $0xFFFFFFC0  }
0x110: {  	_ =	swait.ge [sflag:s25], $0x40  }
0x111: {  	[sflag:s25] =	ssyncset.done $0x0  }
0x112: {  	[sflag:s25] =	ssyncadd.s32 $0xFFFFFFC0  }
0x113: {  	_ =	swait.ge [sflag:s25], $0x40  }
0x114: {  	[sflag:s25] =	ssyncset.done $0x0  }
0x115: {  	[sflag:s25] =	ssyncadd.s32 $0xFFFFFFC0  }
0x116: {  	_ =	swait.ge [sflag:s25], $0x40  }
0x117: {  	[sflag:s25] =	ssyncset.done $0x0  }
0x118: {  	s29 =	sadd.s32 $0x1, s29;
	[sflag:s25] =	ssyncadd.s32 $0xFFFFFFC0  }
0x119: {  	p0 =	sne.s32 s29, $0x50;
	_ =	swait.ge [sflag:s25], $0x40  }
.Ltmp4:
0x11a: {  	[sflag:s25] =	ssyncset.done $0x0;
	(pc) =	sbr.rel @p0 .LBB2_2-.Ltmp4, $4  }
0x11b: {  	[sflag:s25] =	ssyncadd.s32 $0xFFFFFFC0  }
0x11c: {  	_ =	swait.ge [sflag:s25], $0x40  }
0x11d: {  	[sflag:s25] =	ssyncset.done $0x0  }
0x11e: {  	[sflag:s25] =	ssyncadd.s32 $0xFFFFFFC0  }
0x11f: {  	s28 =	sadd.s32 $0x1, s28  }
0x120: {  	p0 =	sne.s32 s28, s10  }
.Ltmp5:
0x121: {  	_ = 	snop;
	(pc) =	sbr.rel @p0 .LBB2_1-.Ltmp5, $4  }
0x122: {  	[hbm4b:s9+s3] =	stream.linear.scatter [tilespmem:s26], [sflag:$0x4], $0x80, $0x38;
	[tilespmem:$0x10300] =	vst v63  }
0x123: {  	_ =	swait.ge [sflag:s11], $0x80  }
0x124: {  	[sflag:s11] =	ssyncset.done $0x0  }
0x125: {  	[sflag:s11] =	ssyncadd.s32 $0xFFFFFF80  }
0x126: {  	_ =	sfence.sel $0x180000  }
0x127: {  	[bflag:$0x0] =	sbarrier.arrive $0xFFFF  }
0x128: {  	_ =	strace $0x90000047  }
0x129: {  	[bflag:$0x2] =	sbarrier.arrive $0xFFFF  }
0x12a: {  	p0 =	sne.s32 s2, $0x0;
	s0 =	rddreg [dreg:$0x2]  }
0x12b: {  	s0 =	sadd.s32 @!p0 $0x100000, s0  }
0x12c: {  	[sflag:s0] =	ssyncadd.tile.s32 @!p0 $0x1;
	_ =	shalt  }
.Lfunc_end2:
_tile_overlayer_lowered:
.L_overlay_start_2:
0x12d: {  	(tag) =	ssettag $0x2  }
0x12e: {  	s0 =	rddreg [dreg:$0x0];
	s2 =	stileid.u32  }
0x12f: {  	s1 =	rddreg [dreg:$0x1];
	p0 =	sne.s32 s2, $0x0  }
0x130: {  	s3 =	rddreg [dreg:$0x2];
	[bflag:$0x3] =	sbarrier.arrive $0xFFFF;
	s2 =	simm.s32 @!p0 $0x1C04  }
0x131: {  	[timem:s3], [sflag:s2] =	dma.local @!p0 [hbm:s0], s1  }
0x132: {  	s0 =	simm.s32 @!p0 $0x4  }
0x133: {  	_ =	swait.ge @!p0 [sflag:s0], s1  }
0x134: {  	s1 =	ssub.s32 @!p0 $0x0, s1;
	[sflag:s0] =	ssyncset.done @!p0 $0x0  }
0x135: {  	[sflag:s0] =	ssyncadd.s32 @!p0 s1  }
0x136: {  	[bflag:$0x3] =	sbarrier.arrive $0xFFFF  }
0x137: {  	_ =	shalt  }

// kernel: kernel.9.cloned.1.call-start
scs
__scs_entry_jumppad:
0x0: {  	(pc) =	sbr.rel $0x88, $3  }
0x1: {  	(tag) =	ssettag $0x0;
	lr =	simm.s32 $0x1  }
0x2: {  	[smem:$0x3F88] =	sst lr;
	_ =	strace $0xD0000000  }
0x3: {  	_ = 	snop  }
0x4: {  	_ = 	snop  }
0x5: {  	_ = 	snop  }
0x6: {  	_ = 	snop  }
0x7: {  	_ = 	snop  }
__scs_overlays_trampoline_lowered:
0x8: {  	[smem:$0x3F97] =	sst s0  }
0x9: {  	[smem:$0x3F98] =	sst s1  }
0xa: {  	[smem:$0x3F99] =	sst s2  }
0xb: {  	[smem:$0x3F9A] =	sst s3  }
0xc: {  	[smem:$0x3F9B] =	sst s4  }
0xd: {  	[smem:$0x3F9C] =	sst s5  }
0xe: {  	[smem:$0x3F9D] =	sst s6  }
0xf: {  	[smem:$0x3F9E] =	sst s7  }
0x10: {  	[smem:$0x3F9F] =	sst s8  }
0x11: {  	[smem:$0x3FA0] =	sst s9;
	s0 =	simm.s32 @!p0 $0x0  }
0x12: {  	s1 =	sld [smem:$0x3F86];
	s0 =	simm.s32 @p0 $0x1  }
0x13: {  	[smem:$0x3FA1] =	sst s0;
	s0 =	simm.s32 @!p1 $0x0  }
0x14: {  	s2 =	sld [smem:$0x3F85];
	s0 =	simm.s32 @p1 $0x1  }
0x15: {  	[smem:$0x3FA2] =	sst s0;
	s0 =	simm.s32 @!p2 $0x0  }
0x16: {  	s3 =	sld [smem:$0x3FDB];
	s0 =	simm.s32 @p2 $0x1  }
0x17: {  	s4 =	simm.s32 $0x1BF5;
	[smem:$0x3FA4] =	sst s0  }
0x18: {  	s0 =	sld [smem:$0x3F87];
	_ =	swait.ge [sflag:s4], $0x0  }
0x19: {  	s7 =	sld [smem:$0x3F88]  }
0x1a: {  	s8 =	sadd.s32 $0xFFFFE003, lr  }
0x1b: {  	s9 =	sadd.s32 $0xFFFFFEF7, lr;
	s5 =	simm.s32 $0xFFFFFFFF;
	p2 =	slt.u32 s8, $0xFFFFF086  }
0x1c: {  	p1 =	slt.u32 s9, $0xF7A;
	s5 =	simm.s32 @!p2 $0x0  }
0x1d: {  	s5 =	simm.s32 @p1 $0x1;
	p0 =	seq.s32 s7, s2  }
0x1e: {  	s7 =	smul.u32 @!p0 $0xF7A, s2;
	p2 =	seq.s32 @!p0 s5, $0x0  }
0x1f: {  	s9 =	smul.u32 $0xF7A, s1;
	s8 =	simm.s32 @!p0 $0x1BF5;
	p2 =	por !p2, p0  }
0x20: {  	[sflag:s8] =	ssyncset.s32 @!p0 $0xFFFFF086;
	s6 =	sadd.s32 @!p0 s3, s7;
	s7 =	simm.s32 @!p0 $0x108  }
0x21: {  	s3 =	sadd.s32 s3, s9;
	s6 =	sadd.s32 @!p0 $0x88, s6;
	s7 =	simm.s32 @p2 $0x1082  }
0x22: {  	[simem:s7], [sflag:s8] =	dma.local @!p0 [hbm:s6], $0xF7A  }
0x23: {  	s9 =	sor.u32 $0xD0000000, s2;
	s6 =	simm.s32 $0x108;
	_ =	swait.ge @!p0 [sflag:s8], $0x0  }
0x24: {  	s3 =	sadd.s32 $0x88, s3;
	s6 =	simm.s32 @!p1 $0x1082;
	[sflag:s4] =	ssyncset.s32 $0xFFFFF086  }
0x25: {  	[simem:s6], [sflag:s4] =	dma.local [hbm:s3], $0xF7A  }
0x26: {  	[smem:$0x3F88] =	sst s1;
	(tag) =	ssettag s2;
	_ =	strace s9  }
0x27: {  	s1 =	sld [smem:$0x3F98]  }
0x28: {  	s2 =	sld [smem:$0x3F99]  }
0x29: {  	s4 =	sld [smem:$0x3F9B]  }
0x2a: {  	p0 =	seq.s32 s5, $0x0;
	s5 =	sld [smem:$0x3F9C]  }
0x2b: {  	s6 =	sld [smem:$0x3F9D]  }
0x2c: {  	s7 =	sld [smem:$0x3F9E]  }
0x2d: {  	s3 =	simm.s32 $0x108;
	s8 =	sld [smem:$0x3F9F]  }
0x2e: {  	s3 =	simm.s32 @!p0 $0x1082;
	s9 =	sld [smem:$0x3FA0]  }
0x2f: {  	lr =	sadd.s32 s0, s3;
	s0 =	sld [smem:$0x3F97]  }
0x30: {  	s3 =	sld [smem:$0x3F9A]  }
0x31: {  	[smem:$0x3FA3] =	sst s10  }
0x32: {  	s10 =	sld [smem:$0x3FA1];
	_ =	sdelay $0x3  }
0x33: {  	p0 =	seq.s32 s10, $0x1;
	s10 =	sld [smem:$0x3FA3];
	_ =	sdelay $0x3  }
0x34: {  	[smem:$0x3FA3] =	sst s10  }
0x35: {  	s10 =	sld [smem:$0x3FA2];
	_ =	sdelay $0x3  }
0x36: {  	p1 =	seq.s32 s10, $0x1;
	s10 =	sld [smem:$0x3FA3];
	_ =	sdelay $0x3  }
0x37: {  	[smem:$0x3FA3] =	sst s10  }
0x38: {  	s10 =	sld [smem:$0x3FA4]  }
0x39: {  	_ = 	snop;
	(pc) =	sbr.ind lr, $3  }
0x3a: {  	_ = 	snop  }
0x3b: {  	_ = 	snop  }
0x3c: {  	p2 =	seq.s32 s10, $0x1;
	s10 =	sld [smem:$0x3FA3]  }
0x3d: {  	_ =	shalt  }
0x3e: {  	_ =	shalt  }
0x3f: {  	_ =	shalt  }
0x40: {  	_ =	shalt  }
0x41: {  	_ =	shalt  }
0x42: {  	_ =	shalt  }
0x43: {  	_ =	shalt  }
0x44: {  	_ =	shalt  }
0x45: {  	_ =	shalt  }
0x46: {  	_ =	shalt  }
0x47: {  	_ =	shalt  }
0x48: {  	_ =	shalt  }
0x49: {  	_ =	shalt  }
0x4a: {  	_ =	shalt  }
0x4b: {  	_ =	shalt  }
0x4c: {  	_ =	shalt  }
0x4d: {  	_ =	shalt  }
0x4e: {  	_ =	shalt  }
0x4f: {  	_ =	shalt  }
0x50: {  	_ =	shalt  }
0x51: {  	_ =	shalt  }
0x52: {  	_ =	shalt  }
0x53: {  	_ =	shalt  }
0x54: {  	_ =	shalt  }
0x55: {  	_ =	shalt  }
0x56: {  	_ =	shalt  }
0x57: {  	_ =	shalt  }
0x58: {  	_ =	shalt  }
0x59: {  	_ =	shalt  }
0x5a: {  	_ =	shalt  }
0x5b: {  	_ =	shalt  }
0x5c: {  	_ =	shalt  }
0x5d: {  	_ =	shalt  }
0x5e: {  	_ =	shalt  }
0x5f: {  	_ =	shalt  }
0x60: {  	_ =	shalt  }
0x61: {  	_ =	shalt  }
0x62: {  	_ =	shalt  }
0x63: {  	_ =	shalt  }
0x64: {  	_ =	shalt  }
0x65: {  	_ =	shalt  }
0x66: {  	_ =	shalt  }
0x67: {  	_ =	shalt  }
0x68: {  	_ =	shalt  }
0x69: {  	_ =	shalt  }
0x6a: {  	_ =	shalt  }
0x6b: {  	_ =	shalt  }
0x6c: {  	_ =	shalt  }
0x6d: {  	_ =	shalt  }
0x6e: {  	_ =	shalt  }
0x6f: {  	_ =	shalt  }
0x70: {  	_ =	shalt  }
0x71: {  	_ =	shalt  }
0x72: {  	_ =	shalt  }
0x73: {  	_ =	shalt  }
0x74: {  	_ =	shalt  }
0x75: {  	_ =	shalt  }
0x76: {  	_ =	shalt  }
0x77: {  	_ =	shalt  }
0x78: {  	_ =	shalt  }
0x79: {  	_ =	shalt  }
0x7a: {  	_ =	shalt  }
0x7b: {  	_ =	shalt  }
0x7c: {  	_ =	shalt  }
0x7d: {  	_ =	shalt  }
0x7e: {  	_ =	shalt  }
0x7f: {  	_ =	shalt  }
0x80: {  	_ =	shalt  }
0x81: {  	_ =	shalt  }
0x82: {  	_ =	shalt  }
0x83: {  	_ =	shalt  }
0x84: {  	_ =	shalt  }
0x85: {  	_ =	shalt  }
0x86: {  	_ =	shalt  }
0x87: {  	_ =	shalt  }
.Lfunc_end0:
.L_simem_size_0:
called_computation.1_lowered:
.L_overlay_start_0:
0x88: {  	s2 =	sld [smem:$0x3FD9]  }
0x89: {  	s3 =	sld [smem:$0x3FFE];
	_ =	sdelay $0x1  }
0x8a: {  	s1 =	srdreg.scid  }
0x8b: {  	s0 =	sand.u32 $0x1, s1  }
0x8c: {  	s17 =	sshll.u32 s0, $0xA;
	s2 =	sadd.s32 s3, s2  }
0x8d: {  	s2 =	sadd.s32 s2, s17  }
0x8e: {  	[smem:$0x3FAF] =	sst s2  }
0x8f: {  	_ = 	snop  }
0x90: {  	s2 =	sld [smem:$0x3FD0];
	(tm) =	ssettm $0x1  }
0x91: {  	s18 =	sld [smem:$0x3FFB];
	_ =	sdelay $0x3  }
0x92: {  	_ =	strace s18  }
0x93: {  	s3 =	sld [smem:$0x3FFC];
	_ =	sdelay $0x3  }
0x94: {  	_ =	strace s3  }
0x95: {  	s3 =	sld [smem:$0x3FFD];
	_ =	sdelay $0x3  }
0x96: {  	_ =	strace s3  }
0x97: {  	_ =	strace $0x8FFFFFFF  }
0x98: {  	s19 =	sld [smem:$0x3FDB];
	_ =	sdelay $0x1  }
0x99: {  	s4 =	simm.s32 $_scs_section_size  }
0x9a: {  	s5 =	simm.s32 $_size__tile_overlayer_lowered;
	s6 =	simm.s32 $_tile_overlayer_lowered  }
0x9b: {  	s22 =	simm.s32 $0x1BFF;
	s21 =	sshll.u32 s6, $0x1;
	s3 =	sadd.s32 s4, s19  }
0x9c: {  	s7 =	simm.s32 $0x0;
	s20 =	sshll.u32 s5, $0x1;
	s5 =	sadd.s32 s21, s3  }
0x9d: {  	[timem:s7], [sflag:s22] =	dma.local [hbm:s5], s20  }
0x9e: {  	_ =	swait.ge [sflag:s22], s20  }
0x9f: {  	s4 =	ssub.s32 $0x0, s20;
	[sflag:s22] =	ssyncset.done $0x0  }
0xa0: {  	[sflag:s22] =	ssyncadd.s32 s4;
	_ =	sdelay $0x1  }
0xa1: {  	s23 =	simm.s32 $0x1B8B  }
0xa2: {  	_ =	swait.ge [sflag:s23], $0x1  }
0xa3: {  	[sflag:s23] =	ssyncset.done $0x0  }
0xa4: {  	s25 =	simm.s32 $0x1B8E;
	s24 =	sld [smem:$0x3FFE];
	[sflag:s23] =	ssyncadd.s32 $0xFFFFFFFF  }
0xa5: {  	s26 =	simm.s32 $execute0_lowered;
	[smem:$0x3FD2] =	sst s25  }
0xa6: {  	s5 =	sshll.u32 s26, $0x1;
	_ =	strace $0x80000049;
	[dreg:$0x1] =	wrdreg $0xFFFFFFFF  }
0xa7: {  	s28 =	simm.s32 $_size_execute0_lowered;
	s3 =	sadd.s32 s3, s5;
	[dreg:$0x0] =	wrdreg $0x0  }
0xa8: {  	s5 =	sshll.u32 s28, $0x1;
	[dreg:$0x2] =	wrdreg s3  }
0xa9: {  	[dreg:$0x3] =	wrdreg s5  }
0xaa: {  	[dreg:$0x4] =	wrdreg $0xC0  }
0xab: {  	_ =	task [dreg:s7], $0x5FFFF  }
0xac: {  	[dreg:$0x1] =	wrdreg $0xFFFFFFFF  }
0xad: {  	[dreg:$0x0] =	wrdreg $0x60  }
0xae: {  	[dreg:$0x2] =	wrdreg s24  }
0xaf: {  	[dreg:$0x3] =	wrdreg s2  }
0xb0: {  	[dreg:$0x4] =	wrdreg $0x0  }
0xb1: {  	[dreg:$0x5] =	wrdreg $0x9  }
0xb2: {  	_ =	task.clear_ibuf [dreg:s7], $0x6FFFF;
	_ =	strace $0x90000049  }
0xb3: {  	s29 =	simm.s32 $0x9;
	_ =	strace $0x8000004B  }
0xb4: {  	_ =	swait.ge [sflag:s29], $0x1  }
0xb5: {  	[sflag:s29] =	ssyncadd.s32 $0xFFFFFFFF  }
0xb6: {  	_ =	strace $0x9000004B  }
0xb7: {  	_ =	sfence  }
0xb8: {  	s30 =	sld [smem:$0x0];
	_ =	sdelay $0x2  }
0xb9: {  	s31 =	sshll.u32 s1, $0xD;
	s1 =	sshrl.u32 s1, $0x2  }
0xba: {  	s3 =	sand.u32 $0x4000, s31;
	s1 =	sadd.s32 s1, s30  }
0xbb: {  	s0 =	sor.u32 s3, s0;
	s1 =	sshll.u32 s1, $0x11  }
0xbc: {  	s0 =	sor.u32 s1, s0  }
0xbd: {  	s0 =	sadd.s32 $0x8F2B, s0  }
0xbe: {  	[sflag:s0] =	ssyncadd.remote.s32 $0x1  }
0xbf: {  	_ =	sfence.sel $0xFFFF  }
0xc0: {  	[dreg:$0x0] =	wrdreg $0xFFFFFFFF;
	(pc) =	sbr.abs _section_cstart, $3  }
0xc1: {  	[dreg:$0x1] =	wrdreg $0xFFFFFFFF  }
0xc2: {  	_ =	task.clear_ibuf [dreg:s7], $0x2FFFF;
	_ =	strace $0x9FFFFFFF  }
0xc3: {  	(tm) =	ssettm $0x7FFFFFFF  }
tec
execute0_lowered:
.L_overlay_start_1:
0x0: {  	(tag) =	ssettag $0x1  }
0x1: {  	s0 =	rddreg [dreg:$0x0]  }
0x2: {  	s1 =	rddreg [dreg:$0x1]  }
0x3: {  	s2 =	rddreg [dreg:$0x2]  }
0x4: {  	s25 =	simm.s32 $0x0;
	s20 =	stileid.u32;
	s3 =	srdreg.scid  }
0x5: {  	s28 =	simm.s32 $0x2;
	s29 =	simm.s32 $0x1B140;
	s30 =	simm.s32 $0x19000  }
0x6: {  	s31 =	simm.s32 $0x19040;
	[smem:$0x7FF] =	sst s25;
	s5 =	sadd.s32 $0x194000, s0  }
0x7: {  	s6 =	sadd.s32 $0xF9000, s0;
	s4 =	smul.u32 $0x19000, s20;
	s3 =	sand.u32 $0x1, s3  }
0x8: {  	s7 =	sadd.s32 $0xF4000, s0;
	s9 =	smul.u32 $0x64000, s20;
	s10 =	sadd.s32 $0xFE000, s0  }
0x9: {  	s20 =	smul.u32 $0x2800, s20;
	_ =	strace $0x8000004A;
	s8 =	ssub.s32 $0x2, s3  }
0xa: {  	[dreg:$0x4] =	wrdreg s10;
	p0 =	seq.s32 s3, $0x1;
	s3 =	simm.s32 $0x0  }
0xb: {  	s18 =	sshrl.u32 s4, $0x3;
	s11 =	sshrl.u32 s8, $0x1;
	s9 =	sshrl.u32 s9, $0x2  }
0xc: {  	v1 =	vlaneseq.u32;
	s19 =	sadd.s32 s4, s2;
	s0 =	sadd.s32 s18, s0;
	s21 =	sadd.s32 s9, s2  }
0xd: {  	v0 =	vmul.u32 $0xA0, v1;
	s8 =	ssub.s32 s8, s11;
	[dreg:$0x5] =	wrdreg s19;
	s11 =	sadd.s32 $0x2800, s21  }
0xe: {  	v1 =	vmul.u32 $0x80, v1;
	s12 =	sadd.s32 $0x5000, s21;
	s13 =	sadd.s32 $0x7800, s21;
	s14 =	sadd.s32 $0xA000, s21  }
0xf: {  	v2 =	vimm.f32 $0.0e+00;
	v3 =	vadd.s32 $0x40, v0;
	s15 =	sadd.s32 $0xC800, s21;
	[dreg:$0x6] =	wrdreg s21;
	s22 =	sadd.s32 $0x374000, s0  }
0x10: {  	v4 =	vadd.s32 $0x90, v0;
	v5 =	vor.u32 $0x40, v1;
	v6 =	vadd.s32 $0x50, v0;
	s16 =	sadd.s32 $0xF000, s21;
	s23 =	sadd.s32 $0x3A6000, s0;
	[dreg:$0x8] =	wrdreg s22  }
0x11: {  	v7 =	vadd.s32 $0xA40, v0;
	v8 =	vadd.s32 $0xA90, v0;
	v9 =	vor.u32 $0x800, v1;
	s17 =	sadd.s32 $0x11800, s21;
	s24 =	sadd.s32 $0x3D8000, s0;
	[dreg:$0x9] =	wrdreg s23  }
.Ltmp0:
0x12: {  	v10 =	vor.u32 $0x840, v1;
	v11 =	vadd.s32 $0xA00, v0;
	v12 =	vadd.s32 $0xA50, v0;
	s0 =	sadd.s32 $0x40A000, s0;
	[dreg:$0xa] =	wrdreg s24;
	(pc) =	sbr.rel .LBB2_1-.Ltmp0, $4  }
0x13: {  	v13 =	vadd.s32 $0x1440, v0;
	v14 =	vadd.s32 $0x1490, v0;
	v15 =	vor.u32 $0x1000, v1;
	s18 =	sadd.s32 $0x14000, s21;
	s26 =	smax.u32 s8, $0x1;
	[dreg:$0xb] =	wrdreg s0  }
0x14: {  	v16 =	vor.u32 $0x1040, v1;
	v17 =	vadd.s32 $0x1400, v0;
	v18 =	vadd.s32 $0x1450, v0;
	s19 =	sadd.s32 $0x16800, s21;
	s21 =	simm.s32 $0x40;
	[dreg:$0xc] =	wrdreg s26  }
0x15: {  	v19 =	vadd.s32 $0x1E40, v0;
	v20 =	vadd.s32 $0x1E90, v0;
	v21 =	vor.u32 $0x1800, v1;
	s0 =	simm.s32 $0x1B0C0;
	s26 =	simm.s32 $0x1B100;
	s22 =	simm.s32 $0x19080  }
0x16: {  	v22 =	vor.u32 $0x1840, v1;
	v23 =	vadd.s32 $0x1E00, v0;
	v24 =	vadd.s32 $0x1E50, v0;
	s23 =	simm.s32 $0x190C0;
	s24 =	simm.s32 $0x1;
	[dreg:$0x7] =	wrdreg s11  }
.LBB2_50:
0x17: {  	_ =	swait.ge [sflag:s28], $0x3200  }
0x18: {  	s3 =	sadd.s32 $0x1, s3;
	s4 =	rddreg [dreg:$0xc]  }
0x19: {  	p1 =	sne.s32 s3, s4  }
.Ltmp1:
0x1a: {  	_ = 	snop;
	(pc) =	sbr.rel @!p1 .LBB2_51-.Ltmp1, $4  }
0x1b: {  	[sflag:s28] =	ssyncset.done $0x0  }
0x1c: {  	[sflag:s28] =	ssyncadd.s32 $0xFFFFCE00  }
0x1d: {  	[bflag:$0x0] =	sbarrier.arrive $0xFFFF  }
0x1e: {  	s25 =	simm.s32 $0x0;
	s11 =	rddreg [dreg:$0x7]  }
.LBB2_1:
.Ltmp2:
0x1f: {  	s4 =	rddreg [dreg:$0x4];
	s8 =	simm.s32 $0x1D940;
	(pc) =	sbr.rel @!p0 .LBB2_2-.Ltmp2, $4  }
0x20: {  	[tilespmem:s8], [sflag:$0x2] =	stream.linear.gather [hbm4b:s4+s25], $0x80, $0x38;
	[tilespmem:$0x1D9C0] =	vst v63  }
0x21: {  	_ =	swait.ge [sflag:s28], $0x80  }
0x22: {  	[sflag:s28] =	ssyncset.done $0x0  }
0x23: {  	s4 =	sshra.s32 s25, $0x2;
	s8 =	sadd.s32 $0x280, s25;
	[sflag:s28] =	ssyncadd.s32 $0xFFFFFF80  }
.LBB2_26:
0x24: {  	p1 =	sne.s32 s8, $0x9D80;
	[tilespmem:s4+$0x1B1D0] =	vst v2  }
0x25: {  	[tilespmem:s4+$0x1B140] =	vst v2  }
0x26: {  	[tilespmem:s4+$0x1B150] =	vst v2  }
0x27: {  	[tilespmem:s4+$0x1B160] =	vst v2  }
0x28: {  	[tilespmem:s4+$0x1B170] =	vst v2  }
.Ltmp3:
0x29: {  	[tilespmem:s4+$0x1B180] =	vst v2;
	(pc) =	sbr.rel @p1 .LBB2_26-.Ltmp3, $4  }
0x2a: {  	[tilespmem:s4+$0x1B190] =	vst v2  }
0x2b: {  	[tilespmem:s4+$0x1B1A0] =	vst v2  }
0x2c: {  	[tilespmem:s4+$0x1B1B0] =	vst v2  }
0x2d: {  	[tilespmem:s4+$0x1B1C0] =	vst v2;
	s4 =	sshra.s32 s8, $0x2;
	s8 =	sadd.s32 $0x280, s8  }
0x2e: {  	[tilespmem:s4+$0x1B1D0] =	vst v2  }
0x2f: {  	[tilespmem:s4+$0x1B140] =	vst v2  }
0x30: {  	[tilespmem:s4+$0x1B150] =	vst v2  }
0x31: {  	[tilespmem:s4+$0x1B160] =	vst v2  }
0x32: {  	[tilespmem:s4+$0x1B170] =	vst v2  }
0x33: {  	[tilespmem:s4+$0x1B180] =	vst v2  }
0x34: {  	[tilespmem:s4+$0x1B190] =	vst v2  }
0x35: {  	[tilespmem:s4+$0x1B1A0] =	vst v2  }
0x36: {  	[tilespmem:s4+$0x1B1B0] =	vst v2  }
0x37: {  	[tilespmem:s4+$0x1B1C0] =	vst v2;
	s25 =	rddreg [dreg:$0x6]  }
0x38: {  	[spmem:s25] =	stream.linear.scatter [tilespmem:s29], [sflag:$0x2], $0x2800, $0x38;
	[tilespmem:$0x1D9C0] =	vst v63  }
0x39: {  	_ =	swait.ge [sflag:s28], $0x2800  }
0x3a: {  	[sflag:s28] =	ssyncset.done $0x0  }
0x3b: {  	[sflag:s28] =	ssyncadd.s32 $0xFFFFD800  }
0x3c: {  	[spmem:s11] =	stream.linear.scatter [tilespmem:s29], [sflag:$0x2], $0x2800, $0x38;
	[tilespmem:$0x1D9C0] =	vst v63  }
0x3d: {  	_ =	swait.ge [sflag:s28], $0x2800  }
0x3e: {  	[sflag:s28] =	ssyncset.done $0x0  }
0x3f: {  	[sflag:s28] =	ssyncadd.s32 $0xFFFFD800  }
0x40: {  	[spmem:s12] =	stream.linear.scatter [tilespmem:s29], [sflag:$0x2], $0x2800, $0x38;
	[tilespmem:$0x1D9C0] =	vst v63  }
0x41: {  	_ =	swait.ge [sflag:s28], $0x2800  }
0x42: {  	[sflag:s28] =	ssyncset.done $0x0  }
0x43: {  	[sflag:s28] =	ssyncadd.s32 $0xFFFFD800  }
0x44: {  	[spmem:s13] =	stream.linear.scatter [tilespmem:s29], [sflag:$0x2], $0x2800, $0x38;
	[tilespmem:$0x1D9C0] =	vst v63  }
0x45: {  	_ =	swait.ge [sflag:s28], $0x2800  }
0x46: {  	[sflag:s28] =	ssyncset.done $0x0  }
0x47: {  	[sflag:s28] =	ssyncadd.s32 $0xFFFFD800  }
0x48: {  	[spmem:s14] =	stream.linear.scatter [tilespmem:s29], [sflag:$0x2], $0x2800, $0x38;
	[tilespmem:$0x1D9C0] =	vst v63  }
0x49: {  	_ =	swait.ge [sflag:s28], $0x2800  }
0x4a: {  	[sflag:s28] =	ssyncset.done $0x0  }
0x4b: {  	[sflag:s28] =	ssyncadd.s32 $0xFFFFD800  }
0x4c: {  	[spmem:s15] =	stream.linear.scatter [tilespmem:s29], [sflag:$0x2], $0x2800, $0x38;
	[tilespmem:$0x1D9C0] =	vst v63  }
0x4d: {  	_ =	swait.ge [sflag:s28], $0x2800  }
0x4e: {  	[sflag:s28] =	ssyncset.done $0x0  }
0x4f: {  	[sflag:s28] =	ssyncadd.s32 $0xFFFFD800  }
0x50: {  	[spmem:s16] =	stream.linear.scatter [tilespmem:s29], [sflag:$0x2], $0x2800, $0x38;
	[tilespmem:$0x1D9C0] =	vst v63  }
0x51: {  	_ =	swait.ge [sflag:s28], $0x2800  }
0x52: {  	[sflag:s28] =	ssyncset.done $0x0  }
0x53: {  	[sflag:s28] =	ssyncadd.s32 $0xFFFFD800  }
0x54: {  	[spmem:s17] =	stream.linear.scatter [tilespmem:s29], [sflag:$0x2], $0x2800, $0x38;
	[tilespmem:$0x1D9C0] =	vst v63  }
0x55: {  	_ =	swait.ge [sflag:s28], $0x2800  }
0x56: {  	[sflag:s28] =	ssyncset.done $0x0  }
0x57: {  	[sflag:s28] =	ssyncadd.s32 $0xFFFFD800  }
0x58: {  	[spmem:s18] =	stream.linear.scatter [tilespmem:s29], [sflag:$0x2], $0x2800, $0x38;
	[tilespmem:$0x1D9C0] =	vst v63  }
0x59: {  	_ =	swait.ge [sflag:s28], $0x2800  }
0x5a: {  	[sflag:s28] =	ssyncset.done $0x0  }
0x5b: {  	[sflag:s28] =	ssyncadd.s32 $0xFFFFD800  }
0x5c: {  	[spmem:s19] =	stream.linear.scatter [tilespmem:s29], [sflag:$0x2], $0x2800, $0x38;
	[tilespmem:$0x1D9C0] =	vst v63  }
0x5d: {  	_ =	swait.ge [sflag:s28], $0x2800  }
0x5e: {  	[sflag:s28] =	ssyncset.done $0x0  }
0x5f: {  	[sflag:s28] =	ssyncadd.s32 $0xFFFFD800  }
0x60: {  	s4 =	simm.s32 $0x0;
	s8 =	simm.s32 $0x0;
	[bflag:$0x0] =	sbarrier.arrive $0xFFFF  }
.LBB2_28:
0x61: {  	s9 =	sshll.u32 s8, $0x6  }
0x62: {  	s9 =	sadd.s32 s20, s9  }
0x63: {  	s9 =	sshrl.u32 s9, $0x3  }
0x64: {  	s10 =	sadd.s32 s6, s9  }
0x65: {  	[tilespmem:s30], [sflag:$0x2] =	stream.linear.gather [hbm4b:s10+s4], $0x40, $0x38;
	[tilespmem:$0x1D9C0] =	vst v63  }
0x66: {  	_ =	swait.ge [sflag:s28], $0x40  }
0x67: {  	[sflag:s28] =	ssyncset.done $0x0  }
0x68: {  	s25 =	sadd.s32 s7, s9;
	[sflag:s28] =	ssyncadd.s32 $0xFFFFFFC0  }
0x69: {  	[tilespmem:s31], [sflag:$0x2] =	stream.linear.gather [hbm4b:s25+s4], $0x40, $0x38;
	[tilespmem:$0x1D9C0] =	vst v63  }
0x6a: {  	_ =	swait.ge [sflag:s28], $0x40  }
0x6b: {  	s9 =	sadd.s32 s1, s9;
	[sflag:s28] =	ssyncset.done $0x0  }
0x6c: {  	s25 =	sadd.s32 $0x14000, s9;
	[sflag:s28] =	ssyncadd.s32 $0xFFFFFFC0  }
0x6d: {  	[tilespmem:s0], [sflag:$0x2] =	stream.linear.gather [hbm4b:s25+s4], $0x40, $0x38;
	[tilespmem:$0x1D9C0] =	vst v63  }
0x6e: {  	_ =	swait.ge [sflag:s28], $0x40  }
0x6f: {  	[sflag:s28] =	ssyncset.done $0x0  }
0x70: {  	s9 =	sadd.s32 $0x19000, s9;
	[sflag:s28] =	ssyncadd.s32 $0xFFFFFFC0  }
0x71: {  	[tilespmem:s26], [sflag:$0x2] =	stream.linear.gather [hbm4b:s9+s4], $0x40, $0x38;
	[tilespmem:$0x1D9C0] =	vst v63  }
0x72: {  	_ =	swait.ge [sflag:s28], $0x40  }
0x73: {  	[sflag:s28] =	ssyncset.done $0x0  }
0x74: {  	[sflag:s28] =	ssyncadd.s32 $0xFFFFFFC0  }
0x75: {  	v25 =	vld [tilespmem:$0x19000]  }
0x76: {  	v26 =	vld [tilespmem:$0x19010]  }
0x77: {  	v27 =	vld [tilespmem:$0x19020]  }
0x78: {  	v28 =	vld [tilespmem:$0x19030];
	_ =	sdelay $0x1  }
0x79: {  	v25 =	vadd.s32 $0x5000, v25  }
0x7a: {  	[tilespmem:$0x19080] =	vst v25;
	v25 =	vadd.s32 $0x5000, v26  }
0x7b: {  	[tilespmem:$0x19090] =	vst v25;
	v25 =	vadd.s32 $0x5000, v27  }
0x7c: {  	[tilespmem:$0x190A0] =	vst v25;
	v25 =	vadd.s32 $0x5000, v28  }
0x7d: {  	[tilespmem:$0x190B0] =	vst v25  }
0x7e: {  	[tilespmem:s23], [sflag:$0x1] =	stream.indirect.gather [hbm4b:s5+s21], $0x80, s22, s21, $0xb8;
	[tilespmem:$0x1D9C0] =	vst v63  }
0x7f: {  	_ =	swait.ge [sflag:s24], $0x2000  }
0x80: {  	[sflag:s24] =	ssyncset.done $0x0  }
0x81: {  	[sflag:s24] =	ssyncadd.s32 $0xFFFFE000  }
0x82: {  	v25 =	vld [tilespmem:$0x1D980]  }
0x83: {  	v26 =	vld [tilespmem:$0x1D990]  }
0x84: {  	v27 =	vld [tilespmem:$0x1B0C0]  }
0x85: {  	v28 =	vld [tilespmem:$0x1B100];
	_ =	sdelay $0x3  }
0x86: {  	v27 =	vsub.f32 v27, v25  }
0x87: {  	v28 =	vsub.f32 v28, v26  }
0x88: {  	v27 =	vmul.f32 $1.442695020e+00, v27  }
0x89: {  	v28 =	vmul.f32 $1.442695020e+00, v28  }
0x8a: {  	(erf) = vpow2.f32 v27  }
0x8b: {  	(erf) = vpow2.f32 v28;
	_ =	sdelay $0x3  }
0x8c: {  	v27 =	vmov s4  }
0x8d: {  	v33 =	vand.u32 $0x3F, v27  }
0x8e: {  	v29 =	vor.u32 v1, v33  }
0x8f: {  	v31 =	vor.u32 s4, v5  }
0x90: {  	v27 =	vpop (erf)  }
0x91: {  	v28 =	vpop (erf);
	[tilespmem:v3+s29+$0x0] =	vst.idx.msk $0xffff, v27  }
0x92: {  	[tilespmem:v4+s29+$0x0] =	vst.idx.msk $0xffff, v28  }
0x93: {  	v30 =	vld.idx.msk [tilespmem:v29+s23+$0x0], $0xffff  }
0x94: {  	s9 =	simm.s32 $0x1;
	v31 =	vld.idx.msk [tilespmem:v31+s23+$0x0], $0xffff  }
0x95: {  	v32 =	vadd.s32 v0, v33;
	v29 =	vmov s9  }
0x96: {  	s10 =	simm.s32 $0x2;
	v33 =	vadd.s32 v6, v33;
	v29 =	vand.u32 $0x3F, v29  }
.LBB2_29:
0x97: {  	p1 =	sne.s32 s10, $0x3F;
	v34 =	vor.u32 v1, v29  }
0x98: {  	v35 =	vor.u32 s9, v5;
	v30 =	vmul.f32 v30, v27;
	s9 =	smov.u32 s10  }
0x99: {  	v31 =	vmul.f32 v31, v28  }
0x9a: {  	[tilespmem:v32+s29+$0x0] =	vst.idx.msk $0xffff, v30  }
0x9b: {  	[tilespmem:v33+s29+$0x0] =	vst.idx.msk $0xffff, v31  }
.Ltmp4:
0x9c: {  	v30 =	vld.idx.msk [tilespmem:v34+s23+$0x0], $0xffff;
	(pc) =	sbr.rel @p1 .LBB2_29-.Ltmp4, $3  }
0x9d: {  	v31 =	vld.idx.msk [tilespmem:v35+s23+$0x0], $0xffff;
	_ =	sdelay $0x1  }
0x9e: {  	v32 =	vadd.s32 v0, v29;
	v34 =	vmov s10  }
0x9f: {  	v33 =	vadd.s32 v6, v29;
	s10 =	sadd.s32 $0x1, s10;
	v29 =	vand.u32 $0x3F, v34  }
0xa0: {  	_ = 	snop  }
0xa1: {  	v34 =	vor.u32 v1, v29  }
0xa2: {  	v35 =	vor.u32 s9, v5;
	v30 =	vmul.f32 v30, v27  }
0xa3: {  	v31 =	vmul.f32 v31, v28  }
0xa4: {  	[tilespmem:v32+s29+$0x0] =	vst.idx.msk $0xffff, v30  }
0xa5: {  	[tilespmem:v33+s29+$0x0] =	vst.idx.msk $0xffff, v31  }
0xa6: {  	v30 =	vld.idx.msk [tilespmem:v34+s23+$0x0], $0xffff  }
0xa7: {  	v31 =	vld.idx.msk [tilespmem:v35+s23+$0x0], $0xffff  }
0xa8: {  	v62 =	vadd.s32 v0, v29  }
0xa9: {  	v29 =	vadd.s32 v6, v29;
	_ =	sdelay $0x1  }
0xaa: {  	v27 =	vmul.f32 v30, v27  }
0xab: {  	v28 =	vmul.f32 v31, v28  }
0xac: {  	[tilespmem:v62+s29+$0x0] =	vst.idx.msk $0xffff, v27  }
0xad: {  	[tilespmem:v29+s29+$0x0] =	vst.idx.msk $0xffff, v28  }
0xae: {  	v27 =	vld [tilespmem:$0x1B0D0]  }
0xaf: {  	v28 =	vld [tilespmem:$0x1B110];
	_ =	sdelay $0x3  }
0xb0: {  	v27 =	vsub.f32 v27, v25  }
0xb1: {  	v28 =	vsub.f32 v28, v26  }
0xb2: {  	v27 =	vmul.f32 $1.442695020e+00, v27  }
0xb3: {  	v28 =	vmul.f32 $1.442695020e+00, v28  }
0xb4: {  	(erf) = vpow2.f32 v27  }
0xb5: {  	(erf) = vpow2.f32 v28;
	_ =	sdelay $0x2  }
0xb6: {  	s25 =	simm.s32 $0x0  }
0xb7: {  	v27 =	vmov s25  }
0xb8: {  	v63 =	vand.u32 $0x3F, v27  }
0xb9: {  	v29 =	vor.u32 v9, v63  }
0xba: {  	v31 =	vor.u32 s25, v10  }
0xbb: {  	v27 =	vpop (erf)  }
0xbc: {  	v28 =	vpop (erf);
	[tilespmem:v7+s29+$0x0] =	vst.idx.msk $0xffff, v27  }
0xbd: {  	[tilespmem:v8+s29+$0x0] =	vst.idx.msk $0xffff, v28  }
0xbe: {  	v30 =	vld.idx.msk [tilespmem:v29+s23+$0x0], $0xffff  }
0xbf: {  	s9 =	simm.s32 $0x1;
	v31 =	vld.idx.msk [tilespmem:v31+s23+$0x0], $0xffff  }
0xc0: {  	v32 =	vadd.s32 v11, v63;
	v29 =	vmov s9  }
0xc1: {  	s10 =	simm.s32 $0x2;
	v33 =	vadd.s32 v12, v63;
	v29 =	vand.u32 $0x3F, v29  }
.LBB2_31:
0xc2: {  	p1 =	sne.s32 s10, $0x3F;
	v34 =	vor.u32 v9, v29  }
0xc3: {  	v35 =	vor.u32 s9, v10;
	v30 =	vmul.f32 v30, v27;
	s9 =	smov.u32 s10  }
0xc4: {  	v31 =	vmul.f32 v31, v28  }
0xc5: {  	[tilespmem:v32+s29+$0x0] =	vst.idx.msk $0xffff, v30  }
0xc6: {  	[tilespmem:v33+s29+$0x0] =	vst.idx.msk $0xffff, v31  }
.Ltmp5:
0xc7: {  	v30 =	vld.idx.msk [tilespmem:v34+s23+$0x0], $0xffff;
	(pc) =	sbr.rel @p1 .LBB2_31-.Ltmp5, $3  }
0xc8: {  	v31 =	vld.idx.msk [tilespmem:v35+s23+$0x0], $0xffff;
	_ =	sdelay $0x1  }
0xc9: {  	v32 =	vadd.s32 v11, v29;
	v34 =	vmov s10  }
0xca: {  	v33 =	vadd.s32 v12, v29;
	s10 =	sadd.s32 $0x1, s10;
	v29 =	vand.u32 $0x3F, v34  }
0xcb: {  	_ = 	snop  }
0xcc: {  	v34 =	vor.u32 v9, v29  }
0xcd: {  	v35 =	vor.u32 s9, v10;
	v30 =	vmul.f32 v30, v27  }
0xce: {  	v31 =	vmul.f32 v31, v28  }
0xcf: {  	[tilespmem:v32+s29+$0x0] =	vst.idx.msk $0xffff, v30  }
0xd0: {  	[tilespmem:v33+s29+$0x0] =	vst.idx.msk $0xffff, v31  }
0xd1: {  	v30 =	vld.idx.msk [tilespmem:v34+s23+$0x0], $0xffff  }
0xd2: {  	v31 =	vld.idx.msk [tilespmem:v35+s23+$0x0], $0xffff  }
0xd3: {  	v62 =	vadd.s32 v11, v29  }
0xd4: {  	v29 =	vadd.s32 v12, v29;
	_ =	sdelay $0x1  }
0xd5: {  	v27 =	vmul.f32 v30, v27  }
0xd6: {  	v28 =	vmul.f32 v31, v28  }
0xd7: {  	[tilespmem:v62+s29+$0x0] =	vst.idx.msk $0xffff, v27  }
0xd8: {  	[tilespmem:v29+s29+$0x0] =	vst.idx.msk $0xffff, v28  }
0xd9: {  	v27 =	vld [tilespmem:$0x1B0E0]  }
0xda: {  	v28 =	vld [tilespmem:$0x1B120];
	_ =	sdelay $0x3  }
0xdb: {  	v27 =	vsub.f32 v27, v25  }
0xdc: {  	v28 =	vsub.f32 v28, v26  }
0xdd: {  	v27 =	vmul.f32 $1.442695020e+00, v27  }
0xde: {  	v28 =	vmul.f32 $1.442695020e+00, v28  }
0xdf: {  	(erf) = vpow2.f32 v27  }
0xe0: {  	(erf) = vpow2.f32 v28;
	_ =	sdelay $0x2  }
0xe1: {  	s25 =	simm.s32 $0x0  }
0xe2: {  	v27 =	vmov s25  }
0xe3: {  	v63 =	vand.u32 $0x3F, v27  }
0xe4: {  	v29 =	vor.u32 v15, v63  }
0xe5: {  	v31 =	vor.u32 s25, v16  }
0xe6: {  	v27 =	vpop (erf)  }
0xe7: {  	v28 =	vpop (erf);
	[tilespmem:v13+s29+$0x0] =	vst.idx.msk $0xffff, v27  }
0xe8: {  	[tilespmem:v14+s29+$0x0] =	vst.idx.msk $0xffff, v28  }
0xe9: {  	v30 =	vld.idx.msk [tilespmem:v29+s23+$0x0], $0xffff  }
0xea: {  	s9 =	simm.s32 $0x1;
	v31 =	vld.idx.msk [tilespmem:v31+s23+$0x0], $0xffff  }
0xeb: {  	v32 =	vadd.s32 v17, v63;
	v29 =	vmov s9  }
0xec: {  	s10 =	simm.s32 $0x2;
	v33 =	vadd.s32 v18, v63;
	v29 =	vand.u32 $0x3F, v29  }
.LBB2_33:
0xed: {  	p1 =	sne.s32 s10, $0x3F;
	v34 =	vor.u32 v15, v29  }
0xee: {  	v35 =	vor.u32 s9, v16;
	v30 =	vmul.f32 v30, v27;
	s9 =	smov.u32 s10  }
0xef: {  	v31 =	vmul.f32 v31, v28  }
0xf0: {  	[tilespmem:v32+s29+$0x0] =	vst.idx.msk $0xffff, v30  }
0xf1: {  	[tilespmem:v33+s29+$0x0] =	vst.idx.msk $0xffff, v31  }
.Ltmp6:
0xf2: {  	v30 =	vld.idx.msk [tilespmem:v34+s23+$0x0], $0xffff;
	(pc) =	sbr.rel @p1 .LBB2_33-.Ltmp6, $3  }
0xf3: {  	v31 =	vld.idx.msk [tilespmem:v35+s23+$0x0], $0xffff;
	_ =	sdelay $0x1  }
0xf4: {  	v32 =	vadd.s32 v17, v29;
	v34 =	vmov s10  }
0xf5: {  	v33 =	vadd.s32 v18, v29;
	s10 =	sadd.s32 $0x1, s10;
	v29 =	vand.u32 $0x3F, v34  }
0xf6: {  	_ = 	snop  }
0xf7: {  	v34 =	vor.u32 v15, v29  }
0xf8: {  	v35 =	vor.u32 s9, v16;
	v30 =	vmul.f32 v30, v27  }
0xf9: {  	v31 =	vmul.f32 v31, v28  }
0xfa: {  	[tilespmem:v32+s29+$0x0] =	vst.idx.msk $0xffff, v30  }
0xfb: {  	[tilespmem:v33+s29+$0x0] =	vst.idx.msk $0xffff, v31  }
0xfc: {  	v30 =	vld.idx.msk [tilespmem:v34+s23+$0x0], $0xffff  }
0xfd: {  	v31 =	vld.idx.msk [tilespmem:v35+s23+$0x0], $0xffff  }
0xfe: {  	v63 =	vadd.s32 v17, v29  }
0xff: {  	v29 =	vadd.s32 v18, v29;
	_ =	sdelay $0x1  }
0x100: {  	v27 =	vmul.f32 v30, v27  }
0x101: {  	v28 =	vmul.f32 v31, v28  }
0x102: {  	[tilespmem:v63+s29+$0x0] =	vst.idx.msk $0xffff, v27  }
0x103: {  	[tilespmem:v29+s29+$0x0] =	vst.idx.msk $0xffff, v28  }
0x104: {  	v27 =	vld [tilespmem:$0x1B0F0]  }
0x105: {  	v28 =	vld [tilespmem:$0x1B130];
	_ =	sdelay $0x3  }
0x106: {  	v25 =	vsub.f32 v27, v25  }
0x107: {  	v26 =	vsub.f32 v28, v26  }
0x108: {  	v25 =	vmul.f32 $1.442695020e+00, v25  }
0x109: {  	v26 =	vmul.f32 $1.442695020e+00, v26  }
0x10a: {  	(erf) = vpow2.f32 v25  }
0x10b: {  	(erf) = vpow2.f32 v26;
	_ =	sdelay $0x2  }
0x10c: {  	s25 =	simm.s32 $0x0  }
0x10d: {  	v25 =	vmov s25  }
0x10e: {  	v31 =	vand.u32 $0x3F, v25  }
0x10f: {  	v27 =	vor.u32 v21, v31  }
0x110: {  	v29 =	vor.u32 s25, v22  }
0x111: {  	v25 =	vpop (erf)  }
0x112: {  	v26 =	vpop (erf);
	[tilespmem:v19+s29+$0x0] =	vst.idx.msk $0xffff, v25  }
0x113: {  	[tilespmem:v20+s29+$0x0] =	vst.idx.msk $0xffff, v26  }
0x114: {  	v28 =	vld.idx.msk [tilespmem:v27+s23+$0x0], $0xffff  }
0x115: {  	s9 =	simm.s32 $0x1;
	v29 =	vld.idx.msk [tilespmem:v29+s23+$0x0], $0xffff  }
0x116: {  	v30 =	vadd.s32 v23, v31;
	v27 =	vmov s9  }
0x117: {  	s10 =	simm.s32 $0x2;
	v31 =	vadd.s32 v24, v31;
	v27 =	vand.u32 $0x3F, v27  }
.LBB2_35:
0x118: {  	p1 =	sne.s32 s10, $0x3F;
	v32 =	vor.u32 v21, v27  }
0x119: {  	v33 =	vor.u32 s9, v22;
	v28 =	vmul.f32 v28, v25;
	s9 =	smov.u32 s10  }
0x11a: {  	v29 =	vmul.f32 v29, v26  }
0x11b: {  	[tilespmem:v30+s29+$0x0] =	vst.idx.msk $0xffff, v28  }
0x11c: {  	[tilespmem:v31+s29+$0x0] =	vst.idx.msk $0xffff, v29  }
.Ltmp7:
0x11d: {  	v28 =	vld.idx.msk [tilespmem:v32+s23+$0x0], $0xffff;
	(pc) =	sbr.rel @p1 .LBB2_35-.Ltmp7, $3  }
0x11e: {  	v29 =	vld.idx.msk [tilespmem:v33+s23+$0x0], $0xffff;
	_ =	sdelay $0x1  }
0x11f: {  	v30 =	vadd.s32 v23, v27;
	v32 =	vmov s10  }
0x120: {  	v31 =	vadd.s32 v24, v27;
	s10 =	sadd.s32 $0x1, s10;
	v27 =	vand.u32 $0x3F, v32  }
0x121: {  	_ = 	snop  }
0x122: {  	v32 =	vor.u32 v21, v27  }
0x123: {  	v33 =	vor.u32 s9, v22;
	v28 =	vmul.f32 v28, v25  }
0x124: {  	v29 =	vmul.f32 v29, v26  }
0x125: {  	[tilespmem:v30+s29+$0x0] =	vst.idx.msk $0xffff, v28  }
0x126: {  	[tilespmem:v31+s29+$0x0] =	vst.idx.msk $0xffff, v29  }
0x127: {  	v28 =	vld.idx.msk [tilespmem:v32+s23+$0x0], $0xffff  }
0x128: {  	v29 =	vld.idx.msk [tilespmem:v33+s23+$0x0], $0xffff  }
0x129: {  	v63 =	vadd.s32 v23, v27  }
0x12a: {  	v27 =	vadd.s32 v24, v27;
	_ =	sdelay $0x1  }
0x12b: {  	v25 =	vmul.f32 v28, v25  }
0x12c: {  	s8 =	sadd.s32 $0x1, s8;
	v26 =	vmul.f32 v29, v26  }
0x12d: {  	p1 =	sne.s32 s8, $0xA0;
	[tilespmem:v63+s29+$0x0] =	vst.idx.msk $0xffff, v25  }
.Ltmp8:
0x12e: {  	[tilespmem:v27+s29+$0x0] =	vst.idx.msk $0xffff, v26;
	(pc) =	sbr.rel @p1 .LBB2_28-.Ltmp8, $4  }
0x12f: {  	[spmem:s2] =	stream.indirect.scatter.add.f32 [tilespmem:s29], [sflag:$0x2], $0xA0, s31, s21, $0xb8;
	[tilespmem:$0x1D9C0] =	vst v63  }
0x130: {  	_ =	swait.ge [sflag:s28], $0x2800  }
0x131: {  	[sflag:s28] =	ssyncset.done $0x0  }
0x132: {  	[sflag:s28] =	ssyncadd.s32 $0xFFFFD800  }
0x133: {  	s4 =	stileid.u32;
	[bflag:$0x0] =	sbarrier.arrive $0xFFFF  }
0x134: {  	s4 =	sshll.u32 s4, $0x6;
	s9 =	rddreg [dreg:$0x6]  }
0x135: {  	s10 =	rddreg [dreg:$0xa];
	s8 =	sor.u32 $0x1C02, s4;
	s25 =	sshrl.u32 s9, $0x3  }
0x136: {  	[hbm:s10], [sflag:s8] =	dma.local [spmem:s25], $0x3200  }
0x137: {  	_ =	swait.ge [sflag:s28], $0x3200  }
0x138: {  	[sflag:s28] =	ssyncset.done $0x0  }
0x139: {  	[sflag:s28] =	ssyncadd.s32 $0xFFFFCE00  }
0x13a: {  	s4 =	simm.s32 $0x0;
	s9 =	simm.s32 $0x280;
	[bflag:$0x0] =	sbarrier.arrive $0xFFFF  }
.LBB2_38:
0x13b: {  	p1 =	sne.s32 s9, $0x9D80;
	[tilespmem:s4+$0x1B1D0] =	vst v2  }
0x13c: {  	[tilespmem:s4+$0x1B140] =	vst v2  }
0x13d: {  	[tilespmem:s4+$0x1B150] =	vst v2  }
0x13e: {  	[tilespmem:s4+$0x1B160] =	vst v2  }
0x13f: {  	[tilespmem:s4+$0x1B170] =	vst v2  }
.Ltmp9:
0x140: {  	[tilespmem:s4+$0x1B180] =	vst v2;
	(pc) =	sbr.rel @p1 .LBB2_38-.Ltmp9, $4  }
0x141: {  	[tilespmem:s4+$0x1B190] =	vst v2  }
0x142: {  	[tilespmem:s4+$0x1B1A0] =	vst v2  }
0x143: {  	[tilespmem:s4+$0x1B1B0] =	vst v2  }
0x144: {  	[tilespmem:s4+$0x1B1C0] =	vst v2;
	s4 =	sshra.s32 s9, $0x2;
	s9 =	sadd.s32 $0x280, s9  }
0x145: {  	[tilespmem:s4+$0x1B1D0] =	vst v2  }
0x146: {  	[tilespmem:s4+$0x1B140] =	vst v2  }
0x147: {  	[tilespmem:s4+$0x1B150] =	vst v2  }
0x148: {  	[tilespmem:s4+$0x1B160] =	vst v2  }
0x149: {  	[tilespmem:s4+$0x1B170] =	vst v2  }
0x14a: {  	[tilespmem:s4+$0x1B180] =	vst v2  }
0x14b: {  	[tilespmem:s4+$0x1B190] =	vst v2  }
0x14c: {  	[tilespmem:s4+$0x1B1A0] =	vst v2  }
0x14d: {  	[tilespmem:s4+$0x1B1B0] =	vst v2  }
0x14e: {  	[tilespmem:s4+$0x1B1C0] =	vst v2;
	s10 =	rddreg [dreg:$0x6]  }
0x14f: {  	[spmem:s10] =	stream.linear.scatter [tilespmem:s29], [sflag:$0x2], $0x2800, $0x38;
	[tilespmem:$0x1D9C0] =	vst v63  }
0x150: {  	_ =	swait.ge [sflag:s28], $0x2800  }
0x151: {  	[sflag:s28] =	ssyncset.done $0x0  }
0x152: {  	[sflag:s28] =	ssyncadd.s32 $0xFFFFD800  }
0x153: {  	[spmem:s11] =	stream.linear.scatter [tilespmem:s29], [sflag:$0x2], $0x2800, $0x38;
	[tilespmem:$0x1D9C0] =	vst v63  }
0x154: {  	_ =	swait.ge [sflag:s28], $0x2800  }
0x155: {  	[sflag:s28] =	ssyncset.done $0x0  }
0x156: {  	[sflag:s28] =	ssyncadd.s32 $0xFFFFD800  }
0x157: {  	[spmem:s12] =	stream.linear.scatter [tilespmem:s29], [sflag:$0x2], $0x2800, $0x38;
	[tilespmem:$0x1D9C0] =	vst v63  }
0x158: {  	_ =	swait.ge [sflag:s28], $0x2800  }
0x159: {  	[sflag:s28] =	ssyncset.done $0x0  }
0x15a: {  	[sflag:s28] =	ssyncadd.s32 $0xFFFFD800  }
0x15b: {  	[spmem:s13] =	stream.linear.scatter [tilespmem:s29], [sflag:$0x2], $0x2800, $0x38;
	[tilespmem:$0x1D9C0] =	vst v63  }
0x15c: {  	_ =	swait.ge [sflag:s28], $0x2800  }
0x15d: {  	[sflag:s28] =	ssyncset.done $0x0  }
0x15e: {  	[sflag:s28] =	ssyncadd.s32 $0xFFFFD800  }
0x15f: {  	[spmem:s14] =	stream.linear.scatter [tilespmem:s29], [sflag:$0x2], $0x2800, $0x38;
	[tilespmem:$0x1D9C0] =	vst v63  }
0x160: {  	_ =	swait.ge [sflag:s28], $0x2800  }
0x161: {  	[sflag:s28] =	ssyncset.done $0x0  }
0x162: {  	[sflag:s28] =	ssyncadd.s32 $0xFFFFD800  }
0x163: {  	[spmem:s15] =	stream.linear.scatter [tilespmem:s29], [sflag:$0x2], $0x2800, $0x38;
	[tilespmem:$0x1D9C0] =	vst v63  }
0x164: {  	_ =	swait.ge [sflag:s28], $0x2800  }
0x165: {  	[sflag:s28] =	ssyncset.done $0x0  }
0x166: {  	[sflag:s28] =	ssyncadd.s32 $0xFFFFD800  }
0x167: {  	[spmem:s16] =	stream.linear.scatter [tilespmem:s29], [sflag:$0x2], $0x2800, $0x38;
	[tilespmem:$0x1D9C0] =	vst v63  }
0x168: {  	_ =	swait.ge [sflag:s28], $0x2800  }
0x169: {  	[sflag:s28] =	ssyncset.done $0x0  }
0x16a: {  	[sflag:s28] =	ssyncadd.s32 $0xFFFFD800  }
0x16b: {  	[spmem:s17] =	stream.linear.scatter [tilespmem:s29], [sflag:$0x2], $0x2800, $0x38;
	[tilespmem:$0x1D9C0] =	vst v63  }
0x16c: {  	_ =	swait.ge [sflag:s28], $0x2800  }
0x16d: {  	[sflag:s28] =	ssyncset.done $0x0  }
0x16e: {  	[sflag:s28] =	ssyncadd.s32 $0xFFFFD800  }
0x16f: {  	[spmem:s18] =	stream.linear.scatter [tilespmem:s29], [sflag:$0x2], $0x2800, $0x38;
	[tilespmem:$0x1D9C0] =	vst v63  }
0x170: {  	_ =	swait.ge [sflag:s28], $0x2800  }
0x171: {  	[sflag:s28] =	ssyncset.done $0x0  }
0x172: {  	[sflag:s28] =	ssyncadd.s32 $0xFFFFD800  }
0x173: {  	[spmem:s19] =	stream.linear.scatter [tilespmem:s29], [sflag:$0x2], $0x2800, $0x38;
	[tilespmem:$0x1D9C0] =	vst v63  }
0x174: {  	_ =	swait.ge [sflag:s28], $0x2800  }
0x175: {  	[sflag:s28] =	ssyncset.done $0x0  }
0x176: {  	[sflag:s28] =	ssyncadd.s32 $0xFFFFD800  }
0x177: {  	s4 =	simm.s32 $0x0;
	s9 =	simm.s32 $0x0;
	[bflag:$0x0] =	sbarrier.arrive $0xFFFF  }
.LBB2_40:
0x178: {  	s10 =	sshll.u32 s9, $0x6  }
0x179: {  	s10 =	sadd.s32 s20, s10  }
0x17a: {  	s10 =	sshrl.u32 s10, $0x3  }
0x17b: {  	s11 =	sadd.s32 s6, s10  }
0x17c: {  	[tilespmem:s30], [sflag:$0x2] =	stream.linear.gather [hbm4b:s11+s4], $0x40, $0x38;
	[tilespmem:$0x1D9C0] =	vst v63  }
0x17d: {  	_ =	swait.ge [sflag:s28], $0x40  }
0x17e: {  	[sflag:s28] =	ssyncset.done $0x0  }
0x17f: {  	s11 =	sadd.s32 s7, s10;
	[sflag:s28] =	ssyncadd.s32 $0xFFFFFFC0  }
0x180: {  	[tilespmem:s31], [sflag:$0x2] =	stream.linear.gather [hbm4b:s11+s4], $0x40, $0x38;
	[tilespmem:$0x1D9C0] =	vst v63  }
0x181: {  	_ =	swait.ge [sflag:s28], $0x40  }
0x182: {  	s10 =	sadd.s32 s1, s10;
	[sflag:s28] =	ssyncset.done $0x0  }
0x183: {  	s11 =	sadd.s32 $0x1E000, s10;
	[sflag:s28] =	ssyncadd.s32 $0xFFFFFFC0  }
0x184: {  	[tilespmem:s0], [sflag:$0x2] =	stream.linear.gather [hbm4b:s11+s4], $0x40, $0x38;
	[tilespmem:$0x1D9C0] =	vst v63  }
0x185: {  	_ =	swait.ge [sflag:s28], $0x40  }
0x186: {  	[sflag:s28] =	ssyncset.done $0x0  }
0x187: {  	s10 =	sadd.s32 $0x23000, s10;
	[sflag:s28] =	ssyncadd.s32 $0xFFFFFFC0  }
0x188: {  	[tilespmem:s26], [sflag:$0x2] =	stream.linear.gather [hbm4b:s10+s4], $0x40, $0x38;
	[tilespmem:$0x1D9C0] =	vst v63  }
0x189: {  	_ =	swait.ge [sflag:s28], $0x40  }
0x18a: {  	[sflag:s28] =	ssyncset.done $0x0  }
0x18b: {  	[sflag:s28] =	ssyncadd.s32 $0xFFFFFFC0  }
0x18c: {  	v25 =	vld [tilespmem:$0x19000]  }
0x18d: {  	v26 =	vld [tilespmem:$0x19010]  }
0x18e: {  	v27 =	vld [tilespmem:$0x19020]  }
0x18f: {  	v28 =	vld [tilespmem:$0x19030];
	_ =	sdelay $0x1  }
0x190: {  	v25 =	vadd.s32 $0x7800, v25  }
0x191: {  	[tilespmem:$0x19080] =	vst v25;
	v25 =	vadd.s32 $0x7800, v26  }
0x192: {  	[tilespmem:$0x19090] =	vst v25;
	v25 =	vadd.s32 $0x7800, v27  }
0x193: {  	[tilespmem:$0x190A0] =	vst v25;
	v25 =	vadd.s32 $0x7800, v28  }
0x194: {  	[tilespmem:$0x190B0] =	vst v25  }
0x195: {  	[tilespmem:s23], [sflag:$0x1] =	stream.indirect.gather [hbm4b:s5+s21], $0x80, s22, s21, $0xb8;
	[tilespmem:$0x1D9C0] =	vst v63  }
0x196: {  	_ =	swait.ge [sflag:s24], $0x2000  }
0x197: {  	[sflag:s24] =	ssyncset.done $0x0  }
0x198: {  	[sflag:s24] =	ssyncadd.s32 $0xFFFFE000  }
0x199: {  	v25 =	vld [tilespmem:$0x1D9A0]  }
0x19a: {  	v26 =	vld [tilespmem:$0x1D9B0]  }
0x19b: {  	v27 =	vld [tilespmem:$0x1B0C0]  }
0x19c: {  	v28 =	vld [tilespmem:$0x1B100];
	_ =	sdelay $0x3  }
0x19d: {  	v27 =	vsub.f32 v27, v25  }
0x19e: {  	v28 =	vsub.f32 v28, v26  }
0x19f: {  	v27 =	vmul.f32 $1.442695020e+00, v27  }
0x1a0: {  	v28 =	vmul.f32 $1.442695020e+00, v28  }
0x1a1: {  	(erf) = vpow2.f32 v27  }
0x1a2: {  	(erf) = vpow2.f32 v28;
	_ =	sdelay $0x3  }
0x1a3: {  	v27 =	vmov s4  }
0x1a4: {  	v33 =	vand.u32 $0x3F, v27  }
0x1a5: {  	v29 =	vor.u32 v1, v33  }
0x1a6: {  	v31 =	vor.u32 s4, v5  }
0x1a7: {  	v27 =	vpop (erf)  }
0x1a8: {  	v28 =	vpop (erf);
	[tilespmem:v3+s29+$0x0] =	vst.idx.msk $0xffff, v27  }
0x1a9: {  	[tilespmem:v4+s29+$0x0] =	vst.idx.msk $0xffff, v28  }
0x1aa: {  	v30 =	vld.idx.msk [tilespmem:v29+s23+$0x0], $0xffff  }
0x1ab: {  	s10 =	simm.s32 $0x1;
	v31 =	vld.idx.msk [tilespmem:v31+s23+$0x0], $0xffff  }
0x1ac: {  	v32 =	vadd.s32 v0, v33;
	v29 =	vmov s10  }
0x1ad: {  	s11 =	simm.s32 $0x2;
	v33 =	vadd.s32 v6, v33;
	v29 =	vand.u32 $0x3F, v29  }
.LBB2_41:
0x1ae: {  	p1 =	sne.s32 s11, $0x3F;
	v34 =	vor.u32 v1, v29  }
0x1af: {  	v35 =	vor.u32 s10, v5;
	v30 =	vmul.f32 v30, v27;
	s10 =	smov.u32 s11  }
0x1b0: {  	v31 =	vmul.f32 v31, v28  }
0x1b1: {  	[tilespmem:v32+s29+$0x0] =	vst.idx.msk $0xffff, v30  }
0x1b2: {  	[tilespmem:v33+s29+$0x0] =	vst.idx.msk $0xffff, v31  }
.Ltmp10:
0x1b3: {  	v30 =	vld.idx.msk [tilespmem:v34+s23+$0x0], $0xffff;
	(pc) =	sbr.rel @p1 .LBB2_41-.Ltmp10, $3  }
0x1b4: {  	v31 =	vld.idx.msk [tilespmem:v35+s23+$0x0], $0xffff;
	_ =	sdelay $0x1  }
0x1b5: {  	v32 =	vadd.s32 v0, v29;
	v34 =	vmov s11  }
0x1b6: {  	v33 =	vadd.s32 v6, v29;
	s11 =	sadd.s32 $0x1, s11;
	v29 =	vand.u32 $0x3F, v34  }
0x1b7: {  	_ = 	snop  }
0x1b8: {  	v34 =	vor.u32 v1, v29  }
0x1b9: {  	v35 =	vor.u32 s10, v5;
	v30 =	vmul.f32 v30, v27  }
0x1ba: {  	v31 =	vmul.f32 v31, v28  }
0x1bb: {  	[tilespmem:v32+s29+$0x0] =	vst.idx.msk $0xffff, v30  }
0x1bc: {  	[tilespmem:v33+s29+$0x0] =	vst.idx.msk $0xffff, v31  }
0x1bd: {  	v30 =	vld.idx.msk [tilespmem:v34+s23+$0x0], $0xffff  }
0x1be: {  	v31 =	vld.idx.msk [tilespmem:v35+s23+$0x0], $0xffff  }
0x1bf: {  	v62 =	vadd.s32 v0, v29  }
0x1c0: {  	v29 =	vadd.s32 v6, v29;
	_ =	sdelay $0x1  }
0x1c1: {  	v27 =	vmul.f32 v30, v27  }
0x1c2: {  	v28 =	vmul.f32 v31, v28  }
0x1c3: {  	[tilespmem:v62+s29+$0x0] =	vst.idx.msk $0xffff, v27  }
0x1c4: {  	[tilespmem:v29+s29+$0x0] =	vst.idx.msk $0xffff, v28  }
0x1c5: {  	v27 =	vld [tilespmem:$0x1B0D0]  }
0x1c6: {  	v28 =	vld [tilespmem:$0x1B110];
	_ =	sdelay $0x3  }
0x1c7: {  	v27 =	vsub.f32 v27, v25  }
0x1c8: {  	v28 =	vsub.f32 v28, v26  }
0x1c9: {  	v27 =	vmul.f32 $1.442695020e+00, v27  }
0x1ca: {  	v28 =	vmul.f32 $1.442695020e+00, v28  }
0x1cb: {  	(erf) = vpow2.f32 v27  }
0x1cc: {  	(erf) = vpow2.f32 v28;
	_ =	sdelay $0x2  }
0x1cd: {  	s11 =	simm.s32 $0x0  }
0x1ce: {  	v27 =	vmov s11  }
0x1cf: {  	v63 =	vand.u32 $0x3F, v27  }
0x1d0: {  	v29 =	vor.u32 v9, v63  }
0x1d1: {  	v31 =	vor.u32 s11, v10  }
0x1d2: {  	v27 =	vpop (erf)  }
0x1d3: {  	v28 =	vpop (erf);
	[tilespmem:v7+s29+$0x0] =	vst.idx.msk $0xffff, v27  }
0x1d4: {  	[tilespmem:v8+s29+$0x0] =	vst.idx.msk $0xffff, v28  }
0x1d5: {  	v30 =	vld.idx.msk [tilespmem:v29+s23+$0x0], $0xffff  }
0x1d6: {  	s10 =	simm.s32 $0x1;
	v31 =	vld.idx.msk [tilespmem:v31+s23+$0x0], $0xffff  }
0x1d7: {  	v32 =	vadd.s32 v11, v63;
	v29 =	vmov s10  }
0x1d8: {  	s11 =	simm.s32 $0x2;
	v33 =	vadd.s32 v12, v63;
	v29 =	vand.u32 $0x3F, v29  }
.LBB2_43:
0x1d9: {  	p1 =	sne.s32 s11, $0x3F;
	v34 =	vor.u32 v9, v29  }
0x1da: {  	v35 =	vor.u32 s10, v10;
	v30 =	vmul.f32 v30, v27;
	s10 =	smov.u32 s11  }
0x1db: {  	v31 =	vmul.f32 v31, v28  }
0x1dc: {  	[tilespmem:v32+s29+$0x0] =	vst.idx.msk $0xffff, v30  }
0x1dd: {  	[tilespmem:v33+s29+$0x0] =	vst.idx.msk $0xffff, v31  }
.Ltmp11:
0x1de: {  	v30 =	vld.idx.msk [tilespmem:v34+s23+$0x0], $0xffff;
	(pc) =	sbr.rel @p1 .LBB2_43-.Ltmp11, $3  }
0x1df: {  	v31 =	vld.idx.msk [tilespmem:v35+s23+$0x0], $0xffff;
	_ =	sdelay $0x1  }
0x1e0: {  	v32 =	vadd.s32 v11, v29;
	v34 =	vmov s11  }
0x1e1: {  	v33 =	vadd.s32 v12, v29;
	s11 =	sadd.s32 $0x1, s11;
	v29 =	vand.u32 $0x3F, v34  }
0x1e2: {  	_ = 	snop  }
0x1e3: {  	v34 =	vor.u32 v9, v29  }
0x1e4: {  	v35 =	vor.u32 s10, v10;
	v30 =	vmul.f32 v30, v27  }
0x1e5: {  	v31 =	vmul.f32 v31, v28  }
0x1e6: {  	[tilespmem:v32+s29+$0x0] =	vst.idx.msk $0xffff, v30  }
0x1e7: {  	[tilespmem:v33+s29+$0x0] =	vst.idx.msk $0xffff, v31  }
0x1e8: {  	v30 =	vld.idx.msk [tilespmem:v34+s23+$0x0], $0xffff  }
0x1e9: {  	v31 =	vld.idx.msk [tilespmem:v35+s23+$0x0], $0xffff  }
0x1ea: {  	v62 =	vadd.s32 v11, v29  }
0x1eb: {  	v29 =	vadd.s32 v12, v29;
	_ =	sdelay $0x1  }
0x1ec: {  	v27 =	vmul.f32 v30, v27  }
0x1ed: {  	v28 =	vmul.f32 v31, v28  }
0x1ee: {  	[tilespmem:v62+s29+$0x0] =	vst.idx.msk $0xffff, v27  }
0x1ef: {  	[tilespmem:v29+s29+$0x0] =	vst.idx.msk $0xffff, v28  }
0x1f0: {  	v27 =	vld [tilespmem:$0x1B0E0]  }
0x1f1: {  	v28 =	vld [tilespmem:$0x1B120];
	_ =	sdelay $0x3  }
0x1f2: {  	v27 =	vsub.f32 v27, v25  }
0x1f3: {  	v28 =	vsub.f32 v28, v26  }
0x1f4: {  	v27 =	vmul.f32 $1.442695020e+00, v27  }
0x1f5: {  	v28 =	vmul.f32 $1.442695020e+00, v28  }
0x1f6: {  	(erf) = vpow2.f32 v27  }
0x1f7: {  	(erf) = vpow2.f32 v28;
	_ =	sdelay $0x2  }
0x1f8: {  	s11 =	simm.s32 $0x0  }
0x1f9: {  	v27 =	vmov s11  }
0x1fa: {  	v63 =	vand.u32 $0x3F, v27  }
0x1fb: {  	v29 =	vor.u32 v15, v63  }
0x1fc: {  	v31 =	vor.u32 s11, v16  }
0x1fd: {  	v27 =	vpop (erf)  }
0x1fe: {  	v28 =	vpop (erf);
	[tilespmem:v13+s29+$0x0] =	vst.idx.msk $0xffff, v27  }
0x1ff: {  	[tilespmem:v14+s29+$0x0] =	vst.idx.msk $0xffff, v28  }
0x200: {  	v30 =	vld.idx.msk [tilespmem:v29+s23+$0x0], $0xffff  }
0x201: {  	s10 =	simm.s32 $0x1;
	v31 =	vld.idx.msk [tilespmem:v31+s23+$0x0], $0xffff  }
0x202: {  	v32 =	vadd.s32 v17, v63;
	v29 =	vmov s10  }
0x203: {  	s11 =	simm.s32 $0x2;
	v33 =	vadd.s32 v18, v63;
	v29 =	vand.u32 $0x3F, v29  }
.LBB2_45:
0x204: {  	p1 =	sne.s32 s11, $0x3F;
	v34 =	vor.u32 v15, v29  }
0x205: {  	v35 =	vor.u32 s10, v16;
	v30 =	vmul.f32 v30, v27;
	s10 =	smov.u32 s11  }
0x206: {  	v31 =	vmul.f32 v31, v28  }
0x207: {  	[tilespmem:v32+s29+$0x0] =	vst.idx.msk $0xffff, v30  }
0x208: {  	[tilespmem:v33+s29+$0x0] =	vst.idx.msk $0xffff, v31  }
.Ltmp12:
0x209: {  	v30 =	vld.idx.msk [tilespmem:v34+s23+$0x0], $0xffff;
	(pc) =	sbr.rel @p1 .LBB2_45-.Ltmp12, $3  }
0x20a: {  	v31 =	vld.idx.msk [tilespmem:v35+s23+$0x0], $0xffff;
	_ =	sdelay $0x1  }
0x20b: {  	v32 =	vadd.s32 v17, v29;
	v34 =	vmov s11  }
0x20c: {  	v33 =	vadd.s32 v18, v29;
	s11 =	sadd.s32 $0x1, s11;
	v29 =	vand.u32 $0x3F, v34  }
0x20d: {  	_ = 	snop  }
0x20e: {  	v34 =	vor.u32 v15, v29  }
0x20f: {  	v35 =	vor.u32 s10, v16;
	v30 =	vmul.f32 v30, v27  }
0x210: {  	v31 =	vmul.f32 v31, v28  }
0x211: {  	[tilespmem:v32+s29+$0x0] =	vst.idx.msk $0xffff, v30  }
0x212: {  	[tilespmem:v33+s29+$0x0] =	vst.idx.msk $0xffff, v31  }
0x213: {  	v30 =	vld.idx.msk [tilespmem:v34+s23+$0x0], $0xffff  }
0x214: {  	v31 =	vld.idx.msk [tilespmem:v35+s23+$0x0], $0xffff  }
0x215: {  	v63 =	vadd.s32 v17, v29  }
0x216: {  	v29 =	vadd.s32 v18, v29;
	_ =	sdelay $0x1  }
0x217: {  	v27 =	vmul.f32 v30, v27  }
0x218: {  	v28 =	vmul.f32 v31, v28  }
0x219: {  	[tilespmem:v63+s29+$0x0] =	vst.idx.msk $0xffff, v27  }
0x21a: {  	[tilespmem:v29+s29+$0x0] =	vst.idx.msk $0xffff, v28  }
0x21b: {  	v27 =	vld [tilespmem:$0x1B0F0]  }
0x21c: {  	v28 =	vld [tilespmem:$0x1B130];
	_ =	sdelay $0x3  }
0x21d: {  	v25 =	vsub.f32 v27, v25  }
0x21e: {  	v26 =	vsub.f32 v28, v26  }
0x21f: {  	v25 =	vmul.f32 $1.442695020e+00, v25  }
0x220: {  	v26 =	vmul.f32 $1.442695020e+00, v26  }
0x221: {  	(erf) = vpow2.f32 v25  }
0x222: {  	(erf) = vpow2.f32 v26;
	_ =	sdelay $0x2  }
0x223: {  	s11 =	simm.s32 $0x0  }
0x224: {  	v25 =	vmov s11  }
0x225: {  	v31 =	vand.u32 $0x3F, v25  }
0x226: {  	v27 =	vor.u32 v21, v31  }
0x227: {  	v29 =	vor.u32 s11, v22  }
0x228: {  	v25 =	vpop (erf)  }
0x229: {  	v26 =	vpop (erf);
	[tilespmem:v19+s29+$0x0] =	vst.idx.msk $0xffff, v25  }
0x22a: {  	[tilespmem:v20+s29+$0x0] =	vst.idx.msk $0xffff, v26  }
0x22b: {  	v28 =	vld.idx.msk [tilespmem:v27+s23+$0x0], $0xffff  }
0x22c: {  	s10 =	simm.s32 $0x1;
	v29 =	vld.idx.msk [tilespmem:v29+s23+$0x0], $0xffff  }
0x22d: {  	v30 =	vadd.s32 v23, v31;
	v27 =	vmov s10  }
0x22e: {  	s11 =	simm.s32 $0x2;
	v31 =	vadd.s32 v24, v31;
	v27 =	vand.u32 $0x3F, v27  }
.LBB2_47:
0x22f: {  	p1 =	sne.s32 s11, $0x3F;
	v32 =	vor.u32 v21, v27  }
0x230: {  	v33 =	vor.u32 s10, v22;
	v28 =	vmul.f32 v28, v25;
	s10 =	smov.u32 s11  }
0x231: {  	v29 =	vmul.f32 v29, v26  }
0x232: {  	[tilespmem:v30+s29+$0x0] =	vst.idx.msk $0xffff, v28  }
0x233: {  	[tilespmem:v31+s29+$0x0] =	vst.idx.msk $0xffff, v29  }
.Ltmp13:
0x234: {  	v28 =	vld.idx.msk [tilespmem:v32+s23+$0x0], $0xffff;
	(pc) =	sbr.rel @p1 .LBB2_47-.Ltmp13, $3  }
0x235: {  	v29 =	vld.idx.msk [tilespmem:v33+s23+$0x0], $0xffff;
	_ =	sdelay $0x1  }
0x236: {  	v30 =	vadd.s32 v23, v27;
	v32 =	vmov s11  }
0x237: {  	v31 =	vadd.s32 v24, v27;
	s11 =	sadd.s32 $0x1, s11;
	v27 =	vand.u32 $0x3F, v32  }
0x238: {  	_ = 	snop  }
0x239: {  	v32 =	vor.u32 v21, v27  }
0x23a: {  	v33 =	vor.u32 s10, v22;
	v28 =	vmul.f32 v28, v25  }
0x23b: {  	v29 =	vmul.f32 v29, v26  }
0x23c: {  	[tilespmem:v30+s29+$0x0] =	vst.idx.msk $0xffff, v28  }
0x23d: {  	[tilespmem:v31+s29+$0x0] =	vst.idx.msk $0xffff, v29  }
0x23e: {  	v28 =	vld.idx.msk [tilespmem:v32+s23+$0x0], $0xffff  }
0x23f: {  	v29 =	vld.idx.msk [tilespmem:v33+s23+$0x0], $0xffff  }
0x240: {  	v63 =	vadd.s32 v23, v27  }
0x241: {  	v27 =	vadd.s32 v24, v27;
	_ =	sdelay $0x1  }
0x242: {  	v25 =	vmul.f32 v28, v25  }
0x243: {  	s9 =	sadd.s32 $0x1, s9;
	v26 =	vmul.f32 v29, v26  }
0x244: {  	p1 =	sne.s32 s9, $0xA0;
	[tilespmem:v63+s29+$0x0] =	vst.idx.msk $0xffff, v25  }
.Ltmp14:
0x245: {  	[tilespmem:v27+s29+$0x0] =	vst.idx.msk $0xffff, v26;
	(pc) =	sbr.rel @p1 .LBB2_40-.Ltmp14, $4  }
0x246: {  	[spmem:s2] =	stream.indirect.scatter.add.f32 [tilespmem:s29], [sflag:$0x2], $0xA0, s31, s21, $0xb8;
	[tilespmem:$0x1D9C0] =	vst v63  }
0x247: {  	_ =	swait.ge [sflag:s28], $0x2800  }
0x248: {  	[sflag:s28] =	ssyncset.done $0x0  }
0x249: {  	[sflag:s28] =	ssyncadd.s32 $0xFFFFD800  }
.Ltmp15:
0x24a: {  	(pc) =	sbr.rel .LBB2_50-.Ltmp15, $4  }
0x24b: {  	_ = 	snop  }
0x24c: {  	[bflag:$0x0] =	sbarrier.arrive $0xFFFF  }
0x24d: {  	s4 =	rddreg [dreg:$0xb]  }
0x24e: {  	[hbm:s4], [sflag:s8] =	dma.local [spmem:s25], $0x3200  }
.LBB2_2:
0x24f: {  	p1 =	sne.s32 s8, $0x9D80;
	[tilespmem:s4+$0x1B1D0] =	vst v2  }
0x250: {  	[tilespmem:s4+$0x1B140] =	vst v2  }
0x251: {  	[tilespmem:s4+$0x1B150] =	vst v2  }
0x252: {  	[tilespmem:s4+$0x1B160] =	vst v2  }
0x253: {  	[tilespmem:s4+$0x1B170] =	vst v2  }
.Ltmp16:
0x254: {  	[tilespmem:s4+$0x1B180] =	vst v2;
	(pc) =	sbr.rel @p1 .LBB2_2-.Ltmp16, $4  }
0x255: {  	[tilespmem:s4+$0x1B190] =	vst v2  }
0x256: {  	[tilespmem:s4+$0x1B1A0] =	vst v2  }
0x257: {  	[tilespmem:s4+$0x1B1B0] =	vst v2  }
0x258: {  	[tilespmem:s4+$0x1B1C0] =	vst v2;
	s4 =	sshra.s32 s8, $0x2;
	s8 =	sadd.s32 $0x280, s8  }
0x259: {  	[tilespmem:s4+$0x1B1D0] =	vst v2  }
0x25a: {  	[tilespmem:s4+$0x1B140] =	vst v2  }
0x25b: {  	[tilespmem:s4+$0x1B150] =	vst v2  }
0x25c: {  	[tilespmem:s4+$0x1B160] =	vst v2  }
0x25d: {  	[tilespmem:s4+$0x1B170] =	vst v2  }
0x25e: {  	[tilespmem:s4+$0x1B180] =	vst v2  }
0x25f: {  	[tilespmem:s4+$0x1B190] =	vst v2  }
0x260: {  	[tilespmem:s4+$0x1B1A0] =	vst v2  }
0x261: {  	[tilespmem:s4+$0x1B1B0] =	vst v2  }
0x262: {  	[tilespmem:s4+$0x1B1C0] =	vst v2;
	s25 =	rddreg [dreg:$0x5]  }
0x263: {  	[spmem:s25] =	stream.linear.scatter [tilespmem:s29], [sflag:$0x2], $0x2800, $0x38;
	[tilespmem:$0x1D9C0] =	vst v63  }
0x264: {  	_ =	swait.ge [sflag:s28], $0x2800  }
0x265: {  	[sflag:s28] =	ssyncset.done $0x0  }
0x266: {  	[sflag:s28] =	ssyncadd.s32 $0xFFFFD800  }
0x267: {  	[spmem:s11] =	stream.linear.scatter [tilespmem:s29], [sflag:$0x2], $0x2800, $0x38;
	[tilespmem:$0x1D9C0] =	vst v63  }
0x268: {  	_ =	swait.ge [sflag:s28], $0x2800  }
0x269: {  	[sflag:s28] =	ssyncset.done $0x0  }
0x26a: {  	[sflag:s28] =	ssyncadd.s32 $0xFFFFD800  }
0x26b: {  	[spmem:s12] =	stream.linear.scatter [tilespmem:s29], [sflag:$0x2], $0x2800, $0x38;
	[tilespmem:$0x1D9C0] =	vst v63  }
0x26c: {  	_ =	swait.ge [sflag:s28], $0x2800  }
0x26d: {  	[sflag:s28] =	ssyncset.done $0x0  }
0x26e: {  	[sflag:s28] =	ssyncadd.s32 $0xFFFFD800  }
0x26f: {  	[spmem:s13] =	stream.linear.scatter [tilespmem:s29], [sflag:$0x2], $0x2800, $0x38;
	[tilespmem:$0x1D9C0] =	vst v63  }
0x270: {  	_ =	swait.ge [sflag:s28], $0x2800  }
0x271: {  	[sflag:s28] =	ssyncset.done $0x0  }
0x272: {  	[sflag:s28] =	ssyncadd.s32 $0xFFFFD800  }
0x273: {  	[spmem:s14] =	stream.linear.scatter [tilespmem:s29], [sflag:$0x2], $0x2800, $0x38;
	[tilespmem:$0x1D9C0] =	vst v63  }
0x274: {  	_ =	swait.ge [sflag:s28], $0x2800  }
0x275: {  	[sflag:s28] =	ssyncset.done $0x0  }
0x276: {  	[sflag:s28] =	ssyncadd.s32 $0xFFFFD800  }
0x277: {  	[spmem:s15] =	stream.linear.scatter [tilespmem:s29], [sflag:$0x2], $0x2800, $0x38;
	[tilespmem:$0x1D9C0] =	vst v63  }
0x278: {  	_ =	swait.ge [sflag:s28], $0x2800  }
0x279: {  	[sflag:s28] =	ssyncset.done $0x0  }
0x27a: {  	[sflag:s28] =	ssyncadd.s32 $0xFFFFD800  }
0x27b: {  	[spmem:s16] =	stream.linear.scatter [tilespmem:s29], [sflag:$0x2], $0x2800, $0x38;
	[tilespmem:$0x1D9C0] =	vst v63  }
0x27c: {  	_ =	swait.ge [sflag:s28], $0x2800  }
0x27d: {  	[sflag:s28] =	ssyncset.done $0x0  }
0x27e: {  	[sflag:s28] =	ssyncadd.s32 $0xFFFFD800  }
0x27f: {  	[spmem:s17] =	stream.linear.scatter [tilespmem:s29], [sflag:$0x2], $0x2800, $0x38;
	[tilespmem:$0x1D9C0] =	vst v63  }
0x280: {  	_ =	swait.ge [sflag:s28], $0x2800  }
0x281: {  	[sflag:s28] =	ssyncset.done $0x0  }
0x282: {  	[sflag:s28] =	ssyncadd.s32 $0xFFFFD800  }
0x283: {  	[spmem:s18] =	stream.linear.scatter [tilespmem:s29], [sflag:$0x2], $0x2800, $0x38;
	[tilespmem:$0x1D9C0] =	vst v63  }
0x284: {  	_ =	swait.ge [sflag:s28], $0x2800  }
0x285: {  	[sflag:s28] =	ssyncset.done $0x0  }
0x286: {  	[sflag:s28] =	ssyncadd.s32 $0xFFFFD800  }
0x287: {  	[spmem:s19] =	stream.linear.scatter [tilespmem:s29], [sflag:$0x2], $0x2800, $0x38;
	[tilespmem:$0x1D9C0] =	vst v63  }
0x288: {  	_ =	swait.ge [sflag:s28], $0x2800  }
0x289: {  	[sflag:s28] =	ssyncset.done $0x0  }
0x28a: {  	[sflag:s28] =	ssyncadd.s32 $0xFFFFD800  }
0x28b: {  	s4 =	simm.s32 $0x0;
	s8 =	simm.s32 $0x0;
	[bflag:$0x0] =	sbarrier.arrive $0xFFFF  }
.LBB2_4:
0x28c: {  	s9 =	sshll.u32 s8, $0x6  }
0x28d: {  	s9 =	sadd.s32 s20, s9  }
0x28e: {  	s9 =	sshrl.u32 s9, $0x3  }
0x28f: {  	s10 =	sadd.s32 s6, s9  }
0x290: {  	[tilespmem:s30], [sflag:$0x2] =	stream.linear.gather [hbm4b:s10+s4], $0x40, $0x38;
	[tilespmem:$0x1D9C0] =	vst v63  }
0x291: {  	_ =	swait.ge [sflag:s28], $0x40  }
0x292: {  	[sflag:s28] =	ssyncset.done $0x0  }
0x293: {  	s25 =	sadd.s32 s7, s9;
	[sflag:s28] =	ssyncadd.s32 $0xFFFFFFC0  }
0x294: {  	[tilespmem:s31], [sflag:$0x2] =	stream.linear.gather [hbm4b:s25+s4], $0x40, $0x38;
	[tilespmem:$0x1D9C0] =	vst v63  }
0x295: {  	_ =	swait.ge [sflag:s28], $0x40  }
0x296: {  	[sflag:s28] =	ssyncset.done $0x0  }
0x297: {  	s9 =	sadd.s32 s1, s9;
	[sflag:s28] =	ssyncadd.s32 $0xFFFFFFC0  }
0x298: {  	[tilespmem:s0], [sflag:$0x2] =	stream.linear.gather [hbm4b:s9+s4], $0x40, $0x38;
	[tilespmem:$0x1D9C0] =	vst v63  }
0x299: {  	_ =	swait.ge [sflag:s28], $0x40  }
0x29a: {  	[sflag:s28] =	ssyncset.done $0x0  }
0x29b: {  	s9 =	sadd.s32 $0x5000, s9;
	[sflag:s28] =	ssyncadd.s32 $0xFFFFFFC0  }
0x29c: {  	[tilespmem:s26], [sflag:$0x2] =	stream.linear.gather [hbm4b:s9+s4], $0x40, $0x38;
	[tilespmem:$0x1D9C0] =	vst v63  }
0x29d: {  	_ =	swait.ge [sflag:s28], $0x40  }
0x29e: {  	[sflag:s28] =	ssyncset.done $0x0  }
0x29f: {  	[sflag:s28] =	ssyncadd.s32 $0xFFFFFFC0  }
0x2a0: {  	v25 =	vld [tilespmem:$0x19000]  }
0x2a1: {  	v26 =	vld [tilespmem:$0x19010]  }
0x2a2: {  	v27 =	vld [tilespmem:$0x19020]  }
0x2a3: {  	v28 =	vld [tilespmem:$0x19030];
	_ =	sdelay $0x1  }
0x2a4: {  	[tilespmem:$0x19080] =	vst v25  }
0x2a5: {  	[tilespmem:$0x19090] =	vst v26  }
0x2a6: {  	[tilespmem:$0x190A0] =	vst v27  }
0x2a7: {  	[tilespmem:$0x190B0] =	vst v28  }
0x2a8: {  	[tilespmem:s23], [sflag:$0x1] =	stream.indirect.gather [hbm4b:s5+s21], $0x80, s22, s21, $0xb8;
	[tilespmem:$0x1D9C0] =	vst v63  }
0x2a9: {  	_ =	swait.ge [sflag:s24], $0x2000  }
0x2aa: {  	[sflag:s24] =	ssyncset.done $0x0  }
0x2ab: {  	[sflag:s24] =	ssyncadd.s32 $0xFFFFE000  }
0x2ac: {  	v25 =	vld [tilespmem:$0x1D940]  }
0x2ad: {  	v26 =	vld [tilespmem:$0x1D950]  }
0x2ae: {  	v27 =	vld [tilespmem:$0x1B0C0]  }
0x2af: {  	v28 =	vld [tilespmem:$0x1B100];
	_ =	sdelay $0x3  }
0x2b0: {  	v27 =	vsub.f32 v27, v25  }
0x2b1: {  	v28 =	vsub.f32 v28, v26  }
0x2b2: {  	v27 =	vmul.f32 $1.442695020e+00, v27  }
0x2b3: {  	v28 =	vmul.f32 $1.442695020e+00, v28  }
0x2b4: {  	(erf) = vpow2.f32 v27  }
0x2b5: {  	(erf) = vpow2.f32 v28;
	_ =	sdelay $0x3  }
0x2b6: {  	v27 =	vmov s4  }
0x2b7: {  	v33 =	vand.u32 $0x3F, v27  }
0x2b8: {  	v29 =	vor.u32 v1, v33  }
0x2b9: {  	v31 =	vor.u32 s4, v5  }
0x2ba: {  	v27 =	vpop (erf)  }
0x2bb: {  	v28 =	vpop (erf);
	[tilespmem:v3+s29+$0x0] =	vst.idx.msk $0xffff, v27  }
0x2bc: {  	[tilespmem:v4+s29+$0x0] =	vst.idx.msk $0xffff, v28  }
0x2bd: {  	v30 =	vld.idx.msk [tilespmem:v29+s23+$0x0], $0xffff  }
0x2be: {  	s9 =	simm.s32 $0x1;
	v31 =	vld.idx.msk [tilespmem:v31+s23+$0x0], $0xffff  }
0x2bf: {  	v32 =	vadd.s32 v0, v33;
	v29 =	vmov s9  }
0x2c0: {  	s10 =	simm.s32 $0x2;
	v33 =	vadd.s32 v6, v33;
	v29 =	vand.u32 $0x3F, v29  }
.LBB2_5:
0x2c1: {  	p1 =	sne.s32 s10, $0x3F;
	v34 =	vor.u32 v1, v29  }
0x2c2: {  	v35 =	vor.u32 s9, v5;
	v30 =	vmul.f32 v30, v27;
	s9 =	smov.u32 s10  }
0x2c3: {  	v31 =	vmul.f32 v31, v28  }
0x2c4: {  	[tilespmem:v32+s29+$0x0] =	vst.idx.msk $0xffff, v30  }
0x2c5: {  	[tilespmem:v33+s29+$0x0] =	vst.idx.msk $0xffff, v31  }
.Ltmp17:
0x2c6: {  	v30 =	vld.idx.msk [tilespmem:v34+s23+$0x0], $0xffff;
	(pc) =	sbr.rel @p1 .LBB2_5-.Ltmp17, $3  }
0x2c7: {  	v31 =	vld.idx.msk [tilespmem:v35+s23+$0x0], $0xffff;
	_ =	sdelay $0x1  }
0x2c8: {  	v32 =	vadd.s32 v0, v29;
	v34 =	vmov s10  }
0x2c9: {  	v33 =	vadd.s32 v6, v29;
	s10 =	sadd.s32 $0x1, s10;
	v29 =	vand.u32 $0x3F, v34  }
0x2ca: {  	_ = 	snop  }
0x2cb: {  	v34 =	vor.u32 v1, v29  }
0x2cc: {  	v35 =	vor.u32 s9, v5;
	v30 =	vmul.f32 v30, v27  }
0x2cd: {  	v31 =	vmul.f32 v31, v28  }
0x2ce: {  	[tilespmem:v32+s29+$0x0] =	vst.idx.msk $0xffff, v30  }
0x2cf: {  	[tilespmem:v33+s29+$0x0] =	vst.idx.msk $0xffff, v31  }
0x2d0: {  	v30 =	vld.idx.msk [tilespmem:v34+s23+$0x0], $0xffff  }
0x2d1: {  	v31 =	vld.idx.msk [tilespmem:v35+s23+$0x0], $0xffff  }
0x2d2: {  	v62 =	vadd.s32 v0, v29  }
0x2d3: {  	v29 =	vadd.s32 v6, v29;
	_ =	sdelay $0x1  }
0x2d4: {  	v27 =	vmul.f32 v30, v27  }
0x2d5: {  	v28 =	vmul.f32 v31, v28  }
0x2d6: {  	[tilespmem:v62+s29+$0x0] =	vst.idx.msk $0xffff, v27  }
0x2d7: {  	[tilespmem:v29+s29+$0x0] =	vst.idx.msk $0xffff, v28  }
0x2d8: {  	v27 =	vld [tilespmem:$0x1B0D0]  }
0x2d9: {  	v28 =	vld [tilespmem:$0x1B110];
	_ =	sdelay $0x3  }
0x2da: {  	v27 =	vsub.f32 v27, v25  }
0x2db: {  	v28 =	vsub.f32 v28, v26  }
0x2dc: {  	v27 =	vmul.f32 $1.442695020e+00, v27  }
0x2dd: {  	v28 =	vmul.f32 $1.442695020e+00, v28  }
0x2de: {  	(erf) = vpow2.f32 v27  }
0x2df: {  	(erf) = vpow2.f32 v28;
	_ =	sdelay $0x2  }
0x2e0: {  	s25 =	simm.s32 $0x0  }
0x2e1: {  	v27 =	vmov s25  }
0x2e2: {  	v63 =	vand.u32 $0x3F, v27  }
0x2e3: {  	v29 =	vor.u32 v9, v63  }
0x2e4: {  	v31 =	vor.u32 s25, v10  }
0x2e5: {  	v27 =	vpop (erf)  }
0x2e6: {  	v28 =	vpop (erf);
	[tilespmem:v7+s29+$0x0] =	vst.idx.msk $0xffff, v27  }
0x2e7: {  	[tilespmem:v8+s29+$0x0] =	vst.idx.msk $0xffff, v28  }
0x2e8: {  	v30 =	vld.idx.msk [tilespmem:v29+s23+$0x0], $0xffff  }
0x2e9: {  	s9 =	simm.s32 $0x1;
	v31 =	vld.idx.msk [tilespmem:v31+s23+$0x0], $0xffff  }
0x2ea: {  	v32 =	vadd.s32 v11, v63;
	v29 =	vmov s9  }
0x2eb: {  	s10 =	simm.s32 $0x2;
	v33 =	vadd.s32 v12, v63;
	v29 =	vand.u32 $0x3F, v29  }
.LBB2_7:
0x2ec: {  	p1 =	sne.s32 s10, $0x3F;
	v34 =	vor.u32 v9, v29  }
0x2ed: {  	v35 =	vor.u32 s9, v10;
	v30 =	vmul.f32 v30, v27;
	s9 =	smov.u32 s10  }
0x2ee: {  	v31 =	vmul.f32 v31, v28  }
0x2ef: {  	[tilespmem:v32+s29+$0x0] =	vst.idx.msk $0xffff, v30  }
0x2f0: {  	[tilespmem:v33+s29+$0x0] =	vst.idx.msk $0xffff, v31  }
.Ltmp18:
0x2f1: {  	v30 =	vld.idx.msk [tilespmem:v34+s23+$0x0], $0xffff;
	(pc) =	sbr.rel @p1 .LBB2_7-.Ltmp18, $3  }
0x2f2: {  	v31 =	vld.idx.msk [tilespmem:v35+s23+$0x0], $0xffff;
	_ =	sdelay $0x1  }
0x2f3: {  	v32 =	vadd.s32 v11, v29;
	v34 =	vmov s10  }
0x2f4: {  	v33 =	vadd.s32 v12, v29;
	s10 =	sadd.s32 $0x1, s10;
	v29 =	vand.u32 $0x3F, v34  }
0x2f5: {  	_ = 	snop  }
0x2f6: {  	v34 =	vor.u32 v9, v29  }
0x2f7: {  	v35 =	vor.u32 s9, v10;
	v30 =	vmul.f32 v30, v27  }
0x2f8: {  	v31 =	vmul.f32 v31, v28  }
0x2f9: {  	[tilespmem:v32+s29+$0x0] =	vst.idx.msk $0xffff, v30  }
0x2fa: {  	[tilespmem:v33+s29+$0x0] =	vst.idx.msk $0xffff, v31  }
0x2fb: {  	v30 =	vld.idx.msk [tilespmem:v34+s23+$0x0], $0xffff  }
0x2fc: {  	v31 =	vld.idx.msk [tilespmem:v35+s23+$0x0], $0xffff  }
0x2fd: {  	v62 =	vadd.s32 v11, v29  }
0x2fe: {  	v29 =	vadd.s32 v12, v29;
	_ =	sdelay $0x1  }
0x2ff: {  	v27 =	vmul.f32 v30, v27  }
0x300: {  	v28 =	vmul.f32 v31, v28  }
0x301: {  	[tilespmem:v62+s29+$0x0] =	vst.idx.msk $0xffff, v27  }
0x302: {  	[tilespmem:v29+s29+$0x0] =	vst.idx.msk $0xffff, v28  }
0x303: {  	v27 =	vld [tilespmem:$0x1B0E0]  }
0x304: {  	v28 =	vld [tilespmem:$0x1B120];
	_ =	sdelay $0x3  }
0x305: {  	v27 =	vsub.f32 v27, v25  }
0x306: {  	v28 =	vsub.f32 v28, v26  }
0x307: {  	v27 =	vmul.f32 $1.442695020e+00, v27  }
0x308: {  	v28 =	vmul.f32 $1.442695020e+00, v28  }
0x309: {  	(erf) = vpow2.f32 v27  }
0x30a: {  	(erf) = vpow2.f32 v28;
	_ =	sdelay $0x2  }
0x30b: {  	s25 =	simm.s32 $0x0  }
0x30c: {  	v27 =	vmov s25  }
0x30d: {  	v63 =	vand.u32 $0x3F, v27  }
0x30e: {  	v29 =	vor.u32 v15, v63  }
0x30f: {  	v31 =	vor.u32 s25, v16  }
0x310: {  	v27 =	vpop (erf)  }
0x311: {  	v28 =	vpop (erf);
	[tilespmem:v13+s29+$0x0] =	vst.idx.msk $0xffff, v27  }
0x312: {  	[tilespmem:v14+s29+$0x0] =	vst.idx.msk $0xffff, v28  }
0x313: {  	v30 =	vld.idx.msk [tilespmem:v29+s23+$0x0], $0xffff  }
0x314: {  	s9 =	simm.s32 $0x1;
	v31 =	vld.idx.msk [tilespmem:v31+s23+$0x0], $0xffff  }
0x315: {  	v32 =	vadd.s32 v17, v63;
	v29 =	vmov s9  }
0x316: {  	s10 =	simm.s32 $0x2;
	v33 =	vadd.s32 v18, v63;
	v29 =	vand.u32 $0x3F, v29  }
.LBB2_9:
0x317: {  	p1 =	sne.s32 s10, $0x3F;
	v34 =	vor.u32 v15, v29  }
0x318: {  	v35 =	vor.u32 s9, v16;
	v30 =	vmul.f32 v30, v27;
	s9 =	smov.u32 s10  }
0x319: {  	v31 =	vmul.f32 v31, v28  }
0x31a: {  	[tilespmem:v32+s29+$0x0] =	vst.idx.msk $0xffff, v30  }
0x31b: {  	[tilespmem:v33+s29+$0x0] =	vst.idx.msk $0xffff, v31  }
.Ltmp19:
0x31c: {  	v30 =	vld.idx.msk [tilespmem:v34+s23+$0x0], $0xffff;
	(pc) =	sbr.rel @p1 .LBB2_9-.Ltmp19, $3  }
0x31d: {  	v31 =	vld.idx.msk [tilespmem:v35+s23+$0x0], $0xffff;
	_ =	sdelay $0x1  }
0x31e: {  	v32 =	vadd.s32 v17, v29;
	v34 =	vmov s10  }
0x31f: {  	v33 =	vadd.s32 v18, v29;
	s10 =	sadd.s32 $0x1, s10;
	v29 =	vand.u32 $0x3F, v34  }
0x320: {  	_ = 	snop  }
0x321: {  	v34 =	vor.u32 v15, v29  }
0x322: {  	v35 =	vor.u32 s9, v16;
	v30 =	vmul.f32 v30, v27  }
0x323: {  	v31 =	vmul.f32 v31, v28  }
0x324: {  	[tilespmem:v32+s29+$0x0] =	vst.idx.msk $0xffff, v30  }
0x325: {  	[tilespmem:v33+s29+$0x0] =	vst.idx.msk $0xffff, v31  }
0x326: {  	v30 =	vld.idx.msk [tilespmem:v34+s23+$0x0], $0xffff  }
0x327: {  	v31 =	vld.idx.msk [tilespmem:v35+s23+$0x0], $0xffff  }
0x328: {  	v63 =	vadd.s32 v17, v29  }
0x329: {  	v29 =	vadd.s32 v18, v29;
	_ =	sdelay $0x1  }
0x32a: {  	v27 =	vmul.f32 v30, v27  }
0x32b: {  	v28 =	vmul.f32 v31, v28  }
0x32c: {  	[tilespmem:v63+s29+$0x0] =	vst.idx.msk $0xffff, v27  }
0x32d: {  	[tilespmem:v29+s29+$0x0] =	vst.idx.msk $0xffff, v28  }
0x32e: {  	v27 =	vld [tilespmem:$0x1B0F0]  }
0x32f: {  	v28 =	vld [tilespmem:$0x1B130];
	_ =	sdelay $0x3  }
0x330: {  	v25 =	vsub.f32 v27, v25  }
0x331: {  	v26 =	vsub.f32 v28, v26  }
0x332: {  	v25 =	vmul.f32 $1.442695020e+00, v25  }
0x333: {  	v26 =	vmul.f32 $1.442695020e+00, v26  }
0x334: {  	(erf) = vpow2.f32 v25  }
0x335: {  	(erf) = vpow2.f32 v26;
	_ =	sdelay $0x2  }
0x336: {  	s25 =	simm.s32 $0x0  }
0x337: {  	v25 =	vmov s25  }
0x338: {  	v31 =	vand.u32 $0x3F, v25  }
0x339: {  	v27 =	vor.u32 v21, v31  }
0x33a: {  	v29 =	vor.u32 s25, v22  }
0x33b: {  	v25 =	vpop (erf)  }
0x33c: {  	v26 =	vpop (erf);
	[tilespmem:v19+s29+$0x0] =	vst.idx.msk $0xffff, v25  }
0x33d: {  	[tilespmem:v20+s29+$0x0] =	vst.idx.msk $0xffff, v26  }
0x33e: {  	v28 =	vld.idx.msk [tilespmem:v27+s23+$0x0], $0xffff  }
0x33f: {  	s9 =	simm.s32 $0x1;
	v29 =	vld.idx.msk [tilespmem:v29+s23+$0x0], $0xffff  }
0x340: {  	v30 =	vadd.s32 v23, v31;
	v27 =	vmov s9  }
0x341: {  	s10 =	simm.s32 $0x2;
	v31 =	vadd.s32 v24, v31;
	v27 =	vand.u32 $0x3F, v27  }
.LBB2_11:
0x342: {  	p1 =	sne.s32 s10, $0x3F;
	v32 =	vor.u32 v21, v27  }
0x343: {  	v33 =	vor.u32 s9, v22;
	v28 =	vmul.f32 v28, v25;
	s9 =	smov.u32 s10  }
0x344: {  	v29 =	vmul.f32 v29, v26  }
0x345: {  	[tilespmem:v30+s29+$0x0] =	vst.idx.msk $0xffff, v28  }
0x346: {  	[tilespmem:v31+s29+$0x0] =	vst.idx.msk $0xffff, v29  }
.Ltmp20:
0x347: {  	v28 =	vld.idx.msk [tilespmem:v32+s23+$0x0], $0xffff;
	(pc) =	sbr.rel @p1 .LBB2_11-.Ltmp20, $3  }
0x348: {  	v29 =	vld.idx.msk [tilespmem:v33+s23+$0x0], $0xffff;
	_ =	sdelay $0x1  }
0x349: {  	v30 =	vadd.s32 v23, v27;
	v32 =	vmov s10  }
0x34a: {  	v31 =	vadd.s32 v24, v27;
	s10 =	sadd.s32 $0x1, s10;
	v27 =	vand.u32 $0x3F, v32  }
0x34b: {  	_ = 	snop  }
0x34c: {  	v32 =	vor.u32 v21, v27  }
0x34d: {  	v33 =	vor.u32 s9, v22;
	v28 =	vmul.f32 v28, v25  }
0x34e: {  	v29 =	vmul.f32 v29, v26  }
0x34f: {  	[tilespmem:v30+s29+$0x0] =	vst.idx.msk $0xffff, v28  }
0x350: {  	[tilespmem:v31+s29+$0x0] =	vst.idx.msk $0xffff, v29  }
0x351: {  	v28 =	vld.idx.msk [tilespmem:v32+s23+$0x0], $0xffff  }
0x352: {  	v29 =	vld.idx.msk [tilespmem:v33+s23+$0x0], $0xffff  }
0x353: {  	v63 =	vadd.s32 v23, v27  }
0x354: {  	v27 =	vadd.s32 v24, v27;
	_ =	sdelay $0x1  }
0x355: {  	v25 =	vmul.f32 v28, v25  }
0x356: {  	s8 =	sadd.s32 $0x1, s8;
	v26 =	vmul.f32 v29, v26  }
0x357: {  	p1 =	sne.s32 s8, $0xA0;
	[tilespmem:v63+s29+$0x0] =	vst.idx.msk $0xffff, v25  }
.Ltmp21:
0x358: {  	[tilespmem:v27+s29+$0x0] =	vst.idx.msk $0xffff, v26;
	(pc) =	sbr.rel @p1 .LBB2_4-.Ltmp21, $4  }
0x359: {  	[spmem:s2] =	stream.indirect.scatter.add.f32 [tilespmem:s29], [sflag:$0x2], $0xA0, s31, s21, $0xb8;
	[tilespmem:$0x1D9C0] =	vst v63  }
0x35a: {  	_ =	swait.ge [sflag:s28], $0x2800  }
0x35b: {  	[sflag:s28] =	ssyncset.done $0x0  }
0x35c: {  	[sflag:s28] =	ssyncadd.s32 $0xFFFFD800  }
0x35d: {  	s4 =	stileid.u32;
	[bflag:$0x0] =	sbarrier.arrive $0xFFFF  }
0x35e: {  	s4 =	sshll.u32 s4, $0x6;
	s9 =	rddreg [dreg:$0x5]  }
0x35f: {  	s10 =	rddreg [dreg:$0x8];
	s8 =	sor.u32 $0x1C02, s4;
	s25 =	sshrl.u32 s9, $0x3  }
0x360: {  	[hbm:s10], [sflag:s8] =	dma.local [spmem:s25], $0x3200  }
0x361: {  	_ =	swait.ge [sflag:s28], $0x3200  }
0x362: {  	[sflag:s28] =	ssyncset.done $0x0  }
0x363: {  	[sflag:s28] =	ssyncadd.s32 $0xFFFFCE00  }
0x364: {  	s4 =	simm.s32 $0x0;
	s9 =	simm.s32 $0x280;
	[bflag:$0x0] =	sbarrier.arrive $0xFFFF  }
.LBB2_14:
0x365: {  	p1 =	sne.s32 s9, $0x9D80;
	[tilespmem:s4+$0x1B1D0] =	vst v2  }
0x366: {  	[tilespmem:s4+$0x1B140] =	vst v2  }
0x367: {  	[tilespmem:s4+$0x1B150] =	vst v2  }
0x368: {  	[tilespmem:s4+$0x1B160] =	vst v2  }
0x369: {  	[tilespmem:s4+$0x1B170] =	vst v2  }
.Ltmp22:
0x36a: {  	[tilespmem:s4+$0x1B180] =	vst v2;
	(pc) =	sbr.rel @p1 .LBB2_14-.Ltmp22, $4  }
0x36b: {  	[tilespmem:s4+$0x1B190] =	vst v2  }
0x36c: {  	[tilespmem:s4+$0x1B1A0] =	vst v2  }
0x36d: {  	[tilespmem:s4+$0x1B1B0] =	vst v2  }
0x36e: {  	[tilespmem:s4+$0x1B1C0] =	vst v2;
	s4 =	sshra.s32 s9, $0x2;
	s9 =	sadd.s32 $0x280, s9  }
0x36f: {  	[tilespmem:s4+$0x1B1D0] =	vst v2  }
0x370: {  	[tilespmem:s4+$0x1B140] =	vst v2  }
0x371: {  	[tilespmem:s4+$0x1B150] =	vst v2  }
0x372: {  	[tilespmem:s4+$0x1B160] =	vst v2  }
0x373: {  	[tilespmem:s4+$0x1B170] =	vst v2  }
0x374: {  	[tilespmem:s4+$0x1B180] =	vst v2  }
0x375: {  	[tilespmem:s4+$0x1B190] =	vst v2  }
0x376: {  	[tilespmem:s4+$0x1B1A0] =	vst v2  }
0x377: {  	[tilespmem:s4+$0x1B1B0] =	vst v2  }
0x378: {  	[tilespmem:s4+$0x1B1C0] =	vst v2;
	s10 =	rddreg [dreg:$0x5]  }
0x379: {  	[spmem:s10] =	stream.linear.scatter [tilespmem:s29], [sflag:$0x2], $0x2800, $0x38;
	[tilespmem:$0x1D9C0] =	vst v63  }
0x37a: {  	_ =	swait.ge [sflag:s28], $0x2800  }
0x37b: {  	[sflag:s28] =	ssyncset.done $0x0  }
0x37c: {  	[sflag:s28] =	ssyncadd.s32 $0xFFFFD800  }
0x37d: {  	[spmem:s11] =	stream.linear.scatter [tilespmem:s29], [sflag:$0x2], $0x2800, $0x38;
	[tilespmem:$0x1D9C0] =	vst v63  }
0x37e: {  	_ =	swait.ge [sflag:s28], $0x2800  }
0x37f: {  	[sflag:s28] =	ssyncset.done $0x0  }
0x380: {  	[sflag:s28] =	ssyncadd.s32 $0xFFFFD800  }
0x381: {  	[spmem:s12] =	stream.linear.scatter [tilespmem:s29], [sflag:$0x2], $0x2800, $0x38;
	[tilespmem:$0x1D9C0] =	vst v63  }
0x382: {  	_ =	swait.ge [sflag:s28], $0x2800  }
0x383: {  	[sflag:s28] =	ssyncset.done $0x0  }
0x384: {  	[sflag:s28] =	ssyncadd.s32 $0xFFFFD800  }
0x385: {  	[spmem:s13] =	stream.linear.scatter [tilespmem:s29], [sflag:$0x2], $0x2800, $0x38;
	[tilespmem:$0x1D9C0] =	vst v63  }
0x386: {  	_ =	swait.ge [sflag:s28], $0x2800  }
0x387: {  	[sflag:s28] =	ssyncset.done $0x0  }
0x388: {  	[sflag:s28] =	ssyncadd.s32 $0xFFFFD800  }
0x389: {  	[spmem:s14] =	stream.linear.scatter [tilespmem:s29], [sflag:$0x2], $0x2800, $0x38;
	[tilespmem:$0x1D9C0] =	vst v63  }
0x38a: {  	_ =	swait.ge [sflag:s28], $0x2800  }
0x38b: {  	[sflag:s28] =	ssyncset.done $0x0  }
0x38c: {  	[sflag:s28] =	ssyncadd.s32 $0xFFFFD800  }
0x38d: {  	[spmem:s15] =	stream.linear.scatter [tilespmem:s29], [sflag:$0x2], $0x2800, $0x38;
	[tilespmem:$0x1D9C0] =	vst v63  }
0x38e: {  	_ =	swait.ge [sflag:s28], $0x2800  }
0x38f: {  	[sflag:s28] =	ssyncset.done $0x0  }
0x390: {  	[sflag:s28] =	ssyncadd.s32 $0xFFFFD800  }
0x391: {  	[spmem:s16] =	stream.linear.scatter [tilespmem:s29], [sflag:$0x2], $0x2800, $0x38;
	[tilespmem:$0x1D9C0] =	vst v63  }
0x392: {  	_ =	swait.ge [sflag:s28], $0x2800  }
0x393: {  	[sflag:s28] =	ssyncset.done $0x0  }
0x394: {  	[sflag:s28] =	ssyncadd.s32 $0xFFFFD800  }
0x395: {  	[spmem:s17] =	stream.linear.scatter [tilespmem:s29], [sflag:$0x2], $0x2800, $0x38;
	[tilespmem:$0x1D9C0] =	vst v63  }
0x396: {  	_ =	swait.ge [sflag:s28], $0x2800  }
0x397: {  	[sflag:s28] =	ssyncset.done $0x0  }
0x398: {  	[sflag:s28] =	ssyncadd.s32 $0xFFFFD800  }
0x399: {  	[spmem:s18] =	stream.linear.scatter [tilespmem:s29], [sflag:$0x2], $0x2800, $0x38;
	[tilespmem:$0x1D9C0] =	vst v63  }
0x39a: {  	_ =	swait.ge [sflag:s28], $0x2800  }
0x39b: {  	[sflag:s28] =	ssyncset.done $0x0  }
0x39c: {  	[sflag:s28] =	ssyncadd.s32 $0xFFFFD800  }
0x39d: {  	[spmem:s19] =	stream.linear.scatter [tilespmem:s29], [sflag:$0x2], $0x2800, $0x38;
	[tilespmem:$0x1D9C0] =	vst v63  }
0x39e: {  	_ =	swait.ge [sflag:s28], $0x2800  }
0x39f: {  	[sflag:s28] =	ssyncset.done $0x0  }
0x3a0: {  	[sflag:s28] =	ssyncadd.s32 $0xFFFFD800  }
0x3a1: {  	s4 =	simm.s32 $0x0;
	s9 =	simm.s32 $0x0;
	[bflag:$0x0] =	sbarrier.arrive $0xFFFF  }
.LBB2_16:
0x3a2: {  	s10 =	sshll.u32 s9, $0x6  }
0x3a3: {  	s10 =	sadd.s32 s20, s10  }
0x3a4: {  	s10 =	sshrl.u32 s10, $0x3  }
0x3a5: {  	s11 =	sadd.s32 s6, s10  }
0x3a6: {  	[tilespmem:s30], [sflag:$0x2] =	stream.linear.gather [hbm4b:s11+s4], $0x40, $0x38;
	[tilespmem:$0x1D9C0] =	vst v63  }
0x3a7: {  	_ =	swait.ge [sflag:s28], $0x40  }
0x3a8: {  	[sflag:s28] =	ssyncset.done $0x0  }
0x3a9: {  	s11 =	sadd.s32 s7, s10;
	[sflag:s28] =	ssyncadd.s32 $0xFFFFFFC0  }
0x3aa: {  	[tilespmem:s31], [sflag:$0x2] =	stream.linear.gather [hbm4b:s11+s4], $0x40, $0x38;
	[tilespmem:$0x1D9C0] =	vst v63  }
0x3ab: {  	_ =	swait.ge [sflag:s28], $0x40  }
0x3ac: {  	s10 =	sadd.s32 s1, s10;
	[sflag:s28] =	ssyncset.done $0x0  }
0x3ad: {  	s11 =	sadd.s32 $0xA000, s10;
	[sflag:s28] =	ssyncadd.s32 $0xFFFFFFC0  }
0x3ae: {  	[tilespmem:s0], [sflag:$0x2] =	stream.linear.gather [hbm4b:s11+s4], $0x40, $0x38;
	[tilespmem:$0x1D9C0] =	vst v63  }
0x3af: {  	_ =	swait.ge [sflag:s28], $0x40  }
0x3b0: {  	[sflag:s28] =	ssyncset.done $0x0  }
0x3b1: {  	s10 =	sadd.s32 $0xF000, s10;
	[sflag:s28] =	ssyncadd.s32 $0xFFFFFFC0  }
0x3b2: {  	[tilespmem:s26], [sflag:$0x2] =	stream.linear.gather [hbm4b:s10+s4], $0x40, $0x38;
	[tilespmem:$0x1D9C0] =	vst v63  }
0x3b3: {  	_ =	swait.ge [sflag:s28], $0x40  }
0x3b4: {  	[sflag:s28] =	ssyncset.done $0x0  }
0x3b5: {  	[sflag:s28] =	ssyncadd.s32 $0xFFFFFFC0  }
0x3b6: {  	v25 =	vld [tilespmem:$0x19000]  }
0x3b7: {  	v26 =	vld [tilespmem:$0x19010]  }
0x3b8: {  	v27 =	vld [tilespmem:$0x19020]  }
0x3b9: {  	v28 =	vld [tilespmem:$0x19030];
	_ =	sdelay $0x1  }
0x3ba: {  	v25 =	vadd.s32 $0x2800, v25  }
0x3bb: {  	[tilespmem:$0x19080] =	vst v25;
	v25 =	vadd.s32 $0x2800, v26  }
0x3bc: {  	[tilespmem:$0x19090] =	vst v25;
	v25 =	vadd.s32 $0x2800, v27  }
0x3bd: {  	[tilespmem:$0x190A0] =	vst v25;
	v25 =	vadd.s32 $0x2800, v28  }
0x3be: {  	[tilespmem:$0x190B0] =	vst v25  }
0x3bf: {  	[tilespmem:s23], [sflag:$0x1] =	stream.indirect.gather [hbm4b:s5+s21], $0x80, s22, s21, $0xb8;
	[tilespmem:$0x1D9C0] =	vst v63  }
0x3c0: {  	_ =	swait.ge [sflag:s24], $0x2000  }
0x3c1: {  	[sflag:s24] =	ssyncset.done $0x0  }
0x3c2: {  	[sflag:s24] =	ssyncadd.s32 $0xFFFFE000  }
0x3c3: {  	v25 =	vld [tilespmem:$0x1D960]  }
0x3c4: {  	v26 =	vld [tilespmem:$0x1D970]  }
0x3c5: {  	v27 =	vld [tilespmem:$0x1B0C0]  }
0x3c6: {  	v28 =	vld [tilespmem:$0x1B100];
	_ =	sdelay $0x3  }
0x3c7: {  	v27 =	vsub.f32 v27, v25  }
0x3c8: {  	v28 =	vsub.f32 v28, v26  }
0x3c9: {  	v27 =	vmul.f32 $1.442695020e+00, v27  }
0x3ca: {  	v28 =	vmul.f32 $1.442695020e+00, v28  }
0x3cb: {  	(erf) = vpow2.f32 v27  }
0x3cc: {  	(erf) = vpow2.f32 v28;
	_ =	sdelay $0x3  }
0x3cd: {  	v27 =	vmov s4  }
0x3ce: {  	v33 =	vand.u32 $0x3F, v27  }
0x3cf: {  	v29 =	vor.u32 v1, v33  }
0x3d0: {  	v31 =	vor.u32 s4, v5  }
0x3d1: {  	v27 =	vpop (erf)  }
0x3d2: {  	v28 =	vpop (erf);
	[tilespmem:v3+s29+$0x0] =	vst.idx.msk $0xffff, v27  }
0x3d3: {  	[tilespmem:v4+s29+$0x0] =	vst.idx.msk $0xffff, v28  }
0x3d4: {  	v30 =	vld.idx.msk [tilespmem:v29+s23+$0x0], $0xffff  }
0x3d5: {  	s10 =	simm.s32 $0x1;
	v31 =	vld.idx.msk [tilespmem:v31+s23+$0x0], $0xffff  }
0x3d6: {  	v32 =	vadd.s32 v0, v33;
	v29 =	vmov s10  }
0x3d7: {  	s11 =	simm.s32 $0x2;
	v33 =	vadd.s32 v6, v33;
	v29 =	vand.u32 $0x3F, v29  }
.LBB2_17:
0x3d8: {  	p1 =	sne.s32 s11, $0x3F;
	v34 =	vor.u32 v1, v29  }
0x3d9: {  	v35 =	vor.u32 s10, v5;
	v30 =	vmul.f32 v30, v27;
	s10 =	smov.u32 s11  }
0x3da: {  	v31 =	vmul.f32 v31, v28  }
0x3db: {  	[tilespmem:v32+s29+$0x0] =	vst.idx.msk $0xffff, v30  }
0x3dc: {  	[tilespmem:v33+s29+$0x0] =	vst.idx.msk $0xffff, v31  }
.Ltmp23:
0x3dd: {  	v30 =	vld.idx.msk [tilespmem:v34+s23+$0x0], $0xffff;
	(pc) =	sbr.rel @p1 .LBB2_17-.Ltmp23, $3  }
0x3de: {  	v31 =	vld.idx.msk [tilespmem:v35+s23+$0x0], $0xffff;
	_ =	sdelay $0x1  }
0x3df: {  	v32 =	vadd.s32 v0, v29;
	v34 =	vmov s11  }
0x3e0: {  	v33 =	vadd.s32 v6, v29;
	s11 =	sadd.s32 $0x1, s11;
	v29 =	vand.u32 $0x3F, v34  }
0x3e1: {  	_ = 	snop  }
0x3e2: {  	v34 =	vor.u32 v1, v29  }
0x3e3: {  	v35 =	vor.u32 s10, v5;
	v30 =	vmul.f32 v30, v27  }
0x3e4: {  	v31 =	vmul.f32 v31, v28  }
0x3e5: {  	[tilespmem:v32+s29+$0x0] =	vst.idx.msk $0xffff, v30  }
0x3e6: {  	[tilespmem:v33+s29+$0x0] =	vst.idx.msk $0xffff, v31  }
0x3e7: {  	v30 =	vld.idx.msk [tilespmem:v34+s23+$0x0], $0xffff  }
0x3e8: {  	v31 =	vld.idx.msk [tilespmem:v35+s23+$0x0], $0xffff  }
0x3e9: {  	v62 =	vadd.s32 v0, v29  }
0x3ea: {  	v29 =	vadd.s32 v6, v29;
	_ =	sdelay $0x1  }
0x3eb: {  	v27 =	vmul.f32 v30, v27  }
0x3ec: {  	v28 =	vmul.f32 v31, v28  }
0x3ed: {  	[tilespmem:v62+s29+$0x0] =	vst.idx.msk $0xffff, v27  }
0x3ee: {  	[tilespmem:v29+s29+$0x0] =	vst.idx.msk $0xffff, v28  }
0x3ef: {  	v27 =	vld [tilespmem:$0x1B0D0]  }
0x3f0: {  	v28 =	vld [tilespmem:$0x1B110];
	_ =	sdelay $0x3  }
0x3f1: {  	v27 =	vsub.f32 v27, v25  }
0x3f2: {  	v28 =	vsub.f32 v28, v26  }
0x3f3: {  	v27 =	vmul.f32 $1.442695020e+00, v27  }
0x3f4: {  	v28 =	vmul.f32 $1.442695020e+00, v28  }
0x3f5: {  	(erf) = vpow2.f32 v27  }
0x3f6: {  	(erf) = vpow2.f32 v28;
	_ =	sdelay $0x2  }
0x3f7: {  	s11 =	simm.s32 $0x0  }
0x3f8: {  	v27 =	vmov s11  }
0x3f9: {  	v63 =	vand.u32 $0x3F, v27  }
0x3fa: {  	v29 =	vor.u32 v9, v63  }
0x3fb: {  	v31 =	vor.u32 s11, v10  }
0x3fc: {  	v27 =	vpop (erf)  }
0x3fd: {  	v28 =	vpop (erf);
	[tilespmem:v7+s29+$0x0] =	vst.idx.msk $0xffff, v27  }
0x3fe: {  	[tilespmem:v8+s29+$0x0] =	vst.idx.msk $0xffff, v28  }
0x3ff: {  	v30 =	vld.idx.msk [tilespmem:v29+s23+$0x0], $0xffff  }
0x400: {  	s10 =	simm.s32 $0x1;
	v31 =	vld.idx.msk [tilespmem:v31+s23+$0x0], $0xffff  }
0x401: {  	v32 =	vadd.s32 v11, v63;
	v29 =	vmov s10  }
0x402: {  	s11 =	simm.s32 $0x2;
	v33 =	vadd.s32 v12, v63;
	v29 =	vand.u32 $0x3F, v29  }
.LBB2_19:
0x403: {  	p1 =	sne.s32 s11, $0x3F;
	v34 =	vor.u32 v9, v29  }
0x404: {  	v35 =	vor.u32 s10, v10;
	v30 =	vmul.f32 v30, v27;
	s10 =	smov.u32 s11  }
0x405: {  	v31 =	vmul.f32 v31, v28  }
0x406: {  	[tilespmem:v32+s29+$0x0] =	vst.idx.msk $0xffff, v30  }
0x407: {  	[tilespmem:v33+s29+$0x0] =	vst.idx.msk $0xffff, v31  }
.Ltmp24:
0x408: {  	v30 =	vld.idx.msk [tilespmem:v34+s23+$0x0], $0xffff;
	(pc) =	sbr.rel @p1 .LBB2_19-.Ltmp24, $3  }
0x409: {  	v31 =	vld.idx.msk [tilespmem:v35+s23+$0x0], $0xffff;
	_ =	sdelay $0x1  }
0x40a: {  	v32 =	vadd.s32 v11, v29;
	v34 =	vmov s11  }
0x40b: {  	v33 =	vadd.s32 v12, v29;
	s11 =	sadd.s32 $0x1, s11;
	v29 =	vand.u32 $0x3F, v34  }
0x40c: {  	_ = 	snop  }
0x40d: {  	v34 =	vor.u32 v9, v29  }
0x40e: {  	v35 =	vor.u32 s10, v10;
	v30 =	vmul.f32 v30, v27  }
0x40f: {  	v31 =	vmul.f32 v31, v28  }
0x410: {  	[tilespmem:v32+s29+$0x0] =	vst.idx.msk $0xffff, v30  }
0x411: {  	[tilespmem:v33+s29+$0x0] =	vst.idx.msk $0xffff, v31  }
0x412: {  	v30 =	vld.idx.msk [tilespmem:v34+s23+$0x0], $0xffff  }
0x413: {  	v31 =	vld.idx.msk [tilespmem:v35+s23+$0x0], $0xffff  }
0x414: {  	v62 =	vadd.s32 v11, v29  }
0x415: {  	v29 =	vadd.s32 v12, v29;
	_ =	sdelay $0x1  }
0x416: {  	v27 =	vmul.f32 v30, v27  }
0x417: {  	v28 =	vmul.f32 v31, v28  }
0x418: {  	[tilespmem:v62+s29+$0x0] =	vst.idx.msk $0xffff, v27  }
0x419: {  	[tilespmem:v29+s29+$0x0] =	vst.idx.msk $0xffff, v28  }
0x41a: {  	v27 =	vld [tilespmem:$0x1B0E0]  }
0x41b: {  	v28 =	vld [tilespmem:$0x1B120];
	_ =	sdelay $0x3  }
0x41c: {  	v27 =	vsub.f32 v27, v25  }
0x41d: {  	v28 =	vsub.f32 v28, v26  }
0x41e: {  	v27 =	vmul.f32 $1.442695020e+00, v27  }
0x41f: {  	v28 =	vmul.f32 $1.442695020e+00, v28  }
0x420: {  	(erf) = vpow2.f32 v27  }
0x421: {  	(erf) = vpow2.f32 v28;
	_ =	sdelay $0x2  }
0x422: {  	s11 =	simm.s32 $0x0  }
0x423: {  	v27 =	vmov s11  }
0x424: {  	v63 =	vand.u32 $0x3F, v27  }
0x425: {  	v29 =	vor.u32 v15, v63  }
0x426: {  	v31 =	vor.u32 s11, v16  }
0x427: {  	v27 =	vpop (erf)  }
0x428: {  	v28 =	vpop (erf);
	[tilespmem:v13+s29+$0x0] =	vst.idx.msk $0xffff, v27  }
0x429: {  	[tilespmem:v14+s29+$0x0] =	vst.idx.msk $0xffff, v28  }
0x42a: {  	v30 =	vld.idx.msk [tilespmem:v29+s23+$0x0], $0xffff  }
0x42b: {  	s10 =	simm.s32 $0x1;
	v31 =	vld.idx.msk [tilespmem:v31+s23+$0x0], $0xffff  }
0x42c: {  	v32 =	vadd.s32 v17, v63;
	v29 =	vmov s10  }
0x42d: {  	s11 =	simm.s32 $0x2;
	v33 =	vadd.s32 v18, v63;
	v29 =	vand.u32 $0x3F, v29  }
.LBB2_21:
0x42e: {  	p1 =	sne.s32 s11, $0x3F;
	v34 =	vor.u32 v15, v29  }
0x42f: {  	v35 =	vor.u32 s10, v16;
	v30 =	vmul.f32 v30, v27;
	s10 =	smov.u32 s11  }
0x430: {  	v31 =	vmul.f32 v31, v28  }
0x431: {  	[tilespmem:v32+s29+$0x0] =	vst.idx.msk $0xffff, v30  }
0x432: {  	[tilespmem:v33+s29+$0x0] =	vst.idx.msk $0xffff, v31  }
.Ltmp25:
0x433: {  	v30 =	vld.idx.msk [tilespmem:v34+s23+$0x0], $0xffff;
	(pc) =	sbr.rel @p1 .LBB2_21-.Ltmp25, $3  }
0x434: {  	v31 =	vld.idx.msk [tilespmem:v35+s23+$0x0], $0xffff;
	_ =	sdelay $0x1  }
0x435: {  	v32 =	vadd.s32 v17, v29;
	v34 =	vmov s11  }
0x436: {  	v33 =	vadd.s32 v18, v29;
	s11 =	sadd.s32 $0x1, s11;
	v29 =	vand.u32 $0x3F, v34  }
0x437: {  	_ = 	snop  }
0x438: {  	v34 =	vor.u32 v15, v29  }
0x439: {  	v35 =	vor.u32 s10, v16;
	v30 =	vmul.f32 v30, v27  }
0x43a: {  	v31 =	vmul.f32 v31, v28  }
0x43b: {  	[tilespmem:v32+s29+$0x0] =	vst.idx.msk $0xffff, v30  }
0x43c: {  	[tilespmem:v33+s29+$0x0] =	vst.idx.msk $0xffff, v31  }
0x43d: {  	v30 =	vld.idx.msk [tilespmem:v34+s23+$0x0], $0xffff  }
0x43e: {  	v31 =	vld.idx.msk [tilespmem:v35+s23+$0x0], $0xffff  }
0x43f: {  	v63 =	vadd.s32 v17, v29  }
0x440: {  	v29 =	vadd.s32 v18, v29;
	_ =	sdelay $0x1  }
0x441: {  	v27 =	vmul.f32 v30, v27  }
0x442: {  	v28 =	vmul.f32 v31, v28  }
0x443: {  	[tilespmem:v63+s29+$0x0] =	vst.idx.msk $0xffff, v27  }
0x444: {  	[tilespmem:v29+s29+$0x0] =	vst.idx.msk $0xffff, v28  }
0x445: {  	v27 =	vld [tilespmem:$0x1B0F0]  }
0x446: {  	v28 =	vld [tilespmem:$0x1B130];
	_ =	sdelay $0x3  }
0x447: {  	v25 =	vsub.f32 v27, v25  }
0x448: {  	v26 =	vsub.f32 v28, v26  }
0x449: {  	v25 =	vmul.f32 $1.442695020e+00, v25  }
0x44a: {  	v26 =	vmul.f32 $1.442695020e+00, v26  }
0x44b: {  	(erf) = vpow2.f32 v25  }
0x44c: {  	(erf) = vpow2.f32 v26;
	_ =	sdelay $0x2  }
0x44d: {  	s11 =	simm.s32 $0x0  }
0x44e: {  	v25 =	vmov s11  }
0x44f: {  	v31 =	vand.u32 $0x3F, v25  }
0x450: {  	v27 =	vor.u32 v21, v31  }
0x451: {  	v29 =	vor.u32 s11, v22  }
0x452: {  	v25 =	vpop (erf)  }
0x453: {  	v26 =	vpop (erf);
	[tilespmem:v19+s29+$0x0] =	vst.idx.msk $0xffff, v25  }
0x454: {  	[tilespmem:v20+s29+$0x0] =	vst.idx.msk $0xffff, v26  }
0x455: {  	v28 =	vld.idx.msk [tilespmem:v27+s23+$0x0], $0xffff  }
0x456: {  	s10 =	simm.s32 $0x1;
	v29 =	vld.idx.msk [tilespmem:v29+s23+$0x0], $0xffff  }
0x457: {  	v30 =	vadd.s32 v23, v31;
	v27 =	vmov s10  }
0x458: {  	s11 =	simm.s32 $0x2;
	v31 =	vadd.s32 v24, v31;
	v27 =	vand.u32 $0x3F, v27  }
.LBB2_23:
0x459: {  	p1 =	sne.s32 s11, $0x3F;
	v32 =	vor.u32 v21, v27  }
0x45a: {  	v33 =	vor.u32 s10, v22;
	v28 =	vmul.f32 v28, v25;
	s10 =	smov.u32 s11  }
0x45b: {  	v29 =	vmul.f32 v29, v26  }
0x45c: {  	[tilespmem:v30+s29+$0x0] =	vst.idx.msk $0xffff, v28  }
0x45d: {  	[tilespmem:v31+s29+$0x0] =	vst.idx.msk $0xffff, v29  }
.Ltmp26:
0x45e: {  	v28 =	vld.idx.msk [tilespmem:v32+s23+$0x0], $0xffff;
	(pc) =	sbr.rel @p1 .LBB2_23-.Ltmp26, $3  }
0x45f: {  	v29 =	vld.idx.msk [tilespmem:v33+s23+$0x0], $0xffff;
	_ =	sdelay $0x1  }
0x460: {  	v30 =	vadd.s32 v23, v27;
	v32 =	vmov s11  }
0x461: {  	v31 =	vadd.s32 v24, v27;
	s11 =	sadd.s32 $0x1, s11;
	v27 =	vand.u32 $0x3F, v32  }
0x462: {  	_ = 	snop  }
0x463: {  	v32 =	vor.u32 v21, v27  }
0x464: {  	v33 =	vor.u32 s10, v22;
	v28 =	vmul.f32 v28, v25  }
0x465: {  	v29 =	vmul.f32 v29, v26  }
0x466: {  	[tilespmem:v30+s29+$0x0] =	vst.idx.msk $0xffff, v28  }
0x467: {  	[tilespmem:v31+s29+$0x0] =	vst.idx.msk $0xffff, v29  }
0x468: {  	v28 =	vld.idx.msk [tilespmem:v32+s23+$0x0], $0xffff  }
0x469: {  	v29 =	vld.idx.msk [tilespmem:v33+s23+$0x0], $0xffff  }
0x46a: {  	v63 =	vadd.s32 v23, v27  }
0x46b: {  	v27 =	vadd.s32 v24, v27;
	_ =	sdelay $0x1  }
0x46c: {  	v25 =	vmul.f32 v28, v25  }
0x46d: {  	s9 =	sadd.s32 $0x1, s9;
	v26 =	vmul.f32 v29, v26  }
0x46e: {  	p1 =	sne.s32 s9, $0xA0;
	[tilespmem:v63+s29+$0x0] =	vst.idx.msk $0xffff, v25  }
.Ltmp27:
0x46f: {  	[tilespmem:v27+s29+$0x0] =	vst.idx.msk $0xffff, v26;
	(pc) =	sbr.rel @p1 .LBB2_16-.Ltmp27, $4  }
0x470: {  	[spmem:s2] =	stream.indirect.scatter.add.f32 [tilespmem:s29], [sflag:$0x2], $0xA0, s31, s21, $0xb8;
	[tilespmem:$0x1D9C0] =	vst v63  }
0x471: {  	_ =	swait.ge [sflag:s28], $0x2800  }
0x472: {  	[sflag:s28] =	ssyncset.done $0x0  }
0x473: {  	[sflag:s28] =	ssyncadd.s32 $0xFFFFD800  }
.Ltmp28:
0x474: {  	(pc) =	sbr.rel .LBB2_50-.Ltmp28, $4  }
0x475: {  	_ = 	snop  }
0x476: {  	[bflag:$0x0] =	sbarrier.arrive $0xFFFF  }
0x477: {  	s4 =	rddreg [dreg:$0x9]  }
0x478: {  	[hbm:s4], [sflag:s8] =	dma.local [spmem:s25], $0x3200  }
.LBB2_51:
0x479: {  	_ =	sfence.sel $0x180000  }
0x47a: {  	[bflag:$0x0] =	sbarrier.arrive $0xFFFF  }
0x47b: {  	_ =	strace $0x9000004A  }
0x47c: {  	s0 =	stileid.u32;
	[bflag:$0x2] =	sbarrier.arrive $0xFFFF  }
0x47d: {  	p0 =	sne.s32 s0, $0x0;
	s0 =	rddreg [dreg:$0x3]  }
0x47e: {  	s0 =	sadd.s32 @!p0 $0x100000, s0  }
0x47f: {  	[sflag:s0] =	ssyncadd.tile.s32 @!p0 $0x1;
	_ =	shalt  }
.Lfunc_end2:
_tile_overlayer_lowered:
.L_overlay_start_2:
0x480: {  	(tag) =	ssettag $0x2  }
0x481: {  	s0 =	rddreg [dreg:$0x0];
	s2 =	stileid.u32  }
0x482: {  	s1 =	rddreg [dreg:$0x1];
	p0 =	sne.s32 s2, $0x0  }
0x483: {  	s3 =	rddreg [dreg:$0x2];
	[bflag:$0x3] =	sbarrier.arrive $0xFFFF;
	s2 =	simm.s32 @!p0 $0x1C02  }
0x484: {  	[timem:s3], [sflag:s2] =	dma.local @!p0 [hbm:s0], s1  }
0x485: {  	s0 =	simm.s32 @!p0 $0x2  }
0x486: {  	_ =	swait.ge @!p0 [sflag:s0], s1  }
0x487: {  	s1 =	ssub.s32 @!p0 $0x0, s1;
	[sflag:s0] =	ssyncset.done @!p0 $0x0  }
0x488: {  	[sflag:s0] =	ssyncadd.s32 @!p0 s1  }
0x489: {  	[bflag:$0x3] =	sbarrier.arrive $0xFFFF  }
0x48a: {  	_ =	shalt  }

</sc_bundles>
